<compile_context>
chip_gen: v7x
topology: tpu7x:2x2x1
jax: 0.10.2.dev20260603
libtpu: 0.0.44.dev20260713+nightly
codegen_flags: <defaults>
</compile_context>

<pallas_src>
import dataclasses
import functools

import jax
import jax.numpy as jnp
from jax import lax
from jax.experimental import pallas as pl
from jax.experimental.pallas import tpu as pltpu
from jax.experimental.pallas import tpu_sc as plsc

N = 10000
E = 320000
D = 128
T = 9
NC = 2
NS = 16
NW = NC * NS
EPT = E // NW
CH = 80
NCHUNK = EPT // CH
NBUF = 5
RPT = 624
HR = (N * T + 127) // 128 + (1 if (N * T) % 128 else 0)
HR = 704
BLK = 1000
GRID = N // BLK

_mesh = plsc.VectorSubcoreMesh(core_axis_name="c", subcore_axis_name="s")

_sc_params = pltpu.CompilerParams()
if "needs_layout_passes" in pltpu.CompilerParams.__dataclass_fields__:
    _sc_params = dataclasses.replace(_sc_params, needs_layout_passes=False)


@functools.partial(
    pl.kernel,
    out_type=jax.ShapeDtypeStruct((NW, HR, 128), jnp.float32),
    mesh=_mesh,
    compiler_params=_sc_params,
    scratch_types=[
        pltpu.VMEM((NCHUNK, CH), jnp.int32),
        pltpu.VMEM((NCHUNK, CH), jnp.int32),
        pltpu.VMEM((HR, 128), jnp.float32),
    ],
)
def _hist_sc(dstr, typr, zro, hout, dst_v, typ_v, hist):
    c = lax.axis_index("c")
    s = lax.axis_index("s")
    w = c * NS + s
    pltpu.sync_copy(dstr.at[w], dst_v)
    pltpu.sync_copy(typr.at[w], typ_v)
    pltpu.sync_copy(zro.at[pl.ds(0, HR)], hist)
    ones = jnp.ones((16,), jnp.float32)

    @pl.loop(0, NCHUNK)
    def _(r):
        for j in range(CH // 16):
            d = dst_v[r, pl.ds(j * 16, 16)]
            t = typ_v[r, pl.ds(j * 16, 16)]
            key = d * T + t
            row = lax.shift_right_logical(key, 7)
            col = lax.bitwise_and(key, 127)
            plsc.addupdate_scatter(hist, [row, col], ones)

    pltpu.sync_copy(hist, hout.at[w])


NHALF = N // 2
AROWS = NHALF + 8
RPT2 = 312
WPT = 312


@functools.partial(
    pl.kernel,
    out_type=jax.ShapeDtypeStruct((NC, N, D), jnp.float32),
    mesh=_mesh,
    compiler_params=_sc_params,
    scratch_types=[
        pltpu.VMEM((NCHUNK, CH), jnp.int32),
        pltpu.VMEM((NCHUNK, CH), jnp.int32),
        pltpu.VMEM((NBUF, CH), jnp.int32),
    ]
    + [pltpu.VMEM((CH, D), jnp.float32)] * NBUF
    + [pltpu.SemaphoreType.DMA] * NBUF
    + [pltpu.SemaphoreType.DMA] * NBUF
    + [pltpu.VMEM_SHARED((AROWS, D), jnp.float32)],
)
def _scatter_sc(x_hbm, srcr, dstr, zro, out_hbm,
                src_v, dst_v, idx_stage, b0, b1, b2, b3, b4,
                m0, m1, m2, m3, m4, n0, n1, n2, n3, n4, acc):
    bufs = (b0, b1, b2, b3, b4)
    gsem = (m0, m1, m2, m3, m4)
    ssem = (n0, n1, n2, n3, n4)
    c = lax.axis_index("c")
    s = lax.axis_index("s")
    w = c * NS + s
    pltpu.sync_copy(srcr.at[w], src_v)
    pltpu.sync_copy(dstr.at[w], dst_v)

    GPRE = 4

    for p in (0, 1):
        pltpu.sync_copy(zro.at[pl.ds(s * RPT2, RPT2)],
                        acc.at[pl.ds(s * RPT2, RPT2)])

        @pl.when(s == NS - 1)
        def _():
            pltpu.sync_copy(zro.at[pl.ds(NS * RPT2, AROWS - NS * RPT2)],
                            acc.at[pl.ds(NS * RPT2, AROWS - NS * RPT2)])

        for b in range(GPRE):
            pltpu.async_copy(x_hbm.at[src_v.at[b]], bufs[b], gsem[b])

        plsc.subcore_barrier()

        @pl.loop(0, NCHUNK, step=NBUF)
        def _(g):
            for b in range(NBUF):
                ch = g + b
                for j in range(CH // 16):
                    d = dst_v[ch, pl.ds(j * 16, 16)]
                    grb = NHALF + lax.bitwise_and(d, 7)
                    if p == 0:
                        adj = jnp.where(d < NHALF, d, grb)
                    else:
                        adj = jnp.where(d >= NHALF, d - NHALF, grb)
                    idx_stage[b, pl.ds(j * 16, 16)] = adj
                pltpu.make_async_copy(x_hbm.at[src_v.at[ch]],
                                      bufs[b], gsem[b]).wait()
                pltpu.async_copy(bufs[b], acc.at[idx_stage.at[b]],
                                 ssem[b], add=True)
                b2 = (b + NBUF - (NBUF - GPRE)) % NBUF

                @pl.when(ch >= NBUF - GPRE)
                def _():
                    pltpu.make_async_copy(bufs[b2], acc.at[idx_stage.at[b2]],
                                          ssem[b2]).wait()

                b3 = (b + GPRE) % NBUF

                @pl.when(ch + GPRE < NCHUNK)
                def _():
                    pltpu.async_copy(x_hbm.at[src_v.at[ch + GPRE]],
                                     bufs[b3], gsem[b3])

        for k in range(NBUF - GPRE):
            b2 = (NCHUNK - 1 - k) % NBUF
            pltpu.make_async_copy(bufs[b2], acc.at[idx_stage.at[b2]],
                                  ssem[b2]).wait()

        plsc.subcore_barrier()
        pltpu.sync_copy(acc.at[pl.ds(s * WPT, WPT)],
                        out_hbm.at[c, pl.ds(p * NHALF + s * WPT, WPT)])

        @pl.when(s == NS - 1)
        def _():
            pltpu.sync_copy(
                acc.at[pl.ds(NS * WPT, NHALF - NS * WPT)],
                out_hbm.at[c, pl.ds(p * NHALF + NS * WPT, NHALF - NS * WPT)])


def _reduce_body(h_ref, o_ref):
    o_ref[...] = jnp.sum(h_ref[...], axis=0)


_reduce_tc = pl.pallas_call(
    _reduce_body,
    out_shape=jax.ShapeDtypeStruct((HR, 128), jnp.float32),
    grid=(8,),
    in_specs=[pl.BlockSpec((NW, HR // 8, 128), lambda i: (0, i, 0))],
    out_specs=pl.BlockSpec((HR // 8, 128), lambda i: (i, 0)),
)


def _layer_body(with_mean, x_ref, p_ref, c_ref, emb_ref, ws_ref, bs_ref,
                wm_ref, bm_ref, g_ref, be_ref, *out_refs):
    x = x_ref[...]
    agg = p_ref[0] + p_ref[1]
    agg = agg + lax.dot_general(
        c_ref[...], emb_ref[...], (((1,), (0,)), ((), ())),
        precision=lax.Precision.HIGHEST, preferred_element_type=jnp.float32)
    out = lax.dot_general(
        x, ws_ref[...], (((1,), (1,)), ((), ())),
        precision=lax.Precision.HIGHEST, preferred_element_type=jnp.float32)
    out = out + lax.dot_general(
        agg, wm_ref[...], (((1,), (1,)), ((), ())),
        precision=lax.Precision.HIGHEST, preferred_element_type=jnp.float32)
    out = out + bs_ref[...] + bm_ref[...]
    out = jnp.maximum(out, 0.0)
    mu = jnp.mean(out, axis=-1, keepdims=True)
    cen = out - mu
    var = jnp.mean(cen * cen, axis=-1, keepdims=True)
    out = cen * lax.rsqrt(var + 1e-5) * g_ref[...] + be_ref[...]
    if with_mean:
        mean_ref = out_refs[0]
        i = pl.program_id(0)

        @pl.when(i == 0)
        def _():
            mean_ref[...] = jnp.zeros_like(mean_ref)

        mean_ref[...] += jnp.sum(out, axis=0, keepdims=True) * (1.0 / N)
    else:
        out_refs[0][...] = out


_layer_in_specs = [
    pl.BlockSpec((BLK, D), lambda i: (i, 0)),
    pl.BlockSpec((NC, BLK, D), lambda i: (0, i, 0)),
    pl.BlockSpec((BLK, T), lambda i: (i, 0)),
    pl.BlockSpec((T, D), lambda i: (0, 0)),
    pl.BlockSpec((D, D), lambda i: (0, 0)),
    pl.BlockSpec((1, D), lambda i: (0, 0)),
    pl.BlockSpec((D, D), lambda i: (0, 0)),
    pl.BlockSpec((1, D), lambda i: (0, 0)),
    pl.BlockSpec((1, D), lambda i: (0, 0)),
    pl.BlockSpec((1, D), lambda i: (0, 0)),
]

_layer_tc = pl.pallas_call(
    functools.partial(_layer_body, False),
    out_shape=jax.ShapeDtypeStruct((N, D), jnp.float32),
    grid=(GRID,),
    in_specs=_layer_in_specs,
    out_specs=pl.BlockSpec((BLK, D), lambda i: (i, 0)),
)

_layer_mean_tc = pl.pallas_call(
    functools.partial(_layer_body, True),
    out_shape=jax.ShapeDtypeStruct((1, D), jnp.float32),
    grid=(GRID,),
    in_specs=_layer_in_specs,
    out_specs=pl.BlockSpec((1, D), lambda i: (0, 0)),
)


def kernel(node_embeddings, edge_index, edge_types,
           emb0, Ws0, bs0, Wm0, bm0, g0, be0,
           emb1, Ws1, bs1, Wm1, bm1, g1, be1):
    src = edge_index[0]
    dst = edge_index[1]
    dstr = dst.reshape(NW, NCHUNK, CH)
    typr = edge_types.reshape(NW, NCHUNK, CH)
    zro = jnp.zeros((N, D), jnp.float32)
    src2 = src.reshape(NW, NCHUNK, CH)

    hpart = _hist_sc(dstr, typr, zro)
    c2d = _reduce_tc(hpart)
    cn9 = c2d.reshape(-1)[: N * T].reshape(N, T)

    r1 = lambda v: v.reshape(1, D)

    x = node_embeddings
    p = _scatter_sc(x, src2, dstr, zro)
    x = _layer_tc(x, p, cn9, emb0, Ws0, r1(bs0), Wm0, r1(bm0), r1(g0), r1(be0))
    p = _scatter_sc(x, src2, dstr, zro)
    out = _layer_mean_tc(x, p, cn9, emb1, Ws1, r1(bs1), Wm1, r1(bm1),
                         r1(g1), r1(be1))
    return out.reshape(D)

# --- scband reference (transcript-rebuilt; emitter-appended) ---
"""Pipeline reference for scband-function-encoder-80848464379991 (READ-ONLY COPY).

The authoritative reference and input builder live on the scoring server;
editing this copy changes nothing except your own understanding.
"""

import jax, jax.numpy as jnp
import numpy as np

N = 10000
E = 320000
D = 128
T = 9
NUM_LAYERS = 2


def setup_inputs(seed: int = 0) -> dict:
    key = jax.random.key(seed)
    ks = jax.random.split(key, 4 + NUM_LAYERS * 3)
    inp = {
        "node_embeddings": jax.random.normal(ks[0], (N, D), dtype=jnp.float32),
        "edge_index": jax.random.randint(ks[1], (2, E), 0, N, dtype=jnp.int32),
        "edge_types": jax.random.randint(ks[2], (E,), 0, T, dtype=jnp.int32),
    }
    scale = 1.0 / np.sqrt(D)
    for l in range(NUM_LAYERS):
        inp[f"emb{l}"] = jax.random.normal(ks[3 + 3 * l], (T, D), dtype=jnp.float32) * 0.02
        inp[f"Ws{l}"] = jax.random.normal(ks[4 + 3 * l], (D, D), dtype=jnp.float32) * scale
        inp[f"bs{l}"] = jnp.zeros((D,), dtype=jnp.float32)
        inp[f"Wm{l}"] = jax.random.normal(ks[5 + 3 * l], (D, D), dtype=jnp.float32) * scale
        inp[f"bm{l}"] = jnp.zeros((D,), dtype=jnp.float32)
        inp[f"g{l}"] = jnp.ones((D,), dtype=jnp.float32)
        inp[f"be{l}"] = jnp.zeros((D,), dtype=jnp.float32)
    return inp


def _mp_layer(x, edge_index, edge_types, emb, Ws, bs, Wm, bm, g, be):
    src = edge_index[0]
    dst = edge_index[1]
    typed_messages = x[src] + emb[edge_types]
    aggregated = jnp.zeros_like(x).at[dst].add(typed_messages)
    out = x @ Ws.T + bs + aggregated @ Wm.T + bm
    out = jax.nn.relu(out)
    mu = out.mean(axis=-1, keepdims=True)
    var = out.var(axis=-1, keepdims=True)
    out = (out - mu) / jnp.sqrt(var + 1e-5) * g + be
    return out


def reference(node_embeddings, edge_index, edge_types,
              emb0, Ws0, bs0, Wm0, bm0, g0, be0,
              emb1, Ws1, bs1, Wm1, bm1, g1, be1):
    x = node_embeddings
    x = _mp_layer(x, edge_index, edge_types, emb0, Ws0, bs0, Wm0, bm0, g0, be0)
    x = _mp_layer(x, edge_index, edge_types, emb1, Ws1, bs1, Wm1, bm1, g1, be1)
    # ChunkPooler with pooling='mean'
    return x.mean(axis=0)

if __name__ == "__main__":
    import jax
    _d = setup_inputs()
    print(jax.jit(kernel)(*tuple(_d.values())))

</pallas_src>

<mosaic_0001>
#map = affine_map<(d0, d1) -> (0, 0)>
#map1 = affine_map<(d0, d1) -> (0, 0, 0)>
module attributes {stable_mosaic.version = 14 : i64} {
  func.func @_scatter_sc(%arg0: i32, %arg1: i32, %arg2: memref<10000x128xf32, #tpu.memory_space<hbm>>, %arg3: memref<32x125x80xi32, #tpu.memory_space<hbm>>, %arg4: memref<32x125x80xi32, #tpu.memory_space<hbm>>, %arg5: memref<10000x128xf32, #tpu.memory_space<hbm>>, %arg6: memref<2x10000x128xf32, #tpu.memory_space<hbm>>, %arg7: memref<125x80xi32, #tpu.memory_space<vmem>>, %arg8: memref<125x80xi32, #tpu.memory_space<vmem>>, %arg9: memref<5x80xi32, #tpu.memory_space<vmem>>, %arg10: memref<80x128xf32, #tpu.memory_space<vmem>>, %arg11: memref<80x128xf32, #tpu.memory_space<vmem>>, %arg12: memref<80x128xf32, #tpu.memory_space<vmem>>, %arg13: memref<80x128xf32, #tpu.memory_space<vmem>>, %arg14: memref<80x128xf32, #tpu.memory_space<vmem>>, %arg15: memref<!tpu.dma_semaphore, #tpu.memory_space<semaphore_mem>>, %arg16: memref<!tpu.dma_semaphore, #tpu.memory_space<semaphore_mem>>, %arg17: memref<!tpu.dma_semaphore, #tpu.memory_space<semaphore_mem>>, %arg18: memref<!tpu.dma_semaphore, #tpu.memory_space<semaphore_mem>>, %arg19: memref<!tpu.dma_semaphore, #tpu.memory_space<semaphore_mem>>, %arg20: memref<!tpu.dma_semaphore, #tpu.memory_space<semaphore_mem>>, %arg21: memref<!tpu.dma_semaphore, #tpu.memory_space<semaphore_mem>>, %arg22: memref<!tpu.dma_semaphore, #tpu.memory_space<semaphore_mem>>, %arg23: memref<!tpu.dma_semaphore, #tpu.memory_space<semaphore_mem>>, %arg24: memref<!tpu.dma_semaphore, #tpu.memory_space<semaphore_mem>>, %arg25: memref<5008x128xf32, #tpu.memory_space<vmem_shared>>) attributes {dimension_semantics = [#tpu.dimension_semantics<core_parallel>, #tpu.dimension_semantics<subcore_parallel>], iteration_bounds = array<i64: 2, 16>, scalar_prefetch = 0 : i64, scratch_operands = 19 : i64, tpu.core_type = #tpu.core_type<sc_vector_subcore>, window_params = [{transform_indices = #map}, {transform_indices = #map1}, {transform_indices = #map1}, {transform_indices = #map}, {transform_indices = #map1}]} {
    %mul3A = arith.constant 16 : i32
    %mul3A_0 = arith.muli %arg0, %mul3A : i32
    %add3A = arith.addi %mul3A_0, %arg1 : i32
    "tpu.region"() ({
      %run_scoped3A = tpu.sem_alloc : memref<!tpu.dma_semaphore, #tpu.memory_space<semaphore_mem>>
      %dma_start3A_118 = arith.constant 0 : i32
      %dma_start3A_119 = arith.constant 0 : i32
      %dma_start3A_120 = tpu.memref_slice %arg3[%add3A, %dma_start3A_118, %dma_start3A_119] : memref<32x125x80xi32, #tpu.memory_space<hbm>> -> memref<1x125x80xi32, #tpu.memory_space<hbm>>
      %dma_start3A_121 = tpu.memref_squeeze %dma_start3A_120 : memref<1x125x80xi32, #tpu.memory_space<hbm>> -> memref<125x80xi32, #tpu.memory_space<hbm>>
      %dma_start3A_122 = arith.constant 0 : i32
      %dma_start3A_123 = arith.constant 0 : i32
      %dma_start3A_124 = tpu.memref_slice %arg3[%add3A, %dma_start3A_122, %dma_start3A_123] : memref<32x125x80xi32, #tpu.memory_space<hbm>> -> memref<1x125x80xi32, #tpu.memory_space<hbm>>
      %dma_start3A_125 = tpu.memref_squeeze %dma_start3A_124 : memref<1x125x80xi32, #tpu.memory_space<hbm>> -> memref<125x80xi32, #tpu.memory_space<hbm>>
      tpu.enqueue_dma source(%dma_start3A_125 : memref<125x80xi32, #tpu.memory_space<hbm>>) target(%arg7 : memref<125x80xi32, #tpu.memory_space<vmem>>) target_semaphore(%run_scoped3A : memref<!tpu.dma_semaphore, #tpu.memory_space<semaphore_mem>>)
      %dma_wait3A_126 = arith.constant 0 : i32
      %dma_wait3A_127 = arith.constant 0 : i32
      %dma_wait3A_128 = tpu.memref_slice %arg3[%add3A, %dma_wait3A_126, %dma_wait3A_127] : memref<32x125x80xi32, #tpu.memory_space<hbm>> -> memref<1x125x80xi32, #tpu.memory_space<hbm>>
      %dma_wait3A_129 = tpu.memref_squeeze %dma_wait3A_128 : memref<1x125x80xi32, #tpu.memory_space<hbm>> -> memref<125x80xi32, #tpu.memory_space<hbm>>
      %dma_wait3A_130 = arith.constant 0 : i32
      %dma_wait3A_131 = arith.constant 0 : i32
      %dma_wait3A_132 = tpu.memref_slice %arg3[%add3A, %dma_wait3A_130, %dma_wait3A_131] : memref<32x125x80xi32, #tpu.memory_space<hbm>> -> memref<1x125x80xi32, #tpu.memory_space<hbm>>
      %dma_wait3A_133 = tpu.memref_squeeze %dma_wait3A_132 : memref<1x125x80xi32, #tpu.memory_space<hbm>> -> memref<125x80xi32, #tpu.memory_space<hbm>>
      tpu.wait_dma2 semaphore(%run_scoped3A : memref<!tpu.dma_semaphore, #tpu.memory_space<semaphore_mem>>) src(%dma_wait3A_133 : memref<125x80xi32, #tpu.memory_space<hbm>>) dst(%arg7 : memref<125x80xi32, #tpu.memory_space<vmem>>)
      tpu.yield
    }) : () -> ()
    "tpu.region"() ({
      %run_scoped3A = tpu.sem_alloc : memref<!tpu.dma_semaphore, #tpu.memory_space<semaphore_mem>>
      %dma_start3A_118 = arith.constant 0 : i32
      %dma_start3A_119 = arith.constant 0 : i32
      %dma_start3A_120 = tpu.memref_slice %arg4[%add3A, %dma_start3A_118, %dma_start3A_119] : memref<32x125x80xi32, #tpu.memory_space<hbm>> -> memref<1x125x80xi32, #tpu.memory_space<hbm>>
      %dma_start3A_121 = tpu.memref_squeeze %dma_start3A_120 : memref<1x125x80xi32, #tpu.memory_space<hbm>> -> memref<125x80xi32, #tpu.memory_space<hbm>>
      %dma_start3A_122 = arith.constant 0 : i32
      %dma_start3A_123 = arith.constant 0 : i32
      %dma_start3A_124 = tpu.memref_slice %arg4[%add3A, %dma_start3A_122, %dma_start3A_123] : memref<32x125x80xi32, #tpu.memory_space<hbm>> -> memref<1x125x80xi32, #tpu.memory_space<hbm>>
      %dma_start3A_125 = tpu.memref_squeeze %dma_start3A_124 : memref<1x125x80xi32, #tpu.memory_space<hbm>> -> memref<125x80xi32, #tpu.memory_space<hbm>>
      tpu.enqueue_dma source(%dma_start3A_125 : memref<125x80xi32, #tpu.memory_space<hbm>>) target(%arg8 : memref<125x80xi32, #tpu.memory_space<vmem>>) target_semaphore(%run_scoped3A : memref<!tpu.dma_semaphore, #tpu.memory_space<semaphore_mem>>)
      %dma_wait3A_126 = arith.constant 0 : i32
      %dma_wait3A_127 = arith.constant 0 : i32
      %dma_wait3A_128 = tpu.memref_slice %arg4[%add3A, %dma_wait3A_126, %dma_wait3A_127] : memref<32x125x80xi32, #tpu.memory_space<hbm>> -> memref<1x125x80xi32, #tpu.memory_space<hbm>>
      %dma_wait3A_129 = tpu.memref_squeeze %dma_wait3A_128 : memref<1x125x80xi32, #tpu.memory_space<hbm>> -> memref<125x80xi32, #tpu.memory_space<hbm>>
      %dma_wait3A_130 = arith.constant 0 : i32
      %dma_wait3A_131 = arith.constant 0 : i32
      %dma_wait3A_132 = tpu.memref_slice %arg4[%add3A, %dma_wait3A_130, %dma_wait3A_131] : memref<32x125x80xi32, #tpu.memory_space<hbm>> -> memref<1x125x80xi32, #tpu.memory_space<hbm>>
      %dma_wait3A_133 = tpu.memref_squeeze %dma_wait3A_132 : memref<1x125x80xi32, #tpu.memory_space<hbm>> -> memref<125x80xi32, #tpu.memory_space<hbm>>
      tpu.wait_dma2 semaphore(%run_scoped3A : memref<!tpu.dma_semaphore, #tpu.memory_space<semaphore_mem>>) src(%dma_wait3A_133 : memref<125x80xi32, #tpu.memory_space<hbm>>) dst(%arg8 : memref<125x80xi32, #tpu.memory_space<vmem>>)
      tpu.yield
    }) : () -> ()
    %mul3A_1 = arith.constant 312 : i32
    %mul3A_2 = arith.muli %arg1, %mul3A_1 : i32
    %mul3A_3 = arith.constant 312 : i32
    %mul3A_4 = arith.muli %arg1, %mul3A_3 : i32
    "tpu.region"() ({
      %run_scoped3A = tpu.sem_alloc : memref<!tpu.dma_semaphore, #tpu.memory_space<semaphore_mem>>
      %dma_start3A_118 = arith.constant 0 : i32
      %dma_start3A_119 = tpu.memref_slice %arg25[%mul3A_4, %dma_start3A_118] : memref<5008x128xf32, #tpu.memory_space<vmem_shared>> -> memref<312x128xf32, #tpu.memory_space<vmem_shared>>
      %dma_start3A_120 = arith.constant 0 : i32
      %dma_start3A_121 = tpu.memref_slice %arg5[%mul3A_2, %dma_start3A_120] : memref<10000x128xf32, #tpu.memory_space<hbm>> -> memref<312x128xf32, #tpu.memory_space<hbm>>
      tpu.enqueue_dma source(%dma_start3A_121 : memref<312x128xf32, #tpu.memory_space<hbm>>) target(%dma_start3A_119 : memref<312x128xf32, #tpu.memory_space<vmem_shared>>) target_semaphore(%run_scoped3A : memref<!tpu.dma_semaphore, #tpu.memory_space<semaphore_mem>>)
      %dma_wait3A_122 = arith.constant 0 : i32
      %dma_wait3A_123 = tpu.memref_slice %arg25[%mul3A_4, %dma_wait3A_122] : memref<5008x128xf32, #tpu.memory_space<vmem_shared>> -> memref<312x128xf32, #tpu.memory_space<vmem_shared>>
      %dma_wait3A_124 = arith.constant 0 : i32
      %dma_wait3A_125 = tpu.memref_slice %arg5[%mul3A_2, %dma_wait3A_124] : memref<10000x128xf32, #tpu.memory_space<hbm>> -> memref<312x128xf32, #tpu.memory_space<hbm>>
      tpu.wait_dma2 semaphore(%run_scoped3A : memref<!tpu.dma_semaphore, #tpu.memory_space<semaphore_mem>>) src(%dma_wait3A_125 : memref<312x128xf32, #tpu.memory_space<hbm>>) dst(%dma_wait3A_123 : memref<312x128xf32, #tpu.memory_space<vmem_shared>>)
      tpu.yield
    }) : () -> ()
    %eq3A = arith.constant 15 : i32
    %eq3A_5 = arith.cmpi eq, %arg1, %eq3A : i32
    %convert_element_type3A = arith.extui %eq3A_5 : i1 to i32
    %cond3A = arith.constant 0 : i32
    %cond3A_6 = arith.cmpi ne, %convert_element_type3A, %cond3A : i32
    scf.if %cond3A_6 {
      "tpu.region"() ({
        %run_scoped3A = tpu.sem_alloc : memref<!tpu.dma_semaphore, #tpu.memory_space<semaphore_mem>>
        %dma_start3A_118 = arith.constant 4992 : i32
        %dma_start3A_119 = arith.constant 0 : i32
        %dma_start3A_120 = tpu.memref_slice %arg25[%dma_start3A_118, %dma_start3A_119] : memref<5008x128xf32, #tpu.memory_space<vmem_shared>> -> memref<16x128xf32, #tpu.memory_space<vmem_shared>>
        %dma_start3A_121 = arith.constant 4992 : i32
        %dma_start3A_122 = arith.constant 0 : i32
        %dma_start3A_123 = tpu.memref_slice %arg5[%dma_start3A_121, %dma_start3A_122] : memref<10000x128xf32, #tpu.memory_space<hbm>> -> memref<16x128xf32, #tpu.memory_space<hbm>>
        tpu.enqueue_dma source(%dma_start3A_123 : memref<16x128xf32, #tpu.memory_space<hbm>>) target(%dma_start3A_120 : memref<16x128xf32, #tpu.memory_space<vmem_shared>>) target_semaphore(%run_scoped3A : memref<!tpu.dma_semaphore, #tpu.memory_space<semaphore_mem>>)
        %dma_wait3A_124 = arith.constant 4992 : i32
        %dma_wait3A_125 = arith.constant 0 : i32
        %dma_wait3A_126 = tpu.memref_slice %arg25[%dma_wait3A_124, %dma_wait3A_125] : memref<5008x128xf32, #tpu.memory_space<vmem_shared>> -> memref<16x128xf32, #tpu.memory_space<vmem_shared>>
        %dma_wait3A_127 = arith.constant 4992 : i32
        %dma_wait3A_128 = arith.constant 0 : i32
        %dma_wait3A_129 = tpu.memref_slice %arg5[%dma_wait3A_127, %dma_wait3A_128] : memref<10000x128xf32, #tpu.memory_space<hbm>> -> memref<16x128xf32, #tpu.memory_space<hbm>>
        tpu.wait_dma2 semaphore(%run_scoped3A : memref<!tpu.dma_semaphore, #tpu.memory_space<semaphore_mem>>) src(%dma_wait3A_129 : memref<16x128xf32, #tpu.memory_space<hbm>>) dst(%dma_wait3A_126 : memref<16x128xf32, #tpu.memory_space<vmem_shared>>)
        tpu.yield
      }) : () -> ()
    } else {
    }
    %dma_start3A = arith.constant 0 : i32
    %dma_start3A_7 = arith.constant 0 : i32
    %dma_start3A_8 = tpu.memref_slice %arg7[%dma_start3A, %dma_start3A_7] : memref<125x80xi32, #tpu.memory_space<vmem>> -> memref<1x80xi32, #tpu.memory_space<vmem>>
    %dma_start3A_9 = tpu.memref_squeeze %dma_start3A_8 : memref<1x80xi32, #tpu.memory_space<vmem>> -> memref<80xi32, #tpu.memory_space<vmem>>
    %dma_start3A_10 = arith.constant 0 : i32
    %dma_start3A_11 = arith.constant 0 : i32
    %dma_start3A_12 = tpu.memref_slice %arg2[%dma_start3A_10, %dma_start3A_11] : memref<10000x128xf32, #tpu.memory_space<hbm>> -> memref<10000x128xf32, #tpu.memory_space<hbm>>
    tpu.enqueue_indirect_dma source(%dma_start3A_12 : memref<10000x128xf32, #tpu.memory_space<hbm>>) target(%arg10 : memref<80x128xf32, #tpu.memory_space<vmem>>) offsets(%dma_start3A_9 : memref<80xi32, #tpu.memory_space<vmem>>) semaphore(%arg15 : memref<!tpu.dma_semaphore, #tpu.memory_space<semaphore_mem>>)
    %dma_start3A_13 = arith.constant 1 : i32
    %dma_start3A_14 = arith.constant 0 : i32
    %dma_start3A_15 = tpu.memref_slice %arg7[%dma_start3A_13, %dma_start3A_14] : memref<125x80xi32, #tpu.memory_space<vmem>> -> memref<1x80xi32, #tpu.memory_space<vmem>>
    %dma_start3A_16 = tpu.memref_squeeze %dma_start3A_15 : memref<1x80xi32, #tpu.memory_space<vmem>> -> memref<80xi32, #tpu.memory_space<vmem>>
    %dma_start3A_17 = arith.constant 0 : i32
    %dma_start3A_18 = arith.constant 0 : i32
    %dma_start3A_19 = tpu.memref_slice %arg2[%dma_start3A_17, %dma_start3A_18] : memref<10000x128xf32, #tpu.memory_space<hbm>> -> memref<10000x128xf32, #tpu.memory_space<hbm>>
    tpu.enqueue_indirect_dma source(%dma_start3A_19 : memref<10000x128xf32, #tpu.memory_space<hbm>>) target(%arg11 : memref<80x128xf32, #tpu.memory_space<vmem>>) offsets(%dma_start3A_16 : memref<80xi32, #tpu.memory_space<vmem>>) semaphore(%arg16 : memref<!tpu.dma_semaphore, #tpu.memory_space<semaphore_mem>>)
    %dma_start3A_20 = arith.constant 2 : i32
    %dma_start3A_21 = arith.constant 0 : i32
    %dma_start3A_22 = tpu.memref_slice %arg7[%dma_start3A_20, %dma_start3A_21] : memref<125x80xi32, #tpu.memory_space<vmem>> -> memref<1x80xi32, #tpu.memory_space<vmem>>
    %dma_start3A_23 = tpu.memref_squeeze %dma_start3A_22 : memref<1x80xi32, #tpu.memory_space<vmem>> -> memref<80xi32, #tpu.memory_space<vmem>>
    %dma_start3A_24 = arith.constant 0 : i32
    %dma_start3A_25 = arith.constant 0 : i32
    %dma_start3A_26 = tpu.memref_slice %arg2[%dma_start3A_24, %dma_start3A_25] : memref<10000x128xf32, #tpu.memory_space<hbm>> -> memref<10000x128xf32, #tpu.memory_space<hbm>>
    tpu.enqueue_indirect_dma source(%dma_start3A_26 : memref<10000x128xf32, #tpu.memory_space<hbm>>) target(%arg12 : memref<80x128xf32, #tpu.memory_space<vmem>>) offsets(%dma_start3A_23 : memref<80xi32, #tpu.memory_space<vmem>>) semaphore(%arg17 : memref<!tpu.dma_semaphore, #tpu.memory_space<semaphore_mem>>)
    %dma_start3A_27 = arith.constant 3 : i32
    %dma_start3A_28 = arith.constant 0 : i32
    %dma_start3A_29 = tpu.memref_slice %arg7[%dma_start3A_27, %dma_start3A_28] : memref<125x80xi32, #tpu.memory_space<vmem>> -> memref<1x80xi32, #tpu.memory_space<vmem>>
    %dma_start3A_30 = tpu.memref_squeeze %dma_start3A_29 : memref<1x80xi32, #tpu.memory_space<vmem>> -> memref<80xi32, #tpu.memory_space<vmem>>
    %dma_start3A_31 = arith.constant 0 : i32
    %dma_start3A_32 = arith.constant 0 : i32
    %dma_start3A_33 = tpu.memref_slice %arg2[%dma_start3A_31, %dma_start3A_32] : memref<10000x128xf32, #tpu.memory_space<hbm>> -> memref<10000x128xf32, #tpu.memory_space<hbm>>
    tpu.enqueue_indirect_dma source(%dma_start3A_33 : memref<10000x128xf32, #tpu.memory_space<hbm>>) target(%arg13 : memref<80x128xf32, #tpu.memory_space<vmem>>) offsets(%dma_start3A_30 : memref<80xi32, #tpu.memory_space<vmem>>) semaphore(%arg18 : memref<!tpu.dma_semaphore, #tpu.memory_space<semaphore_mem>>)
    %barrier3A = arith.constant 0 : index
    tpu.barrier barrier_id(%barrier3A)
    %scan3A = arith.constant 0 : i32
    %scan3A_34 = arith.constant 25 : i32
    %scan3A_35 = arith.addi %scan3A, %scan3A_34 : i32
    %scan3A_36 = arith.constant 1 : i32
    scf.for %scan3A_118 = %scan3A to %scan3A_35 step %scan3A_36  : i32 {
      %mul3A_119 = arith.constant 5 : i32
      %mul3A_120 = arith.muli %scan3A_118, %mul3A_119 : i32
      %add3A_121 = arith.constant 0 : i32
      %add3A_122 = arith.addi %add3A_121, %mul3A_120 : i32
      %add3A_123 = arith.constant 0 : i32
      %add3A_124 = arith.addi %add3A_122, %add3A_123 : i32
      %get3A = arith.index_cast %add3A_124 : i32 to index
      %get3A_125 = arith.constant 0 : index
      %get3A_126 = tpu.vector_load %arg8[%get3A, %get3A_125] {strides = array<i32>} : memref<125x80xi32, #tpu.memory_space<vmem>>, vector<16xi32>,
      %and3A = arith.constant 7 : i32
      %and3A_127 = vector.broadcast %and3A : i32 to vector<16xi32>
      %and3A_128 = arith.andi %get3A_126, %and3A_127 : vector<16xi32>
      %add3A_129 = arith.constant 5000 : i32
      %add3A_130 = vector.broadcast %add3A_129 : i32 to vector<16xi32>
      %add3A_131 = arith.addi %add3A_130, %and3A_128 : vector<16xi32>
      %lt3A = arith.constant 5000 : i32
      %lt3A_132 = vector.broadcast %lt3A : i32 to vector<16xi32>
      %lt3A_133 = arith.cmpi slt, %get3A_126, %lt3A_132 : vector<16xi32>
      %select_n3A = arith.select %lt3A_133, %get3A_126, %add3A_131 : vector<16xi1>, vector<16xi32>
      %swap3A = arith.constant 0 : i32
      %swap3A_134 = arith.index_cast %swap3A : i32 to index
      %swap3A_135 = arith.constant 0 : index
      %swap3A_136 = tpu.vector_load %arg9[%swap3A_134, %swap3A_135] {strides = array<i32>} : memref<5x80xi32, #tpu.memory_space<vmem>>, vector<16xi32>,
      tpu.vector_store %arg9[%swap3A_134, %swap3A_135], %select_n3A {strides = array<i32>} : memref<5x80xi32, #tpu.memory_space<vmem>>, vector<16xi32>,
      %get3A_137 = arith.index_cast %add3A_124 : i32 to index
      %get3A_138 = arith.constant 16 : index
      %get3A_139 = tpu.vector_load %arg8[%get3A_137, %get3A_138] {strides = array<i32>} : memref<125x80xi32, #tpu.memory_space<vmem>>, vector<16xi32>,
      %and3A_140 = arith.constant 7 : i32
      %and3A_141 = vector.broadcast %and3A_140 : i32 to vector<16xi32>
      %and3A_142 = arith.andi %get3A_139, %and3A_141 : vector<16xi32>
      %add3A_143 = arith.constant 5000 : i32
      %add3A_144 = vector.broadcast %add3A_143 : i32 to vector<16xi32>
      %add3A_145 = arith.addi %add3A_144, %and3A_142 : vector<16xi32>
      %lt3A_146 = arith.constant 5000 : i32
      %lt3A_147 = vector.broadcast %lt3A_146 : i32 to vector<16xi32>
      %lt3A_148 = arith.cmpi slt, %get3A_139, %lt3A_147 : vector<16xi32>
      %select_n3A_149 = arith.select %lt3A_148, %get3A_139, %add3A_145 : vector<16xi1>, vector<16xi32>
      %swap3A_150 = arith.constant 0 : i32
      %swap3A_151 = arith.index_cast %swap3A_150 : i32 to index
      %swap3A_152 = arith.constant 16 : index
      %swap3A_153 = tpu.vector_load %arg9[%swap3A_151, %swap3A_152] {strides = array<i32>} : memref<5x80xi32, #tpu.memory_space<vmem>>, vector<16xi32>,
      tpu.vector_store %arg9[%swap3A_151, %swap3A_152], %select_n3A_149 {strides = array<i32>} : memref<5x80xi32, #tpu.memory_space<vmem>>, vector<16xi32>,
      %get3A_154 = arith.index_cast %add3A_124 : i32 to index
      %get3A_155 = arith.constant 32 : index
      %get3A_156 = tpu.vector_load %arg8[%get3A_154, %get3A_155] {strides = array<i32>} : memref<125x80xi32, #tpu.memory_space<vmem>>, vector<16xi32>,
      %and3A_157 = arith.constant 7 : i32
      %and3A_158 = vector.broadcast %and3A_157 : i32 to vector<16xi32>
      %and3A_159 = arith.andi %get3A_156, %and3A_158 : vector<16xi32>
      %add3A_160 = arith.constant 5000 : i32
      %add3A_161 = vector.broadcast %add3A_160 : i32 to vector<16xi32>
      %add3A_162 = arith.addi %add3A_161, %and3A_159 : vector<16xi32>
      %lt3A_163 = arith.constant 5000 : i32
      %lt3A_164 = vector.broadcast %lt3A_163 : i32 to vector<16xi32>
      %lt3A_165 = arith.cmpi slt, %get3A_156, %lt3A_164 : vector<16xi32>
      %select_n3A_166 = arith.select %lt3A_165, %get3A_156, %add3A_162 : vector<16xi1>, vector<16xi32>
      %swap3A_167 = arith.constant 0 : i32
      %swap3A_168 = arith.index_cast %swap3A_167 : i32 to index
      %swap3A_169 = arith.constant 32 : index
      %swap3A_170 = tpu.vector_load %arg9[%swap3A_168, %swap3A_169] {strides = array<i32>} : memref<5x80xi32, #tpu.memory_space<vmem>>, vector<16xi32>,
      tpu.vector_store %arg9[%swap3A_168, %swap3A_169], %select_n3A_166 {strides = array<i32>} : memref<5x80xi32, #tpu.memory_space<vmem>>, vector<16xi32>,
      %get3A_171 = arith.index_cast %add3A_124 : i32 to index
      %get3A_172 = arith.constant 48 : index
      %get3A_173 = tpu.vector_load %arg8[%get3A_171, %get3A_172] {strides = array<i32>} : memref<125x80xi32, #tpu.memory_space<vmem>>, vector<16xi32>,
      %and3A_174 = arith.constant 7 : i32
      %and3A_175 = vector.broadcast %and3A_174 : i32 to vector<16xi32>
      %and3A_176 = arith.andi %get3A_173, %and3A_175 : vector<16xi32>
      %add3A_177 = arith.constant 5000 : i32
      %add3A_178 = vector.broadcast %add3A_177 : i32 to vector<16xi32>
      %add3A_179 = arith.addi %add3A_178, %and3A_176 : vector<16xi32>
      %lt3A_180 = arith.constant 5000 : i32
      %lt3A_181 = vector.broadcast %lt3A_180 : i32 to vector<16xi32>
      %lt3A_182 = arith.cmpi slt, %get3A_173, %lt3A_181 : vector<16xi32>
      %select_n3A_183 = arith.select %lt3A_182, %get3A_173, %add3A_179 : vector<16xi1>, vector<16xi32>
      %swap3A_184 = arith.constant 0 : i32
      %swap3A_185 = arith.index_cast %swap3A_184 : i32 to index
      %swap3A_186 = arith.constant 48 : index
      %swap3A_187 = tpu.vector_load %arg9[%swap3A_185, %swap3A_186] {strides = array<i32>} : memref<5x80xi32, #tpu.memory_space<vmem>>, vector<16xi32>,
      tpu.vector_store %arg9[%swap3A_185, %swap3A_186], %select_n3A_183 {strides = array<i32>} : memref<5x80xi32, #tpu.memory_space<vmem>>, vector<16xi32>,
      %get3A_188 = arith.index_cast %add3A_124 : i32 to index
      %get3A_189 = arith.constant 64 : index
      %get3A_190 = tpu.vector_load %arg8[%get3A_188, %get3A_189] {strides = array<i32>} : memref<125x80xi32, #tpu.memory_space<vmem>>, vector<16xi32>,
      %and3A_191 = arith.constant 7 : i32
      %and3A_192 = vector.broadcast %and3A_191 : i32 to vector<16xi32>
      %and3A_193 = arith.andi %get3A_190, %and3A_192 : vector<16xi32>
      %add3A_194 = arith.constant 5000 : i32
      %add3A_195 = vector.broadcast %add3A_194 : i32 to vector<16xi32>
      %add3A_196 = arith.addi %add3A_195, %and3A_193 : vector<16xi32>
      %lt3A_197 = arith.constant 5000 : i32
      %lt3A_198 = vector.broadcast %lt3A_197 : i32 to vector<16xi32>
      %lt3A_199 = arith.cmpi slt, %get3A_190, %lt3A_198 : vector<16xi32>
      %select_n3A_200 = arith.select %lt3A_199, %get3A_190, %add3A_196 : vector<16xi1>, vector<16xi32>
      %swap3A_201 = arith.constant 0 : i32
      %swap3A_202 = arith.index_cast %swap3A_201 : i32 to index
      %swap3A_203 = arith.constant 64 : index
      %swap3A_204 = tpu.vector_load %arg9[%swap3A_202, %swap3A_203] {strides = array<i32>} : memref<5x80xi32, #tpu.memory_space<vmem>>, vector<16xi32>,
      tpu.vector_store %arg9[%swap3A_202, %swap3A_203], %select_n3A_200 {strides = array<i32>} : memref<5x80xi32, #tpu.memory_space<vmem>>, vector<16xi32>,
      %dma_wait3A_205 = arith.constant 0 : i32
      %dma_wait3A_206 = tpu.memref_slice %arg7[%add3A_124, %dma_wait3A_205] : memref<125x80xi32, #tpu.memory_space<vmem>> -> memref<1x80xi32, #tpu.memory_space<vmem>>
      %dma_wait3A_207 = tpu.memref_squeeze %dma_wait3A_206 : memref<1x80xi32, #tpu.memory_space<vmem>> -> memref<80xi32, #tpu.memory_space<vmem>>
      %dma_wait3A_208 = arith.constant 0 : i32
      %dma_wait3A_209 = arith.constant 0 : i32
      %dma_wait3A_210 = tpu.memref_slice %arg2[%dma_wait3A_208, %dma_wait3A_209] : memref<10000x128xf32, #tpu.memory_space<hbm>> -> memref<10000x128xf32, #tpu.memory_space<hbm>>
      tpu.wait_indirect_dma semaphore(%arg15 : memref<!tpu.dma_semaphore, #tpu.memory_space<semaphore_mem>>) src(%dma_wait3A_210 : memref<10000x128xf32, #tpu.memory_space<hbm>>) dst(%arg10 : memref<80x128xf32, #tpu.memory_space<vmem>>)
      %dma_start3A_211 = arith.constant 0 : i32
      %dma_start3A_212 = arith.constant 0 : i32
      %dma_start3A_213 = tpu.memref_slice %arg9[%dma_start3A_211, %dma_start3A_212] : memref<5x80xi32, #tpu.memory_space<vmem>> -> memref<1x80xi32, #tpu.memory_space<vmem>>
      %dma_start3A_214 = tpu.memref_squeeze %dma_start3A_213 : memref<1x80xi32, #tpu.memory_space<vmem>> -> memref<80xi32, #tpu.memory_space<vmem>>
      %dma_start3A_215 = arith.constant 0 : i32
      %dma_start3A_216 = arith.constant 0 : i32
      %dma_start3A_217 = tpu.memref_slice %arg25[%dma_start3A_215, %dma_start3A_216] : memref<5008x128xf32, #tpu.memory_space<vmem_shared>> -> memref<5008x128xf32, #tpu.memory_space<vmem_shared>>
      tpu.enqueue_indirect_dma source(%arg10 : memref<80x128xf32, #tpu.memory_space<vmem>>) target(%dma_start3A_217 : memref<5008x128xf32, #tpu.memory_space<vmem_shared>>) offsets(%dma_start3A_214 : memref<80xi32, #tpu.memory_space<vmem>>) semaphore(%arg20 : memref<!tpu.dma_semaphore, #tpu.memory_space<semaphore_mem>>) {add = true}
      %ge3A = arith.constant 1 : i32
      %ge3A_218 = arith.cmpi sge, %add3A_124, %ge3A : i32
      %convert_element_type3A_219 = arith.extui %ge3A_218 : i1 to i32
      %cond3A_220 = arith.constant 0 : i32
      %cond3A_221 = arith.cmpi ne, %convert_element_type3A_219, %cond3A_220 : i32
      scf.if %cond3A_221 {
        %dma_wait3A_677 = arith.constant 4 : i32
        %dma_wait3A_678 = arith.constant 0 : i32
        %dma_wait3A_679 = tpu.memref_slice %arg9[%dma_wait3A_677, %dma_wait3A_678] : memref<5x80xi32, #tpu.memory_space<vmem>> -> memref<1x80xi32, #tpu.memory_space<vmem>>
        %dma_wait3A_680 = tpu.memref_squeeze %dma_wait3A_679 : memref<1x80xi32, #tpu.memory_space<vmem>> -> memref<80xi32, #tpu.memory_space<vmem>>
        %dma_wait3A_681 = arith.constant 0 : i32
        %dma_wait3A_682 = arith.constant 0 : i32
        %dma_wait3A_683 = tpu.memref_slice %arg25[%dma_wait3A_681, %dma_wait3A_682] : memref<5008x128xf32, #tpu.memory_space<vmem_shared>> -> memref<5008x128xf32, #tpu.memory_space<vmem_shared>>
        tpu.wait_indirect_dma semaphore(%arg24 : memref<!tpu.dma_semaphore, #tpu.memory_space<semaphore_mem>>) src(%arg14 : memref<80x128xf32, #tpu.memory_space<vmem>>) dst(%dma_wait3A_683 : memref<5008x128xf32, #tpu.memory_space<vmem_shared>>)
      } else {
      }
      %add3A_222 = arith.constant 4 : i32
      %add3A_223 = arith.addi %add3A_124, %add3A_222 : i32
      %lt3A_224 = arith.constant 125 : i32
      %lt3A_225 = arith.cmpi slt, %add3A_223, %lt3A_224 : i32
      %convert_element_type3A_226 = arith.extui %lt3A_225 : i1 to i32
      %cond3A_227 = arith.constant 0 : i32
      %cond3A_228 = arith.cmpi ne, %convert_element_type3A_226, %cond3A_227 : i32
      scf.if %cond3A_228 {
        %add3A_677 = arith.constant 4 : i32
        %add3A_678 = arith.addi %add3A_124, %add3A_677 : i32
        %dma_start3A_679 = arith.constant 0 : i32
        %dma_start3A_680 = tpu.memref_slice %arg7[%add3A_678, %dma_start3A_679] : memref<125x80xi32, #tpu.memory_space<vmem>> -> memref<1x80xi32, #tpu.memory_space<vmem>>
        %dma_start3A_681 = tpu.memref_squeeze %dma_start3A_680 : memref<1x80xi32, #tpu.memory_space<vmem>> -> memref<80xi32, #tpu.memory_space<vmem>>
        %dma_start3A_682 = arith.constant 0 : i32
        %dma_start3A_683 = arith.constant 0 : i32
        %dma_start3A_684 = tpu.memref_slice %arg2[%dma_start3A_682, %dma_start3A_683] : memref<10000x128xf32, #tpu.memory_space<hbm>> -> memref<10000x128xf32, #tpu.memory_space<hbm>>
        tpu.enqueue_indirect_dma source(%dma_start3A_684 : memref<10000x128xf32, #tpu.memory_space<hbm>>) target(%arg14 : memref<80x128xf32, #tpu.memory_space<vmem>>) offsets(%dma_start3A_681 : memref<80xi32, #tpu.memory_space<vmem>>) semaphore(%arg19 : memref<!tpu.dma_semaphore, #tpu.memory_space<semaphore_mem>>)
      } else {
      }
      %add3A_229 = arith.constant 1 : i32
      %add3A_230 = arith.addi %add3A_122, %add3A_229 : i32
      %get3A_231 = arith.index_cast %add3A_230 : i32 to index
      %get3A_232 = arith.constant 0 : index
      %get3A_233 = tpu.vector_load %arg8[%get3A_231, %get3A_232] {strides = array<i32>} : memref<125x80xi32, #tpu.memory_space<vmem>>, vector<16xi32>,
      %and3A_234 = arith.constant 7 : i32
      %and3A_235 = vector.broadcast %and3A_234 : i32 to vector<16xi32>
      %and3A_236 = arith.andi %get3A_233, %and3A_235 : vector<16xi32>
      %add3A_237 = arith.constant 5000 : i32
      %add3A_238 = vector.broadcast %add3A_237 : i32 to vector<16xi32>
      %add3A_239 = arith.addi %add3A_238, %and3A_236 : vector<16xi32>
      %lt3A_240 = arith.constant 5000 : i32
      %lt3A_241 = vector.broadcast %lt3A_240 : i32 to vector<16xi32>
      %lt3A_242 = arith.cmpi slt, %get3A_233, %lt3A_241 : vector<16xi32>
      %select_n3A_243 = arith.select %lt3A_242, %get3A_233, %add3A_239 : vector<16xi1>, vector<16xi32>
      %swap3A_244 = arith.constant 1 : i32
      %swap3A_245 = arith.index_cast %swap3A_244 : i32 to index
      %swap3A_246 = arith.constant 0 : index
      %swap3A_247 = tpu.vector_load %arg9[%swap3A_245, %swap3A_246] {strides = array<i32>} : memref<5x80xi32, #tpu.memory_space<vmem>>, vector<16xi32>,
      tpu.vector_store %arg9[%swap3A_245, %swap3A_246], %select_n3A_243 {strides = array<i32>} : memref<5x80xi32, #tpu.memory_space<vmem>>, vector<16xi32>,
      %get3A_248 = arith.index_cast %add3A_230 : i32 to index
      %get3A_249 = arith.constant 16 : index
      %get3A_250 = tpu.vector_load %arg8[%get3A_248, %get3A_249] {strides = array<i32>} : memref<125x80xi32, #tpu.memory_space<vmem>>, vector<16xi32>,
      %and3A_251 = arith.constant 7 : i32
      %and3A_252 = vector.broadcast %and3A_251 : i32 to vector<16xi32>
      %and3A_253 = arith.andi %get3A_250, %and3A_252 : vector<16xi32>
      %add3A_254 = arith.constant 5000 : i32
      %add3A_255 = vector.broadcast %add3A_254 : i32 to vector<16xi32>
      %add3A_256 = arith.addi %add3A_255, %and3A_253 : vector<16xi32>
      %lt3A_257 = arith.constant 5000 : i32
      %lt3A_258 = vector.broadcast %lt3A_257 : i32 to vector<16xi32>
      %lt3A_259 = arith.cmpi slt, %get3A_250, %lt3A_258 : vector<16xi32>
      %select_n3A_260 = arith.select %lt3A_259, %get3A_250, %add3A_256 : vector<16xi1>, vector<16xi32>
      %swap3A_261 = arith.constant 1 : i32
      %swap3A_262 = arith.index_cast %swap3A_261 : i32 to index
      %swap3A_263 = arith.constant 16 : index
      %swap3A_264 = tpu.vector_load %arg9[%swap3A_262, %swap3A_263] {strides = array<i32>} : memref<5x80xi32, #tpu.memory_space<vmem>>, vector<16xi32>,
      tpu.vector_store %arg9[%swap3A_262, %swap3A_263], %select_n3A_260 {strides = array<i32>} : memref<5x80xi32, #tpu.memory_space<vmem>>, vector<16xi32>,
      %get3A_265 = arith.index_cast %add3A_230 : i32 to index
      %get3A_266 = arith.constant 32 : index
      %get3A_267 = tpu.vector_load %arg8[%get3A_265, %get3A_266] {strides = array<i32>} : memref<125x80xi32, #tpu.memory_space<vmem>>, vector<16xi32>,
      %and3A_268 = arith.constant 7 : i32
      %and3A_269 = vector.broadcast %and3A_268 : i32 to vector<16xi32>
      %and3A_270 = arith.andi %get3A_267, %and3A_269 : vector<16xi32>
      %add3A_271 = arith.constant 5000 : i32
      %add3A_272 = vector.broadcast %add3A_271 : i32 to vector<16xi32>
      %add3A_273 = arith.addi %add3A_272, %and3A_270 : vector<16xi32>
      %lt3A_274 = arith.constant 5000 : i32
      %lt3A_275 = vector.broadcast %lt3A_274 : i32 to vector<16xi32>
      %lt3A_276 = arith.cmpi slt, %get3A_267, %lt3A_275 : vector<16xi32>
      %select_n3A_277 = arith.select %lt3A_276, %get3A_267, %add3A_273 : vector<16xi1>, vector<16xi32>
      %swap3A_278 = arith.constant 1 : i32
      %swap3A_279 = arith.index_cast %swap3A_278 : i32 to index
      %swap3A_280 = arith.constant 32 : index
      %swap3A_281 = tpu.vector_load %arg9[%swap3A_279, %swap3A_280] {strides = array<i32>} : memref<5x80xi32, #tpu.memory_space<vmem>>, vector<16xi32>,
      tpu.vector_store %arg9[%swap3A_279, %swap3A_280], %select_n3A_277 {strides = array<i32>} : memref<5x80xi32, #tpu.memory_space<vmem>>, vector<16xi32>,
      %get3A_282 = arith.index_cast %add3A_230 : i32 to index
      %get3A_283 = arith.constant 48 : index
      %get3A_284 = tpu.vector_load %arg8[%get3A_282, %get3A_283] {strides = array<i32>} : memref<125x80xi32, #tpu.memory_space<vmem>>, vector<16xi32>,
      %and3A_285 = arith.constant 7 : i32
      %and3A_286 = vector.broadcast %and3A_285 : i32 to vector<16xi32>
      %and3A_287 = arith.andi %get3A_284, %and3A_286 : vector<16xi32>
      %add3A_288 = arith.constant 5000 : i32
      %add3A_289 = vector.broadcast %add3A_288 : i32 to vector<16xi32>
      %add3A_290 = arith.addi %add3A_289, %and3A_287 : vector<16xi32>
      %lt3A_291 = arith.constant 5000 : i32
      %lt3A_292 = vector.broadcast %lt3A_291 : i32 to vector<16xi32>
      %lt3A_293 = arith.cmpi slt, %get3A_284, %lt3A_292 : vector<16xi32>
      %select_n3A_294 = arith.select %lt3A_293, %get3A_284, %add3A_290 : vector<16xi1>, vector<16xi32>
      %swap3A_295 = arith.constant 1 : i32
      %swap3A_296 = arith.index_cast %swap3A_295 : i32 to index
      %swap3A_297 = arith.constant 48 : index
      %swap3A_298 = tpu.vector_load %arg9[%swap3A_296, %swap3A_297] {strides = array<i32>} : memref<5x80xi32, #tpu.memory_space<vmem>>, vector<16xi32>,
      tpu.vector_store %arg9[%swap3A_296, %swap3A_297], %select_n3A_294 {strides = array<i32>} : memref<5x80xi32, #tpu.memory_space<vmem>>, vector<16xi32>,
      %get3A_299 = arith.index_cast %add3A_230 : i32 to index
      %get3A_300 = arith.constant 64 : index
      %get3A_301 = tpu.vector_load %arg8[%get3A_299, %get3A_300] {strides = array<i32>} : memref<125x80xi32, #tpu.memory_space<vmem>>, vector<16xi32>,
      %and3A_302 = arith.constant 7 : i32
      %and3A_303 = vector.broadcast %and3A_302 : i32 to vector<16xi32>
      %and3A_304 = arith.andi %get3A_301, %and3A_303 : vector<16xi32>
      %add3A_305 = arith.constant 5000 : i32
      %add3A_306 = vector.broadcast %add3A_305 : i32 to vector<16xi32>
      %add3A_307 = arith.addi %add3A_306, %and3A_304 : vector<16xi32>
      %lt3A_308 = arith.constant 5000 : i32
      %lt3A_309 = vector.broadcast %lt3A_308 : i32 to vector<16xi32>
      %lt3A_310 = arith.cmpi slt, %get3A_301, %lt3A_309 : vector<16xi32>
      %select_n3A_311 = arith.select %lt3A_310, %get3A_301, %add3A_307 : vector<16xi1>, vector<16xi32>
      %swap3A_312 = arith.constant 1 : i32
      %swap3A_313 = arith.index_cast %swap3A_312 : i32 to index
      %swap3A_314 = arith.constant 64 : index
      %swap3A_315 = tpu.vector_load %arg9[%swap3A_313, %swap3A_314] {strides = array<i32>} : memref<5x80xi32, #tpu.memory_space<vmem>>, vector<16xi32>,
      tpu.vector_store %arg9[%swap3A_313, %swap3A_314], %select_n3A_311 {strides = array<i32>} : memref<5x80xi32, #tpu.memory_space<vmem>>, vector<16xi32>,
      %dma_wait3A_316 = arith.constant 0 : i32
      %dma_wait3A_317 = tpu.memref_slice %arg7[%add3A_230, %dma_wait3A_316] : memref<125x80xi32, #tpu.memory_space<vmem>> -> memref<1x80xi32, #tpu.memory_space<vmem>>
      %dma_wait3A_318 = tpu.memref_squeeze %dma_wait3A_317 : memref<1x80xi32, #tpu.memory_space<vmem>> -> memref<80xi32, #tpu.memory_space<vmem>>
      %dma_wait3A_319 = arith.constant 0 : i32
      %dma_wait3A_320 = arith.constant 0 : i32
      %dma_wait3A_321 = tpu.memref_slice %arg2[%dma_wait3A_319, %dma_wait3A_320] : memref<10000x128xf32, #tpu.memory_space<hbm>> -> memref<10000x128xf32, #tpu.memory_space<hbm>>
      tpu.wait_indirect_dma semaphore(%arg16 : memref<!tpu.dma_semaphore, #tpu.memory_space<semaphore_mem>>) src(%dma_wait3A_321 : memref<10000x128xf32, #tpu.memory_space<hbm>>) dst(%arg11 : memref<80x128xf32, #tpu.memory_space<vmem>>)
      %dma_start3A_322 = arith.constant 1 : i32
      %dma_start3A_323 = arith.constant 0 : i32
      %dma_start3A_324 = tpu.memref_slice %arg9[%dma_start3A_322, %dma_start3A_323] : memref<5x80xi32, #tpu.memory_space<vmem>> -> memref<1x80xi32, #tpu.memory_space<vmem>>
      %dma_start3A_325 = tpu.memref_squeeze %dma_start3A_324 : memref<1x80xi32, #tpu.memory_space<vmem>> -> memref<80xi32, #tpu.memory_space<vmem>>
      %dma_start3A_326 = arith.constant 0 : i32
      %dma_start3A_327 = arith.constant 0 : i32
      %dma_start3A_328 = tpu.memref_slice %arg25[%dma_start3A_326, %dma_start3A_327] : memref<5008x128xf32, #tpu.memory_space<vmem_shared>> -> memref<5008x128xf32, #tpu.memory_space<vmem_shared>>
      tpu.enqueue_indirect_dma source(%arg11 : memref<80x128xf32, #tpu.memory_space<vmem>>) target(%dma_start3A_328 : memref<5008x128xf32, #tpu.memory_space<vmem_shared>>) offsets(%dma_start3A_325 : memref<80xi32, #tpu.memory_space<vmem>>) semaphore(%arg21 : memref<!tpu.dma_semaphore, #tpu.memory_space<semaphore_mem>>) {add = true}
      %ge3A_329 = arith.constant 1 : i32
      %ge3A_330 = arith.cmpi sge, %add3A_230, %ge3A_329 : i32
      %convert_element_type3A_331 = arith.extui %ge3A_330 : i1 to i32
      %cond3A_332 = arith.constant 0 : i32
      %cond3A_333 = arith.cmpi ne, %convert_element_type3A_331, %cond3A_332 : i32
      scf.if %cond3A_333 {
        %dma_wait3A_677 = arith.constant 0 : i32
        %dma_wait3A_678 = arith.constant 0 : i32
        %dma_wait3A_679 = tpu.memref_slice %arg9[%dma_wait3A_677, %dma_wait3A_678] : memref<5x80xi32, #tpu.memory_space<vmem>> -> memref<1x80xi32, #tpu.memory_space<vmem>>
        %dma_wait3A_680 = tpu.memref_squeeze %dma_wait3A_679 : memref<1x80xi32, #tpu.memory_space<vmem>> -> memref<80xi32, #tpu.memory_space<vmem>>
        %dma_wait3A_681 = arith.constant 0 : i32
        %dma_wait3A_682 = arith.constant 0 : i32
        %dma_wait3A_683 = tpu.memref_slice %arg25[%dma_wait3A_681, %dma_wait3A_682] : memref<5008x128xf32, #tpu.memory_space<vmem_shared>> -> memref<5008x128xf32, #tpu.memory_space<vmem_shared>>
        tpu.wait_indirect_dma semaphore(%arg20 : memref<!tpu.dma_semaphore, #tpu.memory_space<semaphore_mem>>) src(%arg10 : memref<80x128xf32, #tpu.memory_space<vmem>>) dst(%dma_wait3A_683 : memref<5008x128xf32, #tpu.memory_space<vmem_shared>>)
      } else {
      }
      %add3A_334 = arith.constant 4 : i32
      %add3A_335 = arith.addi %add3A_230, %add3A_334 : i32
      %lt3A_336 = arith.constant 125 : i32
      %lt3A_337 = arith.cmpi slt, %add3A_335, %lt3A_336 : i32
      %convert_element_type3A_338 = arith.extui %lt3A_337 : i1 to i32
      %cond3A_339 = arith.constant 0 : i32
      %cond3A_340 = arith.cmpi ne, %convert_element_type3A_338, %cond3A_339 : i32
      scf.if %cond3A_340 {
        %add3A_677 = arith.constant 4 : i32
        %add3A_678 = arith.addi %add3A_230, %add3A_677 : i32
        %dma_start3A_679 = arith.constant 0 : i32
        %dma_start3A_680 = tpu.memref_slice %arg7[%add3A_678, %dma_start3A_679] : memref<125x80xi32, #tpu.memory_space<vmem>> -> memref<1x80xi32, #tpu.memory_space<vmem>>
        %dma_start3A_681 = tpu.memref_squeeze %dma_start3A_680 : memref<1x80xi32, #tpu.memory_space<vmem>> -> memref<80xi32, #tpu.memory_space<vmem>>
        %dma_start3A_682 = arith.constant 0 : i32
        %dma_start3A_683 = arith.constant 0 : i32
        %dma_start3A_684 = tpu.memref_slice %arg2[%dma_start3A_682, %dma_start3A_683] : memref<10000x128xf32, #tpu.memory_space<hbm>> -> memref<10000x128xf32, #tpu.memory_space<hbm>>
        tpu.enqueue_indirect_dma source(%dma_start3A_684 : memref<10000x128xf32, #tpu.memory_space<hbm>>) target(%arg10 : memref<80x128xf32, #tpu.memory_space<vmem>>) offsets(%dma_start3A_681 : memref<80xi32, #tpu.memory_space<vmem>>) semaphore(%arg15 : memref<!tpu.dma_semaphore, #tpu.memory_space<semaphore_mem>>)
      } else {
      }
      %add3A_341 = arith.constant 2 : i32
      %add3A_342 = arith.addi %add3A_122, %add3A_341 : i32
      %get3A_343 = arith.index_cast %add3A_342 : i32 to index
      %get3A_344 = arith.constant 0 : index
      %get3A_345 = tpu.vector_load %arg8[%get3A_343, %get3A_344] {strides = array<i32>} : memref<125x80xi32, #tpu.memory_space<vmem>>, vector<16xi32>,
      %and3A_346 = arith.constant 7 : i32
      %and3A_347 = vector.broadcast %and3A_346 : i32 to vector<16xi32>
      %and3A_348 = arith.andi %get3A_345, %and3A_347 : vector<16xi32>
      %add3A_349 = arith.constant 5000 : i32
      %add3A_350 = vector.broadcast %add3A_349 : i32 to vector<16xi32>
      %add3A_351 = arith.addi %add3A_350, %and3A_348 : vector<16xi32>
      %lt3A_352 = arith.constant 5000 : i32
      %lt3A_353 = vector.broadcast %lt3A_352 : i32 to vector<16xi32>
      %lt3A_354 = arith.cmpi slt, %get3A_345, %lt3A_353 : vector<16xi32>
      %select_n3A_355 = arith.select %lt3A_354, %get3A_345, %add3A_351 : vector<16xi1>, vector<16xi32>
      %swap3A_356 = arith.constant 2 : i32
      %swap3A_357 = arith.index_cast %swap3A_356 : i32 to index
      %swap3A_358 = arith.constant 0 : index
      %swap3A_359 = tpu.vector_load %arg9[%swap3A_357, %swap3A_358] {strides = array<i32>} : memref<5x80xi32, #tpu.memory_space<vmem>>, vector<16xi32>,
      tpu.vector_store %arg9[%swap3A_357, %swap3A_358], %select_n3A_355 {strides = array<i32>} : memref<5x80xi32, #tpu.memory_space<vmem>>, vector<16xi32>,
      %get3A_360 = arith.index_cast %add3A_342 : i32 to index
      %get3A_361 = arith.constant 16 : index
      %get3A_362 = tpu.vector_load %arg8[%get3A_360, %get3A_361] {strides = array<i32>} : memref<125x80xi32, #tpu.memory_space<vmem>>, vector<16xi32>,
      %and3A_363 = arith.constant 7 : i32
      %and3A_364 = vector.broadcast %and3A_363 : i32 to vector<16xi32>
      %and3A_365 = arith.andi %get3A_362, %and3A_364 : vector<16xi32>
      %add3A_366 = arith.constant 5000 : i32
      %add3A_367 = vector.broadcast %add3A_366 : i32 to vector<16xi32>
      %add3A_368 = arith.addi %add3A_367, %and3A_365 : vector<16xi32>
      %lt3A_369 = arith.constant 5000 : i32
      %lt3A_370 = vector.broadcast %lt3A_369 : i32 to vector<16xi32>
      %lt3A_371 = arith.cmpi slt, %get3A_362, %lt3A_370 : vector<16xi32>
      %select_n3A_372 = arith.select %lt3A_371, %get3A_362, %add3A_368 : vector<16xi1>, vector<16xi32>
      %swap3A_373 = arith.constant 2 : i32
      %swap3A_374 = arith.index_cast %swap3A_373 : i32 to index
      %swap3A_375 = arith.constant 16 : index
      %swap3A_376 = tpu.vector_load %arg9[%swap3A_374, %swap3A_375] {strides = array<i32>} : memref<5x80xi32, #tpu.memory_space<vmem>>, vector<16xi32>,
      tpu.vector_store %arg9[%swap3A_374, %swap3A_375], %select_n3A_372 {strides = array<i32>} : memref<5x80xi32, #tpu.memory_space<vmem>>, vector<16xi32>,
      %get3A_377 = arith.index_cast %add3A_342 : i32 to index
      %get3A_378 = arith.constant 32 : index
      %get3A_379 = tpu.vector_load %arg8[%get3A_377, %get3A_378] {strides = array<i32>} : memref<125x80xi32, #tpu.memory_space<vmem>>, vector<16xi32>,
      %and3A_380 = arith.constant 7 : i32
      %and3A_381 = vector.broadcast %and3A_380 : i32 to vector<16xi32>
      %and3A_382 = arith.andi %get3A_379, %and3A_381 : vector<16xi32>
      %add3A_383 = arith.constant 5000 : i32
      %add3A_384 = vector.broadcast %add3A_383 : i32 to vector<16xi32>
      %add3A_385 = arith.addi %add3A_384, %and3A_382 : vector<16xi32>
      %lt3A_386 = arith.constant 5000 : i32
      %lt3A_387 = vector.broadcast %lt3A_386 : i32 to vector<16xi32>
      %lt3A_388 = arith.cmpi slt, %get3A_379, %lt3A_387 : vector<16xi32>
      %select_n3A_389 = arith.select %lt3A_388, %get3A_379, %add3A_385 : vector<16xi1>, vector<16xi32>
      %swap3A_390 = arith.constant 2 : i32
      %swap3A_391 = arith.index_cast %swap3A_390 : i32 to index
      %swap3A_392 = arith.constant 32 : index
      %swap3A_393 = tpu.vector_load %arg9[%swap3A_391, %swap3A_392] {strides = array<i32>} : memref<5x80xi32, #tpu.memory_space<vmem>>, vector<16xi32>,
      tpu.vector_store %arg9[%swap3A_391, %swap3A_392], %select_n3A_389 {strides = array<i32>} : memref<5x80xi32, #tpu.memory_space<vmem>>, vector<16xi32>,
      %get3A_394 = arith.index_cast %add3A_342 : i32 to index
      %get3A_395 = arith.constant 48 : index
      %get3A_396 = tpu.vector_load %arg8[%get3A_394, %get3A_395] {strides = array<i32>} : memref<125x80xi32, #tpu.memory_space<vmem>>, vector<16xi32>,
      %and3A_397 = arith.constant 7 : i32
      %and3A_398 = vector.broadcast %and3A_397 : i32 to vector<16xi32>
      %and3A_399 = arith.andi %get3A_396, %and3A_398 : vector<16xi32>
      %add3A_400 = arith.constant 5000 : i32
      %add3A_401 = vector.broadcast %add3A_400 : i32 to vector<16xi32>
      %add3A_402 = arith.addi %add3A_401, %and3A_399 : vector<16xi32>
      %lt3A_403 = arith.constant 5000 : i32
      %lt3A_404 = vector.broadcast %lt3A_403 : i32 to vector<16xi32>
      %lt3A_405 = arith.cmpi slt, %get3A_396, %lt3A_404 : vector<16xi32>
      %select_n3A_406 = arith.select %lt3A_405, %get3A_396, %add3A_402 : vector<16xi1>, vector<16xi32>
      %swap3A_407 = arith.constant 2 : i32
      %swap3A_408 = arith.index_cast %swap3A_407 : i32 to index
      %swap3A_409 = arith.constant 48 : index
      %swap3A_410 = tpu.vector_load %arg9[%swap3A_408, %swap3A_409] {strides = array<i32>} : memref<5x80xi32, #tpu.memory_space<vmem>>, vector<16xi32>,
      tpu.vector_store %arg9[%swap3A_408, %swap3A_409], %select_n3A_406 {strides = array<i32>} : memref<5x80xi32, #tpu.memory_space<vmem>>, vector<16xi32>,
      %get3A_411 = arith.index_cast %add3A_342 : i32 to index
      %get3A_412 = arith.constant 64 : index
      %get3A_413 = tpu.vector_load %arg8[%get3A_411, %get3A_412] {strides = array<i32>} : memref<125x80xi32, #tpu.memory_space<vmem>>, vector<16xi32>,
      %and3A_414 = arith.constant 7 : i32
      %and3A_415 = vector.broadcast %and3A_414 : i32 to vector<16xi32>
      %and3A_416 = arith.andi %get3A_413, %and3A_415 : vector<16xi32>
      %add3A_417 = arith.constant 5000 : i32
      %add3A_418 = vector.broadcast %add3A_417 : i32 to vector<16xi32>
      %add3A_419 = arith.addi %add3A_418, %and3A_416 : vector<16xi32>
      %lt3A_420 = arith.constant 5000 : i32
      %lt3A_421 = vector.broadcast %lt3A_420 : i32 to vector<16xi32>
      %lt3A_422 = arith.cmpi slt, %get3A_413, %lt3A_421 : vector<16xi32>
      %select_n3A_423 = arith.select %lt3A_422, %get3A_413, %add3A_419 : vector<16xi1>, vector<16xi32>
      %swap3A_424 = arith.constant 2 : i32
      %swap3A_425 = arith.index_cast %swap3A_424 : i32 to index
      %swap3A_426 = arith.constant 64 : index
      %swap3A_427 = tpu.vector_load %arg9[%swap3A_425, %swap3A_426] {strides = array<i32>} : memref<5x80xi32, #tpu.memory_space<vmem>>, vector<16xi32>,
      tpu.vector_store %arg9[%swap3A_425, %swap3A_426], %select_n3A_423 {strides = array<i32>} : memref<5x80xi32, #tpu.memory_space<vmem>>, vector<16xi32>,
      %dma_wait3A_428 = arith.constant 0 : i32
      %dma_wait3A_429 = tpu.memref_slice %arg7[%add3A_342, %dma_wait3A_428] : memref<125x80xi32, #tpu.memory_space<vmem>> -> memref<1x80xi32, #tpu.memory_space<vmem>>
      %dma_wait3A_430 = tpu.memref_squeeze %dma_wait3A_429 : memref<1x80xi32, #tpu.memory_space<vmem>> -> memref<80xi32, #tpu.memory_space<vmem>>
      %dma_wait3A_431 = arith.constant 0 : i32
      %dma_wait3A_432 = arith.constant 0 : i32
      %dma_wait3A_433 = tpu.memref_slice %arg2[%dma_wait3A_431, %dma_wait3A_432] : memref<10000x128xf32, #tpu.memory_space<hbm>> -> memref<10000x128xf32, #tpu.memory_space<hbm>>
      tpu.wait_indirect_dma semaphore(%arg17 : memref<!tpu.dma_semaphore, #tpu.memory_space<semaphore_mem>>) src(%dma_wait3A_433 : memref<10000x128xf32, #tpu.memory_space<hbm>>) dst(%arg12 : memref<80x128xf32, #tpu.memory_space<vmem>>)
      %dma_start3A_434 = arith.constant 2 : i32
      %dma_start3A_435 = arith.constant 0 : i32
      %dma_start3A_436 = tpu.memref_slice %arg9[%dma_start3A_434, %dma_start3A_435] : memref<5x80xi32, #tpu.memory_space<vmem>> -> memref<1x80xi32, #tpu.memory_space<vmem>>
      %dma_start3A_437 = tpu.memref_squeeze %dma_start3A_436 : memref<1x80xi32, #tpu.memory_space<vmem>> -> memref<80xi32, #tpu.memory_space<vmem>>
      %dma_start3A_438 = arith.constant 0 : i32
      %dma_start3A_439 = arith.constant 0 : i32
      %dma_start3A_440 = tpu.memref_slice %arg25[%dma_start3A_438, %dma_start3A_439] : memref<5008x128xf32, #tpu.memory_space<vmem_shared>> -> memref<5008x128xf32, #tpu.memory_space<vmem_shared>>
      tpu.enqueue_indirect_dma source(%arg12 : memref<80x128xf32, #tpu.memory_space<vmem>>) target(%dma_start3A_440 : memref<5008x128xf32, #tpu.memory_space<vmem_shared>>) offsets(%dma_start3A_437 : memref<80xi32, #tpu.memory_space<vmem>>) semaphore(%arg22 : memref<!tpu.dma_semaphore, #tpu.memory_space<semaphore_mem>>) {add = true}
      %ge3A_441 = arith.constant 1 : i32
      %ge3A_442 = arith.cmpi sge, %add3A_342, %ge3A_441 : i32
      %convert_element_type3A_443 = arith.extui %ge3A_442 : i1 to i32
      %cond3A_444 = arith.constant 0 : i32
      %cond3A_445 = arith.cmpi ne, %convert_element_type3A_443, %cond3A_444 : i32
      scf.if %cond3A_445 {
        %dma_wait3A_677 = arith.constant 1 : i32
        %dma_wait3A_678 = arith.constant 0 : i32
        %dma_wait3A_679 = tpu.memref_slice %arg9[%dma_wait3A_677, %dma_wait3A_678] : memref<5x80xi32, #tpu.memory_space<vmem>> -> memref<1x80xi32, #tpu.memory_space<vmem>>
        %dma_wait3A_680 = tpu.memref_squeeze %dma_wait3A_679 : memref<1x80xi32, #tpu.memory_space<vmem>> -> memref<80xi32, #tpu.memory_space<vmem>>
        %dma_wait3A_681 = arith.constant 0 : i32
        %dma_wait3A_682 = arith.constant 0 : i32
        %dma_wait3A_683 = tpu.memref_slice %arg25[%dma_wait3A_681, %dma_wait3A_682] : memref<5008x128xf32, #tpu.memory_space<vmem_shared>> -> memref<5008x128xf32, #tpu.memory_space<vmem_shared>>
        tpu.wait_indirect_dma semaphore(%arg21 : memref<!tpu.dma_semaphore, #tpu.memory_space<semaphore_mem>>) src(%arg11 : memref<80x128xf32, #tpu.memory_space<vmem>>) dst(%dma_wait3A_683 : memref<5008x128xf32, #tpu.memory_space<vmem_shared>>)
      } else {
      }
      %add3A_446 = arith.constant 4 : i32
      %add3A_447 = arith.addi %add3A_342, %add3A_446 : i32
      %lt3A_448 = arith.constant 125 : i32
      %lt3A_449 = arith.cmpi slt, %add3A_447, %lt3A_448 : i32
      %convert_element_type3A_450 = arith.extui %lt3A_449 : i1 to i32
      %cond3A_451 = arith.constant 0 : i32
      %cond3A_452 = arith.cmpi ne, %convert_element_type3A_450, %cond3A_451 : i32
      scf.if %cond3A_452 {
        %add3A_677 = arith.constant 4 : i32
        %add3A_678 = arith.addi %add3A_342, %add3A_677 : i32
        %dma_start3A_679 = arith.constant 0 : i32
        %dma_start3A_680 = tpu.memref_slice %arg7[%add3A_678, %dma_start3A_679] : memref<125x80xi32, #tpu.memory_space<vmem>> -> memref<1x80xi32, #tpu.memory_space<vmem>>
        %dma_start3A_681 = tpu.memref_squeeze %dma_start3A_680 : memref<1x80xi32, #tpu.memory_space<vmem>> -> memref<80xi32, #tpu.memory_space<vmem>>
        %dma_start3A_682 = arith.constant 0 : i32
        %dma_start3A_683 = arith.constant 0 : i32
        %dma_start3A_684 = tpu.memref_slice %arg2[%dma_start3A_682, %dma_start3A_683] : memref<10000x128xf32, #tpu.memory_space<hbm>> -> memref<10000x128xf32, #tpu.memory_space<hbm>>
        tpu.enqueue_indirect_dma source(%dma_start3A_684 : memref<10000x128xf32, #tpu.memory_space<hbm>>) target(%arg11 : memref<80x128xf32, #tpu.memory_space<vmem>>) offsets(%dma_start3A_681 : memref<80xi32, #tpu.memory_space<vmem>>) semaphore(%arg16 : memref<!tpu.dma_semaphore, #tpu.memory_space<semaphore_mem>>)
      } else {
      }
      %add3A_453 = arith.constant 3 : i32
      %add3A_454 = arith.addi %add3A_122, %add3A_453 : i32
      %get3A_455 = arith.index_cast %add3A_454 : i32 to index
      %get3A_456 = arith.constant 0 : index
      %get3A_457 = tpu.vector_load %arg8[%get3A_455, %get3A_456] {strides = array<i32>} : memref<125x80xi32, #tpu.memory_space<vmem>>, vector<16xi32>,
      %and3A_458 = arith.constant 7 : i32
      %and3A_459 = vector.broadcast %and3A_458 : i32 to vector<16xi32>
      %and3A_460 = arith.andi %get3A_457, %and3A_459 : vector<16xi32>
      %add3A_461 = arith.constant 5000 : i32
      %add3A_462 = vector.broadcast %add3A_461 : i32 to vector<16xi32>
      %add3A_463 = arith.addi %add3A_462, %and3A_460 : vector<16xi32>
      %lt3A_464 = arith.constant 5000 : i32
      %lt3A_465 = vector.broadcast %lt3A_464 : i32 to vector<16xi32>
      %lt3A_466 = arith.cmpi slt, %get3A_457, %lt3A_465 : vector<16xi32>
      %select_n3A_467 = arith.select %lt3A_466, %get3A_457, %add3A_463 : vector<16xi1>, vector<16xi32>
      %swap3A_468 = arith.constant 3 : i32
      %swap3A_469 = arith.index_cast %swap3A_468 : i32 to index
      %swap3A_470 = arith.constant 0 : index
      %swap3A_471 = tpu.vector_load %arg9[%swap3A_469, %swap3A_470] {strides = array<i32>} : memref<5x80xi32, #tpu.memory_space<vmem>>, vector<16xi32>,
      tpu.vector_store %arg9[%swap3A_469, %swap3A_470], %select_n3A_467 {strides = array<i32>} : memref<5x80xi32, #tpu.memory_space<vmem>>, vector<16xi32>,
      %get3A_472 = arith.index_cast %add3A_454 : i32 to index
      %get3A_473 = arith.constant 16 : index
      %get3A_474 = tpu.vector_load %arg8[%get3A_472, %get3A_473] {strides = array<i32>} : memref<125x80xi32, #tpu.memory_space<vmem>>, vector<16xi32>,
      %and3A_475 = arith.constant 7 : i32
      %and3A_476 = vector.broadcast %and3A_475 : i32 to vector<16xi32>
      %and3A_477 = arith.andi %get3A_474, %and3A_476 : vector<16xi32>
      %add3A_478 = arith.constant 5000 : i32
      %add3A_479 = vector.broadcast %add3A_478 : i32 to vector<16xi32>
      %add3A_480 = arith.addi %add3A_479, %and3A_477 : vector<16xi32>
      %lt3A_481 = arith.constant 5000 : i32
      %lt3A_482 = vector.broadcast %lt3A_481 : i32 to vector<16xi32>
      %lt3A_483 = arith.cmpi slt, %get3A_474, %lt3A_482 : vector<16xi32>
      %select_n3A_484 = arith.select %lt3A_483, %get3A_474, %add3A_480 : vector<16xi1>, vector<16xi32>
      %swap3A_485 = arith.constant 3 : i32
      %swap3A_486 = arith.index_cast %swap3A_485 : i32 to index
      %swap3A_487 = arith.constant 16 : index
      %swap3A_488 = tpu.vector_load %arg9[%swap3A_486, %swap3A_487] {strides = array<i32>} : memref<5x80xi32, #tpu.memory_space<vmem>>, vector<16xi32>,
      tpu.vector_store %arg9[%swap3A_486, %swap3A_487], %select_n3A_484 {strides = array<i32>} : memref<5x80xi32, #tpu.memory_space<vmem>>, vector<16xi32>,
      %get3A_489 = arith.index_cast %add3A_454 : i32 to index
      %get3A_490 = arith.constant 32 : index
      %get3A_491 = tpu.vector_load %arg8[%get3A_489, %get3A_490] {strides = array<i32>} : memref<125x80xi32, #tpu.memory_space<vmem>>, vector<16xi32>,
      %and3A_492 = arith.constant 7 : i32
      %and3A_493 = vector.broadcast %and3A_492 : i32 to vector<16xi32>
      %and3A_494 = arith.andi %get3A_491, %and3A_493 : vector<16xi32>
      %add3A_495 = arith.constant 5000 : i32
      %add3A_496 = vector.broadcast %add3A_495 : i32 to vector<16xi32>
      %add3A_497 = arith.addi %add3A_496, %and3A_494 : vector<16xi32>
      %lt3A_498 = arith.constant 5000 : i32
      %lt3A_499 = vector.broadcast %lt3A_498 : i32 to vector<16xi32>
      %lt3A_500 = arith.cmpi slt, %get3A_491, %lt3A_499 : vector<16xi32>
      %select_n3A_501 = arith.select %lt3A_500, %get3A_491, %add3A_497 : vector<16xi1>, vector<16xi32>
      %swap3A_502 = arith.constant 3 : i32
      %swap3A_503 = arith.index_cast %swap3A_502 : i32 to index
      %swap3A_504 = arith.constant 32 : index
      %swap3A_505 = tpu.vector_load %arg9[%swap3A_503, %swap3A_504] {strides = array<i32>} : memref<5x80xi32, #tpu.memory_space<vmem>>, vector<16xi32>,
      tpu.vector_store %arg9[%swap3A_503, %swap3A_504], %select_n3A_501 {strides = array<i32>} : memref<5x80xi32, #tpu.memory_space<vmem>>, vector<16xi32>,
      %get3A_506 = arith.index_cast %add3A_454 : i32 to index
      %get3A_507 = arith.constant 48 : index
      %get3A_508 = tpu.vector_load %arg8[%get3A_506, %get3A_507] {strides = array<i32>} : memref<125x80xi32, #tpu.memory_space<vmem>>, vector<16xi32>,
      %and3A_509 = arith.constant 7 : i32
      %and3A_510 = vector.broadcast %and3A_509 : i32 to vector<16xi32>
      %and3A_511 = arith.andi %get3A_508, %and3A_510 : vector<16xi32>
      %add3A_512 = arith.constant 5000 : i32
      %add3A_513 = vector.broadcast %add3A_512 : i32 to vector<16xi32>
      %add3A_514 = arith.addi %add3A_513, %and3A_511 : vector<16xi32>
      %lt3A_515 = arith.constant 5000 : i32
      %lt3A_516 = vector.broadcast %lt3A_515 : i32 to vector<16xi32>
      %lt3A_517 = arith.cmpi slt, %get3A_508, %lt3A_516 : vector<16xi32>
      %select_n3A_518 = arith.select %lt3A_517, %get3A_508, %add3A_514 : vector<16xi1>, vector<16xi32>
      %swap3A_519 = arith.constant 3 : i32
      %swap3A_520 = arith.index_cast %swap3A_519 : i32 to index
      %swap3A_521 = arith.constant 48 : index
      %swap3A_522 = tpu.vector_load %arg9[%swap3A_520, %swap3A_521] {strides = array<i32>} : memref<5x80xi32, #tpu.memory_space<vmem>>, vector<16xi32>,
      tpu.vector_store %arg9[%swap3A_520, %swap3A_521], %select_n3A_518 {strides = array<i32>} : memref<5x80xi32, #tpu.memory_space<vmem>>, vector<16xi32>,
      %get3A_523 = arith.index_cast %add3A_454 : i32 to index
      %get3A_524 = arith.constant 64 : index
      %get3A_525 = tpu.vector_load %arg8[%get3A_523, %get3A_524] {strides = array<i32>} : memref<125x80xi32, #tpu.memory_space<vmem>>, vector<16xi32>,
      %and3A_526 = arith.constant 7 : i32
      %and3A_527 = vector.broadcast %and3A_526 : i32 to vector<16xi32>
      %and3A_528 = arith.andi %get3A_525, %and3A_527 : vector<16xi32>
      %add3A_529 = arith.constant 5000 : i32
      %add3A_530 = vector.broadcast %add3A_529 : i32 to vector<16xi32>
      %add3A_531 = arith.addi %add3A_530, %and3A_528 : vector<16xi32>
      %lt3A_532 = arith.constant 5000 : i32
      %lt3A_533 = vector.broadcast %lt3A_532 : i32 to vector<16xi32>
      %lt3A_534 = arith.cmpi slt, %get3A_525, %lt3A_533 : vector<16xi32>
      %select_n3A_535 = arith.select %lt3A_534, %get3A_525, %add3A_531 : vector<16xi1>, vector<16xi32>
      %swap3A_536 = arith.constant 3 : i32
      %swap3A_537 = arith.index_cast %swap3A_536 : i32 to index
      %swap3A_538 = arith.constant 64 : index
      %swap3A_539 = tpu.vector_load %arg9[%swap3A_537, %swap3A_538] {strides = array<i32>} : memref<5x80xi32, #tpu.memory_space<vmem>>, vector<16xi32>,
      tpu.vector_store %arg9[%swap3A_537, %swap3A_538], %select_n3A_535 {strides = array<i32>} : memref<5x80xi32, #tpu.memory_space<vmem>>, vector<16xi32>,
      %dma_wait3A_540 = arith.constant 0 : i32
      %dma_wait3A_541 = tpu.memref_slice %arg7[%add3A_454, %dma_wait3A_540] : memref<125x80xi32, #tpu.memory_space<vmem>> -> memref<1x80xi32, #tpu.memory_space<vmem>>
      %dma_wait3A_542 = tpu.memref_squeeze %dma_wait3A_541 : memref<1x80xi32, #tpu.memory_space<vmem>> -> memref<80xi32, #tpu.memory_space<vmem>>
      %dma_wait3A_543 = arith.constant 0 : i32
      %dma_wait3A_544 = arith.constant 0 : i32
      %dma_wait3A_545 = tpu.memref_slice %arg2[%dma_wait3A_543, %dma_wait3A_544] : memref<10000x128xf32, #tpu.memory_space<hbm>> -> memref<10000x128xf32, #tpu.memory_space<hbm>>
      tpu.wait_indirect_dma semaphore(%arg18 : memref<!tpu.dma_semaphore, #tpu.memory_space<semaphore_mem>>) src(%dma_wait3A_545 : memref<10000x128xf32, #tpu.memory_space<hbm>>) dst(%arg13 : memref<80x128xf32, #tpu.memory_space<vmem>>)
      %dma_start3A_546 = arith.constant 3 : i32
      %dma_start3A_547 = arith.constant 0 : i32
      %dma_start3A_548 = tpu.memref_slice %arg9[%dma_start3A_546, %dma_start3A_547] : memref<5x80xi32, #tpu.memory_space<vmem>> -> memref<1x80xi32, #tpu.memory_space<vmem>>
      %dma_start3A_549 = tpu.memref_squeeze %dma_start3A_548 : memref<1x80xi32, #tpu.memory_space<vmem>> -> memref<80xi32, #tpu.memory_space<vmem>>
      %dma_start3A_550 = arith.constant 0 : i32
      %dma_start3A_551 = arith.constant 0 : i32
      %dma_start3A_552 = tpu.memref_slice %arg25[%dma_start3A_550, %dma_start3A_551] : memref<5008x128xf32, #tpu.memory_space<vmem_shared>> -> memref<5008x128xf32, #tpu.memory_space<vmem_shared>>
      tpu.enqueue_indirect_dma source(%arg13 : memref<80x128xf32, #tpu.memory_space<vmem>>) target(%dma_start3A_552 : memref<5008x128xf32, #tpu.memory_space<vmem_shared>>) offsets(%dma_start3A_549 : memref<80xi32, #tpu.memory_space<vmem>>) semaphore(%arg23 : memref<!tpu.dma_semaphore, #tpu.memory_space<semaphore_mem>>) {add = true}
      %ge3A_553 = arith.constant 1 : i32
      %ge3A_554 = arith.cmpi sge, %add3A_454, %ge3A_553 : i32
      %convert_element_type3A_555 = arith.extui %ge3A_554 : i1 to i32
      %cond3A_556 = arith.constant 0 : i32
      %cond3A_557 = arith.cmpi ne, %convert_element_type3A_555, %cond3A_556 : i32
      scf.if %cond3A_557 {
        %dma_wait3A_677 = arith.constant 2 : i32
        %dma_wait3A_678 = arith.constant 0 : i32
        %dma_wait3A_679 = tpu.memref_slice %arg9[%dma_wait3A_677, %dma_wait3A_678] : memref<5x80xi32, #tpu.memory_space<vmem>> -> memref<1x80xi32, #tpu.memory_space<vmem>>
        %dma_wait3A_680 = tpu.memref_squeeze %dma_wait3A_679 : memref<1x80xi32, #tpu.memory_space<vmem>> -> memref<80xi32, #tpu.memory_space<vmem>>
        %dma_wait3A_681 = arith.constant 0 : i32
        %dma_wait3A_682 = arith.constant 0 : i32
        %dma_wait3A_683 = tpu.memref_slice %arg25[%dma_wait3A_681, %dma_wait3A_682] : memref<5008x128xf32, #tpu.memory_space<vmem_shared>> -> memref<5008x128xf32, #tpu.memory_space<vmem_shared>>
        tpu.wait_indirect_dma semaphore(%arg22 : memref<!tpu.dma_semaphore, #tpu.memory_space<semaphore_mem>>) src(%arg12 : memref<80x128xf32, #tpu.memory_space<vmem>>) dst(%dma_wait3A_683 : memref<5008x128xf32, #tpu.memory_space<vmem_shared>>)
      } else {
      }
      %add3A_558 = arith.constant 4 : i32
      %add3A_559 = arith.addi %add3A_454, %add3A_558 : i32
      %lt3A_560 = arith.constant 125 : i32
      %lt3A_561 = arith.cmpi slt, %add3A_559, %lt3A_560 : i32
      %convert_element_type3A_562 = arith.extui %lt3A_561 : i1 to i32
      %cond3A_563 = arith.constant 0 : i32
      %cond3A_564 = arith.cmpi ne, %convert_element_type3A_562, %cond3A_563 : i32
      scf.if %cond3A_564 {
        %add3A_677 = arith.constant 4 : i32
        %add3A_678 = arith.addi %add3A_454, %add3A_677 : i32
        %dma_start3A_679 = arith.constant 0 : i32
        %dma_start3A_680 = tpu.memref_slice %arg7[%add3A_678, %dma_start3A_679] : memref<125x80xi32, #tpu.memory_space<vmem>> -> memref<1x80xi32, #tpu.memory_space<vmem>>
        %dma_start3A_681 = tpu.memref_squeeze %dma_start3A_680 : memref<1x80xi32, #tpu.memory_space<vmem>> -> memref<80xi32, #tpu.memory_space<vmem>>
        %dma_start3A_682 = arith.constant 0 : i32
        %dma_start3A_683 = arith.constant 0 : i32
        %dma_start3A_684 = tpu.memref_slice %arg2[%dma_start3A_682, %dma_start3A_683] : memref<10000x128xf32, #tpu.memory_space<hbm>> -> memref<10000x128xf32, #tpu.memory_space<hbm>>
        tpu.enqueue_indirect_dma source(%dma_start3A_684 : memref<10000x128xf32, #tpu.memory_space<hbm>>) target(%arg12 : memref<80x128xf32, #tpu.memory_space<vmem>>) offsets(%dma_start3A_681 : memref<80xi32, #tpu.memory_space<vmem>>) semaphore(%arg17 : memref<!tpu.dma_semaphore, #tpu.memory_space<semaphore_mem>>)
      } else {
      }
      %add3A_565 = arith.constant 4 : i32
      %add3A_566 = arith.addi %add3A_122, %add3A_565 : i32
      %get3A_567 = arith.index_cast %add3A_566 : i32 to index
      %get3A_568 = arith.constant 0 : index
      %get3A_569 = tpu.vector_load %arg8[%get3A_567, %get3A_568] {strides = array<i32>} : memref<125x80xi32, #tpu.memory_space<vmem>>, vector<16xi32>,
      %and3A_570 = arith.constant 7 : i32
      %and3A_571 = vector.broadcast %and3A_570 : i32 to vector<16xi32>
      %and3A_572 = arith.andi %get3A_569, %and3A_571 : vector<16xi32>
      %add3A_573 = arith.constant 5000 : i32
      %add3A_574 = vector.broadcast %add3A_573 : i32 to vector<16xi32>
      %add3A_575 = arith.addi %add3A_574, %and3A_572 : vector<16xi32>
      %lt3A_576 = arith.constant 5000 : i32
      %lt3A_577 = vector.broadcast %lt3A_576 : i32 to vector<16xi32>
      %lt3A_578 = arith.cmpi slt, %get3A_569, %lt3A_577 : vector<16xi32>
      %select_n3A_579 = arith.select %lt3A_578, %get3A_569, %add3A_575 : vector<16xi1>, vector<16xi32>
      %swap3A_580 = arith.constant 4 : i32
      %swap3A_581 = arith.index_cast %swap3A_580 : i32 to index
      %swap3A_582 = arith.constant 0 : index
      %swap3A_583 = tpu.vector_load %arg9[%swap3A_581, %swap3A_582] {strides = array<i32>} : memref<5x80xi32, #tpu.memory_space<vmem>>, vector<16xi32>,
      tpu.vector_store %arg9[%swap3A_581, %swap3A_582], %select_n3A_579 {strides = array<i32>} : memref<5x80xi32, #tpu.memory_space<vmem>>, vector<16xi32>,
      %get3A_584 = arith.index_cast %add3A_566 : i32 to index
      %get3A_585 = arith.constant 16 : index
      %get3A_586 = tpu.vector_load %arg8[%get3A_584, %get3A_585] {strides = array<i32>} : memref<125x80xi32, #tpu.memory_space<vmem>>, vector<16xi32>,
      %and3A_587 = arith.constant 7 : i32
      %and3A_588 = vector.broadcast %and3A_587 : i32 to vector<16xi32>
      %and3A_589 = arith.andi %get3A_586, %and3A_588 : vector<16xi32>
      %add3A_590 = arith.constant 5000 : i32
      %add3A_591 = vector.broadcast %add3A_590 : i32 to vector<16xi32>
      %add3A_592 = arith.addi %add3A_591, %and3A_589 : vector<16xi32>
      %lt3A_593 = arith.constant 5000 : i32
      %lt3A_594 = vector.broadcast %lt3A_593 : i32 to vector<16xi32>
      %lt3A_595 = arith.cmpi slt, %get3A_586, %lt3A_594 : vector<16xi32>
      %select_n3A_596 = arith.select %lt3A_595, %get3A_586, %add3A_592 : vector<16xi1>, vector<16xi32>
      %swap3A_597 = arith.constant 4 : i32
      %swap3A_598 = arith.index_cast %swap3A_597 : i32 to index
      %swap3A_599 = arith.constant 16 : index
      %swap3A_600 = tpu.vector_load %arg9[%swap3A_598, %swap3A_599] {strides = array<i32>} : memref<5x80xi32, #tpu.memory_space<vmem>>, vector<16xi32>,
      tpu.vector_store %arg9[%swap3A_598, %swap3A_599], %select_n3A_596 {strides = array<i32>} : memref<5x80xi32, #tpu.memory_space<vmem>>, vector<16xi32>,
      %get3A_601 = arith.index_cast %add3A_566 : i32 to index
      %get3A_602 = arith.constant 32 : index
      %get3A_603 = tpu.vector_load %arg8[%get3A_601, %get3A_602] {strides = array<i32>} : memref<125x80xi32, #tpu.memory_space<vmem>>, vector<16xi32>,
      %and3A_604 = arith.constant 7 : i32
      %and3A_605 = vector.broadcast %and3A_604 : i32 to vector<16xi32>
      %and3A_606 = arith.andi %get3A_603, %and3A_605 : vector<16xi32>
      %add3A_607 = arith.constant 5000 : i32
      %add3A_608 = vector.broadcast %add3A_607 : i32 to vector<16xi32>
      %add3A_609 = arith.addi %add3A_608, %and3A_606 : vector<16xi32>
      %lt3A_610 = arith.constant 5000 : i32
      %lt3A_611 = vector.broadcast %lt3A_610 : i32 to vector<16xi32>
      %lt3A_612 = arith.cmpi slt, %get3A_603, %lt3A_611 : vector<16xi32>
      %select_n3A_613 = arith.select %lt3A_612, %get3A_603, %add3A_609 : vector<16xi1>, vector<16xi32>
      %swap3A_614 = arith.constant 4 : i32
      %swap3A_615 = arith.index_cast %swap3A_614 : i32 to index
      %swap3A_616 = arith.constant 32 : index
      %swap3A_617 = tpu.vector_load %arg9[%swap3A_615, %swap3A_616] {strides = array<i32>} : memref<5x80xi32, #tpu.memory_space<vmem>>, vector<16xi32>,
      tpu.vector_store %arg9[%swap3A_615, %swap3A_616], %select_n3A_613 {strides = array<i32>} : memref<5x80xi32, #tpu.memory_space<vmem>>, vector<16xi32>,
      %get3A_618 = arith.index_cast %add3A_566 : i32 to index
      %get3A_619 = arith.constant 48 : index
      %get3A_620 = tpu.vector_load %arg8[%get3A_618, %get3A_619] {strides = array<i32>} : memref<125x80xi32, #tpu.memory_space<vmem>>, vector<16xi32>,
      %and3A_621 = arith.constant 7 : i32
      %and3A_622 = vector.broadcast %and3A_621 : i32 to vector<16xi32>
      %and3A_623 = arith.andi %get3A_620, %and3A_622 : vector<16xi32>
      %add3A_624 = arith.constant 5000 : i32
      %add3A_625 = vector.broadcast %add3A_624 : i32 to vector<16xi32>
      %add3A_626 = arith.addi %add3A_625, %and3A_623 : vector<16xi32>
      %lt3A_627 = arith.constant 5000 : i32
      %lt3A_628 = vector.broadcast %lt3A_627 : i32 to vector<16xi32>
      %lt3A_629 = arith.cmpi slt, %get3A_620, %lt3A_628 : vector<16xi32>
      %select_n3A_630 = arith.select %lt3A_629, %get3A_620, %add3A_626 : vector<16xi1>, vector<16xi32>
      %swap3A_631 = arith.constant 4 : i32
      %swap3A_632 = arith.index_cast %swap3A_631 : i32 to index
      %swap3A_633 = arith.constant 48 : index
      %swap3A_634 = tpu.vector_load %arg9[%swap3A_632, %swap3A_633] {strides = array<i32>} : memref<5x80xi32, #tpu.memory_space<vmem>>, vector<16xi32>,
      tpu.vector_store %arg9[%swap3A_632, %swap3A_633], %select_n3A_630 {strides = array<i32>} : memref<5x80xi32, #tpu.memory_space<vmem>>, vector<16xi32>,
      %get3A_635 = arith.index_cast %add3A_566 : i32 to index
      %get3A_636 = arith.constant 64 : index
      %get3A_637 = tpu.vector_load %arg8[%get3A_635, %get3A_636] {strides = array<i32>} : memref<125x80xi32, #tpu.memory_space<vmem>>, vector<16xi32>,
      %and3A_638 = arith.constant 7 : i32
      %and3A_639 = vector.broadcast %and3A_638 : i32 to vector<16xi32>
      %and3A_640 = arith.andi %get3A_637, %and3A_639 : vector<16xi32>
      %add3A_641 = arith.constant 5000 : i32
      %add3A_642 = vector.broadcast %add3A_641 : i32 to vector<16xi32>
      %add3A_643 = arith.addi %add3A_642, %and3A_640 : vector<16xi32>
      %lt3A_644 = arith.constant 5000 : i32
      %lt3A_645 = vector.broadcast %lt3A_644 : i32 to vector<16xi32>
      %lt3A_646 = arith.cmpi slt, %get3A_637, %lt3A_645 : vector<16xi32>
      %select_n3A_647 = arith.select %lt3A_646, %get3A_637, %add3A_643 : vector<16xi1>, vector<16xi32>
      %swap3A_648 = arith.constant 4 : i32
      %swap3A_649 = arith.index_cast %swap3A_648 : i32 to index
      %swap3A_650 = arith.constant 64 : index
      %swap3A_651 = tpu.vector_load %arg9[%swap3A_649, %swap3A_650] {strides = array<i32>} : memref<5x80xi32, #tpu.memory_space<vmem>>, vector<16xi32>,
      tpu.vector_store %arg9[%swap3A_649, %swap3A_650], %select_n3A_647 {strides = array<i32>} : memref<5x80xi32, #tpu.memory_space<vmem>>, vector<16xi32>,
      %dma_wait3A_652 = arith.constant 0 : i32
      %dma_wait3A_653 = tpu.memref_slice %arg7[%add3A_566, %dma_wait3A_652] : memref<125x80xi32, #tpu.memory_space<vmem>> -> memref<1x80xi32, #tpu.memory_space<vmem>>
      %dma_wait3A_654 = tpu.memref_squeeze %dma_wait3A_653 : memref<1x80xi32, #tpu.memory_space<vmem>> -> memref<80xi32, #tpu.memory_space<vmem>>
      %dma_wait3A_655 = arith.constant 0 : i32
      %dma_wait3A_656 = arith.constant 0 : i32
      %dma_wait3A_657 = tpu.memref_slice %arg2[%dma_wait3A_655, %dma_wait3A_656] : memref<10000x128xf32, #tpu.memory_space<hbm>> -> memref<10000x128xf32, #tpu.memory_space<hbm>>
      tpu.wait_indirect_dma semaphore(%arg19 : memref<!tpu.dma_semaphore, #tpu.memory_space<semaphore_mem>>) src(%dma_wait3A_657 : memref<10000x128xf32, #tpu.memory_space<hbm>>) dst(%arg14 : memref<80x128xf32, #tpu.memory_space<vmem>>)
      %dma_start3A_658 = arith.constant 4 : i32
      %dma_start3A_659 = arith.constant 0 : i32
      %dma_start3A_660 = tpu.memref_slice %arg9[%dma_start3A_658, %dma_start3A_659] : memref<5x80xi32, #tpu.memory_space<vmem>> -> memref<1x80xi32, #tpu.memory_space<vmem>>
      %dma_start3A_661 = tpu.memref_squeeze %dma_start3A_660 : memref<1x80xi32, #tpu.memory_space<vmem>> -> memref<80xi32, #tpu.memory_space<vmem>>
      %dma_start3A_662 = arith.constant 0 : i32
      %dma_start3A_663 = arith.constant 0 : i32
      %dma_start3A_664 = tpu.memref_slice %arg25[%dma_start3A_662, %dma_start3A_663] : memref<5008x128xf32, #tpu.memory_space<vmem_shared>> -> memref<5008x128xf32, #tpu.memory_space<vmem_shared>>
      tpu.enqueue_indirect_dma source(%arg14 : memref<80x128xf32, #tpu.memory_space<vmem>>) target(%dma_start3A_664 : memref<5008x128xf32, #tpu.memory_space<vmem_shared>>) offsets(%dma_start3A_661 : memref<80xi32, #tpu.memory_space<vmem>>) semaphore(%arg24 : memref<!tpu.dma_semaphore, #tpu.memory_space<semaphore_mem>>) {add = true}
      %ge3A_665 = arith.constant 1 : i32
      %ge3A_666 = arith.cmpi sge, %add3A_566, %ge3A_665 : i32
      %convert_element_type3A_667 = arith.extui %ge3A_666 : i1 to i32
      %cond3A_668 = arith.constant 0 : i32
      %cond3A_669 = arith.cmpi ne, %convert_element_type3A_667, %cond3A_668 : i32
      scf.if %cond3A_669 {
        %dma_wait3A_677 = arith.constant 3 : i32
        %dma_wait3A_678 = arith.constant 0 : i32
        %dma_wait3A_679 = tpu.memref_slice %arg9[%dma_wait3A_677, %dma_wait3A_678] : memref<5x80xi32, #tpu.memory_space<vmem>> -> memref<1x80xi32, #tpu.memory_space<vmem>>
        %dma_wait3A_680 = tpu.memref_squeeze %dma_wait3A_679 : memref<1x80xi32, #tpu.memory_space<vmem>> -> memref<80xi32, #tpu.memory_space<vmem>>
        %dma_wait3A_681 = arith.constant 0 : i32
        %dma_wait3A_682 = arith.constant 0 : i32
        %dma_wait3A_683 = tpu.memref_slice %arg25[%dma_wait3A_681, %dma_wait3A_682] : memref<5008x128xf32, #tpu.memory_space<vmem_shared>> -> memref<5008x128xf32, #tpu.memory_space<vmem_shared>>
        tpu.wait_indirect_dma semaphore(%arg23 : memref<!tpu.dma_semaphore, #tpu.memory_space<semaphore_mem>>) src(%arg13 : memref<80x128xf32, #tpu.memory_space<vmem>>) dst(%dma_wait3A_683 : memref<5008x128xf32, #tpu.memory_space<vmem_shared>>)
      } else {
      }
      %add3A_670 = arith.constant 4 : i32
      %add3A_671 = arith.addi %add3A_566, %add3A_670 : i32
      %lt3A_672 = arith.constant 125 : i32
      %lt3A_673 = arith.cmpi slt, %add3A_671, %lt3A_672 : i32
      %convert_element_type3A_674 = arith.extui %lt3A_673 : i1 to i32
      %cond3A_675 = arith.constant 0 : i32
      %cond3A_676 = arith.cmpi ne, %convert_element_type3A_674, %cond3A_675 : i32
      scf.if %cond3A_676 {
        %add3A_677 = arith.constant 4 : i32
        %add3A_678 = arith.addi %add3A_566, %add3A_677 : i32
        %dma_start3A_679 = arith.constant 0 : i32
        %dma_start3A_680 = tpu.memref_slice %arg7[%add3A_678, %dma_start3A_679] : memref<125x80xi32, #tpu.memory_space<vmem>> -> memref<1x80xi32, #tpu.memory_space<vmem>>
        %dma_start3A_681 = tpu.memref_squeeze %dma_start3A_680 : memref<1x80xi32, #tpu.memory_space<vmem>> -> memref<80xi32, #tpu.memory_space<vmem>>
        %dma_start3A_682 = arith.constant 0 : i32
        %dma_start3A_683 = arith.constant 0 : i32
        %dma_start3A_684 = tpu.memref_slice %arg2[%dma_start3A_682, %dma_start3A_683] : memref<10000x128xf32, #tpu.memory_space<hbm>> -> memref<10000x128xf32, #tpu.memory_space<hbm>>
        tpu.enqueue_indirect_dma source(%dma_start3A_684 : memref<10000x128xf32, #tpu.memory_space<hbm>>) target(%arg13 : memref<80x128xf32, #tpu.memory_space<vmem>>) offsets(%dma_start3A_681 : memref<80xi32, #tpu.memory_space<vmem>>) semaphore(%arg18 : memref<!tpu.dma_semaphore, #tpu.memory_space<semaphore_mem>>)
      } else {
      }
    }
    %scan3A_37 = arith.constant 25 : i32
    %dma_wait3A = arith.constant 4 : i32
    %dma_wait3A_38 = arith.constant 0 : i32
    %dma_wait3A_39 = tpu.memref_slice %arg9[%dma_wait3A, %dma_wait3A_38] : memref<5x80xi32, #tpu.memory_space<vmem>> -> memref<1x80xi32, #tpu.memory_space<vmem>>
    %dma_wait3A_40 = tpu.memref_squeeze %dma_wait3A_39 : memref<1x80xi32, #tpu.memory_space<vmem>> -> memref<80xi32, #tpu.memory_space<vmem>>
    %dma_wait3A_41 = arith.constant 0 : i32
    %dma_wait3A_42 = arith.constant 0 : i32
    %dma_wait3A_43 = tpu.memref_slice %arg25[%dma_wait3A_41, %dma_wait3A_42] : memref<5008x128xf32, #tpu.memory_space<vmem_shared>> -> memref<5008x128xf32, #tpu.memory_space<vmem_shared>>
    tpu.wait_indirect_dma semaphore(%arg24 : memref<!tpu.dma_semaphore, #tpu.memory_space<semaphore_mem>>) src(%arg14 : memref<80x128xf32, #tpu.memory_space<vmem>>) dst(%dma_wait3A_43 : memref<5008x128xf32, #tpu.memory_space<vmem_shared>>)
    %barrier3A_44 = arith.constant 0 : index
    tpu.barrier barrier_id(%barrier3A_44)
    %mul3A_45 = arith.constant 312 : i32
    %mul3A_46 = arith.muli %arg1, %mul3A_45 : i32
    %mul3A_47 = arith.constant 312 : i32
    %mul3A_48 = arith.muli %arg1, %mul3A_47 : i32
    %add3A_49 = arith.constant 0 : i32
    %add3A_50 = arith.addi %add3A_49, %mul3A_48 : i32
    "tpu.region"() ({
      %run_scoped3A = tpu.sem_alloc : memref<!tpu.dma_semaphore, #tpu.memory_space<semaphore_mem>>
      %dma_start3A_118 = arith.constant 0 : i32
      %dma_start3A_119 = tpu.memref_slice %arg6[%arg0, %add3A_50, %dma_start3A_118] : memref<2x10000x128xf32, #tpu.memory_space<hbm>> -> memref<1x312x128xf32, #tpu.memory_space<hbm>>
      %dma_start3A_120 = tpu.memref_squeeze %dma_start3A_119 : memref<1x312x128xf32, #tpu.memory_space<hbm>> -> memref<312x128xf32, #tpu.memory_space<hbm>>
      %dma_start3A_121 = arith.constant 0 : i32
      %dma_start3A_122 = tpu.memref_slice %arg25[%mul3A_46, %dma_start3A_121] : memref<5008x128xf32, #tpu.memory_space<vmem_shared>> -> memref<312x128xf32, #tpu.memory_space<vmem_shared>>
      tpu.enqueue_dma source(%dma_start3A_122 : memref<312x128xf32, #tpu.memory_space<vmem_shared>>) target(%dma_start3A_120 : memref<312x128xf32, #tpu.memory_space<hbm>>) target_semaphore(%run_scoped3A : memref<!tpu.dma_semaphore, #tpu.memory_space<semaphore_mem>>)
      %dma_wait3A_123 = arith.constant 0 : i32
      %dma_wait3A_124 = tpu.memref_slice %arg6[%arg0, %add3A_50, %dma_wait3A_123] : memref<2x10000x128xf32, #tpu.memory_space<hbm>> -> memref<1x312x128xf32, #tpu.memory_space<hbm>>
      %dma_wait3A_125 = tpu.memref_squeeze %dma_wait3A_124 : memref<1x312x128xf32, #tpu.memory_space<hbm>> -> memref<312x128xf32, #tpu.memory_space<hbm>>
      %dma_wait3A_126 = arith.constant 0 : i32
      %dma_wait3A_127 = tpu.memref_slice %arg25[%mul3A_46, %dma_wait3A_126] : memref<5008x128xf32, #tpu.memory_space<vmem_shared>> -> memref<312x128xf32, #tpu.memory_space<vmem_shared>>
      tpu.wait_dma2 semaphore(%run_scoped3A : memref<!tpu.dma_semaphore, #tpu.memory_space<semaphore_mem>>) src(%dma_wait3A_127 : memref<312x128xf32, #tpu.memory_space<vmem_shared>>) dst(%dma_wait3A_125 : memref<312x128xf32, #tpu.memory_space<hbm>>)
      tpu.yield
    }) : () -> ()
    %eq3A_51 = arith.constant 15 : i32
    %eq3A_52 = arith.cmpi eq, %arg1, %eq3A_51 : i32
    %convert_element_type3A_53 = arith.extui %eq3A_52 : i1 to i32
    %cond3A_54 = arith.constant 0 : i32
    %cond3A_55 = arith.cmpi ne, %convert_element_type3A_53, %cond3A_54 : i32
    scf.if %cond3A_55 {
      "tpu.region"() ({
        %run_scoped3A = tpu.sem_alloc : memref<!tpu.dma_semaphore, #tpu.memory_space<semaphore_mem>>
        %dma_start3A_118 = arith.constant 4992 : i32
        %dma_start3A_119 = arith.constant 0 : i32
        %dma_start3A_120 = tpu.memref_slice %arg6[%arg0, %dma_start3A_118, %dma_start3A_119] : memref<2x10000x128xf32, #tpu.memory_space<hbm>> -> memref<1x8x128xf32, #tpu.memory_space<hbm>>
        %dma_start3A_121 = tpu.memref_squeeze %dma_start3A_120 : memref<1x8x128xf32, #tpu.memory_space<hbm>> -> memref<8x128xf32, #tpu.memory_space<hbm>>
        %dma_start3A_122 = arith.constant 4992 : i32
        %dma_start3A_123 = arith.constant 0 : i32
        %dma_start3A_124 = tpu.memref_slice %arg25[%dma_start3A_122, %dma_start3A_123] : memref<5008x128xf32, #tpu.memory_space<vmem_shared>> -> memref<8x128xf32, #tpu.memory_space<vmem_shared>>
        tpu.enqueue_dma source(%dma_start3A_124 : memref<8x128xf32, #tpu.memory_space<vmem_shared>>) target(%dma_start3A_121 : memref<8x128xf32, #tpu.memory_space<hbm>>) target_semaphore(%run_scoped3A : memref<!tpu.dma_semaphore, #tpu.memory_space<semaphore_mem>>)
        %dma_wait3A_125 = arith.constant 4992 : i32
        %dma_wait3A_126 = arith.constant 0 : i32
        %dma_wait3A_127 = tpu.memref_slice %arg6[%arg0, %dma_wait3A_125, %dma_wait3A_126] : memref<2x10000x128xf32, #tpu.memory_space<hbm>> -> memref<1x8x128xf32, #tpu.memory_space<hbm>>
        %dma_wait3A_128 = tpu.memref_squeeze %dma_wait3A_127 : memref<1x8x128xf32, #tpu.memory_space<hbm>> -> memref<8x128xf32, #tpu.memory_space<hbm>>
        %dma_wait3A_129 = arith.constant 4992 : i32
        %dma_wait3A_130 = arith.constant 0 : i32
        %dma_wait3A_131 = tpu.memref_slice %arg25[%dma_wait3A_129, %dma_wait3A_130] : memref<5008x128xf32, #tpu.memory_space<vmem_shared>> -> memref<8x128xf32, #tpu.memory_space<vmem_shared>>
        tpu.wait_dma2 semaphore(%run_scoped3A : memref<!tpu.dma_semaphore, #tpu.memory_space<semaphore_mem>>) src(%dma_wait3A_131 : memref<8x128xf32, #tpu.memory_space<vmem_shared>>) dst(%dma_wait3A_128 : memref<8x128xf32, #tpu.memory_space<hbm>>)
        tpu.yield
      }) : () -> ()
    } else {
    }
    %mul3A_56 = arith.constant 312 : i32
    %mul3A_57 = arith.muli %arg1, %mul3A_56 : i32
    %mul3A_58 = arith.constant 312 : i32
    %mul3A_59 = arith.muli %arg1, %mul3A_58 : i32
    "tpu.region"() ({
      %run_scoped3A = tpu.sem_alloc : memref<!tpu.dma_semaphore, #tpu.memory_space<semaphore_mem>>
      %dma_start3A_118 = arith.constant 0 : i32
      %dma_start3A_119 = tpu.memref_slice %arg25[%mul3A_59, %dma_start3A_118] : memref<5008x128xf32, #tpu.memory_space<vmem_shared>> -> memref<312x128xf32, #tpu.memory_space<vmem_shared>>
      %dma_start3A_120 = arith.constant 0 : i32
      %dma_start3A_121 = tpu.memref_slice %arg5[%mul3A_57, %dma_start3A_120] : memref<10000x128xf32, #tpu.memory_space<hbm>> -> memref<312x128xf32, #tpu.memory_space<hbm>>
      tpu.enqueue_dma source(%dma_start3A_121 : memref<312x128xf32, #tpu.memory_space<hbm>>) target(%dma_start3A_119 : memref<312x128xf32, #tpu.memory_space<vmem_shared>>) target_semaphore(%run_scoped3A : memref<!tpu.dma_semaphore, #tpu.memory_space<semaphore_mem>>)
      %dma_wait3A_122 = arith.constant 0 : i32
      %dma_wait3A_123 = tpu.memref_slice %arg25[%mul3A_59, %dma_wait3A_122] : memref<5008x128xf32, #tpu.memory_space<vmem_shared>> -> memref<312x128xf32, #tpu.memory_space<vmem_shared>>
      %dma_wait3A_124 = arith.constant 0 : i32
      %dma_wait3A_125 = tpu.memref_slice %arg5[%mul3A_57, %dma_wait3A_124] : memref<10000x128xf32, #tpu.memory_space<hbm>> -> memref<312x128xf32, #tpu.memory_space<hbm>>
      tpu.wait_dma2 semaphore(%run_scoped3A : memref<!tpu.dma_semaphore, #tpu.memory_space<semaphore_mem>>) src(%dma_wait3A_125 : memref<312x128xf32, #tpu.memory_space<hbm>>) dst(%dma_wait3A_123 : memref<312x128xf32, #tpu.memory_space<vmem_shared>>)
      tpu.yield
    }) : () -> ()
    %eq3A_60 = arith.constant 15 : i32
    %eq3A_61 = arith.cmpi eq, %arg1, %eq3A_60 : i32
    %convert_element_type3A_62 = arith.extui %eq3A_61 : i1 to i32
    %cond3A_63 = arith.constant 0 : i32
    %cond3A_64 = arith.cmpi ne, %convert_element_type3A_62, %cond3A_63 : i32
    scf.if %cond3A_64 {
      "tpu.region"() ({
        %run_scoped3A = tpu.sem_alloc : memref<!tpu.dma_semaphore, #tpu.memory_space<semaphore_mem>>
        %dma_start3A_118 = arith.constant 4992 : i32
        %dma_start3A_119 = arith.constant 0 : i32
        %dma_start3A_120 = tpu.memref_slice %arg25[%dma_start3A_118, %dma_start3A_119] : memref<5008x128xf32, #tpu.memory_space<vmem_shared>> -> memref<16x128xf32, #tpu.memory_space<vmem_shared>>
        %dma_start3A_121 = arith.constant 4992 : i32
        %dma_start3A_122 = arith.constant 0 : i32
        %dma_start3A_123 = tpu.memref_slice %arg5[%dma_start3A_121, %dma_start3A_122] : memref<10000x128xf32, #tpu.memory_space<hbm>> -> memref<16x128xf32, #tpu.memory_space<hbm>>
        tpu.enqueue_dma source(%dma_start3A_123 : memref<16x128xf32, #tpu.memory_space<hbm>>) target(%dma_start3A_120 : memref<16x128xf32, #tpu.memory_space<vmem_shared>>) target_semaphore(%run_scoped3A : memref<!tpu.dma_semaphore, #tpu.memory_space<semaphore_mem>>)
        %dma_wait3A_124 = arith.constant 4992 : i32
        %dma_wait3A_125 = arith.constant 0 : i32
        %dma_wait3A_126 = tpu.memref_slice %arg25[%dma_wait3A_124, %dma_wait3A_125] : memref<5008x128xf32, #tpu.memory_space<vmem_shared>> -> memref<16x128xf32, #tpu.memory_space<vmem_shared>>
        %dma_wait3A_127 = arith.constant 4992 : i32
        %dma_wait3A_128 = arith.constant 0 : i32
        %dma_wait3A_129 = tpu.memref_slice %arg5[%dma_wait3A_127, %dma_wait3A_128] : memref<10000x128xf32, #tpu.memory_space<hbm>> -> memref<16x128xf32, #tpu.memory_space<hbm>>
        tpu.wait_dma2 semaphore(%run_scoped3A : memref<!tpu.dma_semaphore, #tpu.memory_space<semaphore_mem>>) src(%dma_wait3A_129 : memref<16x128xf32, #tpu.memory_space<hbm>>) dst(%dma_wait3A_126 : memref<16x128xf32, #tpu.memory_space<vmem_shared>>)
        tpu.yield
      }) : () -> ()
    } else {
    }
    %dma_start3A_65 = arith.constant 0 : i32
    %dma_start3A_66 = arith.constant 0 : i32
    %dma_start3A_67 = tpu.memref_slice %arg7[%dma_start3A_65, %dma_start3A_66] : memref<125x80xi32, #tpu.memory_space<vmem>> -> memref<1x80xi32, #tpu.memory_space<vmem>>
    %dma_start3A_68 = tpu.memref_squeeze %dma_start3A_67 : memref<1x80xi32, #tpu.memory_space<vmem>> -> memref<80xi32, #tpu.memory_space<vmem>>
    %dma_start3A_69 = arith.constant 0 : i32
    %dma_start3A_70 = arith.constant 0 : i32
    %dma_start3A_71 = tpu.memref_slice %arg2[%dma_start3A_69, %dma_start3A_70] : memref<10000x128xf32, #tpu.memory_space<hbm>> -> memref<10000x128xf32, #tpu.memory_space<hbm>>
    tpu.enqueue_indirect_dma source(%dma_start3A_71 : memref<10000x128xf32, #tpu.memory_space<hbm>>) target(%arg10 : memref<80x128xf32, #tpu.memory_space<vmem>>) offsets(%dma_start3A_68 : memref<80xi32, #tpu.memory_space<vmem>>) semaphore(%arg15 : memref<!tpu.dma_semaphore, #tpu.memory_space<semaphore_mem>>)
    %dma_start3A_72 = arith.constant 1 : i32
    %dma_start3A_73 = arith.constant 0 : i32
    %dma_start3A_74 = tpu.memref_slice %arg7[%dma_start3A_72, %dma_start3A_73] : memref<125x80xi32, #tpu.memory_space<vmem>> -> memref<1x80xi32, #tpu.memory_space<vmem>>
    %dma_start3A_75 = tpu.memref_squeeze %dma_start3A_74 : memref<1x80xi32, #tpu.memory_space<vmem>> -> memref<80xi32, #tpu.memory_space<vmem>>
    %dma_start3A_76 = arith.constant 0 : i32
    %dma_start3A_77 = arith.constant 0 : i32
    %dma_start3A_78 = tpu.memref_slice %arg2[%dma_start3A_76, %dma_start3A_77] : memref<10000x128xf32, #tpu.memory_space<hbm>> -> memref<10000x128xf32, #tpu.memory_space<hbm>>
    tpu.enqueue_indirect_dma source(%dma_start3A_78 : memref<10000x128xf32, #tpu.memory_space<hbm>>) target(%arg11 : memref<80x128xf32, #tpu.memory_space<vmem>>) offsets(%dma_start3A_75 : memref<80xi32, #tpu.memory_space<vmem>>) semaphore(%arg16 : memref<!tpu.dma_semaphore, #tpu.memory_space<semaphore_mem>>)
    %dma_start3A_79 = arith.constant 2 : i32
    %dma_start3A_80 = arith.constant 0 : i32
    %dma_start3A_81 = tpu.memref_slice %arg7[%dma_start3A_79, %dma_start3A_80] : memref<125x80xi32, #tpu.memory_space<vmem>> -> memref<1x80xi32, #tpu.memory_space<vmem>>
    %dma_start3A_82 = tpu.memref_squeeze %dma_start3A_81 : memref<1x80xi32, #tpu.memory_space<vmem>> -> memref<80xi32, #tpu.memory_space<vmem>>
    %dma_start3A_83 = arith.constant 0 : i32
    %dma_start3A_84 = arith.constant 0 : i32
    %dma_start3A_85 = tpu.memref_slice %arg2[%dma_start3A_83, %dma_start3A_84] : memref<10000x128xf32, #tpu.memory_space<hbm>> -> memref<10000x128xf32, #tpu.memory_space<hbm>>
    tpu.enqueue_indirect_dma source(%dma_start3A_85 : memref<10000x128xf32, #tpu.memory_space<hbm>>) target(%arg12 : memref<80x128xf32, #tpu.memory_space<vmem>>) offsets(%dma_start3A_82 : memref<80xi32, #tpu.memory_space<vmem>>) semaphore(%arg17 : memref<!tpu.dma_semaphore, #tpu.memory_space<semaphore_mem>>)
    %dma_start3A_86 = arith.constant 3 : i32
    %dma_start3A_87 = arith.constant 0 : i32
    %dma_start3A_88 = tpu.memref_slice %arg7[%dma_start3A_86, %dma_start3A_87] : memref<125x80xi32, #tpu.memory_space<vmem>> -> memref<1x80xi32, #tpu.memory_space<vmem>>
    %dma_start3A_89 = tpu.memref_squeeze %dma_start3A_88 : memref<1x80xi32, #tpu.memory_space<vmem>> -> memref<80xi32, #tpu.memory_space<vmem>>
    %dma_start3A_90 = arith.constant 0 : i32
    %dma_start3A_91 = arith.constant 0 : i32
    %dma_start3A_92 = tpu.memref_slice %arg2[%dma_start3A_90, %dma_start3A_91] : memref<10000x128xf32, #tpu.memory_space<hbm>> -> memref<10000x128xf32, #tpu.memory_space<hbm>>
    tpu.enqueue_indirect_dma source(%dma_start3A_92 : memref<10000x128xf32, #tpu.memory_space<hbm>>) target(%arg13 : memref<80x128xf32, #tpu.memory_space<vmem>>) offsets(%dma_start3A_89 : memref<80xi32, #tpu.memory_space<vmem>>) semaphore(%arg18 : memref<!tpu.dma_semaphore, #tpu.memory_space<semaphore_mem>>)
    %barrier3A_93 = arith.constant 0 : index
    tpu.barrier barrier_id(%barrier3A_93)
    %scan3A_94 = arith.constant 0 : i32
    %scan3A_95 = arith.constant 25 : i32
    %scan3A_96 = arith.addi %scan3A_94, %scan3A_95 : i32
    %scan3A_97 = arith.constant 1 : i32
    scf.for %scan3A_118 = %scan3A_94 to %scan3A_96 step %scan3A_97  : i32 {
      %mul3A_119 = arith.constant 5 : i32
      %mul3A_120 = arith.muli %scan3A_118, %mul3A_119 : i32
      %add3A_121 = arith.constant 0 : i32
      %add3A_122 = arith.addi %add3A_121, %mul3A_120 : i32
      %add3A_123 = arith.constant 0 : i32
      %add3A_124 = arith.addi %add3A_122, %add3A_123 : i32
      %get3A = arith.index_cast %add3A_124 : i32 to index
      %get3A_125 = arith.constant 0 : index
      %get3A_126 = tpu.vector_load %arg8[%get3A, %get3A_125] {strides = array<i32>} : memref<125x80xi32, #tpu.memory_space<vmem>>, vector<16xi32>,
      %and3A = arith.constant 7 : i32
      %and3A_127 = vector.broadcast %and3A : i32 to vector<16xi32>
      %and3A_128 = arith.andi %get3A_126, %and3A_127 : vector<16xi32>
      %add3A_129 = arith.constant 5000 : i32
      %add3A_130 = vector.broadcast %add3A_129 : i32 to vector<16xi32>
      %add3A_131 = arith.addi %add3A_130, %and3A_128 : vector<16xi32>
      %ge3A = arith.constant 5000 : i32
      %ge3A_132 = vector.broadcast %ge3A : i32 to vector<16xi32>
      %ge3A_133 = arith.cmpi sge, %get3A_126, %ge3A_132 : vector<16xi32>
      %sub3A = arith.constant 5000 : i32
      %sub3A_134 = vector.broadcast %sub3A : i32 to vector<16xi32>
      %sub3A_135 = arith.subi %get3A_126, %sub3A_134 : vector<16xi32>
      %select_n3A = arith.select %ge3A_133, %sub3A_135, %add3A_131 : vector<16xi1>, vector<16xi32>
      %swap3A = arith.constant 0 : i32
      %swap3A_136 = arith.index_cast %swap3A : i32 to index
      %swap3A_137 = arith.constant 0 : index
      %swap3A_138 = tpu.vector_load %arg9[%swap3A_136, %swap3A_137] {strides = array<i32>} : memref<5x80xi32, #tpu.memory_space<vmem>>, vector<16xi32>,
      tpu.vector_store %arg9[%swap3A_136, %swap3A_137], %select_n3A {strides = array<i32>} : memref<5x80xi32, #tpu.memory_space<vmem>>, vector<16xi32>,
      %get3A_139 = arith.index_cast %add3A_124 : i32 to index
      %get3A_140 = arith.constant 16 : index
      %get3A_141 = tpu.vector_load %arg8[%get3A_139, %get3A_140] {strides = array<i32>} : memref<125x80xi32, #tpu.memory_space<vmem>>, vector<16xi32>,
      %and3A_142 = arith.constant 7 : i32
      %and3A_143 = vector.broadcast %and3A_142 : i32 to vector<16xi32>
      %and3A_144 = arith.andi %get3A_141, %and3A_143 : vector<16xi32>
      %add3A_145 = arith.constant 5000 : i32
      %add3A_146 = vector.broadcast %add3A_145 : i32 to vector<16xi32>
      %add3A_147 = arith.addi %add3A_146, %and3A_144 : vector<16xi32>
      %ge3A_148 = arith.constant 5000 : i32
      %ge3A_149 = vector.broadcast %ge3A_148 : i32 to vector<16xi32>
      %ge3A_150 = arith.cmpi sge, %get3A_141, %ge3A_149 : vector<16xi32>
      %sub3A_151 = arith.constant 5000 : i32
      %sub3A_152 = vector.broadcast %sub3A_151 : i32 to vector<16xi32>
      %sub3A_153 = arith.subi %get3A_141, %sub3A_152 : vector<16xi32>
      %select_n3A_154 = arith.select %ge3A_150, %sub3A_153, %add3A_147 : vector<16xi1>, vector<16xi32>
      %swap3A_155 = arith.constant 0 : i32
      %swap3A_156 = arith.index_cast %swap3A_155 : i32 to index
      %swap3A_157 = arith.constant 16 : index
      %swap3A_158 = tpu.vector_load %arg9[%swap3A_156, %swap3A_157] {strides = array<i32>} : memref<5x80xi32, #tpu.memory_space<vmem>>, vector<16xi32>,
      tpu.vector_store %arg9[%swap3A_156, %swap3A_157], %select_n3A_154 {strides = array<i32>} : memref<5x80xi32, #tpu.memory_space<vmem>>, vector<16xi32>,
      %get3A_159 = arith.index_cast %add3A_124 : i32 to index
      %get3A_160 = arith.constant 32 : index
      %get3A_161 = tpu.vector_load %arg8[%get3A_159, %get3A_160] {strides = array<i32>} : memref<125x80xi32, #tpu.memory_space<vmem>>, vector<16xi32>,
      %and3A_162 = arith.constant 7 : i32
      %and3A_163 = vector.broadcast %and3A_162 : i32 to vector<16xi32>
      %and3A_164 = arith.andi %get3A_161, %and3A_163 : vector<16xi32>
      %add3A_165 = arith.constant 5000 : i32
      %add3A_166 = vector.broadcast %add3A_165 : i32 to vector<16xi32>
      %add3A_167 = arith.addi %add3A_166, %and3A_164 : vector<16xi32>
      %ge3A_168 = arith.constant 5000 : i32
      %ge3A_169 = vector.broadcast %ge3A_168 : i32 to vector<16xi32>
      %ge3A_170 = arith.cmpi sge, %get3A_161, %ge3A_169 : vector<16xi32>
      %sub3A_171 = arith.constant 5000 : i32
      %sub3A_172 = vector.broadcast %sub3A_171 : i32 to vector<16xi32>
      %sub3A_173 = arith.subi %get3A_161, %sub3A_172 : vector<16xi32>
      %select_n3A_174 = arith.select %ge3A_170, %sub3A_173, %add3A_167 : vector<16xi1>, vector<16xi32>
      %swap3A_175 = arith.constant 0 : i32
      %swap3A_176 = arith.index_cast %swap3A_175 : i32 to index
      %swap3A_177 = arith.constant 32 : index
      %swap3A_178 = tpu.vector_load %arg9[%swap3A_176, %swap3A_177] {strides = array<i32>} : memref<5x80xi32, #tpu.memory_space<vmem>>, vector<16xi32>,
      tpu.vector_store %arg9[%swap3A_176, %swap3A_177], %select_n3A_174 {strides = array<i32>} : memref<5x80xi32, #tpu.memory_space<vmem>>, vector<16xi32>,
      %get3A_179 = arith.index_cast %add3A_124 : i32 to index
      %get3A_180 = arith.constant 48 : index
      %get3A_181 = tpu.vector_load %arg8[%get3A_179, %get3A_180] {strides = array<i32>} : memref<125x80xi32, #tpu.memory_space<vmem>>, vector<16xi32>,
      %and3A_182 = arith.constant 7 : i32
      %and3A_183 = vector.broadcast %and3A_182 : i32 to vector<16xi32>
      %and3A_184 = arith.andi %get3A_181, %and3A_183 : vector<16xi32>
      %add3A_185 = arith.constant 5000 : i32
      %add3A_186 = vector.broadcast %add3A_185 : i32 to vector<16xi32>
      %add3A_187 = arith.addi %add3A_186, %and3A_184 : vector<16xi32>
      %ge3A_188 = arith.constant 5000 : i32
      %ge3A_189 = vector.broadcast %ge3A_188 : i32 to vector<16xi32>
      %ge3A_190 = arith.cmpi sge, %get3A_181, %ge3A_189 : vector<16xi32>
      %sub3A_191 = arith.constant 5000 : i32
      %sub3A_192 = vector.broadcast %sub3A_191 : i32 to vector<16xi32>
      %sub3A_193 = arith.subi %get3A_181, %sub3A_192 : vector<16xi32>
      %select_n3A_194 = arith.select %ge3A_190, %sub3A_193, %add3A_187 : vector<16xi1>, vector<16xi32>
      %swap3A_195 = arith.constant 0 : i32
      %swap3A_196 = arith.index_cast %swap3A_195 : i32 to index
      %swap3A_197 = arith.constant 48 : index
      %swap3A_198 = tpu.vector_load %arg9[%swap3A_196, %swap3A_197] {strides = array<i32>} : memref<5x80xi32, #tpu.memory_space<vmem>>, vector<16xi32>,
      tpu.vector_store %arg9[%swap3A_196, %swap3A_197], %select_n3A_194 {strides = array<i32>} : memref<5x80xi32, #tpu.memory_space<vmem>>, vector<16xi32>,
      %get3A_199 = arith.index_cast %add3A_124 : i32 to index
      %get3A_200 = arith.constant 64 : index
      %get3A_201 = tpu.vector_load %arg8[%get3A_199, %get3A_200] {strides = array<i32>} : memref<125x80xi32, #tpu.memory_space<vmem>>, vector<16xi32>,
      %and3A_202 = arith.constant 7 : i32
      %and3A_203 = vector.broadcast %and3A_202 : i32 to vector<16xi32>
      %and3A_204 = arith.andi %get3A_201, %and3A_203 : vector<16xi32>
      %add3A_205 = arith.constant 5000 : i32
      %add3A_206 = vector.broadcast %add3A_205 : i32 to vector<16xi32>
      %add3A_207 = arith.addi %add3A_206, %and3A_204 : vector<16xi32>
      %ge3A_208 = arith.constant 5000 : i32
      %ge3A_209 = vector.broadcast %ge3A_208 : i32 to vector<16xi32>
      %ge3A_210 = arith.cmpi sge, %get3A_201, %ge3A_209 : vector<16xi32>
      %sub3A_211 = arith.constant 5000 : i32
      %sub3A_212 = vector.broadcast %sub3A_211 : i32 to vector<16xi32>
      %sub3A_213 = arith.subi %get3A_201, %sub3A_212 : vector<16xi32>
      %select_n3A_214 = arith.select %ge3A_210, %sub3A_213, %add3A_207 : vector<16xi1>, vector<16xi32>
      %swap3A_215 = arith.constant 0 : i32
      %swap3A_216 = arith.index_cast %swap3A_215 : i32 to index
      %swap3A_217 = arith.constant 64 : index
      %swap3A_218 = tpu.vector_load %arg9[%swap3A_216, %swap3A_217] {strides = array<i32>} : memref<5x80xi32, #tpu.memory_space<vmem>>, vector<16xi32>,
      tpu.vector_store %arg9[%swap3A_216, %swap3A_217], %select_n3A_214 {strides = array<i32>} : memref<5x80xi32, #tpu.memory_space<vmem>>, vector<16xi32>,
      %dma_wait3A_219 = arith.constant 0 : i32
      %dma_wait3A_220 = tpu.memref_slice %arg7[%add3A_124, %dma_wait3A_219] : memref<125x80xi32, #tpu.memory_space<vmem>> -> memref<1x80xi32, #tpu.memory_space<vmem>>
      %dma_wait3A_221 = tpu.memref_squeeze %dma_wait3A_220 : memref<1x80xi32, #tpu.memory_space<vmem>> -> memref<80xi32, #tpu.memory_space<vmem>>
      %dma_wait3A_222 = arith.constant 0 : i32
      %dma_wait3A_223 = arith.constant 0 : i32
      %dma_wait3A_224 = tpu.memref_slice %arg2[%dma_wait3A_222, %dma_wait3A_223] : memref<10000x128xf32, #tpu.memory_space<hbm>> -> memref<10000x128xf32, #tpu.memory_space<hbm>>
      tpu.wait_indirect_dma semaphore(%arg15 : memref<!tpu.dma_semaphore, #tpu.memory_space<semaphore_mem>>) src(%dma_wait3A_224 : memref<10000x128xf32, #tpu.memory_space<hbm>>) dst(%arg10 : memref<80x128xf32, #tpu.memory_space<vmem>>)
      %dma_start3A_225 = arith.constant 0 : i32
      %dma_start3A_226 = arith.constant 0 : i32
      %dma_start3A_227 = tpu.memref_slice %arg9[%dma_start3A_225, %dma_start3A_226] : memref<5x80xi32, #tpu.memory_space<vmem>> -> memref<1x80xi32, #tpu.memory_space<vmem>>
      %dma_start3A_228 = tpu.memref_squeeze %dma_start3A_227 : memref<1x80xi32, #tpu.memory_space<vmem>> -> memref<80xi32, #tpu.memory_space<vmem>>
      %dma_start3A_229 = arith.constant 0 : i32
      %dma_start3A_230 = arith.constant 0 : i32
      %dma_start3A_231 = tpu.memref_slice %arg25[%dma_start3A_229, %dma_start3A_230] : memref<5008x128xf32, #tpu.memory_space<vmem_shared>> -> memref<5008x128xf32, #tpu.memory_space<vmem_shared>>
      tpu.enqueue_indirect_dma source(%arg10 : memref<80x128xf32, #tpu.memory_space<vmem>>) target(%dma_start3A_231 : memref<5008x128xf32, #tpu.memory_space<vmem_shared>>) offsets(%dma_start3A_228 : memref<80xi32, #tpu.memory_space<vmem>>) semaphore(%arg20 : memref<!tpu.dma_semaphore, #tpu.memory_space<semaphore_mem>>) {add = true}
      %ge3A_232 = arith.constant 1 : i32
      %ge3A_233 = arith.cmpi sge, %add3A_124, %ge3A_232 : i32
      %convert_element_type3A_234 = arith.extui %ge3A_233 : i1 to i32
      %cond3A_235 = arith.constant 0 : i32
      %cond3A_236 = arith.cmpi ne, %convert_element_type3A_234, %cond3A_235 : i32
      scf.if %cond3A_236 {
        %dma_wait3A_751 = arith.constant 4 : i32
        %dma_wait3A_752 = arith.constant 0 : i32
        %dma_wait3A_753 = tpu.memref_slice %arg9[%dma_wait3A_751, %dma_wait3A_752] : memref<5x80xi32, #tpu.memory_space<vmem>> -> memref<1x80xi32, #tpu.memory_space<vmem>>
        %dma_wait3A_754 = tpu.memref_squeeze %dma_wait3A_753 : memref<1x80xi32, #tpu.memory_space<vmem>> -> memref<80xi32, #tpu.memory_space<vmem>>
        %dma_wait3A_755 = arith.constant 0 : i32
        %dma_wait3A_756 = arith.constant 0 : i32
        %dma_wait3A_757 = tpu.memref_slice %arg25[%dma_wait3A_755, %dma_wait3A_756] : memref<5008x128xf32, #tpu.memory_space<vmem_shared>> -> memref<5008x128xf32, #tpu.memory_space<vmem_shared>>
        tpu.wait_indirect_dma semaphore(%arg24 : memref<!tpu.dma_semaphore, #tpu.memory_space<semaphore_mem>>) src(%arg14 : memref<80x128xf32, #tpu.memory_space<vmem>>) dst(%dma_wait3A_757 : memref<5008x128xf32, #tpu.memory_space<vmem_shared>>)
      } else {
      }
      %add3A_237 = arith.constant 4 : i32
      %add3A_238 = arith.addi %add3A_124, %add3A_237 : i32
      %lt3A = arith.constant 125 : i32
      %lt3A_239 = arith.cmpi slt, %add3A_238, %lt3A : i32
      %convert_element_type3A_240 = arith.extui %lt3A_239 : i1 to i32
      %cond3A_241 = arith.constant 0 : i32
      %cond3A_242 = arith.cmpi ne, %convert_element_type3A_240, %cond3A_241 : i32
      scf.if %cond3A_242 {
        %add3A_751 = arith.constant 4 : i32
        %add3A_752 = arith.addi %add3A_124, %add3A_751 : i32
        %dma_start3A_753 = arith.constant 0 : i32
        %dma_start3A_754 = tpu.memref_slice %arg7[%add3A_752, %dma_start3A_753] : memref<125x80xi32, #tpu.memory_space<vmem>> -> memref<1x80xi32, #tpu.memory_space<vmem>>
        %dma_start3A_755 = tpu.memref_squeeze %dma_start3A_754 : memref<1x80xi32, #tpu.memory_space<vmem>> -> memref<80xi32, #tpu.memory_space<vmem>>
        %dma_start3A_756 = arith.constant 0 : i32
        %dma_start3A_757 = arith.constant 0 : i32
        %dma_start3A_758 = tpu.memref_slice %arg2[%dma_start3A_756, %dma_start3A_757] : memref<10000x128xf32, #tpu.memory_space<hbm>> -> memref<10000x128xf32, #tpu.memory_space<hbm>>
        tpu.enqueue_indirect_dma source(%dma_start3A_758 : memref<10000x128xf32, #tpu.memory_space<hbm>>) target(%arg14 : memref<80x128xf32, #tpu.memory_space<vmem>>) offsets(%dma_start3A_755 : memref<80xi32, #tpu.memory_space<vmem>>) semaphore(%arg19 : memref<!tpu.dma_semaphore, #tpu.memory_space<semaphore_mem>>)
      } else {
      }
      %add3A_243 = arith.constant 1 : i32
      %add3A_244 = arith.addi %add3A_122, %add3A_243 : i32
      %get3A_245 = arith.index_cast %add3A_244 : i32 to index
      %get3A_246 = arith.constant 0 : index
      %get3A_247 = tpu.vector_load %arg8[%get3A_245, %get3A_246] {strides = array<i32>} : memref<125x80xi32, #tpu.memory_space<vmem>>, vector<16xi32>,
      %and3A_248 = arith.constant 7 : i32
      %and3A_249 = vector.broadcast %and3A_248 : i32 to vector<16xi32>
      %and3A_250 = arith.andi %get3A_247, %and3A_249 : vector<16xi32>
      %add3A_251 = arith.constant 5000 : i32
      %add3A_252 = vector.broadcast %add3A_251 : i32 to vector<16xi32>
      %add3A_253 = arith.addi %add3A_252, %and3A_250 : vector<16xi32>
      %ge3A_254 = arith.constant 5000 : i32
      %ge3A_255 = vector.broadcast %ge3A_254 : i32 to vector<16xi32>
      %ge3A_256 = arith.cmpi sge, %get3A_247, %ge3A_255 : vector<16xi32>
      %sub3A_257 = arith.constant 5000 : i32
      %sub3A_258 = vector.broadcast %sub3A_257 : i32 to vector<16xi32>
      %sub3A_259 = arith.subi %get3A_247, %sub3A_258 : vector<16xi32>
      %select_n3A_260 = arith.select %ge3A_256, %sub3A_259, %add3A_253 : vector<16xi1>, vector<16xi32>
      %swap3A_261 = arith.constant 1 : i32
      %swap3A_262 = arith.index_cast %swap3A_261 : i32 to index
      %swap3A_263 = arith.constant 0 : index
      %swap3A_264 = tpu.vector_load %arg9[%swap3A_262, %swap3A_263] {strides = array<i32>} : memref<5x80xi32, #tpu.memory_space<vmem>>, vector<16xi32>,
      tpu.vector_store %arg9[%swap3A_262, %swap3A_263], %select_n3A_260 {strides = array<i32>} : memref<5x80xi32, #tpu.memory_space<vmem>>, vector<16xi32>,
      %get3A_265 = arith.index_cast %add3A_244 : i32 to index
      %get3A_266 = arith.constant 16 : index
      %get3A_267 = tpu.vector_load %arg8[%get3A_265, %get3A_266] {strides = array<i32>} : memref<125x80xi32, #tpu.memory_space<vmem>>, vector<16xi32>,
      %and3A_268 = arith.constant 7 : i32
      %and3A_269 = vector.broadcast %and3A_268 : i32 to vector<16xi32>
      %and3A_270 = arith.andi %get3A_267, %and3A_269 : vector<16xi32>
      %add3A_271 = arith.constant 5000 : i32
      %add3A_272 = vector.broadcast %add3A_271 : i32 to vector<16xi32>
      %add3A_273 = arith.addi %add3A_272, %and3A_270 : vector<16xi32>
      %ge3A_274 = arith.constant 5000 : i32
      %ge3A_275 = vector.broadcast %ge3A_274 : i32 to vector<16xi32>
      %ge3A_276 = arith.cmpi sge, %get3A_267, %ge3A_275 : vector<16xi32>
      %sub3A_277 = arith.constant 5000 : i32
      %sub3A_278 = vector.broadcast %sub3A_277 : i32 to vector<16xi32>
      %sub3A_279 = arith.subi %get3A_267, %sub3A_278 : vector<16xi32>
      %select_n3A_280 = arith.select %ge3A_276, %sub3A_279, %add3A_273 : vector<16xi1>, vector<16xi32>
      %swap3A_281 = arith.constant 1 : i32
      %swap3A_282 = arith.index_cast %swap3A_281 : i32 to index
      %swap3A_283 = arith.constant 16 : index
      %swap3A_284 = tpu.vector_load %arg9[%swap3A_282, %swap3A_283] {strides = array<i32>} : memref<5x80xi32, #tpu.memory_space<vmem>>, vector<16xi32>,
      tpu.vector_store %arg9[%swap3A_282, %swap3A_283], %select_n3A_280 {strides = array<i32>} : memref<5x80xi32, #tpu.memory_space<vmem>>, vector<16xi32>,
      %get3A_285 = arith.index_cast %add3A_244 : i32 to index
      %get3A_286 = arith.constant 32 : index
      %get3A_287 = tpu.vector_load %arg8[%get3A_285, %get3A_286] {strides = array<i32>} : memref<125x80xi32, #tpu.memory_space<vmem>>, vector<16xi32>,
      %and3A_288 = arith.constant 7 : i32
      %and3A_289 = vector.broadcast %and3A_288 : i32 to vector<16xi32>
      %and3A_290 = arith.andi %get3A_287, %and3A_289 : vector<16xi32>
      %add3A_291 = arith.constant 5000 : i32
      %add3A_292 = vector.broadcast %add3A_291 : i32 to vector<16xi32>
      %add3A_293 = arith.addi %add3A_292, %and3A_290 : vector<16xi32>
      %ge3A_294 = arith.constant 5000 : i32
      %ge3A_295 = vector.broadcast %ge3A_294 : i32 to vector<16xi32>
      %ge3A_296 = arith.cmpi sge, %get3A_287, %ge3A_295 : vector<16xi32>
      %sub3A_297 = arith.constant 5000 : i32
      %sub3A_298 = vector.broadcast %sub3A_297 : i32 to vector<16xi32>
      %sub3A_299 = arith.subi %get3A_287, %sub3A_298 : vector<16xi32>
      %select_n3A_300 = arith.select %ge3A_296, %sub3A_299, %add3A_293 : vector<16xi1>, vector<16xi32>
      %swap3A_301 = arith.constant 1 : i32
      %swap3A_302 = arith.index_cast %swap3A_301 : i32 to index
      %swap3A_303 = arith.constant 32 : index
      %swap3A_304 = tpu.vector_load %arg9[%swap3A_302, %swap3A_303] {strides = array<i32>} : memref<5x80xi32, #tpu.memory_space<vmem>>, vector<16xi32>,
      tpu.vector_store %arg9[%swap3A_302, %swap3A_303], %select_n3A_300 {strides = array<i32>} : memref<5x80xi32, #tpu.memory_space<vmem>>, vector<16xi32>,
      %get3A_305 = arith.index_cast %add3A_244 : i32 to index
      %get3A_306 = arith.constant 48 : index
      %get3A_307 = tpu.vector_load %arg8[%get3A_305, %get3A_306] {strides = array<i32>} : memref<125x80xi32, #tpu.memory_space<vmem>>, vector<16xi32>,
      %and3A_308 = arith.constant 7 : i32
      %and3A_309 = vector.broadcast %and3A_308 : i32 to vector<16xi32>
      %and3A_310 = arith.andi %get3A_307, %and3A_309 : vector<16xi32>
      %add3A_311 = arith.constant 5000 : i32
      %add3A_312 = vector.broadcast %add3A_311 : i32 to vector<16xi32>
      %add3A_313 = arith.addi %add3A_312, %and3A_310 : vector<16xi32>
      %ge3A_314 = arith.constant 5000 : i32
      %ge3A_315 = vector.broadcast %ge3A_314 : i32 to vector<16xi32>
      %ge3A_316 = arith.cmpi sge, %get3A_307, %ge3A_315 : vector<16xi32>
      %sub3A_317 = arith.constant 5000 : i32
      %sub3A_318 = vector.broadcast %sub3A_317 : i32 to vector<16xi32>
      %sub3A_319 = arith.subi %get3A_307, %sub3A_318 : vector<16xi32>
      %select_n3A_320 = arith.select %ge3A_316, %sub3A_319, %add3A_313 : vector<16xi1>, vector<16xi32>
      %swap3A_321 = arith.constant 1 : i32
      %swap3A_322 = arith.index_cast %swap3A_321 : i32 to index
      %swap3A_323 = arith.constant 48 : index
      %swap3A_324 = tpu.vector_load %arg9[%swap3A_322, %swap3A_323] {strides = array<i32>} : memref<5x80xi32, #tpu.memory_space<vmem>>, vector<16xi32>,
      tpu.vector_store %arg9[%swap3A_322, %swap3A_323], %select_n3A_320 {strides = array<i32>} : memref<5x80xi32, #tpu.memory_space<vmem>>, vector<16xi32>,
      %get3A_325 = arith.index_cast %add3A_244 : i32 to index
      %get3A_326 = arith.constant 64 : index
      %get3A_327 = tpu.vector_load %arg8[%get3A_325, %get3A_326] {strides = array<i32>} : memref<125x80xi32, #tpu.memory_space<vmem>>, vector<16xi32>,
      %and3A_328 = arith.constant 7 : i32
      %and3A_329 = vector.broadcast %and3A_328 : i32 to vector<16xi32>
      %and3A_330 = arith.andi %get3A_327, %and3A_329 : vector<16xi32>
      %add3A_331 = arith.constant 5000 : i32
      %add3A_332 = vector.broadcast %add3A_331 : i32 to vector<16xi32>
      %add3A_333 = arith.addi %add3A_332, %and3A_330 : vector<16xi32>
      %ge3A_334 = arith.constant 5000 : i32
      %ge3A_335 = vector.broadcast %ge3A_334 : i32 to vector<16xi32>
      %ge3A_336 = arith.cmpi sge, %get3A_327, %ge3A_335 : vector<16xi32>
      %sub3A_337 = arith.constant 5000 : i32
      %sub3A_338 = vector.broadcast %sub3A_337 : i32 to vector<16xi32>
      %sub3A_339 = arith.subi %get3A_327, %sub3A_338 : vector<16xi32>
      %select_n3A_340 = arith.select %ge3A_336, %sub3A_339, %add3A_333 : vector<16xi1>, vector<16xi32>
      %swap3A_341 = arith.constant 1 : i32
      %swap3A_342 = arith.index_cast %swap3A_341 : i32 to index
      %swap3A_343 = arith.constant 64 : index
      %swap3A_344 = tpu.vector_load %arg9[%swap3A_342, %swap3A_343] {strides = array<i32>} : memref<5x80xi32, #tpu.memory_space<vmem>>, vector<16xi32>,
      tpu.vector_store %arg9[%swap3A_342, %swap3A_343], %select_n3A_340 {strides = array<i32>} : memref<5x80xi32, #tpu.memory_space<vmem>>, vector<16xi32>,
      %dma_wait3A_345 = arith.constant 0 : i32
      %dma_wait3A_346 = tpu.memref_slice %arg7[%add3A_244, %dma_wait3A_345] : memref<125x80xi32, #tpu.memory_space<vmem>> -> memref<1x80xi32, #tpu.memory_space<vmem>>
      %dma_wait3A_347 = tpu.memref_squeeze %dma_wait3A_346 : memref<1x80xi32, #tpu.memory_space<vmem>> -> memref<80xi32, #tpu.memory_space<vmem>>
      %dma_wait3A_348 = arith.constant 0 : i32
      %dma_wait3A_349 = arith.constant 0 : i32
      %dma_wait3A_350 = tpu.memref_slice %arg2[%dma_wait3A_348, %dma_wait3A_349] : memref<10000x128xf32, #tpu.memory_space<hbm>> -> memref<10000x128xf32, #tpu.memory_space<hbm>>
      tpu.wait_indirect_dma semaphore(%arg16 : memref<!tpu.dma_semaphore, #tpu.memory_space<semaphore_mem>>) src(%dma_wait3A_350 : memref<10000x128xf32, #tpu.memory_space<hbm>>) dst(%arg11 : memref<80x128xf32, #tpu.memory_space<vmem>>)
      %dma_start3A_351 = arith.constant 1 : i32
      %dma_start3A_352 = arith.constant 0 : i32
      %dma_start3A_353 = tpu.memref_slice %arg9[%dma_start3A_351, %dma_start3A_352] : memref<5x80xi32, #tpu.memory_space<vmem>> -> memref<1x80xi32, #tpu.memory_space<vmem>>
      %dma_start3A_354 = tpu.memref_squeeze %dma_start3A_353 : memref<1x80xi32, #tpu.memory_space<vmem>> -> memref<80xi32, #tpu.memory_space<vmem>>
      %dma_start3A_355 = arith.constant 0 : i32
      %dma_start3A_356 = arith.constant 0 : i32
      %dma_start3A_357 = tpu.memref_slice %arg25[%dma_start3A_355, %dma_start3A_356] : memref<5008x128xf32, #tpu.memory_space<vmem_shared>> -> memref<5008x128xf32, #tpu.memory_space<vmem_shared>>
      tpu.enqueue_indirect_dma source(%arg11 : memref<80x128xf32, #tpu.memory_space<vmem>>) target(%dma_start3A_357 : memref<5008x128xf32, #tpu.memory_space<vmem_shared>>) offsets(%dma_start3A_354 : memref<80xi32, #tpu.memory_space<vmem>>) semaphore(%arg21 : memref<!tpu.dma_semaphore, #tpu.memory_space<semaphore_mem>>) {add = true}
      %ge3A_358 = arith.constant 1 : i32
      %ge3A_359 = arith.cmpi sge, %add3A_244, %ge3A_358 : i32
      %convert_element_type3A_360 = arith.extui %ge3A_359 : i1 to i32
      %cond3A_361 = arith.constant 0 : i32
      %cond3A_362 = arith.cmpi ne, %convert_element_type3A_360, %cond3A_361 : i32
      scf.if %cond3A_362 {
        %dma_wait3A_751 = arith.constant 0 : i32
        %dma_wait3A_752 = arith.constant 0 : i32
        %dma_wait3A_753 = tpu.memref_slice %arg9[%dma_wait3A_751, %dma_wait3A_752] : memref<5x80xi32, #tpu.memory_space<vmem>> -> memref<1x80xi32, #tpu.memory_space<vmem>>
        %dma_wait3A_754 = tpu.memref_squeeze %dma_wait3A_753 : memref<1x80xi32, #tpu.memory_space<vmem>> -> memref<80xi32, #tpu.memory_space<vmem>>
        %dma_wait3A_755 = arith.constant 0 : i32
        %dma_wait3A_756 = arith.constant 0 : i32
        %dma_wait3A_757 = tpu.memref_slice %arg25[%dma_wait3A_755, %dma_wait3A_756] : memref<5008x128xf32, #tpu.memory_space<vmem_shared>> -> memref<5008x128xf32, #tpu.memory_space<vmem_shared>>
        tpu.wait_indirect_dma semaphore(%arg20 : memref<!tpu.dma_semaphore, #tpu.memory_space<semaphore_mem>>) src(%arg10 : memref<80x128xf32, #tpu.memory_space<vmem>>) dst(%dma_wait3A_757 : memref<5008x128xf32, #tpu.memory_space<vmem_shared>>)
      } else {
      }
      %add3A_363 = arith.constant 4 : i32
      %add3A_364 = arith.addi %add3A_244, %add3A_363 : i32
      %lt3A_365 = arith.constant 125 : i32
      %lt3A_366 = arith.cmpi slt, %add3A_364, %lt3A_365 : i32
      %convert_element_type3A_367 = arith.extui %lt3A_366 : i1 to i32
      %cond3A_368 = arith.constant 0 : i32
      %cond3A_369 = arith.cmpi ne, %convert_element_type3A_367, %cond3A_368 : i32
      scf.if %cond3A_369 {
        %add3A_751 = arith.constant 4 : i32
        %add3A_752 = arith.addi %add3A_244, %add3A_751 : i32
        %dma_start3A_753 = arith.constant 0 : i32
        %dma_start3A_754 = tpu.memref_slice %arg7[%add3A_752, %dma_start3A_753] : memref<125x80xi32, #tpu.memory_space<vmem>> -> memref<1x80xi32, #tpu.memory_space<vmem>>
        %dma_start3A_755 = tpu.memref_squeeze %dma_start3A_754 : memref<1x80xi32, #tpu.memory_space<vmem>> -> memref<80xi32, #tpu.memory_space<vmem>>
        %dma_start3A_756 = arith.constant 0 : i32
        %dma_start3A_757 = arith.constant 0 : i32
        %dma_start3A_758 = tpu.memref_slice %arg2[%dma_start3A_756, %dma_start3A_757] : memref<10000x128xf32, #tpu.memory_space<hbm>> -> memref<10000x128xf32, #tpu.memory_space<hbm>>
        tpu.enqueue_indirect_dma source(%dma_start3A_758 : memref<10000x128xf32, #tpu.memory_space<hbm>>) target(%arg10 : memref<80x128xf32, #tpu.memory_space<vmem>>) offsets(%dma_start3A_755 : memref<80xi32, #tpu.memory_space<vmem>>) semaphore(%arg15 : memref<!tpu.dma_semaphore, #tpu.memory_space<semaphore_mem>>)
      } else {
      }
      %add3A_370 = arith.constant 2 : i32
      %add3A_371 = arith.addi %add3A_122, %add3A_370 : i32
      %get3A_372 = arith.index_cast %add3A_371 : i32 to index
      %get3A_373 = arith.constant 0 : index
      %get3A_374 = tpu.vector_load %arg8[%get3A_372, %get3A_373] {strides = array<i32>} : memref<125x80xi32, #tpu.memory_space<vmem>>, vector<16xi32>,
      %and3A_375 = arith.constant 7 : i32
      %and3A_376 = vector.broadcast %and3A_375 : i32 to vector<16xi32>
      %and3A_377 = arith.andi %get3A_374, %and3A_376 : vector<16xi32>
      %add3A_378 = arith.constant 5000 : i32
      %add3A_379 = vector.broadcast %add3A_378 : i32 to vector<16xi32>
      %add3A_380 = arith.addi %add3A_379, %and3A_377 : vector<16xi32>
      %ge3A_381 = arith.constant 5000 : i32
      %ge3A_382 = vector.broadcast %ge3A_381 : i32 to vector<16xi32>
      %ge3A_383 = arith.cmpi sge, %get3A_374, %ge3A_382 : vector<16xi32>
      %sub3A_384 = arith.constant 5000 : i32
      %sub3A_385 = vector.broadcast %sub3A_384 : i32 to vector<16xi32>
      %sub3A_386 = arith.subi %get3A_374, %sub3A_385 : vector<16xi32>
      %select_n3A_387 = arith.select %ge3A_383, %sub3A_386, %add3A_380 : vector<16xi1>, vector<16xi32>
      %swap3A_388 = arith.constant 2 : i32
      %swap3A_389 = arith.index_cast %swap3A_388 : i32 to index
      %swap3A_390 = arith.constant 0 : index
      %swap3A_391 = tpu.vector_load %arg9[%swap3A_389, %swap3A_390] {strides = array<i32>} : memref<5x80xi32, #tpu.memory_space<vmem>>, vector<16xi32>,
      tpu.vector_store %arg9[%swap3A_389, %swap3A_390], %select_n3A_387 {strides = array<i32>} : memref<5x80xi32, #tpu.memory_space<vmem>>, vector<16xi32>,
      %get3A_392 = arith.index_cast %add3A_371 : i32 to index
      %get3A_393 = arith.constant 16 : index
      %get3A_394 = tpu.vector_load %arg8[%get3A_392, %get3A_393] {strides = array<i32>} : memref<125x80xi32, #tpu.memory_space<vmem>>, vector<16xi32>,
      %and3A_395 = arith.constant 7 : i32
      %and3A_396 = vector.broadcast %and3A_395 : i32 to vector<16xi32>
      %and3A_397 = arith.andi %get3A_394, %and3A_396 : vector<16xi32>
      %add3A_398 = arith.constant 5000 : i32
      %add3A_399 = vector.broadcast %add3A_398 : i32 to vector<16xi32>
      %add3A_400 = arith.addi %add3A_399, %and3A_397 : vector<16xi32>
      %ge3A_401 = arith.constant 5000 : i32
      %ge3A_402 = vector.broadcast %ge3A_401 : i32 to vector<16xi32>
      %ge3A_403 = arith.cmpi sge, %get3A_394, %ge3A_402 : vector<16xi32>
      %sub3A_404 = arith.constant 5000 : i32
      %sub3A_405 = vector.broadcast %sub3A_404 : i32 to vector<16xi32>
      %sub3A_406 = arith.subi %get3A_394, %sub3A_405 : vector<16xi32>
      %select_n3A_407 = arith.select %ge3A_403, %sub3A_406, %add3A_400 : vector<16xi1>, vector<16xi32>
      %swap3A_408 = arith.constant 2 : i32
      %swap3A_409 = arith.index_cast %swap3A_408 : i32 to index
      %swap3A_410 = arith.constant 16 : index
      %swap3A_411 = tpu.vector_load %arg9[%swap3A_409, %swap3A_410] {strides = array<i32>} : memref<5x80xi32, #tpu.memory_space<vmem>>, vector<16xi32>,
      tpu.vector_store %arg9[%swap3A_409, %swap3A_410], %select_n3A_407 {strides = array<i32>} : memref<5x80xi32, #tpu.memory_space<vmem>>, vector<16xi32>,
      %get3A_412 = arith.index_cast %add3A_371 : i32 to index
      %get3A_413 = arith.constant 32 : index
      %get3A_414 = tpu.vector_load %arg8[%get3A_412, %get3A_413] {strides = array<i32>} : memref<125x80xi32, #tpu.memory_space<vmem>>, vector<16xi32>,
      %and3A_415 = arith.constant 7 : i32
      %and3A_416 = vector.broadcast %and3A_415 : i32 to vector<16xi32>
      %and3A_417 = arith.andi %get3A_414, %and3A_416 : vector<16xi32>
      %add3A_418 = arith.constant 5000 : i32
      %add3A_419 = vector.broadcast %add3A_418 : i32 to vector<16xi32>
      %add3A_420 = arith.addi %add3A_419, %and3A_417 : vector<16xi32>
      %ge3A_421 = arith.constant 5000 : i32
      %ge3A_422 = vector.broadcast %ge3A_421 : i32 to vector<16xi32>
      %ge3A_423 = arith.cmpi sge, %get3A_414, %ge3A_422 : vector<16xi32>
      %sub3A_424 = arith.constant 5000 : i32
      %sub3A_425 = vector.broadcast %sub3A_424 : i32 to vector<16xi32>
      %sub3A_426 = arith.subi %get3A_414, %sub3A_425 : vector<16xi32>
      %select_n3A_427 = arith.select %ge3A_423, %sub3A_426, %add3A_420 : vector<16xi1>, vector<16xi32>
      %swap3A_428 = arith.constant 2 : i32
      %swap3A_429 = arith.index_cast %swap3A_428 : i32 to index
      %swap3A_430 = arith.constant 32 : index
      %swap3A_431 = tpu.vector_load %arg9[%swap3A_429, %swap3A_430] {strides = array<i32>} : memref<5x80xi32, #tpu.memory_space<vmem>>, vector<16xi32>,
      tpu.vector_store %arg9[%swap3A_429, %swap3A_430], %select_n3A_427 {strides = array<i32>} : memref<5x80xi32, #tpu.memory_space<vmem>>, vector<16xi32>,
      %get3A_432 = arith.index_cast %add3A_371 : i32 to index
      %get3A_433 = arith.constant 48 : index
      %get3A_434 = tpu.vector_load %arg8[%get3A_432, %get3A_433] {strides = array<i32>} : memref<125x80xi32, #tpu.memory_space<vmem>>, vector<16xi32>,
      %and3A_435 = arith.constant 7 : i32
      %and3A_436 = vector.broadcast %and3A_435 : i32 to vector<16xi32>
      %and3A_437 = arith.andi %get3A_434, %and3A_436 : vector<16xi32>
      %add3A_438 = arith.constant 5000 : i32
      %add3A_439 = vector.broadcast %add3A_438 : i32 to vector<16xi32>
      %add3A_440 = arith.addi %add3A_439, %and3A_437 : vector<16xi32>
      %ge3A_441 = arith.constant 5000 : i32
      %ge3A_442 = vector.broadcast %ge3A_441 : i32 to vector<16xi32>
      %ge3A_443 = arith.cmpi sge, %get3A_434, %ge3A_442 : vector<16xi32>
      %sub3A_444 = arith.constant 5000 : i32
      %sub3A_445 = vector.broadcast %sub3A_444 : i32 to vector<16xi32>
      %sub3A_446 = arith.subi %get3A_434, %sub3A_445 : vector<16xi32>
      %select_n3A_447 = arith.select %ge3A_443, %sub3A_446, %add3A_440 : vector<16xi1>, vector<16xi32>
      %swap3A_448 = arith.constant 2 : i32
      %swap3A_449 = arith.index_cast %swap3A_448 : i32 to index
      %swap3A_450 = arith.constant 48 : index
      %swap3A_451 = tpu.vector_load %arg9[%swap3A_449, %swap3A_450] {strides = array<i32>} : memref<5x80xi32, #tpu.memory_space<vmem>>, vector<16xi32>,
      tpu.vector_store %arg9[%swap3A_449, %swap3A_450], %select_n3A_447 {strides = array<i32>} : memref<5x80xi32, #tpu.memory_space<vmem>>, vector<16xi32>,
      %get3A_452 = arith.index_cast %add3A_371 : i32 to index
      %get3A_453 = arith.constant 64 : index
      %get3A_454 = tpu.vector_load %arg8[%get3A_452, %get3A_453] {strides = array<i32>} : memref<125x80xi32, #tpu.memory_space<vmem>>, vector<16xi32>,
      %and3A_455 = arith.constant 7 : i32
      %and3A_456 = vector.broadcast %and3A_455 : i32 to vector<16xi32>
      %and3A_457 = arith.andi %get3A_454, %and3A_456 : vector<16xi32>
      %add3A_458 = arith.constant 5000 : i32
      %add3A_459 = vector.broadcast %add3A_458 : i32 to vector<16xi32>
      %add3A_460 = arith.addi %add3A_459, %and3A_457 : vector<16xi32>
      %ge3A_461 = arith.constant 5000 : i32
      %ge3A_462 = vector.broadcast %ge3A_461 : i32 to vector<16xi32>
      %ge3A_463 = arith.cmpi sge, %get3A_454, %ge3A_462 : vector<16xi32>
      %sub3A_464 = arith.constant 5000 : i32
      %sub3A_465 = vector.broadcast %sub3A_464 : i32 to vector<16xi32>
      %sub3A_466 = arith.subi %get3A_454, %sub3A_465 : vector<16xi32>
      %select_n3A_467 = arith.select %ge3A_463, %sub3A_466, %add3A_460 : vector<16xi1>, vector<16xi32>
      %swap3A_468 = arith.constant 2 : i32
      %swap3A_469 = arith.index_cast %swap3A_468 : i32 to index
      %swap3A_470 = arith.constant 64 : index
      %swap3A_471 = tpu.vector_load %arg9[%swap3A_469, %swap3A_470] {strides = array<i32>} : memref<5x80xi32, #tpu.memory_space<vmem>>, vector<16xi32>,
      tpu.vector_store %arg9[%swap3A_469, %swap3A_470], %select_n3A_467 {strides = array<i32>} : memref<5x80xi32, #tpu.memory_space<vmem>>, vector<16xi32>,
      %dma_wait3A_472 = arith.constant 0 : i32
      %dma_wait3A_473 = tpu.memref_slice %arg7[%add3A_371, %dma_wait3A_472] : memref<125x80xi32, #tpu.memory_space<vmem>> -> memref<1x80xi32, #tpu.memory_space<vmem>>
      %dma_wait3A_474 = tpu.memref_squeeze %dma_wait3A_473 : memref<1x80xi32, #tpu.memory_space<vmem>> -> memref<80xi32, #tpu.memory_space<vmem>>
      %dma_wait3A_475 = arith.constant 0 : i32
      %dma_wait3A_476 = arith.constant 0 : i32
      %dma_wait3A_477 = tpu.memref_slice %arg2[%dma_wait3A_475, %dma_wait3A_476] : memref<10000x128xf32, #tpu.memory_space<hbm>> -> memref<10000x128xf32, #tpu.memory_space<hbm>>
      tpu.wait_indirect_dma semaphore(%arg17 : memref<!tpu.dma_semaphore, #tpu.memory_space<semaphore_mem>>) src(%dma_wait3A_477 : memref<10000x128xf32, #tpu.memory_space<hbm>>) dst(%arg12 : memref<80x128xf32, #tpu.memory_space<vmem>>)
      %dma_start3A_478 = arith.constant 2 : i32
      %dma_start3A_479 = arith.constant 0 : i32
      %dma_start3A_480 = tpu.memref_slice %arg9[%dma_start3A_478, %dma_start3A_479] : memref<5x80xi32, #tpu.memory_space<vmem>> -> memref<1x80xi32, #tpu.memory_space<vmem>>
      %dma_start3A_481 = tpu.memref_squeeze %dma_start3A_480 : memref<1x80xi32, #tpu.memory_space<vmem>> -> memref<80xi32, #tpu.memory_space<vmem>>
      %dma_start3A_482 = arith.constant 0 : i32
      %dma_start3A_483 = arith.constant 0 : i32
      %dma_start3A_484 = tpu.memref_slice %arg25[%dma_start3A_482, %dma_start3A_483] : memref<5008x128xf32, #tpu.memory_space<vmem_shared>> -> memref<5008x128xf32, #tpu.memory_space<vmem_shared>>
      tpu.enqueue_indirect_dma source(%arg12 : memref<80x128xf32, #tpu.memory_space<vmem>>) target(%dma_start3A_484 : memref<5008x128xf32, #tpu.memory_space<vmem_shared>>) offsets(%dma_start3A_481 : memref<80xi32, #tpu.memory_space<vmem>>) semaphore(%arg22 : memref<!tpu.dma_semaphore, #tpu.memory_space<semaphore_mem>>) {add = true}
      %ge3A_485 = arith.constant 1 : i32
      %ge3A_486 = arith.cmpi sge, %add3A_371, %ge3A_485 : i32
      %convert_element_type3A_487 = arith.extui %ge3A_486 : i1 to i32
      %cond3A_488 = arith.constant 0 : i32
      %cond3A_489 = arith.cmpi ne, %convert_element_type3A_487, %cond3A_488 : i32
      scf.if %cond3A_489 {
        %dma_wait3A_751 = arith.constant 1 : i32
        %dma_wait3A_752 = arith.constant 0 : i32
        %dma_wait3A_753 = tpu.memref_slice %arg9[%dma_wait3A_751, %dma_wait3A_752] : memref<5x80xi32, #tpu.memory_space<vmem>> -> memref<1x80xi32, #tpu.memory_space<vmem>>
        %dma_wait3A_754 = tpu.memref_squeeze %dma_wait3A_753 : memref<1x80xi32, #tpu.memory_space<vmem>> -> memref<80xi32, #tpu.memory_space<vmem>>
        %dma_wait3A_755 = arith.constant 0 : i32
        %dma_wait3A_756 = arith.constant 0 : i32
        %dma_wait3A_757 = tpu.memref_slice %arg25[%dma_wait3A_755, %dma_wait3A_756] : memref<5008x128xf32, #tpu.memory_space<vmem_shared>> -> memref<5008x128xf32, #tpu.memory_space<vmem_shared>>
        tpu.wait_indirect_dma semaphore(%arg21 : memref<!tpu.dma_semaphore, #tpu.memory_space<semaphore_mem>>) src(%arg11 : memref<80x128xf32, #tpu.memory_space<vmem>>) dst(%dma_wait3A_757 : memref<5008x128xf32, #tpu.memory_space<vmem_shared>>)
      } else {
      }
      %add3A_490 = arith.constant 4 : i32
      %add3A_491 = arith.addi %add3A_371, %add3A_490 : i32
      %lt3A_492 = arith.constant 125 : i32
      %lt3A_493 = arith.cmpi slt, %add3A_491, %lt3A_492 : i32
      %convert_element_type3A_494 = arith.extui %lt3A_493 : i1 to i32
      %cond3A_495 = arith.constant 0 : i32
      %cond3A_496 = arith.cmpi ne, %convert_element_type3A_494, %cond3A_495 : i32
      scf.if %cond3A_496 {
        %add3A_751 = arith.constant 4 : i32
        %add3A_752 = arith.addi %add3A_371, %add3A_751 : i32
        %dma_start3A_753 = arith.constant 0 : i32
        %dma_start3A_754 = tpu.memref_slice %arg7[%add3A_752, %dma_start3A_753] : memref<125x80xi32, #tpu.memory_space<vmem>> -> memref<1x80xi32, #tpu.memory_space<vmem>>
        %dma_start3A_755 = tpu.memref_squeeze %dma_start3A_754 : memref<1x80xi32, #tpu.memory_space<vmem>> -> memref<80xi32, #tpu.memory_space<vmem>>
        %dma_start3A_756 = arith.constant 0 : i32
        %dma_start3A_757 = arith.constant 0 : i32
        %dma_start3A_758 = tpu.memref_slice %arg2[%dma_start3A_756, %dma_start3A_757] : memref<10000x128xf32, #tpu.memory_space<hbm>> -> memref<10000x128xf32, #tpu.memory_space<hbm>>
        tpu.enqueue_indirect_dma source(%dma_start3A_758 : memref<10000x128xf32, #tpu.memory_space<hbm>>) target(%arg11 : memref<80x128xf32, #tpu.memory_space<vmem>>) offsets(%dma_start3A_755 : memref<80xi32, #tpu.memory_space<vmem>>) semaphore(%arg16 : memref<!tpu.dma_semaphore, #tpu.memory_space<semaphore_mem>>)
      } else {
      }
      %add3A_497 = arith.constant 3 : i32
      %add3A_498 = arith.addi %add3A_122, %add3A_497 : i32
      %get3A_499 = arith.index_cast %add3A_498 : i32 to index
      %get3A_500 = arith.constant 0 : index
      %get3A_501 = tpu.vector_load %arg8[%get3A_499, %get3A_500] {strides = array<i32>} : memref<125x80xi32, #tpu.memory_space<vmem>>, vector<16xi32>,
      %and3A_502 = arith.constant 7 : i32
      %and3A_503 = vector.broadcast %and3A_502 : i32 to vector<16xi32>
      %and3A_504 = arith.andi %get3A_501, %and3A_503 : vector<16xi32>
      %add3A_505 = arith.constant 5000 : i32
      %add3A_506 = vector.broadcast %add3A_505 : i32 to vector<16xi32>
      %add3A_507 = arith.addi %add3A_506, %and3A_504 : vector<16xi32>
      %ge3A_508 = arith.constant 5000 : i32
      %ge3A_509 = vector.broadcast %ge3A_508 : i32 to vector<16xi32>
      %ge3A_510 = arith.cmpi sge, %get3A_501, %ge3A_509 : vector<16xi32>
      %sub3A_511 = arith.constant 5000 : i32
      %sub3A_512 = vector.broadcast %sub3A_511 : i32 to vector<16xi32>
      %sub3A_513 = arith.subi %get3A_501, %sub3A_512 : vector<16xi32>
      %select_n3A_514 = arith.select %ge3A_510, %sub3A_513, %add3A_507 : vector<16xi1>, vector<16xi32>
      %swap3A_515 = arith.constant 3 : i32
      %swap3A_516 = arith.index_cast %swap3A_515 : i32 to index
      %swap3A_517 = arith.constant 0 : index
      %swap3A_518 = tpu.vector_load %arg9[%swap3A_516, %swap3A_517] {strides = array<i32>} : memref<5x80xi32, #tpu.memory_space<vmem>>, vector<16xi32>,
      tpu.vector_store %arg9[%swap3A_516, %swap3A_517], %select_n3A_514 {strides = array<i32>} : memref<5x80xi32, #tpu.memory_space<vmem>>, vector<16xi32>,
      %get3A_519 = arith.index_cast %add3A_498 : i32 to index
      %get3A_520 = arith.constant 16 : index
      %get3A_521 = tpu.vector_load %arg8[%get3A_519, %get3A_520] {strides = array<i32>} : memref<125x80xi32, #tpu.memory_space<vmem>>, vector<16xi32>,
      %and3A_522 = arith.constant 7 : i32
      %and3A_523 = vector.broadcast %and3A_522 : i32 to vector<16xi32>
      %and3A_524 = arith.andi %get3A_521, %and3A_523 : vector<16xi32>
      %add3A_525 = arith.constant 5000 : i32
      %add3A_526 = vector.broadcast %add3A_525 : i32 to vector<16xi32>
      %add3A_527 = arith.addi %add3A_526, %and3A_524 : vector<16xi32>
      %ge3A_528 = arith.constant 5000 : i32
      %ge3A_529 = vector.broadcast %ge3A_528 : i32 to vector<16xi32>
      %ge3A_530 = arith.cmpi sge, %get3A_521, %ge3A_529 : vector<16xi32>
      %sub3A_531 = arith.constant 5000 : i32
      %sub3A_532 = vector.broadcast %sub3A_531 : i32 to vector<16xi32>
      %sub3A_533 = arith.subi %get3A_521, %sub3A_532 : vector<16xi32>
      %select_n3A_534 = arith.select %ge3A_530, %sub3A_533, %add3A_527 : vector<16xi1>, vector<16xi32>
      %swap3A_535 = arith.constant 3 : i32
      %swap3A_536 = arith.index_cast %swap3A_535 : i32 to index
      %swap3A_537 = arith.constant 16 : index
      %swap3A_538 = tpu.vector_load %arg9[%swap3A_536, %swap3A_537] {strides = array<i32>} : memref<5x80xi32, #tpu.memory_space<vmem>>, vector<16xi32>,
      tpu.vector_store %arg9[%swap3A_536, %swap3A_537], %select_n3A_534 {strides = array<i32>} : memref<5x80xi32, #tpu.memory_space<vmem>>, vector<16xi32>,
      %get3A_539 = arith.index_cast %add3A_498 : i32 to index
      %get3A_540 = arith.constant 32 : index
      %get3A_541 = tpu.vector_load %arg8[%get3A_539, %get3A_540] {strides = array<i32>} : memref<125x80xi32, #tpu.memory_space<vmem>>, vector<16xi32>,
      %and3A_542 = arith.constant 7 : i32
      %and3A_543 = vector.broadcast %and3A_542 : i32 to vector<16xi32>
      %and3A_544 = arith.andi %get3A_541, %and3A_543 : vector<16xi32>
      %add3A_545 = arith.constant 5000 : i32
      %add3A_546 = vector.broadcast %add3A_545 : i32 to vector<16xi32>
      %add3A_547 = arith.addi %add3A_546, %and3A_544 : vector<16xi32>
      %ge3A_548 = arith.constant 5000 : i32
      %ge3A_549 = vector.broadcast %ge3A_548 : i32 to vector<16xi32>
      %ge3A_550 = arith.cmpi sge, %get3A_541, %ge3A_549 : vector<16xi32>
      %sub3A_551 = arith.constant 5000 : i32
      %sub3A_552 = vector.broadcast %sub3A_551 : i32 to vector<16xi32>
      %sub3A_553 = arith.subi %get3A_541, %sub3A_552 : vector<16xi32>
      %select_n3A_554 = arith.select %ge3A_550, %sub3A_553, %add3A_547 : vector<16xi1>, vector<16xi32>
      %swap3A_555 = arith.constant 3 : i32
      %swap3A_556 = arith.index_cast %swap3A_555 : i32 to index
      %swap3A_557 = arith.constant 32 : index
      %swap3A_558 = tpu.vector_load %arg9[%swap3A_556, %swap3A_557] {strides = array<i32>} : memref<5x80xi32, #tpu.memory_space<vmem>>, vector<16xi32>,
      tpu.vector_store %arg9[%swap3A_556, %swap3A_557], %select_n3A_554 {strides = array<i32>} : memref<5x80xi32, #tpu.memory_space<vmem>>, vector<16xi32>,
      %get3A_559 = arith.index_cast %add3A_498 : i32 to index
      %get3A_560 = arith.constant 48 : index
      %get3A_561 = tpu.vector_load %arg8[%get3A_559, %get3A_560] {strides = array<i32>} : memref<125x80xi32, #tpu.memory_space<vmem>>, vector<16xi32>,
      %and3A_562 = arith.constant 7 : i32
      %and3A_563 = vector.broadcast %and3A_562 : i32 to vector<16xi32>
      %and3A_564 = arith.andi %get3A_561, %and3A_563 : vector<16xi32>
      %add3A_565 = arith.constant 5000 : i32
      %add3A_566 = vector.broadcast %add3A_565 : i32 to vector<16xi32>
      %add3A_567 = arith.addi %add3A_566, %and3A_564 : vector<16xi32>
      %ge3A_568 = arith.constant 5000 : i32
      %ge3A_569 = vector.broadcast %ge3A_568 : i32 to vector<16xi32>
      %ge3A_570 = arith.cmpi sge, %get3A_561, %ge3A_569 : vector<16xi32>
      %sub3A_571 = arith.constant 5000 : i32
      %sub3A_572 = vector.broadcast %sub3A_571 : i32 to vector<16xi32>
      %sub3A_573 = arith.subi %get3A_561, %sub3A_572 : vector<16xi32>
      %select_n3A_574 = arith.select %ge3A_570, %sub3A_573, %add3A_567 : vector<16xi1>, vector<16xi32>
      %swap3A_575 = arith.constant 3 : i32
      %swap3A_576 = arith.index_cast %swap3A_575 : i32 to index
      %swap3A_577 = arith.constant 48 : index
      %swap3A_578 = tpu.vector_load %arg9[%swap3A_576, %swap3A_577] {strides = array<i32>} : memref<5x80xi32, #tpu.memory_space<vmem>>, vector<16xi32>,
      tpu.vector_store %arg9[%swap3A_576, %swap3A_577], %select_n3A_574 {strides = array<i32>} : memref<5x80xi32, #tpu.memory_space<vmem>>, vector<16xi32>,
      %get3A_579 = arith.index_cast %add3A_498 : i32 to index
      %get3A_580 = arith.constant 64 : index
      %get3A_581 = tpu.vector_load %arg8[%get3A_579, %get3A_580] {strides = array<i32>} : memref<125x80xi32, #tpu.memory_space<vmem>>, vector<16xi32>,
      %and3A_582 = arith.constant 7 : i32
      %and3A_583 = vector.broadcast %and3A_582 : i32 to vector<16xi32>
      %and3A_584 = arith.andi %get3A_581, %and3A_583 : vector<16xi32>
      %add3A_585 = arith.constant 5000 : i32
      %add3A_586 = vector.broadcast %add3A_585 : i32 to vector<16xi32>
      %add3A_587 = arith.addi %add3A_586, %and3A_584 : vector<16xi32>
      %ge3A_588 = arith.constant 5000 : i32
      %ge3A_589 = vector.broadcast %ge3A_588 : i32 to vector<16xi32>
      %ge3A_590 = arith.cmpi sge, %get3A_581, %ge3A_589 : vector<16xi32>
      %sub3A_591 = arith.constant 5000 : i32
      %sub3A_592 = vector.broadcast %sub3A_591 : i32 to vector<16xi32>
      %sub3A_593 = arith.subi %get3A_581, %sub3A_592 : vector<16xi32>
      %select_n3A_594 = arith.select %ge3A_590, %sub3A_593, %add3A_587 : vector<16xi1>, vector<16xi32>
      %swap3A_595 = arith.constant 3 : i32
      %swap3A_596 = arith.index_cast %swap3A_595 : i32 to index
      %swap3A_597 = arith.constant 64 : index
      %swap3A_598 = tpu.vector_load %arg9[%swap3A_596, %swap3A_597] {strides = array<i32>} : memref<5x80xi32, #tpu.memory_space<vmem>>, vector<16xi32>,
      tpu.vector_store %arg9[%swap3A_596, %swap3A_597], %select_n3A_594 {strides = array<i32>} : memref<5x80xi32, #tpu.memory_space<vmem>>, vector<16xi32>,
      %dma_wait3A_599 = arith.constant 0 : i32
      %dma_wait3A_600 = tpu.memref_slice %arg7[%add3A_498, %dma_wait3A_599] : memref<125x80xi32, #tpu.memory_space<vmem>> -> memref<1x80xi32, #tpu.memory_space<vmem>>
      %dma_wait3A_601 = tpu.memref_squeeze %dma_wait3A_600 : memref<1x80xi32, #tpu.memory_space<vmem>> -> memref<80xi32, #tpu.memory_space<vmem>>
      %dma_wait3A_602 = arith.constant 0 : i32
      %dma_wait3A_603 = arith.constant 0 : i32
      %dma_wait3A_604 = tpu.memref_slice %arg2[%dma_wait3A_602, %dma_wait3A_603] : memref<10000x128xf32, #tpu.memory_space<hbm>> -> memref<10000x128xf32, #tpu.memory_space<hbm>>
      tpu.wait_indirect_dma semaphore(%arg18 : memref<!tpu.dma_semaphore, #tpu.memory_space<semaphore_mem>>) src(%dma_wait3A_604 : memref<10000x128xf32, #tpu.memory_space<hbm>>) dst(%arg13 : memref<80x128xf32, #tpu.memory_space<vmem>>)
      %dma_start3A_605 = arith.constant 3 : i32
      %dma_start3A_606 = arith.constant 0 : i32
      %dma_start3A_607 = tpu.memref_slice %arg9[%dma_start3A_605, %dma_start3A_606] : memref<5x80xi32, #tpu.memory_space<vmem>> -> memref<1x80xi32, #tpu.memory_space<vmem>>
      %dma_start3A_608 = tpu.memref_squeeze %dma_start3A_607 : memref<1x80xi32, #tpu.memory_space<vmem>> -> memref<80xi32, #tpu.memory_space<vmem>>
      %dma_start3A_609 = arith.constant 0 : i32
      %dma_start3A_610 = arith.constant 0 : i32
      %dma_start3A_611 = tpu.memref_slice %arg25[%dma_start3A_609, %dma_start3A_610] : memref<5008x128xf32, #tpu.memory_space<vmem_shared>> -> memref<5008x128xf32, #tpu.memory_space<vmem_shared>>
      tpu.enqueue_indirect_dma source(%arg13 : memref<80x128xf32, #tpu.memory_space<vmem>>) target(%dma_start3A_611 : memref<5008x128xf32, #tpu.memory_space<vmem_shared>>) offsets(%dma_start3A_608 : memref<80xi32, #tpu.memory_space<vmem>>) semaphore(%arg23 : memref<!tpu.dma_semaphore, #tpu.memory_space<semaphore_mem>>) {add = true}
      %ge3A_612 = arith.constant 1 : i32
      %ge3A_613 = arith.cmpi sge, %add3A_498, %ge3A_612 : i32
      %convert_element_type3A_614 = arith.extui %ge3A_613 : i1 to i32
      %cond3A_615 = arith.constant 0 : i32
      %cond3A_616 = arith.cmpi ne, %convert_element_type3A_614, %cond3A_615 : i32
      scf.if %cond3A_616 {
        %dma_wait3A_751 = arith.constant 2 : i32
        %dma_wait3A_752 = arith.constant 0 : i32
        %dma_wait3A_753 = tpu.memref_slice %arg9[%dma_wait3A_751, %dma_wait3A_752] : memref<5x80xi32, #tpu.memory_space<vmem>> -> memref<1x80xi32, #tpu.memory_space<vmem>>
        %dma_wait3A_754 = tpu.memref_squeeze %dma_wait3A_753 : memref<1x80xi32, #tpu.memory_space<vmem>> -> memref<80xi32, #tpu.memory_space<vmem>>
        %dma_wait3A_755 = arith.constant 0 : i32
        %dma_wait3A_756 = arith.constant 0 : i32
        %dma_wait3A_757 = tpu.memref_slice %arg25[%dma_wait3A_755, %dma_wait3A_756] : memref<5008x128xf32, #tpu.memory_space<vmem_shared>> -> memref<5008x128xf32, #tpu.memory_space<vmem_shared>>
        tpu.wait_indirect_dma semaphore(%arg22 : memref<!tpu.dma_semaphore, #tpu.memory_space<semaphore_mem>>) src(%arg12 : memref<80x128xf32, #tpu.memory_space<vmem>>) dst(%dma_wait3A_757 : memref<5008x128xf32, #tpu.memory_space<vmem_shared>>)
      } else {
      }
      %add3A_617 = arith.constant 4 : i32
      %add3A_618 = arith.addi %add3A_498, %add3A_617 : i32
      %lt3A_619 = arith.constant 125 : i32
      %lt3A_620 = arith.cmpi slt, %add3A_618, %lt3A_619 : i32
      %convert_element_type3A_621 = arith.extui %lt3A_620 : i1 to i32
      %cond3A_622 = arith.constant 0 : i32
      %cond3A_623 = arith.cmpi ne, %convert_element_type3A_621, %cond3A_622 : i32
      scf.if %cond3A_623 {
        %add3A_751 = arith.constant 4 : i32
        %add3A_752 = arith.addi %add3A_498, %add3A_751 : i32
        %dma_start3A_753 = arith.constant 0 : i32
        %dma_start3A_754 = tpu.memref_slice %arg7[%add3A_752, %dma_start3A_753] : memref<125x80xi32, #tpu.memory_space<vmem>> -> memref<1x80xi32, #tpu.memory_space<vmem>>
        %dma_start3A_755 = tpu.memref_squeeze %dma_start3A_754 : memref<1x80xi32, #tpu.memory_space<vmem>> -> memref<80xi32, #tpu.memory_space<vmem>>
        %dma_start3A_756 = arith.constant 0 : i32
        %dma_start3A_757 = arith.constant 0 : i32
        %dma_start3A_758 = tpu.memref_slice %arg2[%dma_start3A_756, %dma_start3A_757] : memref<10000x128xf32, #tpu.memory_space<hbm>> -> memref<10000x128xf32, #tpu.memory_space<hbm>>
        tpu.enqueue_indirect_dma source(%dma_start3A_758 : memref<10000x128xf32, #tpu.memory_space<hbm>>) target(%arg12 : memref<80x128xf32, #tpu.memory_space<vmem>>) offsets(%dma_start3A_755 : memref<80xi32, #tpu.memory_space<vmem>>) semaphore(%arg17 : memref<!tpu.dma_semaphore, #tpu.memory_space<semaphore_mem>>)
      } else {
      }
      %add3A_624 = arith.constant 4 : i32
      %add3A_625 = arith.addi %add3A_122, %add3A_624 : i32
      %get3A_626 = arith.index_cast %add3A_625 : i32 to index
      %get3A_627 = arith.constant 0 : index
      %get3A_628 = tpu.vector_load %arg8[%get3A_626, %get3A_627] {strides = array<i32>} : memref<125x80xi32, #tpu.memory_space<vmem>>, vector<16xi32>,
      %and3A_629 = arith.constant 7 : i32
      %and3A_630 = vector.broadcast %and3A_629 : i32 to vector<16xi32>
      %and3A_631 = arith.andi %get3A_628, %and3A_630 : vector<16xi32>
      %add3A_632 = arith.constant 5000 : i32
      %add3A_633 = vector.broadcast %add3A_632 : i32 to vector<16xi32>
      %add3A_634 = arith.addi %add3A_633, %and3A_631 : vector<16xi32>
      %ge3A_635 = arith.constant 5000 : i32
      %ge3A_636 = vector.broadcast %ge3A_635 : i32 to vector<16xi32>
      %ge3A_637 = arith.cmpi sge, %get3A_628, %ge3A_636 : vector<16xi32>
      %sub3A_638 = arith.constant 5000 : i32
      %sub3A_639 = vector.broadcast %sub3A_638 : i32 to vector<16xi32>
      %sub3A_640 = arith.subi %get3A_628, %sub3A_639 : vector<16xi32>
      %select_n3A_641 = arith.select %ge3A_637, %sub3A_640, %add3A_634 : vector<16xi1>, vector<16xi32>
      %swap3A_642 = arith.constant 4 : i32
      %swap3A_643 = arith.index_cast %swap3A_642 : i32 to index
      %swap3A_644 = arith.constant 0 : index
      %swap3A_645 = tpu.vector_load %arg9[%swap3A_643, %swap3A_644] {strides = array<i32>} : memref<5x80xi32, #tpu.memory_space<vmem>>, vector<16xi32>,
      tpu.vector_store %arg9[%swap3A_643, %swap3A_644], %select_n3A_641 {strides = array<i32>} : memref<5x80xi32, #tpu.memory_space<vmem>>, vector<16xi32>,
      %get3A_646 = arith.index_cast %add3A_625 : i32 to index
      %get3A_647 = arith.constant 16 : index
      %get3A_648 = tpu.vector_load %arg8[%get3A_646, %get3A_647] {strides = array<i32>} : memref<125x80xi32, #tpu.memory_space<vmem>>, vector<16xi32>,
      %and3A_649 = arith.constant 7 : i32
      %and3A_650 = vector.broadcast %and3A_649 : i32 to vector<16xi32>
      %and3A_651 = arith.andi %get3A_648, %and3A_650 : vector<16xi32>
      %add3A_652 = arith.constant 5000 : i32
      %add3A_653 = vector.broadcast %add3A_652 : i32 to vector<16xi32>
      %add3A_654 = arith.addi %add3A_653, %and3A_651 : vector<16xi32>
      %ge3A_655 = arith.constant 5000 : i32
      %ge3A_656 = vector.broadcast %ge3A_655 : i32 to vector<16xi32>
      %ge3A_657 = arith.cmpi sge, %get3A_648, %ge3A_656 : vector<16xi32>
      %sub3A_658 = arith.constant 5000 : i32
      %sub3A_659 = vector.broadcast %sub3A_658 : i32 to vector<16xi32>
      %sub3A_660 = arith.subi %get3A_648, %sub3A_659 : vector<16xi32>
      %select_n3A_661 = arith.select %ge3A_657, %sub3A_660, %add3A_654 : vector<16xi1>, vector<16xi32>
      %swap3A_662 = arith.constant 4 : i32
      %swap3A_663 = arith.index_cast %swap3A_662 : i32 to index
      %swap3A_664 = arith.constant 16 : index
      %swap3A_665 = tpu.vector_load %arg9[%swap3A_663, %swap3A_664] {strides = array<i32>} : memref<5x80xi32, #tpu.memory_space<vmem>>, vector<16xi32>,
      tpu.vector_store %arg9[%swap3A_663, %swap3A_664], %select_n3A_661 {strides = array<i32>} : memref<5x80xi32, #tpu.memory_space<vmem>>, vector<16xi32>,
      %get3A_666 = arith.index_cast %add3A_625 : i32 to index
      %get3A_667 = arith.constant 32 : index
      %get3A_668 = tpu.vector_load %arg8[%get3A_666, %get3A_667] {strides = array<i32>} : memref<125x80xi32, #tpu.memory_space<vmem>>, vector<16xi32>,
      %and3A_669 = arith.constant 7 : i32
      %and3A_670 = vector.broadcast %and3A_669 : i32 to vector<16xi32>
      %and3A_671 = arith.andi %get3A_668, %and3A_670 : vector<16xi32>
      %add3A_672 = arith.constant 5000 : i32
      %add3A_673 = vector.broadcast %add3A_672 : i32 to vector<16xi32>
      %add3A_674 = arith.addi %add3A_673, %and3A_671 : vector<16xi32>
      %ge3A_675 = arith.constant 5000 : i32
      %ge3A_676 = vector.broadcast %ge3A_675 : i32 to vector<16xi32>
      %ge3A_677 = arith.cmpi sge, %get3A_668, %ge3A_676 : vector<16xi32>
      %sub3A_678 = arith.constant 5000 : i32
      %sub3A_679 = vector.broadcast %sub3A_678 : i32 to vector<16xi32>
      %sub3A_680 = arith.subi %get3A_668, %sub3A_679 : vector<16xi32>
      %select_n3A_681 = arith.select %ge3A_677, %sub3A_680, %add3A_674 : vector<16xi1>, vector<16xi32>
      %swap3A_682 = arith.constant 4 : i32
      %swap3A_683 = arith.index_cast %swap3A_682 : i32 to index
      %swap3A_684 = arith.constant 32 : index
      %swap3A_685 = tpu.vector_load %arg9[%swap3A_683, %swap3A_684] {strides = array<i32>} : memref<5x80xi32, #tpu.memory_space<vmem>>, vector<16xi32>,
      tpu.vector_store %arg9[%swap3A_683, %swap3A_684], %select_n3A_681 {strides = array<i32>} : memref<5x80xi32, #tpu.memory_space<vmem>>, vector<16xi32>,
      %get3A_686 = arith.index_cast %add3A_625 : i32 to index
      %get3A_687 = arith.constant 48 : index
      %get3A_688 = tpu.vector_load %arg8[%get3A_686, %get3A_687] {strides = array<i32>} : memref<125x80xi32, #tpu.memory_space<vmem>>, vector<16xi32>,
      %and3A_689 = arith.constant 7 : i32
      %and3A_690 = vector.broadcast %and3A_689 : i32 to vector<16xi32>
      %and3A_691 = arith.andi %get3A_688, %and3A_690 : vector<16xi32>
      %add3A_692 = arith.constant 5000 : i32
      %add3A_693 = vector.broadcast %add3A_692 : i32 to vector<16xi32>
      %add3A_694 = arith.addi %add3A_693, %and3A_691 : vector<16xi32>
      %ge3A_695 = arith.constant 5000 : i32
      %ge3A_696 = vector.broadcast %ge3A_695 : i32 to vector<16xi32>
      %ge3A_697 = arith.cmpi sge, %get3A_688, %ge3A_696 : vector<16xi32>
      %sub3A_698 = arith.constant 5000 : i32
      %sub3A_699 = vector.broadcast %sub3A_698 : i32 to vector<16xi32>
      %sub3A_700 = arith.subi %get3A_688, %sub3A_699 : vector<16xi32>
      %select_n3A_701 = arith.select %ge3A_697, %sub3A_700, %add3A_694 : vector<16xi1>, vector<16xi32>
      %swap3A_702 = arith.constant 4 : i32
      %swap3A_703 = arith.index_cast %swap3A_702 : i32 to index
      %swap3A_704 = arith.constant 48 : index
      %swap3A_705 = tpu.vector_load %arg9[%swap3A_703, %swap3A_704] {strides = array<i32>} : memref<5x80xi32, #tpu.memory_space<vmem>>, vector<16xi32>,
      tpu.vector_store %arg9[%swap3A_703, %swap3A_704], %select_n3A_701 {strides = array<i32>} : memref<5x80xi32, #tpu.memory_space<vmem>>, vector<16xi32>,
      %get3A_706 = arith.index_cast %add3A_625 : i32 to index
      %get3A_707 = arith.constant 64 : index
      %get3A_708 = tpu.vector_load %arg8[%get3A_706, %get3A_707] {strides = array<i32>} : memref<125x80xi32, #tpu.memory_space<vmem>>, vector<16xi32>,
      %and3A_709 = arith.constant 7 : i32
      %and3A_710 = vector.broadcast %and3A_709 : i32 to vector<16xi32>
      %and3A_711 = arith.andi %get3A_708, %and3A_710 : vector<16xi32>
      %add3A_712 = arith.constant 5000 : i32
      %add3A_713 = vector.broadcast %add3A_712 : i32 to vector<16xi32>
      %add3A_714 = arith.addi %add3A_713, %and3A_711 : vector<16xi32>
      %ge3A_715 = arith.constant 5000 : i32
      %ge3A_716 = vector.broadcast %ge3A_715 : i32 to vector<16xi32>
      %ge3A_717 = arith.cmpi sge, %get3A_708, %ge3A_716 : vector<16xi32>
      %sub3A_718 = arith.constant 5000 : i32
      %sub3A_719 = vector.broadcast %sub3A_718 : i32 to vector<16xi32>
      %sub3A_720 = arith.subi %get3A_708, %sub3A_719 : vector<16xi32>
      %select_n3A_721 = arith.select %ge3A_717, %sub3A_720, %add3A_714 : vector<16xi1>, vector<16xi32>
      %swap3A_722 = arith.constant 4 : i32
      %swap3A_723 = arith.index_cast %swap3A_722 : i32 to index
      %swap3A_724 = arith.constant 64 : index
      %swap3A_725 = tpu.vector_load %arg9[%swap3A_723, %swap3A_724] {strides = array<i32>} : memref<5x80xi32, #tpu.memory_space<vmem>>, vector<16xi32>,
      tpu.vector_store %arg9[%swap3A_723, %swap3A_724], %select_n3A_721 {strides = array<i32>} : memref<5x80xi32, #tpu.memory_space<vmem>>, vector<16xi32>,
      %dma_wait3A_726 = arith.constant 0 : i32
      %dma_wait3A_727 = tpu.memref_slice %arg7[%add3A_625, %dma_wait3A_726] : memref<125x80xi32, #tpu.memory_space<vmem>> -> memref<1x80xi32, #tpu.memory_space<vmem>>
      %dma_wait3A_728 = tpu.memref_squeeze %dma_wait3A_727 : memref<1x80xi32, #tpu.memory_space<vmem>> -> memref<80xi32, #tpu.memory_space<vmem>>
      %dma_wait3A_729 = arith.constant 0 : i32
      %dma_wait3A_730 = arith.constant 0 : i32
      %dma_wait3A_731 = tpu.memref_slice %arg2[%dma_wait3A_729, %dma_wait3A_730] : memref<10000x128xf32, #tpu.memory_space<hbm>> -> memref<10000x128xf32, #tpu.memory_space<hbm>>
      tpu.wait_indirect_dma semaphore(%arg19 : memref<!tpu.dma_semaphore, #tpu.memory_space<semaphore_mem>>) src(%dma_wait3A_731 : memref<10000x128xf32, #tpu.memory_space<hbm>>) dst(%arg14 : memref<80x128xf32, #tpu.memory_space<vmem>>)
      %dma_start3A_732 = arith.constant 4 : i32
      %dma_start3A_733 = arith.constant 0 : i32
      %dma_start3A_734 = tpu.memref_slice %arg9[%dma_start3A_732, %dma_start3A_733] : memref<5x80xi32, #tpu.memory_space<vmem>> -> memref<1x80xi32, #tpu.memory_space<vmem>>
      %dma_start3A_735 = tpu.memref_squeeze %dma_start3A_734 : memref<1x80xi32, #tpu.memory_space<vmem>> -> memref<80xi32, #tpu.memory_space<vmem>>
      %dma_start3A_736 = arith.constant 0 : i32
      %dma_start3A_737 = arith.constant 0 : i32
      %dma_start3A_738 = tpu.memref_slice %arg25[%dma_start3A_736, %dma_start3A_737] : memref<5008x128xf32, #tpu.memory_space<vmem_shared>> -> memref<5008x128xf32, #tpu.memory_space<vmem_shared>>
      tpu.enqueue_indirect_dma source(%arg14 : memref<80x128xf32, #tpu.memory_space<vmem>>) target(%dma_start3A_738 : memref<5008x128xf32, #tpu.memory_space<vmem_shared>>) offsets(%dma_start3A_735 : memref<80xi32, #tpu.memory_space<vmem>>) semaphore(%arg24 : memref<!tpu.dma_semaphore, #tpu.memory_space<semaphore_mem>>) {add = true}
      %ge3A_739 = arith.constant 1 : i32
      %ge3A_740 = arith.cmpi sge, %add3A_625, %ge3A_739 : i32
      %convert_element_type3A_741 = arith.extui %ge3A_740 : i1 to i32
      %cond3A_742 = arith.constant 0 : i32
      %cond3A_743 = arith.cmpi ne, %convert_element_type3A_741, %cond3A_742 : i32
      scf.if %cond3A_743 {
        %dma_wait3A_751 = arith.constant 3 : i32
        %dma_wait3A_752 = arith.constant 0 : i32
        %dma_wait3A_753 = tpu.memref_slice %arg9[%dma_wait3A_751, %dma_wait3A_752] : memref<5x80xi32, #tpu.memory_space<vmem>> -> memref<1x80xi32, #tpu.memory_space<vmem>>
        %dma_wait3A_754 = tpu.memref_squeeze %dma_wait3A_753 : memref<1x80xi32, #tpu.memory_space<vmem>> -> memref<80xi32, #tpu.memory_space<vmem>>
        %dma_wait3A_755 = arith.constant 0 : i32
        %dma_wait3A_756 = arith.constant 0 : i32
        %dma_wait3A_757 = tpu.memref_slice %arg25[%dma_wait3A_755, %dma_wait3A_756] : memref<5008x128xf32, #tpu.memory_space<vmem_shared>> -> memref<5008x128xf32, #tpu.memory_space<vmem_shared>>
        tpu.wait_indirect_dma semaphore(%arg23 : memref<!tpu.dma_semaphore, #tpu.memory_space<semaphore_mem>>) src(%arg13 : memref<80x128xf32, #tpu.memory_space<vmem>>) dst(%dma_wait3A_757 : memref<5008x128xf32, #tpu.memory_space<vmem_shared>>)
      } else {
      }
      %add3A_744 = arith.constant 4 : i32
      %add3A_745 = arith.addi %add3A_625, %add3A_744 : i32
      %lt3A_746 = arith.constant 125 : i32
      %lt3A_747 = arith.cmpi slt, %add3A_745, %lt3A_746 : i32
      %convert_element_type3A_748 = arith.extui %lt3A_747 : i1 to i32
      %cond3A_749 = arith.constant 0 : i32
      %cond3A_750 = arith.cmpi ne, %convert_element_type3A_748, %cond3A_749 : i32
      scf.if %cond3A_750 {
        %add3A_751 = arith.constant 4 : i32
        %add3A_752 = arith.addi %add3A_625, %add3A_751 : i32
        %dma_start3A_753 = arith.constant 0 : i32
        %dma_start3A_754 = tpu.memref_slice %arg7[%add3A_752, %dma_start3A_753] : memref<125x80xi32, #tpu.memory_space<vmem>> -> memref<1x80xi32, #tpu.memory_space<vmem>>
        %dma_start3A_755 = tpu.memref_squeeze %dma_start3A_754 : memref<1x80xi32, #tpu.memory_space<vmem>> -> memref<80xi32, #tpu.memory_space<vmem>>
        %dma_start3A_756 = arith.constant 0 : i32
        %dma_start3A_757 = arith.constant 0 : i32
        %dma_start3A_758 = tpu.memref_slice %arg2[%dma_start3A_756, %dma_start3A_757] : memref<10000x128xf32, #tpu.memory_space<hbm>> -> memref<10000x128xf32, #tpu.memory_space<hbm>>
        tpu.enqueue_indirect_dma source(%dma_start3A_758 : memref<10000x128xf32, #tpu.memory_space<hbm>>) target(%arg13 : memref<80x128xf32, #tpu.memory_space<vmem>>) offsets(%dma_start3A_755 : memref<80xi32, #tpu.memory_space<vmem>>) semaphore(%arg18 : memref<!tpu.dma_semaphore, #tpu.memory_space<semaphore_mem>>)
      } else {
      }
    }
    %scan3A_98 = arith.constant 25 : i32
    %dma_wait3A_99 = arith.constant 4 : i32
    %dma_wait3A_100 = arith.constant 0 : i32
    %dma_wait3A_101 = tpu.memref_slice %arg9[%dma_wait3A_99, %dma_wait3A_100] : memref<5x80xi32, #tpu.memory_space<vmem>> -> memref<1x80xi32, #tpu.memory_space<vmem>>
    %dma_wait3A_102 = tpu.memref_squeeze %dma_wait3A_101 : memref<1x80xi32, #tpu.memory_space<vmem>> -> memref<80xi32, #tpu.memory_space<vmem>>
    %dma_wait3A_103 = arith.constant 0 : i32
    %dma_wait3A_104 = arith.constant 0 : i32
    %dma_wait3A_105 = tpu.memref_slice %arg25[%dma_wait3A_103, %dma_wait3A_104] : memref<5008x128xf32, #tpu.memory_space<vmem_shared>> -> memref<5008x128xf32, #tpu.memory_space<vmem_shared>>
    tpu.wait_indirect_dma semaphore(%arg24 : memref<!tpu.dma_semaphore, #tpu.memory_space<semaphore_mem>>) src(%arg14 : memref<80x128xf32, #tpu.memory_space<vmem>>) dst(%dma_wait3A_105 : memref<5008x128xf32, #tpu.memory_space<vmem_shared>>)
    %barrier3A_106 = arith.constant 0 : index
    tpu.barrier barrier_id(%barrier3A_106)
    %mul3A_107 = arith.constant 312 : i32
    %mul3A_108 = arith.muli %arg1, %mul3A_107 : i32
    %mul3A_109 = arith.constant 312 : i32
    %mul3A_110 = arith.muli %arg1, %mul3A_109 : i32
    %add3A_111 = arith.constant 5000 : i32
    %add3A_112 = arith.addi %add3A_111, %mul3A_110 : i32
    "tpu.region"() ({
      %run_scoped3A = tpu.sem_alloc : memref<!tpu.dma_semaphore, #tpu.memory_space<semaphore_mem>>
      %dma_start3A_118 = arith.constant 0 : i32
      %dma_start3A_119 = tpu.memref_slice %arg6[%arg0, %add3A_112, %dma_start3A_118] : memref<2x10000x128xf32, #tpu.memory_space<hbm>> -> memref<1x312x128xf32, #tpu.memory_space<hbm>>
      %dma_start3A_120 = tpu.memref_squeeze %dma_start3A_119 : memref<1x312x128xf32, #tpu.memory_space<hbm>> -> memref<312x128xf32, #tpu.memory_space<hbm>>
      %dma_start3A_121 = arith.constant 0 : i32
      %dma_start3A_122 = tpu.memref_slice %arg25[%mul3A_108, %dma_start3A_121] : memref<5008x128xf32, #tpu.memory_space<vmem_shared>> -> memref<312x128xf32, #tpu.memory_space<vmem_shared>>
      tpu.enqueue_dma source(%dma_start3A_122 : memref<312x128xf32, #tpu.memory_space<vmem_shared>>) target(%dma_start3A_120 : memref<312x128xf32, #tpu.memory_space<hbm>>) target_semaphore(%run_scoped3A : memref<!tpu.dma_semaphore, #tpu.memory_space<semaphore_mem>>)
      %dma_wait3A_123 = arith.constant 0 : i32
      %dma_wait3A_124 = tpu.memref_slice %arg6[%arg0, %add3A_112, %dma_wait3A_123] : memref<2x10000x128xf32, #tpu.memory_space<hbm>> -> memref<1x312x128xf32, #tpu.memory_space<hbm>>
      %dma_wait3A_125 = tpu.memref_squeeze %dma_wait3A_124 : memref<1x312x128xf32, #tpu.memory_space<hbm>> -> memref<312x128xf32, #tpu.memory_space<hbm>>
      %dma_wait3A_126 = arith.constant 0 : i32
      %dma_wait3A_127 = tpu.memref_slice %arg25[%mul3A_108, %dma_wait3A_126] : memref<5008x128xf32, #tpu.memory_space<vmem_shared>> -> memref<312x128xf32, #tpu.memory_space<vmem_shared>>
      tpu.wait_dma2 semaphore(%run_scoped3A : memref<!tpu.dma_semaphore, #tpu.memory_space<semaphore_mem>>) src(%dma_wait3A_127 : memref<312x128xf32, #tpu.memory_space<vmem_shared>>) dst(%dma_wait3A_125 : memref<312x128xf32, #tpu.memory_space<hbm>>)
      tpu.yield
    }) : () -> ()
    %eq3A_113 = arith.constant 15 : i32
    %eq3A_114 = arith.cmpi eq, %arg1, %eq3A_113 : i32
    %convert_element_type3A_115 = arith.extui %eq3A_114 : i1 to i32
    %cond3A_116 = arith.constant 0 : i32
    %cond3A_117 = arith.cmpi ne, %convert_element_type3A_115, %cond3A_116 : i32
    scf.if %cond3A_117 {
      "tpu.region"() ({
        %run_scoped3A = tpu.sem_alloc : memref<!tpu.dma_semaphore, #tpu.memory_space<semaphore_mem>>
        %dma_start3A_118 = arith.constant 9992 : i32
        %dma_start3A_119 = arith.constant 0 : i32
        %dma_start3A_120 = tpu.memref_slice %arg6[%arg0, %dma_start3A_118, %dma_start3A_119] : memref<2x10000x128xf32, #tpu.memory_space<hbm>> -> memref<1x8x128xf32, #tpu.memory_space<hbm>>
        %dma_start3A_121 = tpu.memref_squeeze %dma_start3A_120 : memref<1x8x128xf32, #tpu.memory_space<hbm>> -> memref<8x128xf32, #tpu.memory_space<hbm>>
        %dma_start3A_122 = arith.constant 4992 : i32
        %dma_start3A_123 = arith.constant 0 : i32
        %dma_start3A_124 = tpu.memref_slice %arg25[%dma_start3A_122, %dma_start3A_123] : memref<5008x128xf32, #tpu.memory_space<vmem_shared>> -> memref<8x128xf32, #tpu.memory_space<vmem_shared>>
        tpu.enqueue_dma source(%dma_start3A_124 : memref<8x128xf32, #tpu.memory_space<vmem_shared>>) target(%dma_start3A_121 : memref<8x128xf32, #tpu.memory_space<hbm>>) target_semaphore(%run_scoped3A : memref<!tpu.dma_semaphore, #tpu.memory_space<semaphore_mem>>)
        %dma_wait3A_125 = arith.constant 9992 : i32
        %dma_wait3A_126 = arith.constant 0 : i32
        %dma_wait3A_127 = tpu.memref_slice %arg6[%arg0, %dma_wait3A_125, %dma_wait3A_126] : memref<2x10000x128xf32, #tpu.memory_space<hbm>> -> memref<1x8x128xf32, #tpu.memory_space<hbm>>
        %dma_wait3A_128 = tpu.memref_squeeze %dma_wait3A_127 : memref<1x8x128xf32, #tpu.memory_space<hbm>> -> memref<8x128xf32, #tpu.memory_space<hbm>>
        %dma_wait3A_129 = arith.constant 4992 : i32
        %dma_wait3A_130 = arith.constant 0 : i32
        %dma_wait3A_131 = tpu.memref_slice %arg25[%dma_wait3A_129, %dma_wait3A_130] : memref<5008x128xf32, #tpu.memory_space<vmem_shared>> -> memref<8x128xf32, #tpu.memory_space<vmem_shared>>
        tpu.wait_dma2 semaphore(%run_scoped3A : memref<!tpu.dma_semaphore, #tpu.memory_space<semaphore_mem>>) src(%dma_wait3A_131 : memref<8x128xf32, #tpu.memory_space<vmem_shared>>) dst(%dma_wait3A_128 : memref<8x128xf32, #tpu.memory_space<hbm>>)
        tpu.yield
      }) : () -> ()
    } else {
    }
    return
  }
}

#map = affine_map<(d0, d1) -> (0, 0, 0)>
#map1 = affine_map<(d0, d1) -> (0, 0)>
module attributes {stable_mosaic.version = 14 : i64} {
  func.func @_hist_sc(%arg0: i32, %arg1: i32, %arg2: memref<32x125x80xi32, #tpu.memory_space<hbm>>, %arg3: memref<32x125x80xi32, #tpu.memory_space<hbm>>, %arg4: memref<10000x128xf32, #tpu.memory_space<hbm>>, %arg5: memref<32x704x128xf32, #tpu.memory_space<hbm>>, %arg6: memref<125x80xi32, #tpu.memory_space<vmem>>, %arg7: memref<125x80xi32, #tpu.memory_space<vmem>>, %arg8: memref<704x128xf32, #tpu.memory_space<vmem>>) attributes {dimension_semantics = [#tpu.dimension_semantics<core_parallel>, #tpu.dimension_semantics<subcore_parallel>], iteration_bounds = array<i64: 2, 16>, scalar_prefetch = 0 : i64, scratch_operands = 3 : i64, tpu.core_type = #tpu.core_type<sc_vector_subcore>, window_params = [{transform_indices = #map}, {transform_indices = #map}, {transform_indices = #map1}, {transform_indices = #map}]} {
    %mul3A = arith.constant 16 : i32
    %mul3A_0 = arith.muli %arg0, %mul3A : i32
    %add3A = arith.addi %mul3A_0, %arg1 : i32
    "tpu.region"() ({
      %run_scoped3A = tpu.sem_alloc : memref<!tpu.dma_semaphore, #tpu.memory_space<semaphore_mem>>
      %dma_start3A = arith.constant 0 : i32
      %dma_start3A_6 = arith.constant 0 : i32
      %dma_start3A_7 = tpu.memref_slice %arg2[%add3A, %dma_start3A, %dma_start3A_6] : memref<32x125x80xi32, #tpu.memory_space<hbm>> -> memref<1x125x80xi32, #tpu.memory_space<hbm>>
      %dma_start3A_8 = tpu.memref_squeeze %dma_start3A_7 : memref<1x125x80xi32, #tpu.memory_space<hbm>> -> memref<125x80xi32, #tpu.memory_space<hbm>>
      %dma_start3A_9 = arith.constant 0 : i32
      %dma_start3A_10 = arith.constant 0 : i32
      %dma_start3A_11 = tpu.memref_slice %arg2[%add3A, %dma_start3A_9, %dma_start3A_10] : memref<32x125x80xi32, #tpu.memory_space<hbm>> -> memref<1x125x80xi32, #tpu.memory_space<hbm>>
      %dma_start3A_12 = tpu.memref_squeeze %dma_start3A_11 : memref<1x125x80xi32, #tpu.memory_space<hbm>> -> memref<125x80xi32, #tpu.memory_space<hbm>>
      tpu.enqueue_dma source(%dma_start3A_12 : memref<125x80xi32, #tpu.memory_space<hbm>>) target(%arg6 : memref<125x80xi32, #tpu.memory_space<vmem>>) target_semaphore(%run_scoped3A : memref<!tpu.dma_semaphore, #tpu.memory_space<semaphore_mem>>)
      %dma_wait3A = arith.constant 0 : i32
      %dma_wait3A_13 = arith.constant 0 : i32
      %dma_wait3A_14 = tpu.memref_slice %arg2[%add3A, %dma_wait3A, %dma_wait3A_13] : memref<32x125x80xi32, #tpu.memory_space<hbm>> -> memref<1x125x80xi32, #tpu.memory_space<hbm>>
      %dma_wait3A_15 = tpu.memref_squeeze %dma_wait3A_14 : memref<1x125x80xi32, #tpu.memory_space<hbm>> -> memref<125x80xi32, #tpu.memory_space<hbm>>
      %dma_wait3A_16 = arith.constant 0 : i32
      %dma_wait3A_17 = arith.constant 0 : i32
      %dma_wait3A_18 = tpu.memref_slice %arg2[%add3A, %dma_wait3A_16, %dma_wait3A_17] : memref<32x125x80xi32, #tpu.memory_space<hbm>> -> memref<1x125x80xi32, #tpu.memory_space<hbm>>
      %dma_wait3A_19 = tpu.memref_squeeze %dma_wait3A_18 : memref<1x125x80xi32, #tpu.memory_space<hbm>> -> memref<125x80xi32, #tpu.memory_space<hbm>>
      tpu.wait_dma2 semaphore(%run_scoped3A : memref<!tpu.dma_semaphore, #tpu.memory_space<semaphore_mem>>) src(%dma_wait3A_19 : memref<125x80xi32, #tpu.memory_space<hbm>>) dst(%arg6 : memref<125x80xi32, #tpu.memory_space<vmem>>)
      tpu.yield
    }) : () -> ()
    "tpu.region"() ({
      %run_scoped3A = tpu.sem_alloc : memref<!tpu.dma_semaphore, #tpu.memory_space<semaphore_mem>>
      %dma_start3A = arith.constant 0 : i32
      %dma_start3A_6 = arith.constant 0 : i32
      %dma_start3A_7 = tpu.memref_slice %arg3[%add3A, %dma_start3A, %dma_start3A_6] : memref<32x125x80xi32, #tpu.memory_space<hbm>> -> memref<1x125x80xi32, #tpu.memory_space<hbm>>
      %dma_start3A_8 = tpu.memref_squeeze %dma_start3A_7 : memref<1x125x80xi32, #tpu.memory_space<hbm>> -> memref<125x80xi32, #tpu.memory_space<hbm>>
      %dma_start3A_9 = arith.constant 0 : i32
      %dma_start3A_10 = arith.constant 0 : i32
      %dma_start3A_11 = tpu.memref_slice %arg3[%add3A, %dma_start3A_9, %dma_start3A_10] : memref<32x125x80xi32, #tpu.memory_space<hbm>> -> memref<1x125x80xi32, #tpu.memory_space<hbm>>
      %dma_start3A_12 = tpu.memref_squeeze %dma_start3A_11 : memref<1x125x80xi32, #tpu.memory_space<hbm>> -> memref<125x80xi32, #tpu.memory_space<hbm>>
      tpu.enqueue_dma source(%dma_start3A_12 : memref<125x80xi32, #tpu.memory_space<hbm>>) target(%arg7 : memref<125x80xi32, #tpu.memory_space<vmem>>) target_semaphore(%run_scoped3A : memref<!tpu.dma_semaphore, #tpu.memory_space<semaphore_mem>>)
      %dma_wait3A = arith.constant 0 : i32
      %dma_wait3A_13 = arith.constant 0 : i32
      %dma_wait3A_14 = tpu.memref_slice %arg3[%add3A, %dma_wait3A, %dma_wait3A_13] : memref<32x125x80xi32, #tpu.memory_space<hbm>> -> memref<1x125x80xi32, #tpu.memory_space<hbm>>
      %dma_wait3A_15 = tpu.memref_squeeze %dma_wait3A_14 : memref<1x125x80xi32, #tpu.memory_space<hbm>> -> memref<125x80xi32, #tpu.memory_space<hbm>>
      %dma_wait3A_16 = arith.constant 0 : i32
      %dma_wait3A_17 = arith.constant 0 : i32
      %dma_wait3A_18 = tpu.memref_slice %arg3[%add3A, %dma_wait3A_16, %dma_wait3A_17] : memref<32x125x80xi32, #tpu.memory_space<hbm>> -> memref<1x125x80xi32, #tpu.memory_space<hbm>>
      %dma_wait3A_19 = tpu.memref_squeeze %dma_wait3A_18 : memref<1x125x80xi32, #tpu.memory_space<hbm>> -> memref<125x80xi32, #tpu.memory_space<hbm>>
      tpu.wait_dma2 semaphore(%run_scoped3A : memref<!tpu.dma_semaphore, #tpu.memory_space<semaphore_mem>>) src(%dma_wait3A_19 : memref<125x80xi32, #tpu.memory_space<hbm>>) dst(%arg7 : memref<125x80xi32, #tpu.memory_space<vmem>>)
      tpu.yield
    }) : () -> ()
    "tpu.region"() ({
      %run_scoped3A = tpu.sem_alloc : memref<!tpu.dma_semaphore, #tpu.memory_space<semaphore_mem>>
      %dma_start3A = arith.constant 0 : i32
      %dma_start3A_6 = arith.constant 0 : i32
      %dma_start3A_7 = tpu.memref_slice %arg4[%dma_start3A, %dma_start3A_6] : memref<10000x128xf32, #tpu.memory_space<hbm>> -> memref<704x128xf32, #tpu.memory_space<hbm>>
      %dma_start3A_8 = arith.constant 0 : i32
      %dma_start3A_9 = arith.constant 0 : i32
      %dma_start3A_10 = tpu.memref_slice %arg4[%dma_start3A_8, %dma_start3A_9] : memref<10000x128xf32, #tpu.memory_space<hbm>> -> memref<704x128xf32, #tpu.memory_space<hbm>>
      tpu.enqueue_dma source(%dma_start3A_10 : memref<704x128xf32, #tpu.memory_space<hbm>>) target(%arg8 : memref<704x128xf32, #tpu.memory_space<vmem>>) target_semaphore(%run_scoped3A : memref<!tpu.dma_semaphore, #tpu.memory_space<semaphore_mem>>)
      %dma_wait3A = arith.constant 0 : i32
      %dma_wait3A_11 = arith.constant 0 : i32
      %dma_wait3A_12 = tpu.memref_slice %arg4[%dma_wait3A, %dma_wait3A_11] : memref<10000x128xf32, #tpu.memory_space<hbm>> -> memref<704x128xf32, #tpu.memory_space<hbm>>
      %dma_wait3A_13 = arith.constant 0 : i32
      %dma_wait3A_14 = arith.constant 0 : i32
      %dma_wait3A_15 = tpu.memref_slice %arg4[%dma_wait3A_13, %dma_wait3A_14] : memref<10000x128xf32, #tpu.memory_space<hbm>> -> memref<704x128xf32, #tpu.memory_space<hbm>>
      tpu.wait_dma2 semaphore(%run_scoped3A : memref<!tpu.dma_semaphore, #tpu.memory_space<semaphore_mem>>) src(%dma_wait3A_15 : memref<704x128xf32, #tpu.memory_space<hbm>>) dst(%arg8 : memref<704x128xf32, #tpu.memory_space<vmem>>)
      tpu.yield
    }) : () -> ()
    %broadcast_in_dim3A = arith.constant 1.000000e+00 : f32
    %broadcast_in_dim3A_1 = vector.broadcast %broadcast_in_dim3A : f32 to vector<16xf32>
    %scan3A = arith.constant 0 : i32
    %scan3A_2 = arith.constant 125 : i32
    %scan3A_3 = arith.addi %scan3A, %scan3A_2 : i32
    %scan3A_4 = arith.constant 1 : i32
    scf.for %scan3A_6 = %scan3A to %scan3A_3 step %scan3A_4  : i32 {
      %mul3A_7 = arith.constant 1 : i32
      %mul3A_8 = arith.muli %scan3A_6, %mul3A_7 : i32
      %add3A_9 = arith.constant 0 : i32
      %add3A_10 = arith.addi %add3A_9, %mul3A_8 : i32
      %get3A = arith.index_cast %add3A_10 : i32 to index
      %get3A_11 = arith.constant 0 : index
      %get3A_12 = tpu.vector_load %arg6[%get3A, %get3A_11] {strides = array<i32>} : memref<125x80xi32, #tpu.memory_space<vmem>>, vector<16xi32>,
      %get3A_13 = arith.index_cast %add3A_10 : i32 to index
      %get3A_14 = arith.constant 0 : index
      %get3A_15 = tpu.vector_load %arg7[%get3A_13, %get3A_14] {strides = array<i32>} : memref<125x80xi32, #tpu.memory_space<vmem>>, vector<16xi32>,
      %mul3A_16 = arith.constant 9 : i32
      %mul3A_17 = vector.broadcast %mul3A_16 : i32 to vector<16xi32>
      %mul3A_18 = arith.muli %get3A_12, %mul3A_17 : vector<16xi32>
      %add3A_19 = arith.addi %mul3A_18, %get3A_15 : vector<16xi32>
      %shift_right_logical3A = arith.constant 7 : i32
      %shift_right_logical3A_20 = vector.broadcast %shift_right_logical3A : i32 to vector<16xi32>
      %shift_right_logical3A_21 = arith.shrui %add3A_19, %shift_right_logical3A_20 : vector<16xi32>
      %and3A = arith.constant 127 : i32
      %and3A_22 = vector.broadcast %and3A : i32 to vector<16xi32>
      %and3A_23 = arith.andi %add3A_19, %and3A_22 : vector<16xi32>
      tpu.vector_store_idx %arg8[%shift_right_logical3A_21, %and3A_23], %broadcast_in_dim3A_1 {add = true} : memref<704x128xf32, #tpu.memory_space<vmem>>[vector<16xi32>, vector<16xi32>], vector<16xf32>,
      %get3A_24 = arith.index_cast %add3A_10 : i32 to index
      %get3A_25 = arith.constant 16 : index
      %get3A_26 = tpu.vector_load %arg6[%get3A_24, %get3A_25] {strides = array<i32>} : memref<125x80xi32, #tpu.memory_space<vmem>>, vector<16xi32>,
      %get3A_27 = arith.index_cast %add3A_10 : i32 to index
      %get3A_28 = arith.constant 16 : index
      %get3A_29 = tpu.vector_load %arg7[%get3A_27, %get3A_28] {strides = array<i32>} : memref<125x80xi32, #tpu.memory_space<vmem>>, vector<16xi32>,
      %mul3A_30 = arith.constant 9 : i32
      %mul3A_31 = vector.broadcast %mul3A_30 : i32 to vector<16xi32>
      %mul3A_32 = arith.muli %get3A_26, %mul3A_31 : vector<16xi32>
      %add3A_33 = arith.addi %mul3A_32, %get3A_29 : vector<16xi32>
      %shift_right_logical3A_34 = arith.constant 7 : i32
      %shift_right_logical3A_35 = vector.broadcast %shift_right_logical3A_34 : i32 to vector<16xi32>
      %shift_right_logical3A_36 = arith.shrui %add3A_33, %shift_right_logical3A_35 : vector<16xi32>
      %and3A_37 = arith.constant 127 : i32
      %and3A_38 = vector.broadcast %and3A_37 : i32 to vector<16xi32>
      %and3A_39 = arith.andi %add3A_33, %and3A_38 : vector<16xi32>
      tpu.vector_store_idx %arg8[%shift_right_logical3A_36, %and3A_39], %broadcast_in_dim3A_1 {add = true} : memref<704x128xf32, #tpu.memory_space<vmem>>[vector<16xi32>, vector<16xi32>], vector<16xf32>,
      %get3A_40 = arith.index_cast %add3A_10 : i32 to index
      %get3A_41 = arith.constant 32 : index
      %get3A_42 = tpu.vector_load %arg6[%get3A_40, %get3A_41] {strides = array<i32>} : memref<125x80xi32, #tpu.memory_space<vmem>>, vector<16xi32>,
      %get3A_43 = arith.index_cast %add3A_10 : i32 to index
      %get3A_44 = arith.constant 32 : index
      %get3A_45 = tpu.vector_load %arg7[%get3A_43, %get3A_44] {strides = array<i32>} : memref<125x80xi32, #tpu.memory_space<vmem>>, vector<16xi32>,
      %mul3A_46 = arith.constant 9 : i32
      %mul3A_47 = vector.broadcast %mul3A_46 : i32 to vector<16xi32>
      %mul3A_48 = arith.muli %get3A_42, %mul3A_47 : vector<16xi32>
      %add3A_49 = arith.addi %mul3A_48, %get3A_45 : vector<16xi32>
      %shift_right_logical3A_50 = arith.constant 7 : i32
      %shift_right_logical3A_51 = vector.broadcast %shift_right_logical3A_50 : i32 to vector<16xi32>
      %shift_right_logical3A_52 = arith.shrui %add3A_49, %shift_right_logical3A_51 : vector<16xi32>
      %and3A_53 = arith.constant 127 : i32
      %and3A_54 = vector.broadcast %and3A_53 : i32 to vector<16xi32>
      %and3A_55 = arith.andi %add3A_49, %and3A_54 : vector<16xi32>
      tpu.vector_store_idx %arg8[%shift_right_logical3A_52, %and3A_55], %broadcast_in_dim3A_1 {add = true} : memref<704x128xf32, #tpu.memory_space<vmem>>[vector<16xi32>, vector<16xi32>], vector<16xf32>,
      %get3A_56 = arith.index_cast %add3A_10 : i32 to index
      %get3A_57 = arith.constant 48 : index
      %get3A_58 = tpu.vector_load %arg6[%get3A_56, %get3A_57] {strides = array<i32>} : memref<125x80xi32, #tpu.memory_space<vmem>>, vector<16xi32>,
      %get3A_59 = arith.index_cast %add3A_10 : i32 to index
      %get3A_60 = arith.constant 48 : index
      %get3A_61 = tpu.vector_load %arg7[%get3A_59, %get3A_60] {strides = array<i32>} : memref<125x80xi32, #tpu.memory_space<vmem>>, vector<16xi32>,
      %mul3A_62 = arith.constant 9 : i32
      %mul3A_63 = vector.broadcast %mul3A_62 : i32 to vector<16xi32>
      %mul3A_64 = arith.muli %get3A_58, %mul3A_63 : vector<16xi32>
      %add3A_65 = arith.addi %mul3A_64, %get3A_61 : vector<16xi32>
      %shift_right_logical3A_66 = arith.constant 7 : i32
      %shift_right_logical3A_67 = vector.broadcast %shift_right_logical3A_66 : i32 to vector<16xi32>
      %shift_right_logical3A_68 = arith.shrui %add3A_65, %shift_right_logical3A_67 : vector<16xi32>
      %and3A_69 = arith.constant 127 : i32
      %and3A_70 = vector.broadcast %and3A_69 : i32 to vector<16xi32>
      %and3A_71 = arith.andi %add3A_65, %and3A_70 : vector<16xi32>
      tpu.vector_store_idx %arg8[%shift_right_logical3A_68, %and3A_71], %broadcast_in_dim3A_1 {add = true} : memref<704x128xf32, #tpu.memory_space<vmem>>[vector<16xi32>, vector<16xi32>], vector<16xf32>,
      %get3A_72 = arith.index_cast %add3A_10 : i32 to index
      %get3A_73 = arith.constant 64 : index
      %get3A_74 = tpu.vector_load %arg6[%get3A_72, %get3A_73] {strides = array<i32>} : memref<125x80xi32, #tpu.memory_space<vmem>>, vector<16xi32>,
      %get3A_75 = arith.index_cast %add3A_10 : i32 to index
      %get3A_76 = arith.constant 64 : index
      %get3A_77 = tpu.vector_load %arg7[%get3A_75, %get3A_76] {strides = array<i32>} : memref<125x80xi32, #tpu.memory_space<vmem>>, vector<16xi32>,
      %mul3A_78 = arith.constant 9 : i32
      %mul3A_79 = vector.broadcast %mul3A_78 : i32 to vector<16xi32>
      %mul3A_80 = arith.muli %get3A_74, %mul3A_79 : vector<16xi32>
      %add3A_81 = arith.addi %mul3A_80, %get3A_77 : vector<16xi32>
      %shift_right_logical3A_82 = arith.constant 7 : i32
      %shift_right_logical3A_83 = vector.broadcast %shift_right_logical3A_82 : i32 to vector<16xi32>
      %shift_right_logical3A_84 = arith.shrui %add3A_81, %shift_right_logical3A_83 : vector<16xi32>
      %and3A_85 = arith.constant 127 : i32
      %and3A_86 = vector.broadcast %and3A_85 : i32 to vector<16xi32>
      %and3A_87 = arith.andi %add3A_81, %and3A_86 : vector<16xi32>
      tpu.vector_store_idx %arg8[%shift_right_logical3A_84, %and3A_87], %broadcast_in_dim3A_1 {add = true} : memref<704x128xf32, #tpu.memory_space<vmem>>[vector<16xi32>, vector<16xi32>], vector<16xf32>,
    }
    %scan3A_5 = arith.constant 125 : i32
    "tpu.region"() ({
      %run_scoped3A = tpu.sem_alloc : memref<!tpu.dma_semaphore, #tpu.memory_space<semaphore_mem>>
      %dma_start3A = arith.constant 0 : i32
      %dma_start3A_6 = arith.constant 0 : i32
      %dma_start3A_7 = tpu.memref_slice %arg5[%add3A, %dma_start3A, %dma_start3A_6] : memref<32x704x128xf32, #tpu.memory_space<hbm>> -> memref<1x704x128xf32, #tpu.memory_space<hbm>>
      %dma_start3A_8 = tpu.memref_squeeze %dma_start3A_7 : memref<1x704x128xf32, #tpu.memory_space<hbm>> -> memref<704x128xf32, #tpu.memory_space<hbm>>
      %dma_start3A_9 = arith.constant 0 : i32
      %dma_start3A_10 = arith.constant 0 : i32
      %dma_start3A_11 = tpu.memref_slice %arg5[%add3A, %dma_start3A_9, %dma_start3A_10] : memref<32x704x128xf32, #tpu.memory_space<hbm>> -> memref<1x704x128xf32, #tpu.memory_space<hbm>>
      %dma_start3A_12 = tpu.memref_squeeze %dma_start3A_11 : memref<1x704x128xf32, #tpu.memory_space<hbm>> -> memref<704x128xf32, #tpu.memory_space<hbm>>
      tpu.enqueue_dma source(%arg8 : memref<704x128xf32, #tpu.memory_space<vmem>>) target(%dma_start3A_12 : memref<704x128xf32, #tpu.memory_space<hbm>>) target_semaphore(%run_scoped3A : memref<!tpu.dma_semaphore, #tpu.memory_space<semaphore_mem>>)
      %dma_wait3A = arith.constant 0 : i32
      %dma_wait3A_13 = arith.constant 0 : i32
      %dma_wait3A_14 = tpu.memref_slice %arg5[%add3A, %dma_wait3A, %dma_wait3A_13] : memref<32x704x128xf32, #tpu.memory_space<hbm>> -> memref<1x704x128xf32, #tpu.memory_space<hbm>>
      %dma_wait3A_15 = tpu.memref_squeeze %dma_wait3A_14 : memref<1x704x128xf32, #tpu.memory_space<hbm>> -> memref<704x128xf32, #tpu.memory_space<hbm>>
      %dma_wait3A_16 = arith.constant 0 : i32
      %dma_wait3A_17 = arith.constant 0 : i32
      %dma_wait3A_18 = tpu.memref_slice %arg5[%add3A, %dma_wait3A_16, %dma_wait3A_17] : memref<32x704x128xf32, #tpu.memory_space<hbm>> -> memref<1x704x128xf32, #tpu.memory_space<hbm>>
      %dma_wait3A_19 = tpu.memref_squeeze %dma_wait3A_18 : memref<1x704x128xf32, #tpu.memory_space<hbm>> -> memref<704x128xf32, #tpu.memory_space<hbm>>
      tpu.wait_dma2 semaphore(%run_scoped3A : memref<!tpu.dma_semaphore, #tpu.memory_space<semaphore_mem>>) src(%arg8 : memref<704x128xf32, #tpu.memory_space<vmem>>) dst(%dma_wait3A_19 : memref<704x128xf32, #tpu.memory_space<hbm>>)
      tpu.yield
    }) : () -> ()
    return
  }
}

#map = affine_map<(d0, d1) -> (0, 0)>
#map1 = affine_map<(d0, d1) -> (0, 0, 0)>
module attributes {stable_mosaic.version = 14 : i64} {
  func.func @_scatter_sc(%arg0: i32, %arg1: i32, %arg2: memref<10000x128xf32, #tpu.memory_space<hbm>>, %arg3: memref<32x125x80xi32, #tpu.memory_space<hbm>>, %arg4: memref<32x125x80xi32, #tpu.memory_space<hbm>>, %arg5: memref<10000x128xf32, #tpu.memory_space<hbm>>, %arg6: memref<2x10000x128xf32, #tpu.memory_space<hbm>>, %arg7: memref<125x80xi32, #tpu.memory_space<vmem>>, %arg8: memref<125x80xi32, #tpu.memory_space<vmem>>, %arg9: memref<5x80xi32, #tpu.memory_space<vmem>>, %arg10: memref<80x128xf32, #tpu.memory_space<vmem>>, %arg11: memref<80x128xf32, #tpu.memory_space<vmem>>, %arg12: memref<80x128xf32, #tpu.memory_space<vmem>>, %arg13: memref<80x128xf32, #tpu.memory_space<vmem>>, %arg14: memref<80x128xf32, #tpu.memory_space<vmem>>, %arg15: memref<!tpu.dma_semaphore, #tpu.memory_space<semaphore_mem>>, %arg16: memref<!tpu.dma_semaphore, #tpu.memory_space<semaphore_mem>>, %arg17: memref<!tpu.dma_semaphore, #tpu.memory_space<semaphore_mem>>, %arg18: memref<!tpu.dma_semaphore, #tpu.memory_space<semaphore_mem>>, %arg19: memref<!tpu.dma_semaphore, #tpu.memory_space<semaphore_mem>>, %arg20: memref<!tpu.dma_semaphore, #tpu.memory_space<semaphore_mem>>, %arg21: memref<!tpu.dma_semaphore, #tpu.memory_space<semaphore_mem>>, %arg22: memref<!tpu.dma_semaphore, #tpu.memory_space<semaphore_mem>>, %arg23: memref<!tpu.dma_semaphore, #tpu.memory_space<semaphore_mem>>, %arg24: memref<!tpu.dma_semaphore, #tpu.memory_space<semaphore_mem>>, %arg25: memref<5008x128xf32, #tpu.memory_space<vmem_shared>>) attributes {dimension_semantics = [#tpu.dimension_semantics<core_parallel>, #tpu.dimension_semantics<subcore_parallel>], iteration_bounds = array<i64: 2, 16>, scalar_prefetch = 0 : i64, scratch_operands = 19 : i64, tpu.core_type = #tpu.core_type<sc_vector_subcore>, window_params = [{transform_indices = #map}, {transform_indices = #map1}, {transform_indices = #map1}, {transform_indices = #map}, {transform_indices = #map1}]} {
    %mul3A = arith.constant 16 : i32
    %mul3A_0 = arith.muli %arg0, %mul3A : i32
    %add3A = arith.addi %mul3A_0, %arg1 : i32
    "tpu.region"() ({
      %run_scoped3A = tpu.sem_alloc : memref<!tpu.dma_semaphore, #tpu.memory_space<semaphore_mem>>
      %dma_start3A_118 = arith.constant 0 : i32
      %dma_start3A_119 = arith.constant 0 : i32
      %dma_start3A_120 = tpu.memref_slice %arg3[%add3A, %dma_start3A_118, %dma_start3A_119] : memref<32x125x80xi32, #tpu.memory_space<hbm>> -> memref<1x125x80xi32, #tpu.memory_space<hbm>>
      %dma_start3A_121 = tpu.memref_squeeze %dma_start3A_120 : memref<1x125x80xi32, #tpu.memory_space<hbm>> -> memref<125x80xi32, #tpu.memory_space<hbm>>
      %dma_start3A_122 = arith.constant 0 : i32
      %dma_start3A_123 = arith.constant 0 : i32
      %dma_start3A_124 = tpu.memref_slice %arg3[%add3A, %dma_start3A_122, %dma_start3A_123] : memref<32x125x80xi32, #tpu.memory_space<hbm>> -> memref<1x125x80xi32, #tpu.memory_space<hbm>>
      %dma_start3A_125 = tpu.memref_squeeze %dma_start3A_124 : memref<1x125x80xi32, #tpu.memory_space<hbm>> -> memref<125x80xi32, #tpu.memory_space<hbm>>
      tpu.enqueue_dma source(%dma_start3A_125 : memref<125x80xi32, #tpu.memory_space<hbm>>) target(%arg7 : memref<125x80xi32, #tpu.memory_space<vmem>>) target_semaphore(%run_scoped3A : memref<!tpu.dma_semaphore, #tpu.memory_space<semaphore_mem>>)
      %dma_wait3A_126 = arith.constant 0 : i32
      %dma_wait3A_127 = arith.constant 0 : i32
      %dma_wait3A_128 = tpu.memref_slice %arg3[%add3A, %dma_wait3A_126, %dma_wait3A_127] : memref<32x125x80xi32, #tpu.memory_space<hbm>> -> memref<1x125x80xi32, #tpu.memory_space<hbm>>
      %dma_wait3A_129 = tpu.memref_squeeze %dma_wait3A_128 : memref<1x125x80xi32, #tpu.memory_space<hbm>> -> memref<125x80xi32, #tpu.memory_space<hbm>>
      %dma_wait3A_130 = arith.constant 0 : i32
      %dma_wait3A_131 = arith.constant 0 : i32
      %dma_wait3A_132 = tpu.memref_slice %arg3[%add3A, %dma_wait3A_130, %dma_wait3A_131] : memref<32x125x80xi32, #tpu.memory_space<hbm>> -> memref<1x125x80xi32, #tpu.memory_space<hbm>>
      %dma_wait3A_133 = tpu.memref_squeeze %dma_wait3A_132 : memref<1x125x80xi32, #tpu.memory_space<hbm>> -> memref<125x80xi32, #tpu.memory_space<hbm>>
      tpu.wait_dma2 semaphore(%run_scoped3A : memref<!tpu.dma_semaphore, #tpu.memory_space<semaphore_mem>>) src(%dma_wait3A_133 : memref<125x80xi32, #tpu.memory_space<hbm>>) dst(%arg7 : memref<125x80xi32, #tpu.memory_space<vmem>>)
      tpu.yield
    }) : () -> ()
    "tpu.region"() ({
      %run_scoped3A = tpu.sem_alloc : memref<!tpu.dma_semaphore, #tpu.memory_space<semaphore_mem>>
      %dma_start3A_118 = arith.constant 0 : i32
      %dma_start3A_119 = arith.constant 0 : i32
      %dma_start3A_120 = tpu.memref_slice %arg4[%add3A, %dma_start3A_118, %dma_start3A_119] : memref<32x125x80xi32, #tpu.memory_space<hbm>> -> memref<1x125x80xi32, #tpu.memory_space<hbm>>
      %dma_start3A_121 = tpu.memref_squeeze %dma_start3A_120 : memref<1x125x80xi32, #tpu.memory_space<hbm>> -> memref<125x80xi32, #tpu.memory_space<hbm>>
      %dma_start3A_122 = arith.constant 0 : i32
      %dma_start3A_123 = arith.constant 0 : i32
      %dma_start3A_124 = tpu.memref_slice %arg4[%add3A, %dma_start3A_122, %dma_start3A_123] : memref<32x125x80xi32, #tpu.memory_space<hbm>> -> memref<1x125x80xi32, #tpu.memory_space<hbm>>
      %dma_start3A_125 = tpu.memref_squeeze %dma_start3A_124 : memref<1x125x80xi32, #tpu.memory_space<hbm>> -> memref<125x80xi32, #tpu.memory_space<hbm>>
      tpu.enqueue_dma source(%dma_start3A_125 : memref<125x80xi32, #tpu.memory_space<hbm>>) target(%arg8 : memref<125x80xi32, #tpu.memory_space<vmem>>) target_semaphore(%run_scoped3A : memref<!tpu.dma_semaphore, #tpu.memory_space<semaphore_mem>>)
      %dma_wait3A_126 = arith.constant 0 : i32
      %dma_wait3A_127 = arith.constant 0 : i32
      %dma_wait3A_128 = tpu.memref_slice %arg4[%add3A, %dma_wait3A_126, %dma_wait3A_127] : memref<32x125x80xi32, #tpu.memory_space<hbm>> -> memref<1x125x80xi32, #tpu.memory_space<hbm>>
      %dma_wait3A_129 = tpu.memref_squeeze %dma_wait3A_128 : memref<1x125x80xi32, #tpu.memory_space<hbm>> -> memref<125x80xi32, #tpu.memory_space<hbm>>
      %dma_wait3A_130 = arith.constant 0 : i32
      %dma_wait3A_131 = arith.constant 0 : i32
      %dma_wait3A_132 = tpu.memref_slice %arg4[%add3A, %dma_wait3A_130, %dma_wait3A_131] : memref<32x125x80xi32, #tpu.memory_space<hbm>> -> memref<1x125x80xi32, #tpu.memory_space<hbm>>
      %dma_wait3A_133 = tpu.memref_squeeze %dma_wait3A_132 : memref<1x125x80xi32, #tpu.memory_space<hbm>> -> memref<125x80xi32, #tpu.memory_space<hbm>>
      tpu.wait_dma2 semaphore(%run_scoped3A : memref<!tpu.dma_semaphore, #tpu.memory_space<semaphore_mem>>) src(%dma_wait3A_133 : memref<125x80xi32, #tpu.memory_space<hbm>>) dst(%arg8 : memref<125x80xi32, #tpu.memory_space<vmem>>)
      tpu.yield
    }) : () -> ()
    %mul3A_1 = arith.constant 312 : i32
    %mul3A_2 = arith.muli %arg1, %mul3A_1 : i32
    %mul3A_3 = arith.constant 312 : i32
    %mul3A_4 = arith.muli %arg1, %mul3A_3 : i32
    "tpu.region"() ({
      %run_scoped3A = tpu.sem_alloc : memref<!tpu.dma_semaphore, #tpu.memory_space<semaphore_mem>>
      %dma_start3A_118 = arith.constant 0 : i32
      %dma_start3A_119 = tpu.memref_slice %arg25[%mul3A_4, %dma_start3A_118] : memref<5008x128xf32, #tpu.memory_space<vmem_shared>> -> memref<312x128xf32, #tpu.memory_space<vmem_shared>>
      %dma_start3A_120 = arith.constant 0 : i32
      %dma_start3A_121 = tpu.memref_slice %arg5[%mul3A_2, %dma_start3A_120] : memref<10000x128xf32, #tpu.memory_space<hbm>> -> memref<312x128xf32, #tpu.memory_space<hbm>>
      tpu.enqueue_dma source(%dma_start3A_121 : memref<312x128xf32, #tpu.memory_space<hbm>>) target(%dma_start3A_119 : memref<312x128xf32, #tpu.memory_space<vmem_shared>>) target_semaphore(%run_scoped3A : memref<!tpu.dma_semaphore, #tpu.memory_space<semaphore_mem>>)
      %dma_wait3A_122 = arith.constant 0 : i32
      %dma_wait3A_123 = tpu.memref_slice %arg25[%mul3A_4, %dma_wait3A_122] : memref<5008x128xf32, #tpu.memory_space<vmem_shared>> -> memref<312x128xf32, #tpu.memory_space<vmem_shared>>
      %dma_wait3A_124 = arith.constant 0 : i32
      %dma_wait3A_125 = tpu.memref_slice %arg5[%mul3A_2, %dma_wait3A_124] : memref<10000x128xf32, #tpu.memory_space<hbm>> -> memref<312x128xf32, #tpu.memory_space<hbm>>
      tpu.wait_dma2 semaphore(%run_scoped3A : memref<!tpu.dma_semaphore, #tpu.memory_space<semaphore_mem>>) src(%dma_wait3A_125 : memref<312x128xf32, #tpu.memory_space<hbm>>) dst(%dma_wait3A_123 : memref<312x128xf32, #tpu.memory_space<vmem_shared>>)
      tpu.yield
    }) : () -> ()
    %eq3A = arith.constant 15 : i32
    %eq3A_5 = arith.cmpi eq, %arg1, %eq3A : i32
    %convert_element_type3A = arith.extui %eq3A_5 : i1 to i32
    %cond3A = arith.constant 0 : i32
    %cond3A_6 = arith.cmpi ne, %convert_element_type3A, %cond3A : i32
    scf.if %cond3A_6 {
      "tpu.region"() ({
        %run_scoped3A = tpu.sem_alloc : memref<!tpu.dma_semaphore, #tpu.memory_space<semaphore_mem>>
        %dma_start3A_118 = arith.constant 4992 : i32
        %dma_start3A_119 = arith.constant 0 : i32
        %dma_start3A_120 = tpu.memref_slice %arg25[%dma_start3A_118, %dma_start3A_119] : memref<5008x128xf32, #tpu.memory_space<vmem_shared>> -> memref<16x128xf32, #tpu.memory_space<vmem_shared>>
        %dma_start3A_121 = arith.constant 4992 : i32
        %dma_start3A_122 = arith.constant 0 : i32
        %dma_start3A_123 = tpu.memref_slice %arg5[%dma_start3A_121, %dma_start3A_122] : memref<10000x128xf32, #tpu.memory_space<hbm>> -> memref<16x128xf32, #tpu.memory_space<hbm>>
        tpu.enqueue_dma source(%dma_start3A_123 : memref<16x128xf32, #tpu.memory_space<hbm>>) target(%dma_start3A_120 : memref<16x128xf32, #tpu.memory_space<vmem_shared>>) target_semaphore(%run_scoped3A : memref<!tpu.dma_semaphore, #tpu.memory_space<semaphore_mem>>)
        %dma_wait3A_124 = arith.constant 4992 : i32
        %dma_wait3A_125 = arith.constant 0 : i32
        %dma_wait3A_126 = tpu.memref_slice %arg25[%dma_wait3A_124, %dma_wait3A_125] : memref<5008x128xf32, #tpu.memory_space<vmem_shared>> -> memref<16x128xf32, #tpu.memory_space<vmem_shared>>
        %dma_wait3A_127 = arith.constant 4992 : i32
        %dma_wait3A_128 = arith.constant 0 : i32
        %dma_wait3A_129 = tpu.memref_slice %arg5[%dma_wait3A_127, %dma_wait3A_128] : memref<10000x128xf32, #tpu.memory_space<hbm>> -> memref<16x128xf32, #tpu.memory_space<hbm>>
        tpu.wait_dma2 semaphore(%run_scoped3A : memref<!tpu.dma_semaphore, #tpu.memory_space<semaphore_mem>>) src(%dma_wait3A_129 : memref<16x128xf32, #tpu.memory_space<hbm>>) dst(%dma_wait3A_126 : memref<16x128xf32, #tpu.memory_space<vmem_shared>>)
        tpu.yield
      }) : () -> ()
    } else {
    }
    %dma_start3A = arith.constant 0 : i32
    %dma_start3A_7 = arith.constant 0 : i32
    %dma_start3A_8 = tpu.memref_slice %arg7[%dma_start3A, %dma_start3A_7] : memref<125x80xi32, #tpu.memory_space<vmem>> -> memref<1x80xi32, #tpu.memory_space<vmem>>
    %dma_start3A_9 = tpu.memref_squeeze %dma_start3A_8 : memref<1x80xi32, #tpu.memory_space<vmem>> -> memref<80xi32, #tpu.memory_space<vmem>>
    %dma_start3A_10 = arith.constant 0 : i32
    %dma_start3A_11 = arith.constant 0 : i32
    %dma_start3A_12 = tpu.memref_slice %arg2[%dma_start3A_10, %dma_start3A_11] : memref<10000x128xf32, #tpu.memory_space<hbm>> -> memref<10000x128xf32, #tpu.memory_space<hbm>>
    tpu.enqueue_indirect_dma source(%dma_start3A_12 : memref<10000x128xf32, #tpu.memory_space<hbm>>) target(%arg10 : memref<80x128xf32, #tpu.memory_space<vmem>>) offsets(%dma_start3A_9 : memref<80xi32, #tpu.memory_space<vmem>>) semaphore(%arg15 : memref<!tpu.dma_semaphore, #tpu.memory_space<semaphore_mem>>)
    %dma_start3A_13 = arith.constant 1 : i32
    %dma_start3A_14 = arith.constant 0 : i32
    %dma_start3A_15 = tpu.memref_slice %arg7[%dma_start3A_13, %dma_start3A_14] : memref<125x80xi32, #tpu.memory_space<vmem>> -> memref<1x80xi32, #tpu.memory_space<vmem>>
    %dma_start3A_16 = tpu.memref_squeeze %dma_start3A_15 : memref<1x80xi32, #tpu.memory_space<vmem>> -> memref<80xi32, #tpu.memory_space<vmem>>
    %dma_start3A_17 = arith.constant 0 : i32
    %dma_start3A_18 = arith.constant 0 : i32
    %dma_start3A_19 = tpu.memref_slice %arg2[%dma_start3A_17, %dma_start3A_18] : memref<10000x128xf32, #tpu.memory_space<hbm>> -> memref<10000x128xf32, #tpu.memory_space<hbm>>
    tpu.enqueue_indirect_dma source(%dma_start3A_19 : memref<10000x128xf32, #tpu.memory_space<hbm>>) target(%arg11 : memref<80x128xf32, #tpu.memory_space<vmem>>) offsets(%dma_start3A_16 : memref<80xi32, #tpu.memory_space<vmem>>) semaphore(%arg16 : memref<!tpu.dma_semaphore, #tpu.memory_space<semaphore_mem>>)
    %dma_start3A_20 = arith.constant 2 : i32
    %dma_start3A_21 = arith.constant 0 : i32
    %dma_start3A_22 = tpu.memref_slice %arg7[%dma_start3A_20, %dma_start3A_21] : memref<125x80xi32, #tpu.memory_space<vmem>> -> memref<1x80xi32, #tpu.memory_space<vmem>>
    %dma_start3A_23 = tpu.memref_squeeze %dma_start3A_22 : memref<1x80xi32, #tpu.memory_space<vmem>> -> memref<80xi32, #tpu.memory_space<vmem>>
    %dma_start3A_24 = arith.constant 0 : i32
    %dma_start3A_25 = arith.constant 0 : i32
    %dma_start3A_26 = tpu.memref_slice %arg2[%dma_start3A_24, %dma_start3A_25] : memref<10000x128xf32, #tpu.memory_space<hbm>> -> memref<10000x128xf32, #tpu.memory_space<hbm>>
    tpu.enqueue_indirect_dma source(%dma_start3A_26 : memref<10000x128xf32, #tpu.memory_space<hbm>>) target(%arg12 : memref<80x128xf32, #tpu.memory_space<vmem>>) offsets(%dma_start3A_23 : memref<80xi32, #tpu.memory_space<vmem>>) semaphore(%arg17 : memref<!tpu.dma_semaphore, #tpu.memory_space<semaphore_mem>>)
    %dma_start3A_27 = arith.constant 3 : i32
    %dma_start3A_28 = arith.constant 0 : i32
    %dma_start3A_29 = tpu.memref_slice %arg7[%dma_start3A_27, %dma_start3A_28] : memref<125x80xi32, #tpu.memory_space<vmem>> -> memref<1x80xi32, #tpu.memory_space<vmem>>
    %dma_start3A_30 = tpu.memref_squeeze %dma_start3A_29 : memref<1x80xi32, #tpu.memory_space<vmem>> -> memref<80xi32, #tpu.memory_space<vmem>>
    %dma_start3A_31 = arith.constant 0 : i32
    %dma_start3A_32 = arith.constant 0 : i32
    %dma_start3A_33 = tpu.memref_slice %arg2[%dma_start3A_31, %dma_start3A_32] : memref<10000x128xf32, #tpu.memory_space<hbm>> -> memref<10000x128xf32, #tpu.memory_space<hbm>>
    tpu.enqueue_indirect_dma source(%dma_start3A_33 : memref<10000x128xf32, #tpu.memory_space<hbm>>) target(%arg13 : memref<80x128xf32, #tpu.memory_space<vmem>>) offsets(%dma_start3A_30 : memref<80xi32, #tpu.memory_space<vmem>>) semaphore(%arg18 : memref<!tpu.dma_semaphore, #tpu.memory_space<semaphore_mem>>)
    %barrier3A = arith.constant 0 : index
    tpu.barrier barrier_id(%barrier3A)
    %scan3A = arith.constant 0 : i32
    %scan3A_34 = arith.constant 25 : i32
    %scan3A_35 = arith.addi %scan3A, %scan3A_34 : i32
    %scan3A_36 = arith.constant 1 : i32
    scf.for %scan3A_118 = %scan3A to %scan3A_35 step %scan3A_36  : i32 {
      %mul3A_119 = arith.constant 5 : i32
      %mul3A_120 = arith.muli %scan3A_118, %mul3A_119 : i32
      %add3A_121 = arith.constant 0 : i32
      %add3A_122 = arith.addi %add3A_121, %mul3A_120 : i32
      %add3A_123 = arith.constant 0 : i32
      %add3A_124 = arith.addi %add3A_122, %add3A_123 : i32
      %get3A = arith.index_cast %add3A_124 : i32 to index
      %get3A_125 = arith.constant 0 : index
      %get3A_126 = tpu.vector_load %arg8[%get3A, %get3A_125] {strides = array<i32>} : memref<125x80xi32, #tpu.memory_space<vmem>>, vector<16xi32>,
      %and3A = arith.constant 7 : i32
      %and3A_127 = vector.broadcast %and3A : i32 to vector<16xi32>
      %and3A_128 = arith.andi %get3A_126, %and3A_127 : vector<16xi32>
      %add3A_129 = arith.constant 5000 : i32
      %add3A_130 = vector.broadcast %add3A_129 : i32 to vector<16xi32>
      %add3A_131 = arith.addi %add3A_130, %and3A_128 : vector<16xi32>
      %lt3A = arith.constant 5000 : i32
      %lt3A_132 = vector.broadcast %lt3A : i32 to vector<16xi32>
      %lt3A_133 = arith.cmpi slt, %get3A_126, %lt3A_132 : vector<16xi32>
      %select_n3A = arith.select %lt3A_133, %get3A_126, %add3A_131 : vector<16xi1>, vector<16xi32>
      %swap3A = arith.constant 0 : i32
      %swap3A_134 = arith.index_cast %swap3A : i32 to index
      %swap3A_135 = arith.constant 0 : index
      %swap3A_136 = tpu.vector_load %arg9[%swap3A_134, %swap3A_135] {strides = array<i32>} : memref<5x80xi32, #tpu.memory_space<vmem>>, vector<16xi32>,
      tpu.vector_store %arg9[%swap3A_134, %swap3A_135], %select_n3A {strides = array<i32>} : memref<5x80xi32, #tpu.memory_space<vmem>>, vector<16xi32>,
      %get3A_137 = arith.index_cast %add3A_124 : i32 to index
      %get3A_138 = arith.constant 16 : index
      %get3A_139 = tpu.vector_load %arg8[%get3A_137, %get3A_138] {strides = array<i32>} : memref<125x80xi32, #tpu.memory_space<vmem>>, vector<16xi32>,
      %and3A_140 = arith.constant 7 : i32
      %and3A_141 = vector.broadcast %and3A_140 : i32 to vector<16xi32>
      %and3A_142 = arith.andi %get3A_139, %and3A_141 : vector<16xi32>
      %add3A_143 = arith.constant 5000 : i32
      %add3A_144 = vector.broadcast %add3A_143 : i32 to vector<16xi32>
      %add3A_145 = arith.addi %add3A_144, %and3A_142 : vector<16xi32>
      %lt3A_146 = arith.constant 5000 : i32
      %lt3A_147 = vector.broadcast %lt3A_146 : i32 to vector<16xi32>
      %lt3A_148 = arith.cmpi slt, %get3A_139, %lt3A_147 : vector<16xi32>
      %select_n3A_149 = arith.select %lt3A_148, %get3A_139, %add3A_145 : vector<16xi1>, vector<16xi32>
      %swap3A_150 = arith.constant 0 : i32
      %swap3A_151 = arith.index_cast %swap3A_150 : i32 to index
      %swap3A_152 = arith.constant 16 : index
      %swap3A_153 = tpu.vector_load %arg9[%swap3A_151, %swap3A_152] {strides = array<i32>} : memref<5x80xi32, #tpu.memory_space<vmem>>, vector<16xi32>,
      tpu.vector_store %arg9[%swap3A_151, %swap3A_152], %select_n3A_149 {strides = array<i32>} : memref<5x80xi32, #tpu.memory_space<vmem>>, vector<16xi32>,
      %get3A_154 = arith.index_cast %add3A_124 : i32 to index
      %get3A_155 = arith.constant 32 : index
      %get3A_156 = tpu.vector_load %arg8[%get3A_154, %get3A_155] {strides = array<i32>} : memref<125x80xi32, #tpu.memory_space<vmem>>, vector<16xi32>,
      %and3A_157 = arith.constant 7 : i32
      %and3A_158 = vector.broadcast %and3A_157 : i32 to vector<16xi32>
      %and3A_159 = arith.andi %get3A_156, %and3A_158 : vector<16xi32>
      %add3A_160 = arith.constant 5000 : i32
      %add3A_161 = vector.broadcast %add3A_160 : i32 to vector<16xi32>
      %add3A_162 = arith.addi %add3A_161, %and3A_159 : vector<16xi32>
      %lt3A_163 = arith.constant 5000 : i32
      %lt3A_164 = vector.broadcast %lt3A_163 : i32 to vector<16xi32>
      %lt3A_165 = arith.cmpi slt, %get3A_156, %lt3A_164 : vector<16xi32>
      %select_n3A_166 = arith.select %lt3A_165, %get3A_156, %add3A_162 : vector<16xi1>, vector<16xi32>
      %swap3A_167 = arith.constant 0 : i32
      %swap3A_168 = arith.index_cast %swap3A_167 : i32 to index
      %swap3A_169 = arith.constant 32 : index
      %swap3A_170 = tpu.vector_load %arg9[%swap3A_168, %swap3A_169] {strides = array<i32>} : memref<5x80xi32, #tpu.memory_space<vmem>>, vector<16xi32>,
      tpu.vector_store %arg9[%swap3A_168, %swap3A_169], %select_n3A_166 {strides = array<i32>} : memref<5x80xi32, #tpu.memory_space<vmem>>, vector<16xi32>,
      %get3A_171 = arith.index_cast %add3A_124 : i32 to index
      %get3A_172 = arith.constant 48 : index
      %get3A_173 = tpu.vector_load %arg8[%get3A_171, %get3A_172] {strides = array<i32>} : memref<125x80xi32, #tpu.memory_space<vmem>>, vector<16xi32>,
      %and3A_174 = arith.constant 7 : i32
      %and3A_175 = vector.broadcast %and3A_174 : i32 to vector<16xi32>
      %and3A_176 = arith.andi %get3A_173, %and3A_175 : vector<16xi32>
      %add3A_177 = arith.constant 5000 : i32
      %add3A_178 = vector.broadcast %add3A_177 : i32 to vector<16xi32>
      %add3A_179 = arith.addi %add3A_178, %and3A_176 : vector<16xi32>
      %lt3A_180 = arith.constant 5000 : i32
      %lt3A_181 = vector.broadcast %lt3A_180 : i32 to vector<16xi32>
      %lt3A_182 = arith.cmpi slt, %get3A_173, %lt3A_181 : vector<16xi32>
      %select_n3A_183 = arith.select %lt3A_182, %get3A_173, %add3A_179 : vector<16xi1>, vector<16xi32>
      %swap3A_184 = arith.constant 0 : i32
      %swap3A_185 = arith.index_cast %swap3A_184 : i32 to index
      %swap3A_186 = arith.constant 48 : index
      %swap3A_187 = tpu.vector_load %arg9[%swap3A_185, %swap3A_186] {strides = array<i32>} : memref<5x80xi32, #tpu.memory_space<vmem>>, vector<16xi32>,
      tpu.vector_store %arg9[%swap3A_185, %swap3A_186], %select_n3A_183 {strides = array<i32>} : memref<5x80xi32, #tpu.memory_space<vmem>>, vector<16xi32>,
      %get3A_188 = arith.index_cast %add3A_124 : i32 to index
      %get3A_189 = arith.constant 64 : index
      %get3A_190 = tpu.vector_load %arg8[%get3A_188, %get3A_189] {strides = array<i32>} : memref<125x80xi32, #tpu.memory_space<vmem>>, vector<16xi32>,
      %and3A_191 = arith.constant 7 : i32
      %and3A_192 = vector.broadcast %and3A_191 : i32 to vector<16xi32>
      %and3A_193 = arith.andi %get3A_190, %and3A_192 : vector<16xi32>
      %add3A_194 = arith.constant 5000 : i32
      %add3A_195 = vector.broadcast %add3A_194 : i32 to vector<16xi32>
      %add3A_196 = arith.addi %add3A_195, %and3A_193 : vector<16xi32>
      %lt3A_197 = arith.constant 5000 : i32
      %lt3A_198 = vector.broadcast %lt3A_197 : i32 to vector<16xi32>
      %lt3A_199 = arith.cmpi slt, %get3A_190, %lt3A_198 : vector<16xi32>
      %select_n3A_200 = arith.select %lt3A_199, %get3A_190, %add3A_196 : vector<16xi1>, vector<16xi32>
      %swap3A_201 = arith.constant 0 : i32
      %swap3A_202 = arith.index_cast %swap3A_201 : i32 to index
      %swap3A_203 = arith.constant 64 : index
      %swap3A_204 = tpu.vector_load %arg9[%swap3A_202, %swap3A_203] {strides = array<i32>} : memref<5x80xi32, #tpu.memory_space<vmem>>, vector<16xi32>,
      tpu.vector_store %arg9[%swap3A_202, %swap3A_203], %select_n3A_200 {strides = array<i32>} : memref<5x80xi32, #tpu.memory_space<vmem>>, vector<16xi32>,
      %dma_wait3A_205 = arith.constant 0 : i32
      %dma_wait3A_206 = tpu.memref_slice %arg7[%add3A_124, %dma_wait3A_205] : memref<125x80xi32, #tpu.memory_space<vmem>> -> memref<1x80xi32, #tpu.memory_space<vmem>>
      %dma_wait3A_207 = tpu.memref_squeeze %dma_wait3A_206 : memref<1x80xi32, #tpu.memory_space<vmem>> -> memref<80xi32, #tpu.memory_space<vmem>>
      %dma_wait3A_208 = arith.constant 0 : i32
      %dma_wait3A_209 = arith.constant 0 : i32
      %dma_wait3A_210 = tpu.memref_slice %arg2[%dma_wait3A_208, %dma_wait3A_209] : memref<10000x128xf32, #tpu.memory_space<hbm>> -> memref<10000x128xf32, #tpu.memory_space<hbm>>
      tpu.wait_indirect_dma semaphore(%arg15 : memref<!tpu.dma_semaphore, #tpu.memory_space<semaphore_mem>>) src(%dma_wait3A_210 : memref<10000x128xf32, #tpu.memory_space<hbm>>) dst(%arg10 : memref<80x128xf32, #tpu.memory_space<vmem>>)
      %dma_start3A_211 = arith.constant 0 : i32
      %dma_start3A_212 = arith.constant 0 : i32
      %dma_start3A_213 = tpu.memref_slice %arg9[%dma_start3A_211, %dma_start3A_212] : memref<5x80xi32, #tpu.memory_space<vmem>> -> memref<1x80xi32, #tpu.memory_space<vmem>>
      %dma_start3A_214 = tpu.memref_squeeze %dma_start3A_213 : memref<1x80xi32, #tpu.memory_space<vmem>> -> memref<80xi32, #tpu.memory_space<vmem>>
      %dma_start3A_215 = arith.constant 0 : i32
      %dma_start3A_216 = arith.constant 0 : i32
      %dma_start3A_217 = tpu.memref_slice %arg25[%dma_start3A_215, %dma_start3A_216] : memref<5008x128xf32, #tpu.memory_space<vmem_shared>> -> memref<5008x128xf32, #tpu.memory_space<vmem_shared>>
      tpu.enqueue_indirect_dma source(%arg10 : memref<80x128xf32, #tpu.memory_space<vmem>>) target(%dma_start3A_217 : memref<5008x128xf32, #tpu.memory_space<vmem_shared>>) offsets(%dma_start3A_214 : memref<80xi32, #tpu.memory_space<vmem>>) semaphore(%arg20 : memref<!tpu.dma_semaphore, #tpu.memory_space<semaphore_mem>>) {add = true}
      %ge3A = arith.constant 1 : i32
      %ge3A_218 = arith.cmpi sge, %add3A_124, %ge3A : i32
      %convert_element_type3A_219 = arith.extui %ge3A_218 : i1 to i32
      %cond3A_220 = arith.constant 0 : i32
      %cond3A_221 = arith.cmpi ne, %convert_element_type3A_219, %cond3A_220 : i32
      scf.if %cond3A_221 {
        %dma_wait3A_677 = arith.constant 4 : i32
        %dma_wait3A_678 = arith.constant 0 : i32
        %dma_wait3A_679 = tpu.memref_slice %arg9[%dma_wait3A_677, %dma_wait3A_678] : memref<5x80xi32, #tpu.memory_space<vmem>> -> memref<1x80xi32, #tpu.memory_space<vmem>>
        %dma_wait3A_680 = tpu.memref_squeeze %dma_wait3A_679 : memref<1x80xi32, #tpu.memory_space<vmem>> -> memref<80xi32, #tpu.memory_space<vmem>>
        %dma_wait3A_681 = arith.constant 0 : i32
        %dma_wait3A_682 = arith.constant 0 : i32
        %dma_wait3A_683 = tpu.memref_slice %arg25[%dma_wait3A_681, %dma_wait3A_682] : memref<5008x128xf32, #tpu.memory_space<vmem_shared>> -> memref<5008x128xf32, #tpu.memory_space<vmem_shared>>
        tpu.wait_indirect_dma semaphore(%arg24 : memref<!tpu.dma_semaphore, #tpu.memory_space<semaphore_mem>>) src(%arg14 : memref<80x128xf32, #tpu.memory_space<vmem>>) dst(%dma_wait3A_683 : memref<5008x128xf32, #tpu.memory_space<vmem_shared>>)
      } else {
      }
      %add3A_222 = arith.constant 4 : i32
      %add3A_223 = arith.addi %add3A_124, %add3A_222 : i32
      %lt3A_224 = arith.constant 125 : i32
      %lt3A_225 = arith.cmpi slt, %add3A_223, %lt3A_224 : i32
      %convert_element_type3A_226 = arith.extui %lt3A_225 : i1 to i32
      %cond3A_227 = arith.constant 0 : i32
      %cond3A_228 = arith.cmpi ne, %convert_element_type3A_226, %cond3A_227 : i32
      scf.if %cond3A_228 {
        %add3A_677 = arith.constant 4 : i32
        %add3A_678 = arith.addi %add3A_124, %add3A_677 : i32
        %dma_start3A_679 = arith.constant 0 : i32
        %dma_start3A_680 = tpu.memref_slice %arg7[%add3A_678, %dma_start3A_679] : memref<125x80xi32, #tpu.memory_space<vmem>> -> memref<1x80xi32, #tpu.memory_space<vmem>>
        %dma_start3A_681 = tpu.memref_squeeze %dma_start3A_680 : memref<1x80xi32, #tpu.memory_space<vmem>> -> memref<80xi32, #tpu.memory_space<vmem>>
        %dma_start3A_682 = arith.constant 0 : i32
        %dma_start3A_683 = arith.constant 0 : i32
        %dma_start3A_684 = tpu.memref_slice %arg2[%dma_start3A_682, %dma_start3A_683] : memref<10000x128xf32, #tpu.memory_space<hbm>> -> memref<10000x128xf32, #tpu.memory_space<hbm>>
        tpu.enqueue_indirect_dma source(%dma_start3A_684 : memref<10000x128xf32, #tpu.memory_space<hbm>>) target(%arg14 : memref<80x128xf32, #tpu.memory_space<vmem>>) offsets(%dma_start3A_681 : memref<80xi32, #tpu.memory_space<vmem>>) semaphore(%arg19 : memref<!tpu.dma_semaphore, #tpu.memory_space<semaphore_mem>>)
      } else {
      }
      %add3A_229 = arith.constant 1 : i32
      %add3A_230 = arith.addi %add3A_122, %add3A_229 : i32
      %get3A_231 = arith.index_cast %add3A_230 : i32 to index
      %get3A_232 = arith.constant 0 : index
      %get3A_233 = tpu.vector_load %arg8[%get3A_231, %get3A_232] {strides = array<i32>} : memref<125x80xi32, #tpu.memory_space<vmem>>, vector<16xi32>,
      %and3A_234 = arith.constant 7 : i32
      %and3A_235 = vector.broadcast %and3A_234 : i32 to vector<16xi32>
      %and3A_236 = arith.andi %get3A_233, %and3A_235 : vector<16xi32>
      %add3A_237 = arith.constant 5000 : i32
      %add3A_238 = vector.broadcast %add3A_237 : i32 to vector<16xi32>
      %add3A_239 = arith.addi %add3A_238, %and3A_236 : vector<16xi32>
      %lt3A_240 = arith.constant 5000 : i32
      %lt3A_241 = vector.broadcast %lt3A_240 : i32 to vector<16xi32>
      %lt3A_242 = arith.cmpi slt, %get3A_233, %lt3A_241 : vector<16xi32>
      %select_n3A_243 = arith.select %lt3A_242, %get3A_233, %add3A_239 : vector<16xi1>, vector<16xi32>
      %swap3A_244 = arith.constant 1 : i32
      %swap3A_245 = arith.index_cast %swap3A_244 : i32 to index
      %swap3A_246 = arith.constant 0 : index
      %swap3A_247 = tpu.vector_load %arg9[%swap3A_245, %swap3A_246] {strides = array<i32>} : memref<5x80xi32, #tpu.memory_space<vmem>>, vector<16xi32>,
      tpu.vector_store %arg9[%swap3A_245, %swap3A_246], %select_n3A_243 {strides = array<i32>} : memref<5x80xi32, #tpu.memory_space<vmem>>, vector<16xi32>,
      %get3A_248 = arith.index_cast %add3A_230 : i32 to index
      %get3A_249 = arith.constant 16 : index
      %get3A_250 = tpu.vector_load %arg8[%get3A_248, %get3A_249] {strides = array<i32>} : memref<125x80xi32, #tpu.memory_space<vmem>>, vector<16xi32>,
      %and3A_251 = arith.constant 7 : i32
      %and3A_252 = vector.broadcast %and3A_251 : i32 to vector<16xi32>
      %and3A_253 = arith.andi %get3A_250, %and3A_252 : vector<16xi32>
      %add3A_254 = arith.constant 5000 : i32
      %add3A_255 = vector.broadcast %add3A_254 : i32 to vector<16xi32>
      %add3A_256 = arith.addi %add3A_255, %and3A_253 : vector<16xi32>
      %lt3A_257 = arith.constant 5000 : i32
      %lt3A_258 = vector.broadcast %lt3A_257 : i32 to vector<16xi32>
      %lt3A_259 = arith.cmpi slt, %get3A_250, %lt3A_258 : vector<16xi32>
      %select_n3A_260 = arith.select %lt3A_259, %get3A_250, %add3A_256 : vector<16xi1>, vector<16xi32>
      %swap3A_261 = arith.constant 1 : i32
      %swap3A_262 = arith.index_cast %swap3A_261 : i32 to index
      %swap3A_263 = arith.constant 16 : index
      %swap3A_264 = tpu.vector_load %arg9[%swap3A_262, %swap3A_263] {strides = array<i32>} : memref<5x80xi32, #tpu.memory_space<vmem>>, vector<16xi32>,
      tpu.vector_store %arg9[%swap3A_262, %swap3A_263], %select_n3A_260 {strides = array<i32>} : memref<5x80xi32, #tpu.memory_space<vmem>>, vector<16xi32>,
      %get3A_265 = arith.index_cast %add3A_230 : i32 to index
      %get3A_266 = arith.constant 32 : index
      %get3A_267 = tpu.vector_load %arg8[%get3A_265, %get3A_266] {strides = array<i32>} : memref<125x80xi32, #tpu.memory_space<vmem>>, vector<16xi32>,
      %and3A_268 = arith.constant 7 : i32
      %and3A_269 = vector.broadcast %and3A_268 : i32 to vector<16xi32>
      %and3A_270 = arith.andi %get3A_267, %and3A_269 : vector<16xi32>
      %add3A_271 = arith.constant 5000 : i32
      %add3A_272 = vector.broadcast %add3A_271 : i32 to vector<16xi32>
      %add3A_273 = arith.addi %add3A_272, %and3A_270 : vector<16xi32>
      %lt3A_274 = arith.constant 5000 : i32
      %lt3A_275 = vector.broadcast %lt3A_274 : i32 to vector<16xi32>
      %lt3A_276 = arith.cmpi slt, %get3A_267, %lt3A_275 : vector<16xi32>
      %select_n3A_277 = arith.select %lt3A_276, %get3A_267, %add3A_273 : vector<16xi1>, vector<16xi32>
      %swap3A_278 = arith.constant 1 : i32
      %swap3A_279 = arith.index_cast %swap3A_278 : i32 to index
      %swap3A_280 = arith.constant 32 : index
      %swap3A_281 = tpu.vector_load %arg9[%swap3A_279, %swap3A_280] {strides = array<i32>} : memref<5x80xi32, #tpu.memory_space<vmem>>, vector<16xi32>,
      tpu.vector_store %arg9[%swap3A_279, %swap3A_280], %select_n3A_277 {strides = array<i32>} : memref<5x80xi32, #tpu.memory_space<vmem>>, vector<16xi32>,
      %get3A_282 = arith.index_cast %add3A_230 : i32 to index
      %get3A_283 = arith.constant 48 : index
      %get3A_284 = tpu.vector_load %arg8[%get3A_282, %get3A_283] {strides = array<i32>} : memref<125x80xi32, #tpu.memory_space<vmem>>, vector<16xi32>,
      %and3A_285 = arith.constant 7 : i32
      %and3A_286 = vector.broadcast %and3A_285 : i32 to vector<16xi32>
      %and3A_287 = arith.andi %get3A_284, %and3A_286 : vector<16xi32>
      %add3A_288 = arith.constant 5000 : i32
      %add3A_289 = vector.broadcast %add3A_288 : i32 to vector<16xi32>
      %add3A_290 = arith.addi %add3A_289, %and3A_287 : vector<16xi32>
      %lt3A_291 = arith.constant 5000 : i32
      %lt3A_292 = vector.broadcast %lt3A_291 : i32 to vector<16xi32>
      %lt3A_293 = arith.cmpi slt, %get3A_284, %lt3A_292 : vector<16xi32>
      %select_n3A_294 = arith.select %lt3A_293, %get3A_284, %add3A_290 : vector<16xi1>, vector<16xi32>
      %swap3A_295 = arith.constant 1 : i32
      %swap3A_296 = arith.index_cast %swap3A_295 : i32 to index
      %swap3A_297 = arith.constant 48 : index
      %swap3A_298 = tpu.vector_load %arg9[%swap3A_296, %swap3A_297] {strides = array<i32>} : memref<5x80xi32, #tpu.memory_space<vmem>>, vector<16xi32>,
      tpu.vector_store %arg9[%swap3A_296, %swap3A_297], %select_n3A_294 {strides = array<i32>} : memref<5x80xi32, #tpu.memory_space<vmem>>, vector<16xi32>,
      %get3A_299 = arith.index_cast %add3A_230 : i32 to index
      %get3A_300 = arith.constant 64 : index
      %get3A_301 = tpu.vector_load %arg8[%get3A_299, %get3A_300] {strides = array<i32>} : memref<125x80xi32, #tpu.memory_space<vmem>>, vector<16xi32>,
      %and3A_302 = arith.constant 7 : i32
      %and3A_303 = vector.broadcast %and3A_302 : i32 to vector<16xi32>
      %and3A_304 = arith.andi %get3A_301, %and3A_303 : vector<16xi32>
      %add3A_305 = arith.constant 5000 : i32
      %add3A_306 = vector.broadcast %add3A_305 : i32 to vector<16xi32>
      %add3A_307 = arith.addi %add3A_306, %and3A_304 : vector<16xi32>
      %lt3A_308 = arith.constant 5000 : i32
      %lt3A_309 = vector.broadcast %lt3A_308 : i32 to vector<16xi32>
      %lt3A_310 = arith.cmpi slt, %get3A_301, %lt3A_309 : vector<16xi32>
      %select_n3A_311 = arith.select %lt3A_310, %get3A_301, %add3A_307 : vector<16xi1>, vector<16xi32>
      %swap3A_312 = arith.constant 1 : i32
      %swap3A_313 = arith.index_cast %swap3A_312 : i32 to index
      %swap3A_314 = arith.constant 64 : index
      %swap3A_315 = tpu.vector_load %arg9[%swap3A_313, %swap3A_314] {strides = array<i32>} : memref<5x80xi32, #tpu.memory_space<vmem>>, vector<16xi32>,
      tpu.vector_store %arg9[%swap3A_313, %swap3A_314], %select_n3A_311 {strides = array<i32>} : memref<5x80xi32, #tpu.memory_space<vmem>>, vector<16xi32>,
      %dma_wait3A_316 = arith.constant 0 : i32
      %dma_wait3A_317 = tpu.memref_slice %arg7[%add3A_230, %dma_wait3A_316] : memref<125x80xi32, #tpu.memory_space<vmem>> -> memref<1x80xi32, #tpu.memory_space<vmem>>
      %dma_wait3A_318 = tpu.memref_squeeze %dma_wait3A_317 : memref<1x80xi32, #tpu.memory_space<vmem>> -> memref<80xi32, #tpu.memory_space<vmem>>
      %dma_wait3A_319 = arith.constant 0 : i32
      %dma_wait3A_320 = arith.constant 0 : i32
      %dma_wait3A_321 = tpu.memref_slice %arg2[%dma_wait3A_319, %dma_wait3A_320] : memref<10000x128xf32, #tpu.memory_space<hbm>> -> memref<10000x128xf32, #tpu.memory_space<hbm>>
      tpu.wait_indirect_dma semaphore(%arg16 : memref<!tpu.dma_semaphore, #tpu.memory_space<semaphore_mem>>) src(%dma_wait3A_321 : memref<10000x128xf32, #tpu.memory_space<hbm>>) dst(%arg11 : memref<80x128xf32, #tpu.memory_space<vmem>>)
      %dma_start3A_322 = arith.constant 1 : i32
      %dma_start3A_323 = arith.constant 0 : i32
      %dma_start3A_324 = tpu.memref_slice %arg9[%dma_start3A_322, %dma_start3A_323] : memref<5x80xi32, #tpu.memory_space<vmem>> -> memref<1x80xi32, #tpu.memory_space<vmem>>
      %dma_start3A_325 = tpu.memref_squeeze %dma_start3A_324 : memref<1x80xi32, #tpu.memory_space<vmem>> -> memref<80xi32, #tpu.memory_space<vmem>>
      %dma_start3A_326 = arith.constant 0 : i32
      %dma_start3A_327 = arith.constant 0 : i32
      %dma_start3A_328 = tpu.memref_slice %arg25[%dma_start3A_326, %dma_start3A_327] : memref<5008x128xf32, #tpu.memory_space<vmem_shared>> -> memref<5008x128xf32, #tpu.memory_space<vmem_shared>>
      tpu.enqueue_indirect_dma source(%arg11 : memref<80x128xf32, #tpu.memory_space<vmem>>) target(%dma_start3A_328 : memref<5008x128xf32, #tpu.memory_space<vmem_shared>>) offsets(%dma_start3A_325 : memref<80xi32, #tpu.memory_space<vmem>>) semaphore(%arg21 : memref<!tpu.dma_semaphore, #tpu.memory_space<semaphore_mem>>) {add = true}
      %ge3A_329 = arith.constant 1 : i32
      %ge3A_330 = arith.cmpi sge, %add3A_230, %ge3A_329 : i32
      %convert_element_type3A_331 = arith.extui %ge3A_330 : i1 to i32
      %cond3A_332 = arith.constant 0 : i32
      %cond3A_333 = arith.cmpi ne, %convert_element_type3A_331, %cond3A_332 : i32
      scf.if %cond3A_333 {
        %dma_wait3A_677 = arith.constant 0 : i32
        %dma_wait3A_678 = arith.constant 0 : i32
        %dma_wait3A_679 = tpu.memref_slice %arg9[%dma_wait3A_677, %dma_wait3A_678] : memref<5x80xi32, #tpu.memory_space<vmem>> -> memref<1x80xi32, #tpu.memory_space<vmem>>
        %dma_wait3A_680 = tpu.memref_squeeze %dma_wait3A_679 : memref<1x80xi32, #tpu.memory_space<vmem>> -> memref<80xi32, #tpu.memory_space<vmem>>
        %dma_wait3A_681 = arith.constant 0 : i32
        %dma_wait3A_682 = arith.constant 0 : i32
        %dma_wait3A_683 = tpu.memref_slice %arg25[%dma_wait3A_681, %dma_wait3A_682] : memref<5008x128xf32, #tpu.memory_space<vmem_shared>> -> memref<5008x128xf32, #tpu.memory_space<vmem_shared>>
        tpu.wait_indirect_dma semaphore(%arg20 : memref<!tpu.dma_semaphore, #tpu.memory_space<semaphore_mem>>) src(%arg10 : memref<80x128xf32, #tpu.memory_space<vmem>>) dst(%dma_wait3A_683 : memref<5008x128xf32, #tpu.memory_space<vmem_shared>>)
      } else {
      }
      %add3A_334 = arith.constant 4 : i32
      %add3A_335 = arith.addi %add3A_230, %add3A_334 : i32
      %lt3A_336 = arith.constant 125 : i32
      %lt3A_337 = arith.cmpi slt, %add3A_335, %lt3A_336 : i32
      %convert_element_type3A_338 = arith.extui %lt3A_337 : i1 to i32
      %cond3A_339 = arith.constant 0 : i32
      %cond3A_340 = arith.cmpi ne, %convert_element_type3A_338, %cond3A_339 : i32
      scf.if %cond3A_340 {
        %add3A_677 = arith.constant 4 : i32
        %add3A_678 = arith.addi %add3A_230, %add3A_677 : i32
        %dma_start3A_679 = arith.constant 0 : i32
        %dma_start3A_680 = tpu.memref_slice %arg7[%add3A_678, %dma_start3A_679] : memref<125x80xi32, #tpu.memory_space<vmem>> -> memref<1x80xi32, #tpu.memory_space<vmem>>
        %dma_start3A_681 = tpu.memref_squeeze %dma_start3A_680 : memref<1x80xi32, #tpu.memory_space<vmem>> -> memref<80xi32, #tpu.memory_space<vmem>>
        %dma_start3A_682 = arith.constant 0 : i32
        %dma_start3A_683 = arith.constant 0 : i32
        %dma_start3A_684 = tpu.memref_slice %arg2[%dma_start3A_682, %dma_start3A_683] : memref<10000x128xf32, #tpu.memory_space<hbm>> -> memref<10000x128xf32, #tpu.memory_space<hbm>>
        tpu.enqueue_indirect_dma source(%dma_start3A_684 : memref<10000x128xf32, #tpu.memory_space<hbm>>) target(%arg10 : memref<80x128xf32, #tpu.memory_space<vmem>>) offsets(%dma_start3A_681 : memref<80xi32, #tpu.memory_space<vmem>>) semaphore(%arg15 : memref<!tpu.dma_semaphore, #tpu.memory_space<semaphore_mem>>)
      } else {
      }
      %add3A_341 = arith.constant 2 : i32
      %add3A_342 = arith.addi %add3A_122, %add3A_341 : i32
      %get3A_343 = arith.index_cast %add3A_342 : i32 to index
      %get3A_344 = arith.constant 0 : index
      %get3A_345 = tpu.vector_load %arg8[%get3A_343, %get3A_344] {strides = array<i32>} : memref<125x80xi32, #tpu.memory_space<vmem>>, vector<16xi32>,
      %and3A_346 = arith.constant 7 : i32
      %and3A_347 = vector.broadcast %and3A_346 : i32 to vector<16xi32>
      %and3A_348 = arith.andi %get3A_345, %and3A_347 : vector<16xi32>
      %add3A_349 = arith.constant 5000 : i32
      %add3A_350 = vector.broadcast %add3A_349 : i32 to vector<16xi32>
      %add3A_351 = arith.addi %add3A_350, %and3A_348 : vector<16xi32>
      %lt3A_352 = arith.constant 5000 : i32
      %lt3A_353 = vector.broadcast %lt3A_352 : i32 to vector<16xi32>
      %lt3A_354 = arith.cmpi slt, %get3A_345, %lt3A_353 : vector<16xi32>
      %select_n3A_355 = arith.select %lt3A_354, %get3A_345, %add3A_351 : vector<16xi1>, vector<16xi32>
      %swap3A_356 = arith.constant 2 : i32
      %swap3A_357 = arith.index_cast %swap3A_356 : i32 to index
      %swap3A_358 = arith.constant 0 : index
      %swap3A_359 = tpu.vector_load %arg9[%swap3A_357, %swap3A_358] {strides = array<i32>} : memref<5x80xi32, #tpu.memory_space<vmem>>, vector<16xi32>,
      tpu.vector_store %arg9[%swap3A_357, %swap3A_358], %select_n3A_355 {strides = array<i32>} : memref<5x80xi32, #tpu.memory_space<vmem>>, vector<16xi32>,
      %get3A_360 = arith.index_cast %add3A_342 : i32 to index
      %get3A_361 = arith.constant 16 : index
      %get3A_362 = tpu.vector_load %arg8[%get3A_360, %get3A_361] {strides = array<i32>} : memref<125x80xi32, #tpu.memory_space<vmem>>, vector<16xi32>,
      %and3A_363 = arith.constant 7 : i32
      %and3A_364 = vector.broadcast %and3A_363 : i32 to vector<16xi32>
      %and3A_365 = arith.andi %get3A_362, %and3A_364 : vector<16xi32>
      %add3A_366 = arith.constant 5000 : i32
      %add3A_367 = vector.broadcast %add3A_366 : i32 to vector<16xi32>
      %add3A_368 = arith.addi %add3A_367, %and3A_365 : vector<16xi32>
      %lt3A_369 = arith.constant 5000 : i32
      %lt3A_370 = vector.broadcast %lt3A_369 : i32 to vector<16xi32>
      %lt3A_371 = arith.cmpi slt, %get3A_362, %lt3A_370 : vector<16xi32>
      %select_n3A_372 = arith.select %lt3A_371, %get3A_362, %add3A_368 : vector<16xi1>, vector<16xi32>
      %swap3A_373 = arith.constant 2 : i32
      %swap3A_374 = arith.index_cast %swap3A_373 : i32 to index
      %swap3A_375 = arith.constant 16 : index
      %swap3A_376 = tpu.vector_load %arg9[%swap3A_374, %swap3A_375] {strides = array<i32>} : memref<5x80xi32, #tpu.memory_space<vmem>>, vector<16xi32>,
      tpu.vector_store %arg9[%swap3A_374, %swap3A_375], %select_n3A_372 {strides = array<i32>} : memref<5x80xi32, #tpu.memory_space<vmem>>, vector<16xi32>,
      %get3A_377 = arith.index_cast %add3A_342 : i32 to index
      %get3A_378 = arith.constant 32 : index
      %get3A_379 = tpu.vector_load %arg8[%get3A_377, %get3A_378] {strides = array<i32>} : memref<125x80xi32, #tpu.memory_space<vmem>>, vector<16xi32>,
      %and3A_380 = arith.constant 7 : i32
      %and3A_381 = vector.broadcast %and3A_380 : i32 to vector<16xi32>
      %and3A_382 = arith.andi %get3A_379, %and3A_381 : vector<16xi32>
      %add3A_383 = arith.constant 5000 : i32
      %add3A_384 = vector.broadcast %add3A_383 : i32 to vector<16xi32>
      %add3A_385 = arith.addi %add3A_384, %and3A_382 : vector<16xi32>
      %lt3A_386 = arith.constant 5000 : i32
      %lt3A_387 = vector.broadcast %lt3A_386 : i32 to vector<16xi32>
      %lt3A_388 = arith.cmpi slt, %get3A_379, %lt3A_387 : vector<16xi32>
      %select_n3A_389 = arith.select %lt3A_388, %get3A_379, %add3A_385 : vector<16xi1>, vector<16xi32>
      %swap3A_390 = arith.constant 2 : i32
      %swap3A_391 = arith.index_cast %swap3A_390 : i32 to index
      %swap3A_392 = arith.constant 32 : index
      %swap3A_393 = tpu.vector_load %arg9[%swap3A_391, %swap3A_392] {strides = array<i32>} : memref<5x80xi32, #tpu.memory_space<vmem>>, vector<16xi32>,
      tpu.vector_store %arg9[%swap3A_391, %swap3A_392], %select_n3A_389 {strides = array<i32>} : memref<5x80xi32, #tpu.memory_space<vmem>>, vector<16xi32>,
      %get3A_394 = arith.index_cast %add3A_342 : i32 to index
      %get3A_395 = arith.constant 48 : index
      %get3A_396 = tpu.vector_load %arg8[%get3A_394, %get3A_395] {strides = array<i32>} : memref<125x80xi32, #tpu.memory_space<vmem>>, vector<16xi32>,
      %and3A_397 = arith.constant 7 : i32
      %and3A_398 = vector.broadcast %and3A_397 : i32 to vector<16xi32>
      %and3A_399 = arith.andi %get3A_396, %and3A_398 : vector<16xi32>
      %add3A_400 = arith.constant 5000 : i32
      %add3A_401 = vector.broadcast %add3A_400 : i32 to vector<16xi32>
      %add3A_402 = arith.addi %add3A_401, %and3A_399 : vector<16xi32>
      %lt3A_403 = arith.constant 5000 : i32
      %lt3A_404 = vector.broadcast %lt3A_403 : i32 to vector<16xi32>
      %lt3A_405 = arith.cmpi slt, %get3A_396, %lt3A_404 : vector<16xi32>
      %select_n3A_406 = arith.select %lt3A_405, %get3A_396, %add3A_402 : vector<16xi1>, vector<16xi32>
      %swap3A_407 = arith.constant 2 : i32
      %swap3A_408 = arith.index_cast %swap3A_407 : i32 to index
      %swap3A_409 = arith.constant 48 : index
      %swap3A_410 = tpu.vector_load %arg9[%swap3A_408, %swap3A_409] {strides = array<i32>} : memref<5x80xi32, #tpu.memory_space<vmem>>, vector<16xi32>,
      tpu.vector_store %arg9[%swap3A_408, %swap3A_409], %select_n3A_406 {strides = array<i32>} : memref<5x80xi32, #tpu.memory_space<vmem>>, vector<16xi32>,
      %get3A_411 = arith.index_cast %add3A_342 : i32 to index
      %get3A_412 = arith.constant 64 : index
      %get3A_413 = tpu.vector_load %arg8[%get3A_411, %get3A_412] {strides = array<i32>} : memref<125x80xi32, #tpu.memory_space<vmem>>, vector<16xi32>,
      %and3A_414 = arith.constant 7 : i32
      %and3A_415 = vector.broadcast %and3A_414 : i32 to vector<16xi32>
      %and3A_416 = arith.andi %get3A_413, %and3A_415 : vector<16xi32>
      %add3A_417 = arith.constant 5000 : i32
      %add3A_418 = vector.broadcast %add3A_417 : i32 to vector<16xi32>
      %add3A_419 = arith.addi %add3A_418, %and3A_416 : vector<16xi32>
      %lt3A_420 = arith.constant 5000 : i32
      %lt3A_421 = vector.broadcast %lt3A_420 : i32 to vector<16xi32>
      %lt3A_422 = arith.cmpi slt, %get3A_413, %lt3A_421 : vector<16xi32>
      %select_n3A_423 = arith.select %lt3A_422, %get3A_413, %add3A_419 : vector<16xi1>, vector<16xi32>
      %swap3A_424 = arith.constant 2 : i32
      %swap3A_425 = arith.index_cast %swap3A_424 : i32 to index
      %swap3A_426 = arith.constant 64 : index
      %swap3A_427 = tpu.vector_load %arg9[%swap3A_425, %swap3A_426] {strides = array<i32>} : memref<5x80xi32, #tpu.memory_space<vmem>>, vector<16xi32>,
      tpu.vector_store %arg9[%swap3A_425, %swap3A_426], %select_n3A_423 {strides = array<i32>} : memref<5x80xi32, #tpu.memory_space<vmem>>, vector<16xi32>,
      %dma_wait3A_428 = arith.constant 0 : i32
      %dma_wait3A_429 = tpu.memref_slice %arg7[%add3A_342, %dma_wait3A_428] : memref<125x80xi32, #tpu.memory_space<vmem>> -> memref<1x80xi32, #tpu.memory_space<vmem>>
      %dma_wait3A_430 = tpu.memref_squeeze %dma_wait3A_429 : memref<1x80xi32, #tpu.memory_space<vmem>> -> memref<80xi32, #tpu.memory_space<vmem>>
      %dma_wait3A_431 = arith.constant 0 : i32
      %dma_wait3A_432 = arith.constant 0 : i32
      %dma_wait3A_433 = tpu.memref_slice %arg2[%dma_wait3A_431, %dma_wait3A_432] : memref<10000x128xf32, #tpu.memory_space<hbm>> -> memref<10000x128xf32, #tpu.memory_space<hbm>>
      tpu.wait_indirect_dma semaphore(%arg17 : memref<!tpu.dma_semaphore, #tpu.memory_space<semaphore_mem>>) src(%dma_wait3A_433 : memref<10000x128xf32, #tpu.memory_space<hbm>>) dst(%arg12 : memref<80x128xf32, #tpu.memory_space<vmem>>)
      %dma_start3A_434 = arith.constant 2 : i32
      %dma_start3A_435 = arith.constant 0 : i32
      %dma_start3A_436 = tpu.memref_slice %arg9[%dma_start3A_434, %dma_start3A_435] : memref<5x80xi32, #tpu.memory_space<vmem>> -> memref<1x80xi32, #tpu.memory_space<vmem>>
      %dma_start3A_437 = tpu.memref_squeeze %dma_start3A_436 : memref<1x80xi32, #tpu.memory_space<vmem>> -> memref<80xi32, #tpu.memory_space<vmem>>
      %dma_start3A_438 = arith.constant 0 : i32
      %dma_start3A_439 = arith.constant 0 : i32
      %dma_start3A_440 = tpu.memref_slice %arg25[%dma_start3A_438, %dma_start3A_439] : memref<5008x128xf32, #tpu.memory_space<vmem_shared>> -> memref<5008x128xf32, #tpu.memory_space<vmem_shared>>
      tpu.enqueue_indirect_dma source(%arg12 : memref<80x128xf32, #tpu.memory_space<vmem>>) target(%dma_start3A_440 : memref<5008x128xf32, #tpu.memory_space<vmem_shared>>) offsets(%dma_start3A_437 : memref<80xi32, #tpu.memory_space<vmem>>) semaphore(%arg22 : memref<!tpu.dma_semaphore, #tpu.memory_space<semaphore_mem>>) {add = true}
      %ge3A_441 = arith.constant 1 : i32
      %ge3A_442 = arith.cmpi sge, %add3A_342, %ge3A_441 : i32
      %convert_element_type3A_443 = arith.extui %ge3A_442 : i1 to i32
      %cond3A_444 = arith.constant 0 : i32
      %cond3A_445 = arith.cmpi ne, %convert_element_type3A_443, %cond3A_444 : i32
      scf.if %cond3A_445 {
        %dma_wait3A_677 = arith.constant 1 : i32
        %dma_wait3A_678 = arith.constant 0 : i32
        %dma_wait3A_679 = tpu.memref_slice %arg9[%dma_wait3A_677, %dma_wait3A_678] : memref<5x80xi32, #tpu.memory_space<vmem>> -> memref<1x80xi32, #tpu.memory_space<vmem>>
        %dma_wait3A_680 = tpu.memref_squeeze %dma_wait3A_679 : memref<1x80xi32, #tpu.memory_space<vmem>> -> memref<80xi32, #tpu.memory_space<vmem>>
        %dma_wait3A_681 = arith.constant 0 : i32
        %dma_wait3A_682 = arith.constant 0 : i32
        %dma_wait3A_683 = tpu.memref_slice %arg25[%dma_wait3A_681, %dma_wait3A_682] : memref<5008x128xf32, #tpu.memory_space<vmem_shared>> -> memref<5008x128xf32, #tpu.memory_space<vmem_shared>>
        tpu.wait_indirect_dma semaphore(%arg21 : memref<!tpu.dma_semaphore, #tpu.memory_space<semaphore_mem>>) src(%arg11 : memref<80x128xf32, #tpu.memory_space<vmem>>) dst(%dma_wait3A_683 : memref<5008x128xf32, #tpu.memory_space<vmem_shared>>)
      } else {
      }
      %add3A_446 = arith.constant 4 : i32
      %add3A_447 = arith.addi %add3A_342, %add3A_446 : i32
      %lt3A_448 = arith.constant 125 : i32
      %lt3A_449 = arith.cmpi slt, %add3A_447, %lt3A_448 : i32
      %convert_element_type3A_450 = arith.extui %lt3A_449 : i1 to i32
      %cond3A_451 = arith.constant 0 : i32
      %cond3A_452 = arith.cmpi ne, %convert_element_type3A_450, %cond3A_451 : i32
      scf.if %cond3A_452 {
        %add3A_677 = arith.constant 4 : i32
        %add3A_678 = arith.addi %add3A_342, %add3A_677 : i32
        %dma_start3A_679 = arith.constant 0 : i32
        %dma_start3A_680 = tpu.memref_slice %arg7[%add3A_678, %dma_start3A_679] : memref<125x80xi32, #tpu.memory_space<vmem>> -> memref<1x80xi32, #tpu.memory_space<vmem>>
        %dma_start3A_681 = tpu.memref_squeeze %dma_start3A_680 : memref<1x80xi32, #tpu.memory_space<vmem>> -> memref<80xi32, #tpu.memory_space<vmem>>
        %dma_start3A_682 = arith.constant 0 : i32
        %dma_start3A_683 = arith.constant 0 : i32
        %dma_start3A_684 = tpu.memref_slice %arg2[%dma_start3A_682, %dma_start3A_683] : memref<10000x128xf32, #tpu.memory_space<hbm>> -> memref<10000x128xf32, #tpu.memory_space<hbm>>
        tpu.enqueue_indirect_dma source(%dma_start3A_684 : memref<10000x128xf32, #tpu.memory_space<hbm>>) target(%arg11 : memref<80x128xf32, #tpu.memory_space<vmem>>) offsets(%dma_start3A_681 : memref<80xi32, #tpu.memory_space<vmem>>) semaphore(%arg16 : memref<!tpu.dma_semaphore, #tpu.memory_space<semaphore_mem>>)
      } else {
      }
      %add3A_453 = arith.constant 3 : i32
      %add3A_454 = arith.addi %add3A_122, %add3A_453 : i32
      %get3A_455 = arith.index_cast %add3A_454 : i32 to index
      %get3A_456 = arith.constant 0 : index
      %get3A_457 = tpu.vector_load %arg8[%get3A_455, %get3A_456] {strides = array<i32>} : memref<125x80xi32, #tpu.memory_space<vmem>>, vector<16xi32>,
      %and3A_458 = arith.constant 7 : i32
      %and3A_459 = vector.broadcast %and3A_458 : i32 to vector<16xi32>
      %and3A_460 = arith.andi %get3A_457, %and3A_459 : vector<16xi32>
      %add3A_461 = arith.constant 5000 : i32
      %add3A_462 = vector.broadcast %add3A_461 : i32 to vector<16xi32>
      %add3A_463 = arith.addi %add3A_462, %and3A_460 : vector<16xi32>
      %lt3A_464 = arith.constant 5000 : i32
      %lt3A_465 = vector.broadcast %lt3A_464 : i32 to vector<16xi32>
      %lt3A_466 = arith.cmpi slt, %get3A_457, %lt3A_465 : vector<16xi32>
      %select_n3A_467 = arith.select %lt3A_466, %get3A_457, %add3A_463 : vector<16xi1>, vector<16xi32>
      %swap3A_468 = arith.constant 3 : i32
      %swap3A_469 = arith.index_cast %swap3A_468 : i32 to index
      %swap3A_470 = arith.constant 0 : index
      %swap3A_471 = tpu.vector_load %arg9[%swap3A_469, %swap3A_470] {strides = array<i32>} : memref<5x80xi32, #tpu.memory_space<vmem>>, vector<16xi32>,
      tpu.vector_store %arg9[%swap3A_469, %swap3A_470], %select_n3A_467 {strides = array<i32>} : memref<5x80xi32, #tpu.memory_space<vmem>>, vector<16xi32>,
      %get3A_472 = arith.index_cast %add3A_454 : i32 to index
      %get3A_473 = arith.constant 16 : index
      %get3A_474 = tpu.vector_load %arg8[%get3A_472, %get3A_473] {strides = array<i32>} : memref<125x80xi32, #tpu.memory_space<vmem>>, vector<16xi32>,
      %and3A_475 = arith.constant 7 : i32
      %and3A_476 = vector.broadcast %and3A_475 : i32 to vector<16xi32>
      %and3A_477 = arith.andi %get3A_474, %and3A_476 : vector<16xi32>
      %add3A_478 = arith.constant 5000 : i32
      %add3A_479 = vector.broadcast %add3A_478 : i32 to vector<16xi32>
      %add3A_480 = arith.addi %add3A_479, %and3A_477 : vector<16xi32>
      %lt3A_481 = arith.constant 5000 : i32
      %lt3A_482 = vector.broadcast %lt3A_481 : i32 to vector<16xi32>
      %lt3A_483 = arith.cmpi slt, %get3A_474, %lt3A_482 : vector<16xi32>
      %select_n3A_484 = arith.select %lt3A_483, %get3A_474, %add3A_480 : vector<16xi1>, vector<16xi32>
      %swap3A_485 = arith.constant 3 : i32
      %swap3A_486 = arith.index_cast %swap3A_485 : i32 to index
      %swap3A_487 = arith.constant 16 : index
      %swap3A_488 = tpu.vector_load %arg9[%swap3A_486, %swap3A_487] {strides = array<i32>} : memref<5x80xi32, #tpu.memory_space<vmem>>, vector<16xi32>,
      tpu.vector_store %arg9[%swap3A_486, %swap3A_487], %select_n3A_484 {strides = array<i32>} : memref<5x80xi32, #tpu.memory_space<vmem>>, vector<16xi32>,
      %get3A_489 = arith.index_cast %add3A_454 : i32 to index
      %get3A_490 = arith.constant 32 : index
      %get3A_491 = tpu.vector_load %arg8[%get3A_489, %get3A_490] {strides = array<i32>} : memref<125x80xi32, #tpu.memory_space<vmem>>, vector<16xi32>,
      %and3A_492 = arith.constant 7 : i32
      %and3A_493 = vector.broadcast %and3A_492 : i32 to vector<16xi32>
      %and3A_494 = arith.andi %get3A_491, %and3A_493 : vector<16xi32>
      %add3A_495 = arith.constant 5000 : i32
      %add3A_496 = vector.broadcast %add3A_495 : i32 to vector<16xi32>
      %add3A_497 = arith.addi %add3A_496, %and3A_494 : vector<16xi32>
      %lt3A_498 = arith.constant 5000 : i32
      %lt3A_499 = vector.broadcast %lt3A_498 : i32 to vector<16xi32>
      %lt3A_500 = arith.cmpi slt, %get3A_491, %lt3A_499 : vector<16xi32>
      %select_n3A_501 = arith.select %lt3A_500, %get3A_491, %add3A_497 : vector<16xi1>, vector<16xi32>
      %swap3A_502 = arith.constant 3 : i32
      %swap3A_503 = arith.index_cast %swap3A_502 : i32 to index
      %swap3A_504 = arith.constant 32 : index
      %swap3A_505 = tpu.vector_load %arg9[%swap3A_503, %swap3A_504] {strides = array<i32>} : memref<5x80xi32, #tpu.memory_space<vmem>>, vector<16xi32>,
      tpu.vector_store %arg9[%swap3A_503, %swap3A_504], %select_n3A_501 {strides = array<i32>} : memref<5x80xi32, #tpu.memory_space<vmem>>, vector<16xi32>,
      %get3A_506 = arith.index_cast %add3A_454 : i32 to index
      %get3A_507 = arith.constant 48 : index
      %get3A_508 = tpu.vector_load %arg8[%get3A_506, %get3A_507] {strides = array<i32>} : memref<125x80xi32, #tpu.memory_space<vmem>>, vector<16xi32>,
      %and3A_509 = arith.constant 7 : i32
      %and3A_510 = vector.broadcast %and3A_509 : i32 to vector<16xi32>
      %and3A_511 = arith.andi %get3A_508, %and3A_510 : vector<16xi32>
      %add3A_512 = arith.constant 5000 : i32
      %add3A_513 = vector.broadcast %add3A_512 : i32 to vector<16xi32>
      %add3A_514 = arith.addi %add3A_513, %and3A_511 : vector<16xi32>
      %lt3A_515 = arith.constant 5000 : i32
      %lt3A_516 = vector.broadcast %lt3A_515 : i32 to vector<16xi32>
      %lt3A_517 = arith.cmpi slt, %get3A_508, %lt3A_516 : vector<16xi32>
      %select_n3A_518 = arith.select %lt3A_517, %get3A_508, %add3A_514 : vector<16xi1>, vector<16xi32>
      %swap3A_519 = arith.constant 3 : i32
      %swap3A_520 = arith.index_cast %swap3A_519 : i32 to index
      %swap3A_521 = arith.constant 48 : index
      %swap3A_522 = tpu.vector_load %arg9[%swap3A_520, %swap3A_521] {strides = array<i32>} : memref<5x80xi32, #tpu.memory_space<vmem>>, vector<16xi32>,
      tpu.vector_store %arg9[%swap3A_520, %swap3A_521], %select_n3A_518 {strides = array<i32>} : memref<5x80xi32, #tpu.memory_space<vmem>>, vector<16xi32>,
      %get3A_523 = arith.index_cast %add3A_454 : i32 to index
      %get3A_524 = arith.constant 64 : index
      %get3A_525 = tpu.vector_load %arg8[%get3A_523, %get3A_524] {strides = array<i32>} : memref<125x80xi32, #tpu.memory_space<vmem>>, vector<16xi32>,
      %and3A_526 = arith.constant 7 : i32
      %and3A_527 = vector.broadcast %and3A_526 : i32 to vector<16xi32>
      %and3A_528 = arith.andi %get3A_525, %and3A_527 : vector<16xi32>
      %add3A_529 = arith.constant 5000 : i32
      %add3A_530 = vector.broadcast %add3A_529 : i32 to vector<16xi32>
      %add3A_531 = arith.addi %add3A_530, %and3A_528 : vector<16xi32>
      %lt3A_532 = arith.constant 5000 : i32
      %lt3A_533 = vector.broadcast %lt3A_532 : i32 to vector<16xi32>
      %lt3A_534 = arith.cmpi slt, %get3A_525, %lt3A_533 : vector<16xi32>
      %select_n3A_535 = arith.select %lt3A_534, %get3A_525, %add3A_531 : vector<16xi1>, vector<16xi32>
      %swap3A_536 = arith.constant 3 : i32
      %swap3A_537 = arith.index_cast %swap3A_536 : i32 to index
      %swap3A_538 = arith.constant 64 : index
      %swap3A_539 = tpu.vector_load %arg9[%swap3A_537, %swap3A_538] {strides = array<i32>} : memref<5x80xi32, #tpu.memory_space<vmem>>, vector<16xi32>,
      tpu.vector_store %arg9[%swap3A_537, %swap3A_538], %select_n3A_535 {strides = array<i32>} : memref<5x80xi32, #tpu.memory_space<vmem>>, vector<16xi32>,
      %dma_wait3A_540 = arith.constant 0 : i32
      %dma_wait3A_541 = tpu.memref_slice %arg7[%add3A_454, %dma_wait3A_540] : memref<125x80xi32, #tpu.memory_space<vmem>> -> memref<1x80xi32, #tpu.memory_space<vmem>>
      %dma_wait3A_542 = tpu.memref_squeeze %dma_wait3A_541 : memref<1x80xi32, #tpu.memory_space<vmem>> -> memref<80xi32, #tpu.memory_space<vmem>>
      %dma_wait3A_543 = arith.constant 0 : i32
      %dma_wait3A_544 = arith.constant 0 : i32
      %dma_wait3A_545 = tpu.memref_slice %arg2[%dma_wait3A_543, %dma_wait3A_544] : memref<10000x128xf32, #tpu.memory_space<hbm>> -> memref<10000x128xf32, #tpu.memory_space<hbm>>
      tpu.wait_indirect_dma semaphore(%arg18 : memref<!tpu.dma_semaphore, #tpu.memory_space<semaphore_mem>>) src(%dma_wait3A_545 : memref<10000x128xf32, #tpu.memory_space<hbm>>) dst(%arg13 : memref<80x128xf32, #tpu.memory_space<vmem>>)
      %dma_start3A_546 = arith.constant 3 : i32
      %dma_start3A_547 = arith.constant 0 : i32
      %dma_start3A_548 = tpu.memref_slice %arg9[%dma_start3A_546, %dma_start3A_547] : memref<5x80xi32, #tpu.memory_space<vmem>> -> memref<1x80xi32, #tpu.memory_space<vmem>>
      %dma_start3A_549 = tpu.memref_squeeze %dma_start3A_548 : memref<1x80xi32, #tpu.memory_space<vmem>> -> memref<80xi32, #tpu.memory_space<vmem>>
      %dma_start3A_550 = arith.constant 0 : i32
      %dma_start3A_551 = arith.constant 0 : i32
      %dma_start3A_552 = tpu.memref_slice %arg25[%dma_start3A_550, %dma_start3A_551] : memref<5008x128xf32, #tpu.memory_space<vmem_shared>> -> memref<5008x128xf32, #tpu.memory_space<vmem_shared>>
      tpu.enqueue_indirect_dma source(%arg13 : memref<80x128xf32, #tpu.memory_space<vmem>>) target(%dma_start3A_552 : memref<5008x128xf32, #tpu.memory_space<vmem_shared>>) offsets(%dma_start3A_549 : memref<80xi32, #tpu.memory_space<vmem>>) semaphore(%arg23 : memref<!tpu.dma_semaphore, #tpu.memory_space<semaphore_mem>>) {add = true}
      %ge3A_553 = arith.constant 1 : i32
      %ge3A_554 = arith.cmpi sge, %add3A_454, %ge3A_553 : i32
      %convert_element_type3A_555 = arith.extui %ge3A_554 : i1 to i32
      %cond3A_556 = arith.constant 0 : i32
      %cond3A_557 = arith.cmpi ne, %convert_element_type3A_555, %cond3A_556 : i32
      scf.if %cond3A_557 {
        %dma_wait3A_677 = arith.constant 2 : i32
        %dma_wait3A_678 = arith.constant 0 : i32
        %dma_wait3A_679 = tpu.memref_slice %arg9[%dma_wait3A_677, %dma_wait3A_678] : memref<5x80xi32, #tpu.memory_space<vmem>> -> memref<1x80xi32, #tpu.memory_space<vmem>>
        %dma_wait3A_680 = tpu.memref_squeeze %dma_wait3A_679 : memref<1x80xi32, #tpu.memory_space<vmem>> -> memref<80xi32, #tpu.memory_space<vmem>>
        %dma_wait3A_681 = arith.constant 0 : i32
        %dma_wait3A_682 = arith.constant 0 : i32
        %dma_wait3A_683 = tpu.memref_slice %arg25[%dma_wait3A_681, %dma_wait3A_682] : memref<5008x128xf32, #tpu.memory_space<vmem_shared>> -> memref<5008x128xf32, #tpu.memory_space<vmem_shared>>
        tpu.wait_indirect_dma semaphore(%arg22 : memref<!tpu.dma_semaphore, #tpu.memory_space<semaphore_mem>>) src(%arg12 : memref<80x128xf32, #tpu.memory_space<vmem>>) dst(%dma_wait3A_683 : memref<5008x128xf32, #tpu.memory_space<vmem_shared>>)
      } else {
      }
      %add3A_558 = arith.constant 4 : i32
      %add3A_559 = arith.addi %add3A_454, %add3A_558 : i32
      %lt3A_560 = arith.constant 125 : i32
      %lt3A_561 = arith.cmpi slt, %add3A_559, %lt3A_560 : i32
      %convert_element_type3A_562 = arith.extui %lt3A_561 : i1 to i32
      %cond3A_563 = arith.constant 0 : i32
      %cond3A_564 = arith.cmpi ne, %convert_element_type3A_562, %cond3A_563 : i32
      scf.if %cond3A_564 {
        %add3A_677 = arith.constant 4 : i32
        %add3A_678 = arith.addi %add3A_454, %add3A_677 : i32
        %dma_start3A_679 = arith.constant 0 : i32
        %dma_start3A_680 = tpu.memref_slice %arg7[%add3A_678, %dma_start3A_679] : memref<125x80xi32, #tpu.memory_space<vmem>> -> memref<1x80xi32, #tpu.memory_space<vmem>>
        %dma_start3A_681 = tpu.memref_squeeze %dma_start3A_680 : memref<1x80xi32, #tpu.memory_space<vmem>> -> memref<80xi32, #tpu.memory_space<vmem>>
        %dma_start3A_682 = arith.constant 0 : i32
        %dma_start3A_683 = arith.constant 0 : i32
        %dma_start3A_684 = tpu.memref_slice %arg2[%dma_start3A_682, %dma_start3A_683] : memref<10000x128xf32, #tpu.memory_space<hbm>> -> memref<10000x128xf32, #tpu.memory_space<hbm>>
        tpu.enqueue_indirect_dma source(%dma_start3A_684 : memref<10000x128xf32, #tpu.memory_space<hbm>>) target(%arg12 : memref<80x128xf32, #tpu.memory_space<vmem>>) offsets(%dma_start3A_681 : memref<80xi32, #tpu.memory_space<vmem>>) semaphore(%arg17 : memref<!tpu.dma_semaphore, #tpu.memory_space<semaphore_mem>>)
      } else {
      }
      %add3A_565 = arith.constant 4 : i32
      %add3A_566 = arith.addi %add3A_122, %add3A_565 : i32
      %get3A_567 = arith.index_cast %add3A_566 : i32 to index
      %get3A_568 = arith.constant 0 : index
      %get3A_569 = tpu.vector_load %arg8[%get3A_567, %get3A_568] {strides = array<i32>} : memref<125x80xi32, #tpu.memory_space<vmem>>, vector<16xi32>,
      %and3A_570 = arith.constant 7 : i32
      %and3A_571 = vector.broadcast %and3A_570 : i32 to vector<16xi32>
      %and3A_572 = arith.andi %get3A_569, %and3A_571 : vector<16xi32>
      %add3A_573 = arith.constant 5000 : i32
      %add3A_574 = vector.broadcast %add3A_573 : i32 to vector<16xi32>
      %add3A_575 = arith.addi %add3A_574, %and3A_572 : vector<16xi32>
      %lt3A_576 = arith.constant 5000 : i32
      %lt3A_577 = vector.broadcast %lt3A_576 : i32 to vector<16xi32>
      %lt3A_578 = arith.cmpi slt, %get3A_569, %lt3A_577 : vector<16xi32>
      %select_n3A_579 = arith.select %lt3A_578, %get3A_569, %add3A_575 : vector<16xi1>, vector<16xi32>
      %swap3A_580 = arith.constant 4 : i32
      %swap3A_581 = arith.index_cast %swap3A_580 : i32 to index
      %swap3A_582 = arith.constant 0 : index
      %swap3A_583 = tpu.vector_load %arg9[%swap3A_581, %swap3A_582] {strides = array<i32>} : memref<5x80xi32, #tpu.memory_space<vmem>>, vector<16xi32>,
      tpu.vector_store %arg9[%swap3A_581, %swap3A_582], %select_n3A_579 {strides = array<i32>} : memref<5x80xi32, #tpu.memory_space<vmem>>, vector<16xi32>,
      %get3A_584 = arith.index_cast %add3A_566 : i32 to index
      %get3A_585 = arith.constant 16 : index
      %get3A_586 = tpu.vector_load %arg8[%get3A_584, %get3A_585] {strides = array<i32>} : memref<125x80xi32, #tpu.memory_space<vmem>>, vector<16xi32>,
      %and3A_587 = arith.constant 7 : i32
      %and3A_588 = vector.broadcast %and3A_587 : i32 to vector<16xi32>
      %and3A_589 = arith.andi %get3A_586, %and3A_588 : vector<16xi32>
      %add3A_590 = arith.constant 5000 : i32
      %add3A_591 = vector.broadcast %add3A_590 : i32 to vector<16xi32>
      %add3A_592 = arith.addi %add3A_591, %and3A_589 : vector<16xi32>
      %lt3A_593 = arith.constant 5000 : i32
      %lt3A_594 = vector.broadcast %lt3A_593 : i32 to vector<16xi32>
      %lt3A_595 = arith.cmpi slt, %get3A_586, %lt3A_594 : vector<16xi32>
      %select_n3A_596 = arith.select %lt3A_595, %get3A_586, %add3A_592 : vector<16xi1>, vector<16xi32>
      %swap3A_597 = arith.constant 4 : i32
      %swap3A_598 = arith.index_cast %swap3A_597 : i32 to index
      %swap3A_599 = arith.constant 16 : index
      %swap3A_600 = tpu.vector_load %arg9[%swap3A_598, %swap3A_599] {strides = array<i32>} : memref<5x80xi32, #tpu.memory_space<vmem>>, vector<16xi32>,
      tpu.vector_store %arg9[%swap3A_598, %swap3A_599], %select_n3A_596 {strides = array<i32>} : memref<5x80xi32, #tpu.memory_space<vmem>>, vector<16xi32>,
      %get3A_601 = arith.index_cast %add3A_566 : i32 to index
      %get3A_602 = arith.constant 32 : index
      %get3A_603 = tpu.vector_load %arg8[%get3A_601, %get3A_602] {strides = array<i32>} : memref<125x80xi32, #tpu.memory_space<vmem>>, vector<16xi32>,
      %and3A_604 = arith.constant 7 : i32
      %and3A_605 = vector.broadcast %and3A_604 : i32 to vector<16xi32>
      %and3A_606 = arith.andi %get3A_603, %and3A_605 : vector<16xi32>
      %add3A_607 = arith.constant 5000 : i32
      %add3A_608 = vector.broadcast %add3A_607 : i32 to vector<16xi32>
      %add3A_609 = arith.addi %add3A_608, %and3A_606 : vector<16xi32>
      %lt3A_610 = arith.constant 5000 : i32
      %lt3A_611 = vector.broadcast %lt3A_610 : i32 to vector<16xi32>
      %lt3A_612 = arith.cmpi slt, %get3A_603, %lt3A_611 : vector<16xi32>
      %select_n3A_613 = arith.select %lt3A_612, %get3A_603, %add3A_609 : vector<16xi1>, vector<16xi32>
      %swap3A_614 = arith.constant 4 : i32
      %swap3A_615 = arith.index_cast %swap3A_614 : i32 to index
      %swap3A_616 = arith.constant 32 : index
      %swap3A_617 = tpu.vector_load %arg9[%swap3A_615, %swap3A_616] {strides = array<i32>} : memref<5x80xi32, #tpu.memory_space<vmem>>, vector<16xi32>,
      tpu.vector_store %arg9[%swap3A_615, %swap3A_616], %select_n3A_613 {strides = array<i32>} : memref<5x80xi32, #tpu.memory_space<vmem>>, vector<16xi32>,
      %get3A_618 = arith.index_cast %add3A_566 : i32 to index
      %get3A_619 = arith.constant 48 : index
      %get3A_620 = tpu.vector_load %arg8[%get3A_618, %get3A_619] {strides = array<i32>} : memref<125x80xi32, #tpu.memory_space<vmem>>, vector<16xi32>,
      %and3A_621 = arith.constant 7 : i32
      %and3A_622 = vector.broadcast %and3A_621 : i32 to vector<16xi32>
      %and3A_623 = arith.andi %get3A_620, %and3A_622 : vector<16xi32>
      %add3A_624 = arith.constant 5000 : i32
      %add3A_625 = vector.broadcast %add3A_624 : i32 to vector<16xi32>
      %add3A_626 = arith.addi %add3A_625, %and3A_623 : vector<16xi32>
      %lt3A_627 = arith.constant 5000 : i32
      %lt3A_628 = vector.broadcast %lt3A_627 : i32 to vector<16xi32>
      %lt3A_629 = arith.cmpi slt, %get3A_620, %lt3A_628 : vector<16xi32>
      %select_n3A_630 = arith.select %lt3A_629, %get3A_620, %add3A_626 : vector<16xi1>, vector<16xi32>
      %swap3A_631 = arith.constant 4 : i32
      %swap3A_632 = arith.index_cast %swap3A_631 : i32 to index
      %swap3A_633 = arith.constant 48 : index
      %swap3A_634 = tpu.vector_load %arg9[%swap3A_632, %swap3A_633] {strides = array<i32>} : memref<5x80xi32, #tpu.memory_space<vmem>>, vector<16xi32>,
      tpu.vector_store %arg9[%swap3A_632, %swap3A_633], %select_n3A_630 {strides = array<i32>} : memref<5x80xi32, #tpu.memory_space<vmem>>, vector<16xi32>,
      %get3A_635 = arith.index_cast %add3A_566 : i32 to index
      %get3A_636 = arith.constant 64 : index
      %get3A_637 = tpu.vector_load %arg8[%get3A_635, %get3A_636] {strides = array<i32>} : memref<125x80xi32, #tpu.memory_space<vmem>>, vector<16xi32>,
      %and3A_638 = arith.constant 7 : i32
      %and3A_639 = vector.broadcast %and3A_638 : i32 to vector<16xi32>
      %and3A_640 = arith.andi %get3A_637, %and3A_639 : vector<16xi32>
      %add3A_641 = arith.constant 5000 : i32
      %add3A_642 = vector.broadcast %add3A_641 : i32 to vector<16xi32>
      %add3A_643 = arith.addi %add3A_642, %and3A_640 : vector<16xi32>
      %lt3A_644 = arith.constant 5000 : i32
      %lt3A_645 = vector.broadcast %lt3A_644 : i32 to vector<16xi32>
      %lt3A_646 = arith.cmpi slt, %get3A_637, %lt3A_645 : vector<16xi32>
      %select_n3A_647 = arith.select %lt3A_646, %get3A_637, %add3A_643 : vector<16xi1>, vector<16xi32>
      %swap3A_648 = arith.constant 4 : i32
      %swap3A_649 = arith.index_cast %swap3A_648 : i32 to index
      %swap3A_650 = arith.constant 64 : index
      %swap3A_651 = tpu.vector_load %arg9[%swap3A_649, %swap3A_650] {strides = array<i32>} : memref<5x80xi32, #tpu.memory_space<vmem>>, vector<16xi32>,
      tpu.vector_store %arg9[%swap3A_649, %swap3A_650], %select_n3A_647 {strides = array<i32>} : memref<5x80xi32, #tpu.memory_space<vmem>>, vector<16xi32>,
      %dma_wait3A_652 = arith.constant 0 : i32
      %dma_wait3A_653 = tpu.memref_slice %arg7[%add3A_566, %dma_wait3A_652] : memref<125x80xi32, #tpu.memory_space<vmem>> -> memref<1x80xi32, #tpu.memory_space<vmem>>
      %dma_wait3A_654 = tpu.memref_squeeze %dma_wait3A_653 : memref<1x80xi32, #tpu.memory_space<vmem>> -> memref<80xi32, #tpu.memory_space<vmem>>
      %dma_wait3A_655 = arith.constant 0 : i32
      %dma_wait3A_656 = arith.constant 0 : i32
      %dma_wait3A_657 = tpu.memref_slice %arg2[%dma_wait3A_655, %dma_wait3A_656] : memref<10000x128xf32, #tpu.memory_space<hbm>> -> memref<10000x128xf32, #tpu.memory_space<hbm>>
      tpu.wait_indirect_dma semaphore(%arg19 : memref<!tpu.dma_semaphore, #tpu.memory_space<semaphore_mem>>) src(%dma_wait3A_657 : memref<10000x128xf32, #tpu.memory_space<hbm>>) dst(%arg14 : memref<80x128xf32, #tpu.memory_space<vmem>>)
      %dma_start3A_658 = arith.constant 4 : i32
      %dma_start3A_659 = arith.constant 0 : i32
      %dma_start3A_660 = tpu.memref_slice %arg9[%dma_start3A_658, %dma_start3A_659] : memref<5x80xi32, #tpu.memory_space<vmem>> -> memref<1x80xi32, #tpu.memory_space<vmem>>
      %dma_start3A_661 = tpu.memref_squeeze %dma_start3A_660 : memref<1x80xi32, #tpu.memory_space<vmem>> -> memref<80xi32, #tpu.memory_space<vmem>>
      %dma_start3A_662 = arith.constant 0 : i32
      %dma_start3A_663 = arith.constant 0 : i32
      %dma_start3A_664 = tpu.memref_slice %arg25[%dma_start3A_662, %dma_start3A_663] : memref<5008x128xf32, #tpu.memory_space<vmem_shared>> -> memref<5008x128xf32, #tpu.memory_space<vmem_shared>>
      tpu.enqueue_indirect_dma source(%arg14 : memref<80x128xf32, #tpu.memory_space<vmem>>) target(%dma_start3A_664 : memref<5008x128xf32, #tpu.memory_space<vmem_shared>>) offsets(%dma_start3A_661 : memref<80xi32, #tpu.memory_space<vmem>>) semaphore(%arg24 : memref<!tpu.dma_semaphore, #tpu.memory_space<semaphore_mem>>) {add = true}
      %ge3A_665 = arith.constant 1 : i32
      %ge3A_666 = arith.cmpi sge, %add3A_566, %ge3A_665 : i32
      %convert_element_type3A_667 = arith.extui %ge3A_666 : i1 to i32
      %cond3A_668 = arith.constant 0 : i32
      %cond3A_669 = arith.cmpi ne, %convert_element_type3A_667, %cond3A_668 : i32
      scf.if %cond3A_669 {
        %dma_wait3A_677 = arith.constant 3 : i32
        %dma_wait3A_678 = arith.constant 0 : i32
        %dma_wait3A_679 = tpu.memref_slice %arg9[%dma_wait3A_677, %dma_wait3A_678] : memref<5x80xi32, #tpu.memory_space<vmem>> -> memref<1x80xi32, #tpu.memory_space<vmem>>
        %dma_wait3A_680 = tpu.memref_squeeze %dma_wait3A_679 : memref<1x80xi32, #tpu.memory_space<vmem>> -> memref<80xi32, #tpu.memory_space<vmem>>
        %dma_wait3A_681 = arith.constant 0 : i32
        %dma_wait3A_682 = arith.constant 0 : i32
        %dma_wait3A_683 = tpu.memref_slice %arg25[%dma_wait3A_681, %dma_wait3A_682] : memref<5008x128xf32, #tpu.memory_space<vmem_shared>> -> memref<5008x128xf32, #tpu.memory_space<vmem_shared>>
        tpu.wait_indirect_dma semaphore(%arg23 : memref<!tpu.dma_semaphore, #tpu.memory_space<semaphore_mem>>) src(%arg13 : memref<80x128xf32, #tpu.memory_space<vmem>>) dst(%dma_wait3A_683 : memref<5008x128xf32, #tpu.memory_space<vmem_shared>>)
      } else {
      }
      %add3A_670 = arith.constant 4 : i32
      %add3A_671 = arith.addi %add3A_566, %add3A_670 : i32
      %lt3A_672 = arith.constant 125 : i32
      %lt3A_673 = arith.cmpi slt, %add3A_671, %lt3A_672 : i32
      %convert_element_type3A_674 = arith.extui %lt3A_673 : i1 to i32
      %cond3A_675 = arith.constant 0 : i32
      %cond3A_676 = arith.cmpi ne, %convert_element_type3A_674, %cond3A_675 : i32
      scf.if %cond3A_676 {
        %add3A_677 = arith.constant 4 : i32
        %add3A_678 = arith.addi %add3A_566, %add3A_677 : i32
        %dma_start3A_679 = arith.constant 0 : i32
        %dma_start3A_680 = tpu.memref_slice %arg7[%add3A_678, %dma_start3A_679] : memref<125x80xi32, #tpu.memory_space<vmem>> -> memref<1x80xi32, #tpu.memory_space<vmem>>
        %dma_start3A_681 = tpu.memref_squeeze %dma_start3A_680 : memref<1x80xi32, #tpu.memory_space<vmem>> -> memref<80xi32, #tpu.memory_space<vmem>>
        %dma_start3A_682 = arith.constant 0 : i32
        %dma_start3A_683 = arith.constant 0 : i32
        %dma_start3A_684 = tpu.memref_slice %arg2[%dma_start3A_682, %dma_start3A_683] : memref<10000x128xf32, #tpu.memory_space<hbm>> -> memref<10000x128xf32, #tpu.memory_space<hbm>>
        tpu.enqueue_indirect_dma source(%dma_start3A_684 : memref<10000x128xf32, #tpu.memory_space<hbm>>) target(%arg13 : memref<80x128xf32, #tpu.memory_space<vmem>>) offsets(%dma_start3A_681 : memref<80xi32, #tpu.memory_space<vmem>>) semaphore(%arg18 : memref<!tpu.dma_semaphore, #tpu.memory_space<semaphore_mem>>)
      } else {
      }
    }
    %scan3A_37 = arith.constant 25 : i32
    %dma_wait3A = arith.constant 4 : i32
    %dma_wait3A_38 = arith.constant 0 : i32
    %dma_wait3A_39 = tpu.memref_slice %arg9[%dma_wait3A, %dma_wait3A_38] : memref<5x80xi32, #tpu.memory_space<vmem>> -> memref<1x80xi32, #tpu.memory_space<vmem>>
    %dma_wait3A_40 = tpu.memref_squeeze %dma_wait3A_39 : memref<1x80xi32, #tpu.memory_space<vmem>> -> memref<80xi32, #tpu.memory_space<vmem>>
    %dma_wait3A_41 = arith.constant 0 : i32
    %dma_wait3A_42 = arith.constant 0 : i32
    %dma_wait3A_43 = tpu.memref_slice %arg25[%dma_wait3A_41, %dma_wait3A_42] : memref<5008x128xf32, #tpu.memory_space<vmem_shared>> -> memref<5008x128xf32, #tpu.memory_space<vmem_shared>>
    tpu.wait_indirect_dma semaphore(%arg24 : memref<!tpu.dma_semaphore, #tpu.memory_space<semaphore_mem>>) src(%arg14 : memref<80x128xf32, #tpu.memory_space<vmem>>) dst(%dma_wait3A_43 : memref<5008x128xf32, #tpu.memory_space<vmem_shared>>)
    %barrier3A_44 = arith.constant 0 : index
    tpu.barrier barrier_id(%barrier3A_44)
    %mul3A_45 = arith.constant 312 : i32
    %mul3A_46 = arith.muli %arg1, %mul3A_45 : i32
    %mul3A_47 = arith.constant 312 : i32
    %mul3A_48 = arith.muli %arg1, %mul3A_47 : i32
    %add3A_49 = arith.constant 0 : i32
    %add3A_50 = arith.addi %add3A_49, %mul3A_48 : i32
    "tpu.region"() ({
      %run_scoped3A = tpu.sem_alloc : memref<!tpu.dma_semaphore, #tpu.memory_space<semaphore_mem>>
      %dma_start3A_118 = arith.constant 0 : i32
      %dma_start3A_119 = tpu.memref_slice %arg6[%arg0, %add3A_50, %dma_start3A_118] : memref<2x10000x128xf32, #tpu.memory_space<hbm>> -> memref<1x312x128xf32, #tpu.memory_space<hbm>>
      %dma_start3A_120 = tpu.memref_squeeze %dma_start3A_119 : memref<1x312x128xf32, #tpu.memory_space<hbm>> -> memref<312x128xf32, #tpu.memory_space<hbm>>
      %dma_start3A_121 = arith.constant 0 : i32
      %dma_start3A_122 = tpu.memref_slice %arg25[%mul3A_46, %dma_start3A_121] : memref<5008x128xf32, #tpu.memory_space<vmem_shared>> -> memref<312x128xf32, #tpu.memory_space<vmem_shared>>
      tpu.enqueue_dma source(%dma_start3A_122 : memref<312x128xf32, #tpu.memory_space<vmem_shared>>) target(%dma_start3A_120 : memref<312x128xf32, #tpu.memory_space<hbm>>) target_semaphore(%run_scoped3A : memref<!tpu.dma_semaphore, #tpu.memory_space<semaphore_mem>>)
      %dma_wait3A_123 = arith.constant 0 : i32
      %dma_wait3A_124 = tpu.memref_slice %arg6[%arg0, %add3A_50, %dma_wait3A_123] : memref<2x10000x128xf32, #tpu.memory_space<hbm>> -> memref<1x312x128xf32, #tpu.memory_space<hbm>>
      %dma_wait3A_125 = tpu.memref_squeeze %dma_wait3A_124 : memref<1x312x128xf32, #tpu.memory_space<hbm>> -> memref<312x128xf32, #tpu.memory_space<hbm>>
      %dma_wait3A_126 = arith.constant 0 : i32
      %dma_wait3A_127 = tpu.memref_slice %arg25[%mul3A_46, %dma_wait3A_126] : memref<5008x128xf32, #tpu.memory_space<vmem_shared>> -> memref<312x128xf32, #tpu.memory_space<vmem_shared>>
      tpu.wait_dma2 semaphore(%run_scoped3A : memref<!tpu.dma_semaphore, #tpu.memory_space<semaphore_mem>>) src(%dma_wait3A_127 : memref<312x128xf32, #tpu.memory_space<vmem_shared>>) dst(%dma_wait3A_125 : memref<312x128xf32, #tpu.memory_space<hbm>>)
      tpu.yield
    }) : () -> ()
    %eq3A_51 = arith.constant 15 : i32
    %eq3A_52 = arith.cmpi eq, %arg1, %eq3A_51 : i32
    %convert_element_type3A_53 = arith.extui %eq3A_52 : i1 to i32
    %cond3A_54 = arith.constant 0 : i32
    %cond3A_55 = arith.cmpi ne, %convert_element_type3A_53, %cond3A_54 : i32
    scf.if %cond3A_55 {
      "tpu.region"() ({
        %run_scoped3A = tpu.sem_alloc : memref<!tpu.dma_semaphore, #tpu.memory_space<semaphore_mem>>
        %dma_start3A_118 = arith.constant 4992 : i32
        %dma_start3A_119 = arith.constant 0 : i32
        %dma_start3A_120 = tpu.memref_slice %arg6[%arg0, %dma_start3A_118, %dma_start3A_119] : memref<2x10000x128xf32, #tpu.memory_space<hbm>> -> memref<1x8x128xf32, #tpu.memory_space<hbm>>
        %dma_start3A_121 = tpu.memref_squeeze %dma_start3A_120 : memref<1x8x128xf32, #tpu.memory_space<hbm>> -> memref<8x128xf32, #tpu.memory_space<hbm>>
        %dma_start3A_122 = arith.constant 4992 : i32
        %dma_start3A_123 = arith.constant 0 : i32
        %dma_start3A_124 = tpu.memref_slice %arg25[%dma_start3A_122, %dma_start3A_123] : memref<5008x128xf32, #tpu.memory_space<vmem_shared>> -> memref<8x128xf32, #tpu.memory_space<vmem_shared>>
        tpu.enqueue_dma source(%dma_start3A_124 : memref<8x128xf32, #tpu.memory_space<vmem_shared>>) target(%dma_start3A_121 : memref<8x128xf32, #tpu.memory_space<hbm>>) target_semaphore(%run_scoped3A : memref<!tpu.dma_semaphore, #tpu.memory_space<semaphore_mem>>)
        %dma_wait3A_125 = arith.constant 4992 : i32
        %dma_wait3A_126 = arith.constant 0 : i32
        %dma_wait3A_127 = tpu.memref_slice %arg6[%arg0, %dma_wait3A_125, %dma_wait3A_126] : memref<2x10000x128xf32, #tpu.memory_space<hbm>> -> memref<1x8x128xf32, #tpu.memory_space<hbm>>
        %dma_wait3A_128 = tpu.memref_squeeze %dma_wait3A_127 : memref<1x8x128xf32, #tpu.memory_space<hbm>> -> memref<8x128xf32, #tpu.memory_space<hbm>>
        %dma_wait3A_129 = arith.constant 4992 : i32
        %dma_wait3A_130 = arith.constant 0 : i32
        %dma_wait3A_131 = tpu.memref_slice %arg25[%dma_wait3A_129, %dma_wait3A_130] : memref<5008x128xf32, #tpu.memory_space<vmem_shared>> -> memref<8x128xf32, #tpu.memory_space<vmem_shared>>
        tpu.wait_dma2 semaphore(%run_scoped3A : memref<!tpu.dma_semaphore, #tpu.memory_space<semaphore_mem>>) src(%dma_wait3A_131 : memref<8x128xf32, #tpu.memory_space<vmem_shared>>) dst(%dma_wait3A_128 : memref<8x128xf32, #tpu.memory_space<hbm>>)
        tpu.yield
      }) : () -> ()
    } else {
    }
    %mul3A_56 = arith.constant 312 : i32
    %mul3A_57 = arith.muli %arg1, %mul3A_56 : i32
    %mul3A_58 = arith.constant 312 : i32
    %mul3A_59 = arith.muli %arg1, %mul3A_58 : i32
    "tpu.region"() ({
      %run_scoped3A = tpu.sem_alloc : memref<!tpu.dma_semaphore, #tpu.memory_space<semaphore_mem>>
      %dma_start3A_118 = arith.constant 0 : i32
      %dma_start3A_119 = tpu.memref_slice %arg25[%mul3A_59, %dma_start3A_118] : memref<5008x128xf32, #tpu.memory_space<vmem_shared>> -> memref<312x128xf32, #tpu.memory_space<vmem_shared>>
      %dma_start3A_120 = arith.constant 0 : i32
      %dma_start3A_121 = tpu.memref_slice %arg5[%mul3A_57, %dma_start3A_120] : memref<10000x128xf32, #tpu.memory_space<hbm>> -> memref<312x128xf32, #tpu.memory_space<hbm>>
      tpu.enqueue_dma source(%dma_start3A_121 : memref<312x128xf32, #tpu.memory_space<hbm>>) target(%dma_start3A_119 : memref<312x128xf32, #tpu.memory_space<vmem_shared>>) target_semaphore(%run_scoped3A : memref<!tpu.dma_semaphore, #tpu.memory_space<semaphore_mem>>)
      %dma_wait3A_122 = arith.constant 0 : i32
      %dma_wait3A_123 = tpu.memref_slice %arg25[%mul3A_59, %dma_wait3A_122] : memref<5008x128xf32, #tpu.memory_space<vmem_shared>> -> memref<312x128xf32, #tpu.memory_space<vmem_shared>>
      %dma_wait3A_124 = arith.constant 0 : i32
      %dma_wait3A_125 = tpu.memref_slice %arg5[%mul3A_57, %dma_wait3A_124] : memref<10000x128xf32, #tpu.memory_space<hbm>> -> memref<312x128xf32, #tpu.memory_space<hbm>>
      tpu.wait_dma2 semaphore(%run_scoped3A : memref<!tpu.dma_semaphore, #tpu.memory_space<semaphore_mem>>) src(%dma_wait3A_125 : memref<312x128xf32, #tpu.memory_space<hbm>>) dst(%dma_wait3A_123 : memref<312x128xf32, #tpu.memory_space<vmem_shared>>)
      tpu.yield
    }) : () -> ()
    %eq3A_60 = arith.constant 15 : i32
    %eq3A_61 = arith.cmpi eq, %arg1, %eq3A_60 : i32
    %convert_element_type3A_62 = arith.extui %eq3A_61 : i1 to i32
    %cond3A_63 = arith.constant 0 : i32
    %cond3A_64 = arith.cmpi ne, %convert_element_type3A_62, %cond3A_63 : i32
    scf.if %cond3A_64 {
      "tpu.region"() ({
        %run_scoped3A = tpu.sem_alloc : memref<!tpu.dma_semaphore, #tpu.memory_space<semaphore_mem>>
        %dma_start3A_118 = arith.constant 4992 : i32
        %dma_start3A_119 = arith.constant 0 : i32
        %dma_start3A_120 = tpu.memref_slice %arg25[%dma_start3A_118, %dma_start3A_119] : memref<5008x128xf32, #tpu.memory_space<vmem_shared>> -> memref<16x128xf32, #tpu.memory_space<vmem_shared>>
        %dma_start3A_121 = arith.constant 4992 : i32
        %dma_start3A_122 = arith.constant 0 : i32
        %dma_start3A_123 = tpu.memref_slice %arg5[%dma_start3A_121, %dma_start3A_122] : memref<10000x128xf32, #tpu.memory_space<hbm>> -> memref<16x128xf32, #tpu.memory_space<hbm>>
        tpu.enqueue_dma source(%dma_start3A_123 : memref<16x128xf32, #tpu.memory_space<hbm>>) target(%dma_start3A_120 : memref<16x128xf32, #tpu.memory_space<vmem_shared>>) target_semaphore(%run_scoped3A : memref<!tpu.dma_semaphore, #tpu.memory_space<semaphore_mem>>)
        %dma_wait3A_124 = arith.constant 4992 : i32
        %dma_wait3A_125 = arith.constant 0 : i32
        %dma_wait3A_126 = tpu.memref_slice %arg25[%dma_wait3A_124, %dma_wait3A_125] : memref<5008x128xf32, #tpu.memory_space<vmem_shared>> -> memref<16x128xf32, #tpu.memory_space<vmem_shared>>
        %dma_wait3A_127 = arith.constant 4992 : i32
        %dma_wait3A_128 = arith.constant 0 : i32
        %dma_wait3A_129 = tpu.memref_slice %arg5[%dma_wait3A_127, %dma_wait3A_128] : memref<10000x128xf32, #tpu.memory_space<hbm>> -> memref<16x128xf32, #tpu.memory_space<hbm>>
        tpu.wait_dma2 semaphore(%run_scoped3A : memref<!tpu.dma_semaphore, #tpu.memory_space<semaphore_mem>>) src(%dma_wait3A_129 : memref<16x128xf32, #tpu.memory_space<hbm>>) dst(%dma_wait3A_126 : memref<16x128xf32, #tpu.memory_space<vmem_shared>>)
        tpu.yield
      }) : () -> ()
    } else {
    }
    %dma_start3A_65 = arith.constant 0 : i32
    %dma_start3A_66 = arith.constant 0 : i32
    %dma_start3A_67 = tpu.memref_slice %arg7[%dma_start3A_65, %dma_start3A_66] : memref<125x80xi32, #tpu.memory_space<vmem>> -> memref<1x80xi32, #tpu.memory_space<vmem>>
    %dma_start3A_68 = tpu.memref_squeeze %dma_start3A_67 : memref<1x80xi32, #tpu.memory_space<vmem>> -> memref<80xi32, #tpu.memory_space<vmem>>
    %dma_start3A_69 = arith.constant 0 : i32
    %dma_start3A_70 = arith.constant 0 : i32
    %dma_start3A_71 = tpu.memref_slice %arg2[%dma_start3A_69, %dma_start3A_70] : memref<10000x128xf32, #tpu.memory_space<hbm>> -> memref<10000x128xf32, #tpu.memory_space<hbm>>
    tpu.enqueue_indirect_dma source(%dma_start3A_71 : memref<10000x128xf32, #tpu.memory_space<hbm>>) target(%arg10 : memref<80x128xf32, #tpu.memory_space<vmem>>) offsets(%dma_start3A_68 : memref<80xi32, #tpu.memory_space<vmem>>) semaphore(%arg15 : memref<!tpu.dma_semaphore, #tpu.memory_space<semaphore_mem>>)
    %dma_start3A_72 = arith.constant 1 : i32
    %dma_start3A_73 = arith.constant 0 : i32
    %dma_start3A_74 = tpu.memref_slice %arg7[%dma_start3A_72, %dma_start3A_73] : memref<125x80xi32, #tpu.memory_space<vmem>> -> memref<1x80xi32, #tpu.memory_space<vmem>>
    %dma_start3A_75 = tpu.memref_squeeze %dma_start3A_74 : memref<1x80xi32, #tpu.memory_space<vmem>> -> memref<80xi32, #tpu.memory_space<vmem>>
    %dma_start3A_76 = arith.constant 0 : i32
    %dma_start3A_77 = arith.constant 0 : i32
    %dma_start3A_78 = tpu.memref_slice %arg2[%dma_start3A_76, %dma_start3A_77] : memref<10000x128xf32, #tpu.memory_space<hbm>> -> memref<10000x128xf32, #tpu.memory_space<hbm>>
    tpu.enqueue_indirect_dma source(%dma_start3A_78 : memref<10000x128xf32, #tpu.memory_space<hbm>>) target(%arg11 : memref<80x128xf32, #tpu.memory_space<vmem>>) offsets(%dma_start3A_75 : memref<80xi32, #tpu.memory_space<vmem>>) semaphore(%arg16 : memref<!tpu.dma_semaphore, #tpu.memory_space<semaphore_mem>>)
    %dma_start3A_79 = arith.constant 2 : i32
    %dma_start3A_80 = arith.constant 0 : i32
    %dma_start3A_81 = tpu.memref_slice %arg7[%dma_start3A_79, %dma_start3A_80] : memref<125x80xi32, #tpu.memory_space<vmem>> -> memref<1x80xi32, #tpu.memory_space<vmem>>
    %dma_start3A_82 = tpu.memref_squeeze %dma_start3A_81 : memref<1x80xi32, #tpu.memory_space<vmem>> -> memref<80xi32, #tpu.memory_space<vmem>>
    %dma_start3A_83 = arith.constant 0 : i32
    %dma_start3A_84 = arith.constant 0 : i32
    %dma_start3A_85 = tpu.memref_slice %arg2[%dma_start3A_83, %dma_start3A_84] : memref<10000x128xf32, #tpu.memory_space<hbm>> -> memref<10000x128xf32, #tpu.memory_space<hbm>>
    tpu.enqueue_indirect_dma source(%dma_start3A_85 : memref<10000x128xf32, #tpu.memory_space<hbm>>) target(%arg12 : memref<80x128xf32, #tpu.memory_space<vmem>>) offsets(%dma_start3A_82 : memref<80xi32, #tpu.memory_space<vmem>>) semaphore(%arg17 : memref<!tpu.dma_semaphore, #tpu.memory_space<semaphore_mem>>)
    %dma_start3A_86 = arith.constant 3 : i32
    %dma_start3A_87 = arith.constant 0 : i32
    %dma_start3A_88 = tpu.memref_slice %arg7[%dma_start3A_86, %dma_start3A_87] : memref<125x80xi32, #tpu.memory_space<vmem>> -> memref<1x80xi32, #tpu.memory_space<vmem>>
    %dma_start3A_89 = tpu.memref_squeeze %dma_start3A_88 : memref<1x80xi32, #tpu.memory_space<vmem>> -> memref<80xi32, #tpu.memory_space<vmem>>
    %dma_start3A_90 = arith.constant 0 : i32
    %dma_start3A_91 = arith.constant 0 : i32
    %dma_start3A_92 = tpu.memref_slice %arg2[%dma_start3A_90, %dma_start3A_91] : memref<10000x128xf32, #tpu.memory_space<hbm>> -> memref<10000x128xf32, #tpu.memory_space<hbm>>
    tpu.enqueue_indirect_dma source(%dma_start3A_92 : memref<10000x128xf32, #tpu.memory_space<hbm>>) target(%arg13 : memref<80x128xf32, #tpu.memory_space<vmem>>) offsets(%dma_start3A_89 : memref<80xi32, #tpu.memory_space<vmem>>) semaphore(%arg18 : memref<!tpu.dma_semaphore, #tpu.memory_space<semaphore_mem>>)
    %barrier3A_93 = arith.constant 0 : index
    tpu.barrier barrier_id(%barrier3A_93)
    %scan3A_94 = arith.constant 0 : i32
    %scan3A_95 = arith.constant 25 : i32
    %scan3A_96 = arith.addi %scan3A_94, %scan3A_95 : i32
    %scan3A_97 = arith.constant 1 : i32
    scf.for %scan3A_118 = %scan3A_94 to %scan3A_96 step %scan3A_97  : i32 {
      %mul3A_119 = arith.constant 5 : i32
      %mul3A_120 = arith.muli %scan3A_118, %mul3A_119 : i32
      %add3A_121 = arith.constant 0 : i32
      %add3A_122 = arith.addi %add3A_121, %mul3A_120 : i32
      %add3A_123 = arith.constant 0 : i32
      %add3A_124 = arith.addi %add3A_122, %add3A_123 : i32
      %get3A = arith.index_cast %add3A_124 : i32 to index
      %get3A_125 = arith.constant 0 : index
      %get3A_126 = tpu.vector_load %arg8[%get3A, %get3A_125] {strides = array<i32>} : memref<125x80xi32, #tpu.memory_space<vmem>>, vector<16xi32>,
      %and3A = arith.constant 7 : i32
      %and3A_127 = vector.broadcast %and3A : i32 to vector<16xi32>
      %and3A_128 = arith.andi %get3A_126, %and3A_127 : vector<16xi32>
      %add3A_129 = arith.constant 5000 : i32
      %add3A_130 = vector.broadcast %add3A_129 : i32 to vector<16xi32>
      %add3A_131 = arith.addi %add3A_130, %and3A_128 : vector<16xi32>
      %ge3A = arith.constant 5000 : i32
      %ge3A_132 = vector.broadcast %ge3A : i32 to vector<16xi32>
      %ge3A_133 = arith.cmpi sge, %get3A_126, %ge3A_132 : vector<16xi32>
      %sub3A = arith.constant 5000 : i32
      %sub3A_134 = vector.broadcast %sub3A : i32 to vector<16xi32>
      %sub3A_135 = arith.subi %get3A_126, %sub3A_134 : vector<16xi32>
      %select_n3A = arith.select %ge3A_133, %sub3A_135, %add3A_131 : vector<16xi1>, vector<16xi32>
      %swap3A = arith.constant 0 : i32
      %swap3A_136 = arith.index_cast %swap3A : i32 to index
      %swap3A_137 = arith.constant 0 : index
      %swap3A_138 = tpu.vector_load %arg9[%swap3A_136, %swap3A_137] {strides = array<i32>} : memref<5x80xi32, #tpu.memory_space<vmem>>, vector<16xi32>,
      tpu.vector_store %arg9[%swap3A_136, %swap3A_137], %select_n3A {strides = array<i32>} : memref<5x80xi32, #tpu.memory_space<vmem>>, vector<16xi32>,
      %get3A_139 = arith.index_cast %add3A_124 : i32 to index
      %get3A_140 = arith.constant 16 : index
      %get3A_141 = tpu.vector_load %arg8[%get3A_139, %get3A_140] {strides = array<i32>} : memref<125x80xi32, #tpu.memory_space<vmem>>, vector<16xi32>,
      %and3A_142 = arith.constant 7 : i32
      %and3A_143 = vector.broadcast %and3A_142 : i32 to vector<16xi32>
      %and3A_144 = arith.andi %get3A_141, %and3A_143 : vector<16xi32>
      %add3A_145 = arith.constant 5000 : i32
      %add3A_146 = vector.broadcast %add3A_145 : i32 to vector<16xi32>
      %add3A_147 = arith.addi %add3A_146, %and3A_144 : vector<16xi32>
      %ge3A_148 = arith.constant 5000 : i32
      %ge3A_149 = vector.broadcast %ge3A_148 : i32 to vector<16xi32>
      %ge3A_150 = arith.cmpi sge, %get3A_141, %ge3A_149 : vector<16xi32>
      %sub3A_151 = arith.constant 5000 : i32
      %sub3A_152 = vector.broadcast %sub3A_151 : i32 to vector<16xi32>
      %sub3A_153 = arith.subi %get3A_141, %sub3A_152 : vector<16xi32>
      %select_n3A_154 = arith.select %ge3A_150, %sub3A_153, %add3A_147 : vector<16xi1>, vector<16xi32>
      %swap3A_155 = arith.constant 0 : i32
      %swap3A_156 = arith.index_cast %swap3A_155 : i32 to index
      %swap3A_157 = arith.constant 16 : index
      %swap3A_158 = tpu.vector_load %arg9[%swap3A_156, %swap3A_157] {strides = array<i32>} : memref<5x80xi32, #tpu.memory_space<vmem>>, vector<16xi32>,
      tpu.vector_store %arg9[%swap3A_156, %swap3A_157], %select_n3A_154 {strides = array<i32>} : memref<5x80xi32, #tpu.memory_space<vmem>>, vector<16xi32>,
      %get3A_159 = arith.index_cast %add3A_124 : i32 to index
      %get3A_160 = arith.constant 32 : index
      %get3A_161 = tpu.vector_load %arg8[%get3A_159, %get3A_160] {strides = array<i32>} : memref<125x80xi32, #tpu.memory_space<vmem>>, vector<16xi32>,
      %and3A_162 = arith.constant 7 : i32
      %and3A_163 = vector.broadcast %and3A_162 : i32 to vector<16xi32>
      %and3A_164 = arith.andi %get3A_161, %and3A_163 : vector<16xi32>
      %add3A_165 = arith.constant 5000 : i32
      %add3A_166 = vector.broadcast %add3A_165 : i32 to vector<16xi32>
      %add3A_167 = arith.addi %add3A_166, %and3A_164 : vector<16xi32>
      %ge3A_168 = arith.constant 5000 : i32
      %ge3A_169 = vector.broadcast %ge3A_168 : i32 to vector<16xi32>
      %ge3A_170 = arith.cmpi sge, %get3A_161, %ge3A_169 : vector<16xi32>
      %sub3A_171 = arith.constant 5000 : i32
      %sub3A_172 = vector.broadcast %sub3A_171 : i32 to vector<16xi32>
      %sub3A_173 = arith.subi %get3A_161, %sub3A_172 : vector<16xi32>
      %select_n3A_174 = arith.select %ge3A_170, %sub3A_173, %add3A_167 : vector<16xi1>, vector<16xi32>
      %swap3A_175 = arith.constant 0 : i32
      %swap3A_176 = arith.index_cast %swap3A_175 : i32 to index
      %swap3A_177 = arith.constant 32 : index
      %swap3A_178 = tpu.vector_load %arg9[%swap3A_176, %swap3A_177] {strides = array<i32>} : memref<5x80xi32, #tpu.memory_space<vmem>>, vector<16xi32>,
      tpu.vector_store %arg9[%swap3A_176, %swap3A_177], %select_n3A_174 {strides = array<i32>} : memref<5x80xi32, #tpu.memory_space<vmem>>, vector<16xi32>,
      %get3A_179 = arith.index_cast %add3A_124 : i32 to index
      %get3A_180 = arith.constant 48 : index
      %get3A_181 = tpu.vector_load %arg8[%get3A_179, %get3A_180] {strides = array<i32>} : memref<125x80xi32, #tpu.memory_space<vmem>>, vector<16xi32>,
      %and3A_182 = arith.constant 7 : i32
      %and3A_183 = vector.broadcast %and3A_182 : i32 to vector<16xi32>
      %and3A_184 = arith.andi %get3A_181, %and3A_183 : vector<16xi32>
      %add3A_185 = arith.constant 5000 : i32
      %add3A_186 = vector.broadcast %add3A_185 : i32 to vector<16xi32>
      %add3A_187 = arith.addi %add3A_186, %and3A_184 : vector<16xi32>
      %ge3A_188 = arith.constant 5000 : i32
      %ge3A_189 = vector.broadcast %ge3A_188 : i32 to vector<16xi32>
      %ge3A_190 = arith.cmpi sge, %get3A_181, %ge3A_189 : vector<16xi32>
      %sub3A_191 = arith.constant 5000 : i32
      %sub3A_192 = vector.broadcast %sub3A_191 : i32 to vector<16xi32>
      %sub3A_193 = arith.subi %get3A_181, %sub3A_192 : vector<16xi32>
      %select_n3A_194 = arith.select %ge3A_190, %sub3A_193, %add3A_187 : vector<16xi1>, vector<16xi32>
      %swap3A_195 = arith.constant 0 : i32
      %swap3A_196 = arith.index_cast %swap3A_195 : i32 to index
      %swap3A_197 = arith.constant 48 : index
      %swap3A_198 = tpu.vector_load %arg9[%swap3A_196, %swap3A_197] {strides = array<i32>} : memref<5x80xi32, #tpu.memory_space<vmem>>, vector<16xi32>,
      tpu.vector_store %arg9[%swap3A_196, %swap3A_197], %select_n3A_194 {strides = array<i32>} : memref<5x80xi32, #tpu.memory_space<vmem>>, vector<16xi32>,
      %get3A_199 = arith.index_cast %add3A_124 : i32 to index
      %get3A_200 = arith.constant 64 : index
      %get3A_201 = tpu.vector_load %arg8[%get3A_199, %get3A_200] {strides = array<i32>} : memref<125x80xi32, #tpu.memory_space<vmem>>, vector<16xi32>,
      %and3A_202 = arith.constant 7 : i32
      %and3A_203 = vector.broadcast %and3A_202 : i32 to vector<16xi32>
      %and3A_204 = arith.andi %get3A_201, %and3A_203 : vector<16xi32>
      %add3A_205 = arith.constant 5000 : i32
      %add3A_206 = vector.broadcast %add3A_205 : i32 to vector<16xi32>
      %add3A_207 = arith.addi %add3A_206, %and3A_204 : vector<16xi32>
      %ge3A_208 = arith.constant 5000 : i32
      %ge3A_209 = vector.broadcast %ge3A_208 : i32 to vector<16xi32>
      %ge3A_210 = arith.cmpi sge, %get3A_201, %ge3A_209 : vector<16xi32>
      %sub3A_211 = arith.constant 5000 : i32
      %sub3A_212 = vector.broadcast %sub3A_211 : i32 to vector<16xi32>
      %sub3A_213 = arith.subi %get3A_201, %sub3A_212 : vector<16xi32>
      %select_n3A_214 = arith.select %ge3A_210, %sub3A_213, %add3A_207 : vector<16xi1>, vector<16xi32>
      %swap3A_215 = arith.constant 0 : i32
      %swap3A_216 = arith.index_cast %swap3A_215 : i32 to index
      %swap3A_217 = arith.constant 64 : index
      %swap3A_218 = tpu.vector_load %arg9[%swap3A_216, %swap3A_217] {strides = array<i32>} : memref<5x80xi32, #tpu.memory_space<vmem>>, vector<16xi32>,
      tpu.vector_store %arg9[%swap3A_216, %swap3A_217], %select_n3A_214 {strides = array<i32>} : memref<5x80xi32, #tpu.memory_space<vmem>>, vector<16xi32>,
      %dma_wait3A_219 = arith.constant 0 : i32
      %dma_wait3A_220 = tpu.memref_slice %arg7[%add3A_124, %dma_wait3A_219] : memref<125x80xi32, #tpu.memory_space<vmem>> -> memref<1x80xi32, #tpu.memory_space<vmem>>
      %dma_wait3A_221 = tpu.memref_squeeze %dma_wait3A_220 : memref<1x80xi32, #tpu.memory_space<vmem>> -> memref<80xi32, #tpu.memory_space<vmem>>
      %dma_wait3A_222 = arith.constant 0 : i32
      %dma_wait3A_223 = arith.constant 0 : i32
      %dma_wait3A_224 = tpu.memref_slice %arg2[%dma_wait3A_222, %dma_wait3A_223] : memref<10000x128xf32, #tpu.memory_space<hbm>> -> memref<10000x128xf32, #tpu.memory_space<hbm>>
      tpu.wait_indirect_dma semaphore(%arg15 : memref<!tpu.dma_semaphore, #tpu.memory_space<semaphore_mem>>) src(%dma_wait3A_224 : memref<10000x128xf32, #tpu.memory_space<hbm>>) dst(%arg10 : memref<80x128xf32, #tpu.memory_space<vmem>>)
      %dma_start3A_225 = arith.constant 0 : i32
      %dma_start3A_226 = arith.constant 0 : i32
      %dma_start3A_227 = tpu.memref_slice %arg9[%dma_start3A_225, %dma_start3A_226] : memref<5x80xi32, #tpu.memory_space<vmem>> -> memref<1x80xi32, #tpu.memory_space<vmem>>
      %dma_start3A_228 = tpu.memref_squeeze %dma_start3A_227 : memref<1x80xi32, #tpu.memory_space<vmem>> -> memref<80xi32, #tpu.memory_space<vmem>>
      %dma_start3A_229 = arith.constant 0 : i32
      %dma_start3A_230 = arith.constant 0 : i32
      %dma_start3A_231 = tpu.memref_slice %arg25[%dma_start3A_229, %dma_start3A_230] : memref<5008x128xf32, #tpu.memory_space<vmem_shared>> -> memref<5008x128xf32, #tpu.memory_space<vmem_shared>>
      tpu.enqueue_indirect_dma source(%arg10 : memref<80x128xf32, #tpu.memory_space<vmem>>) target(%dma_start3A_231 : memref<5008x128xf32, #tpu.memory_space<vmem_shared>>) offsets(%dma_start3A_228 : memref<80xi32, #tpu.memory_space<vmem>>) semaphore(%arg20 : memref<!tpu.dma_semaphore, #tpu.memory_space<semaphore_mem>>) {add = true}
      %ge3A_232 = arith.constant 1 : i32
      %ge3A_233 = arith.cmpi sge, %add3A_124, %ge3A_232 : i32
      %convert_element_type3A_234 = arith.extui %ge3A_233 : i1 to i32
      %cond3A_235 = arith.constant 0 : i32
      %cond3A_236 = arith.cmpi ne, %convert_element_type3A_234, %cond3A_235 : i32
      scf.if %cond3A_236 {
        %dma_wait3A_751 = arith.constant 4 : i32
        %dma_wait3A_752 = arith.constant 0 : i32
        %dma_wait3A_753 = tpu.memref_slice %arg9[%dma_wait3A_751, %dma_wait3A_752] : memref<5x80xi32, #tpu.memory_space<vmem>> -> memref<1x80xi32, #tpu.memory_space<vmem>>
        %dma_wait3A_754 = tpu.memref_squeeze %dma_wait3A_753 : memref<1x80xi32, #tpu.memory_space<vmem>> -> memref<80xi32, #tpu.memory_space<vmem>>
        %dma_wait3A_755 = arith.constant 0 : i32
        %dma_wait3A_756 = arith.constant 0 : i32
        %dma_wait3A_757 = tpu.memref_slice %arg25[%dma_wait3A_755, %dma_wait3A_756] : memref<5008x128xf32, #tpu.memory_space<vmem_shared>> -> memref<5008x128xf32, #tpu.memory_space<vmem_shared>>
        tpu.wait_indirect_dma semaphore(%arg24 : memref<!tpu.dma_semaphore, #tpu.memory_space<semaphore_mem>>) src(%arg14 : memref<80x128xf32, #tpu.memory_space<vmem>>) dst(%dma_wait3A_757 : memref<5008x128xf32, #tpu.memory_space<vmem_shared>>)
      } else {
      }
      %add3A_237 = arith.constant 4 : i32
      %add3A_238 = arith.addi %add3A_124, %add3A_237 : i32
      %lt3A = arith.constant 125 : i32
      %lt3A_239 = arith.cmpi slt, %add3A_238, %lt3A : i32
      %convert_element_type3A_240 = arith.extui %lt3A_239 : i1 to i32
      %cond3A_241 = arith.constant 0 : i32
      %cond3A_242 = arith.cmpi ne, %convert_element_type3A_240, %cond3A_241 : i32
      scf.if %cond3A_242 {
        %add3A_751 = arith.constant 4 : i32
        %add3A_752 = arith.addi %add3A_124, %add3A_751 : i32
        %dma_start3A_753 = arith.constant 0 : i32
        %dma_start3A_754 = tpu.memref_slice %arg7[%add3A_752, %dma_start3A_753] : memref<125x80xi32, #tpu.memory_space<vmem>> -> memref<1x80xi32, #tpu.memory_space<vmem>>
        %dma_start3A_755 = tpu.memref_squeeze %dma_start3A_754 : memref<1x80xi32, #tpu.memory_space<vmem>> -> memref<80xi32, #tpu.memory_space<vmem>>
        %dma_start3A_756 = arith.constant 0 : i32
        %dma_start3A_757 = arith.constant 0 : i32
        %dma_start3A_758 = tpu.memref_slice %arg2[%dma_start3A_756, %dma_start3A_757] : memref<10000x128xf32, #tpu.memory_space<hbm>> -> memref<10000x128xf32, #tpu.memory_space<hbm>>
        tpu.enqueue_indirect_dma source(%dma_start3A_758 : memref<10000x128xf32, #tpu.memory_space<hbm>>) target(%arg14 : memref<80x128xf32, #tpu.memory_space<vmem>>) offsets(%dma_start3A_755 : memref<80xi32, #tpu.memory_space<vmem>>) semaphore(%arg19 : memref<!tpu.dma_semaphore, #tpu.memory_space<semaphore_mem>>)
      } else {
      }
      %add3A_243 = arith.constant 1 : i32
      %add3A_244 = arith.addi %add3A_122, %add3A_243 : i32
      %get3A_245 = arith.index_cast %add3A_244 : i32 to index
      %get3A_246 = arith.constant 0 : index
      %get3A_247 = tpu.vector_load %arg8[%get3A_245, %get3A_246] {strides = array<i32>} : memref<125x80xi32, #tpu.memory_space<vmem>>, vector<16xi32>,
      %and3A_248 = arith.constant 7 : i32
      %and3A_249 = vector.broadcast %and3A_248 : i32 to vector<16xi32>
      %and3A_250 = arith.andi %get3A_247, %and3A_249 : vector<16xi32>
      %add3A_251 = arith.constant 5000 : i32
      %add3A_252 = vector.broadcast %add3A_251 : i32 to vector<16xi32>
      %add3A_253 = arith.addi %add3A_252, %and3A_250 : vector<16xi32>
      %ge3A_254 = arith.constant 5000 : i32
      %ge3A_255 = vector.broadcast %ge3A_254 : i32 to vector<16xi32>
      %ge3A_256 = arith.cmpi sge, %get3A_247, %ge3A_255 : vector<16xi32>
      %sub3A_257 = arith.constant 5000 : i32
      %sub3A_258 = vector.broadcast %sub3A_257 : i32 to vector<16xi32>
      %sub3A_259 = arith.subi %get3A_247, %sub3A_258 : vector<16xi32>
      %select_n3A_260 = arith.select %ge3A_256, %sub3A_259, %add3A_253 : vector<16xi1>, vector<16xi32>
      %swap3A_261 = arith.constant 1 : i32
      %swap3A_262 = arith.index_cast %swap3A_261 : i32 to index
      %swap3A_263 = arith.constant 0 : index
      %swap3A_264 = tpu.vector_load %arg9[%swap3A_262, %swap3A_263] {strides = array<i32>} : memref<5x80xi32, #tpu.memory_space<vmem>>, vector<16xi32>,
      tpu.vector_store %arg9[%swap3A_262, %swap3A_263], %select_n3A_260 {strides = array<i32>} : memref<5x80xi32, #tpu.memory_space<vmem>>, vector<16xi32>,
      %get3A_265 = arith.index_cast %add3A_244 : i32 to index
      %get3A_266 = arith.constant 16 : index
      %get3A_267 = tpu.vector_load %arg8[%get3A_265, %get3A_266] {strides = array<i32>} : memref<125x80xi32, #tpu.memory_space<vmem>>, vector<16xi32>,
      %and3A_268 = arith.constant 7 : i32
      %and3A_269 = vector.broadcast %and3A_268 : i32 to vector<16xi32>
      %and3A_270 = arith.andi %get3A_267, %and3A_269 : vector<16xi32>
      %add3A_271 = arith.constant 5000 : i32
      %add3A_272 = vector.broadcast %add3A_271 : i32 to vector<16xi32>
      %add3A_273 = arith.addi %add3A_272, %and3A_270 : vector<16xi32>
      %ge3A_274 = arith.constant 5000 : i32
      %ge3A_275 = vector.broadcast %ge3A_274 : i32 to vector<16xi32>
      %ge3A_276 = arith.cmpi sge, %get3A_267, %ge3A_275 : vector<16xi32>
      %sub3A_277 = arith.constant 5000 : i32
      %sub3A_278 = vector.broadcast %sub3A_277 : i32 to vector<16xi32>
      %sub3A_279 = arith.subi %get3A_267, %sub3A_278 : vector<16xi32>
      %select_n3A_280 = arith.select %ge3A_276, %sub3A_279, %add3A_273 : vector<16xi1>, vector<16xi32>
      %swap3A_281 = arith.constant 1 : i32
      %swap3A_282 = arith.index_cast %swap3A_281 : i32 to index
      %swap3A_283 = arith.constant 16 : index
      %swap3A_284 = tpu.vector_load %arg9[%swap3A_282, %swap3A_283] {strides = array<i32>} : memref<5x80xi32, #tpu.memory_space<vmem>>, vector<16xi32>,
      tpu.vector_store %arg9[%swap3A_282, %swap3A_283], %select_n3A_280 {strides = array<i32>} : memref<5x80xi32, #tpu.memory_space<vmem>>, vector<16xi32>,
      %get3A_285 = arith.index_cast %add3A_244 : i32 to index
      %get3A_286 = arith.constant 32 : index
      %get3A_287 = tpu.vector_load %arg8[%get3A_285, %get3A_286] {strides = array<i32>} : memref<125x80xi32, #tpu.memory_space<vmem>>, vector<16xi32>,
      %and3A_288 = arith.constant 7 : i32
      %and3A_289 = vector.broadcast %and3A_288 : i32 to vector<16xi32>
      %and3A_290 = arith.andi %get3A_287, %and3A_289 : vector<16xi32>
      %add3A_291 = arith.constant 5000 : i32
      %add3A_292 = vector.broadcast %add3A_291 : i32 to vector<16xi32>
      %add3A_293 = arith.addi %add3A_292, %and3A_290 : vector<16xi32>
      %ge3A_294 = arith.constant 5000 : i32
      %ge3A_295 = vector.broadcast %ge3A_294 : i32 to vector<16xi32>
      %ge3A_296 = arith.cmpi sge, %get3A_287, %ge3A_295 : vector<16xi32>
      %sub3A_297 = arith.constant 5000 : i32
      %sub3A_298 = vector.broadcast %sub3A_297 : i32 to vector<16xi32>
      %sub3A_299 = arith.subi %get3A_287, %sub3A_298 : vector<16xi32>
      %select_n3A_300 = arith.select %ge3A_296, %sub3A_299, %add3A_293 : vector<16xi1>, vector<16xi32>
      %swap3A_301 = arith.constant 1 : i32
      %swap3A_302 = arith.index_cast %swap3A_301 : i32 to index
      %swap3A_303 = arith.constant 32 : index
      %swap3A_304 = tpu.vector_load %arg9[%swap3A_302, %swap3A_303] {strides = array<i32>} : memref<5x80xi32, #tpu.memory_space<vmem>>, vector<16xi32>,
      tpu.vector_store %arg9[%swap3A_302, %swap3A_303], %select_n3A_300 {strides = array<i32>} : memref<5x80xi32, #tpu.memory_space<vmem>>, vector<16xi32>,
      %get3A_305 = arith.index_cast %add3A_244 : i32 to index
      %get3A_306 = arith.constant 48 : index
      %get3A_307 = tpu.vector_load %arg8[%get3A_305, %get3A_306] {strides = array<i32>} : memref<125x80xi32, #tpu.memory_space<vmem>>, vector<16xi32>,
      %and3A_308 = arith.constant 7 : i32
      %and3A_309 = vector.broadcast %and3A_308 : i32 to vector<16xi32>
      %and3A_310 = arith.andi %get3A_307, %and3A_309 : vector<16xi32>
      %add3A_311 = arith.constant 5000 : i32
      %add3A_312 = vector.broadcast %add3A_311 : i32 to vector<16xi32>
      %add3A_313 = arith.addi %add3A_312, %and3A_310 : vector<16xi32>
      %ge3A_314 = arith.constant 5000 : i32
      %ge3A_315 = vector.broadcast %ge3A_314 : i32 to vector<16xi32>
      %ge3A_316 = arith.cmpi sge, %get3A_307, %ge3A_315 : vector<16xi32>
      %sub3A_317 = arith.constant 5000 : i32
      %sub3A_318 = vector.broadcast %sub3A_317 : i32 to vector<16xi32>
      %sub3A_319 = arith.subi %get3A_307, %sub3A_318 : vector<16xi32>
      %select_n3A_320 = arith.select %ge3A_316, %sub3A_319, %add3A_313 : vector<16xi1>, vector<16xi32>
      %swap3A_321 = arith.constant 1 : i32
      %swap3A_322 = arith.index_cast %swap3A_321 : i32 to index
      %swap3A_323 = arith.constant 48 : index
      %swap3A_324 = tpu.vector_load %arg9[%swap3A_322, %swap3A_323] {strides = array<i32>} : memref<5x80xi32, #tpu.memory_space<vmem>>, vector<16xi32>,
      tpu.vector_store %arg9[%swap3A_322, %swap3A_323], %select_n3A_320 {strides = array<i32>} : memref<5x80xi32, #tpu.memory_space<vmem>>, vector<16xi32>,
      %get3A_325 = arith.index_cast %add3A_244 : i32 to index
      %get3A_326 = arith.constant 64 : index
      %get3A_327 = tpu.vector_load %arg8[%get3A_325, %get3A_326] {strides = array<i32>} : memref<125x80xi32, #tpu.memory_space<vmem>>, vector<16xi32>,
      %and3A_328 = arith.constant 7 : i32
      %and3A_329 = vector.broadcast %and3A_328 : i32 to vector<16xi32>
      %and3A_330 = arith.andi %get3A_327, %and3A_329 : vector<16xi32>
      %add3A_331 = arith.constant 5000 : i32
      %add3A_332 = vector.broadcast %add3A_331 : i32 to vector<16xi32>
      %add3A_333 = arith.addi %add3A_332, %and3A_330 : vector<16xi32>
      %ge3A_334 = arith.constant 5000 : i32
      %ge3A_335 = vector.broadcast %ge3A_334 : i32 to vector<16xi32>
      %ge3A_336 = arith.cmpi sge, %get3A_327, %ge3A_335 : vector<16xi32>
      %sub3A_337 = arith.constant 5000 : i32
      %sub3A_338 = vector.broadcast %sub3A_337 : i32 to vector<16xi32>
      %sub3A_339 = arith.subi %get3A_327, %sub3A_338 : vector<16xi32>
      %select_n3A_340 = arith.select %ge3A_336, %sub3A_339, %add3A_333 : vector<16xi1>, vector<16xi32>
      %swap3A_341 = arith.constant 1 : i32
      %swap3A_342 = arith.index_cast %swap3A_341 : i32 to index
      %swap3A_343 = arith.constant 64 : index
      %swap3A_344 = tpu.vector_load %arg9[%swap3A_342, %swap3A_343] {strides = array<i32>} : memref<5x80xi32, #tpu.memory_space<vmem>>, vector<16xi32>,
      tpu.vector_store %arg9[%swap3A_342, %swap3A_343], %select_n3A_340 {strides = array<i32>} : memref<5x80xi32, #tpu.memory_space<vmem>>, vector<16xi32>,
      %dma_wait3A_345 = arith.constant 0 : i32
      %dma_wait3A_346 = tpu.memref_slice %arg7[%add3A_244, %dma_wait3A_345] : memref<125x80xi32, #tpu.memory_space<vmem>> -> memref<1x80xi32, #tpu.memory_space<vmem>>
      %dma_wait3A_347 = tpu.memref_squeeze %dma_wait3A_346 : memref<1x80xi32, #tpu.memory_space<vmem>> -> memref<80xi32, #tpu.memory_space<vmem>>
      %dma_wait3A_348 = arith.constant 0 : i32
      %dma_wait3A_349 = arith.constant 0 : i32
      %dma_wait3A_350 = tpu.memref_slice %arg2[%dma_wait3A_348, %dma_wait3A_349] : memref<10000x128xf32, #tpu.memory_space<hbm>> -> memref<10000x128xf32, #tpu.memory_space<hbm>>
      tpu.wait_indirect_dma semaphore(%arg16 : memref<!tpu.dma_semaphore, #tpu.memory_space<semaphore_mem>>) src(%dma_wait3A_350 : memref<10000x128xf32, #tpu.memory_space<hbm>>) dst(%arg11 : memref<80x128xf32, #tpu.memory_space<vmem>>)
      %dma_start3A_351 = arith.constant 1 : i32
      %dma_start3A_352 = arith.constant 0 : i32
      %dma_start3A_353 = tpu.memref_slice %arg9[%dma_start3A_351, %dma_start3A_352] : memref<5x80xi32, #tpu.memory_space<vmem>> -> memref<1x80xi32, #tpu.memory_space<vmem>>
      %dma_start3A_354 = tpu.memref_squeeze %dma_start3A_353 : memref<1x80xi32, #tpu.memory_space<vmem>> -> memref<80xi32, #tpu.memory_space<vmem>>
      %dma_start3A_355 = arith.constant 0 : i32
      %dma_start3A_356 = arith.constant 0 : i32
      %dma_start3A_357 = tpu.memref_slice %arg25[%dma_start3A_355, %dma_start3A_356] : memref<5008x128xf32, #tpu.memory_space<vmem_shared>> -> memref<5008x128xf32, #tpu.memory_space<vmem_shared>>
      tpu.enqueue_indirect_dma source(%arg11 : memref<80x128xf32, #tpu.memory_space<vmem>>) target(%dma_start3A_357 : memref<5008x128xf32, #tpu.memory_space<vmem_shared>>) offsets(%dma_start3A_354 : memref<80xi32, #tpu.memory_space<vmem>>) semaphore(%arg21 : memref<!tpu.dma_semaphore, #tpu.memory_space<semaphore_mem>>) {add = true}
      %ge3A_358 = arith.constant 1 : i32
      %ge3A_359 = arith.cmpi sge, %add3A_244, %ge3A_358 : i32
      %convert_element_type3A_360 = arith.extui %ge3A_359 : i1 to i32
      %cond3A_361 = arith.constant 0 : i32
      %cond3A_362 = arith.cmpi ne, %convert_element_type3A_360, %cond3A_361 : i32
      scf.if %cond3A_362 {
        %dma_wait3A_751 = arith.constant 0 : i32
        %dma_wait3A_752 = arith.constant 0 : i32
        %dma_wait3A_753 = tpu.memref_slice %arg9[%dma_wait3A_751, %dma_wait3A_752] : memref<5x80xi32, #tpu.memory_space<vmem>> -> memref<1x80xi32, #tpu.memory_space<vmem>>
        %dma_wait3A_754 = tpu.memref_squeeze %dma_wait3A_753 : memref<1x80xi32, #tpu.memory_space<vmem>> -> memref<80xi32, #tpu.memory_space<vmem>>
        %dma_wait3A_755 = arith.constant 0 : i32
        %dma_wait3A_756 = arith.constant 0 : i32
        %dma_wait3A_757 = tpu.memref_slice %arg25[%dma_wait3A_755, %dma_wait3A_756] : memref<5008x128xf32, #tpu.memory_space<vmem_shared>> -> memref<5008x128xf32, #tpu.memory_space<vmem_shared>>
        tpu.wait_indirect_dma semaphore(%arg20 : memref<!tpu.dma_semaphore, #tpu.memory_space<semaphore_mem>>) src(%arg10 : memref<80x128xf32, #tpu.memory_space<vmem>>) dst(%dma_wait3A_757 : memref<5008x128xf32, #tpu.memory_space<vmem_shared>>)
      } else {
      }
      %add3A_363 = arith.constant 4 : i32
      %add3A_364 = arith.addi %add3A_244, %add3A_363 : i32
      %lt3A_365 = arith.constant 125 : i32
      %lt3A_366 = arith.cmpi slt, %add3A_364, %lt3A_365 : i32
      %convert_element_type3A_367 = arith.extui %lt3A_366 : i1 to i32
      %cond3A_368 = arith.constant 0 : i32
      %cond3A_369 = arith.cmpi ne, %convert_element_type3A_367, %cond3A_368 : i32
      scf.if %cond3A_369 {
        %add3A_751 = arith.constant 4 : i32
        %add3A_752 = arith.addi %add3A_244, %add3A_751 : i32
        %dma_start3A_753 = arith.constant 0 : i32
        %dma_start3A_754 = tpu.memref_slice %arg7[%add3A_752, %dma_start3A_753] : memref<125x80xi32, #tpu.memory_space<vmem>> -> memref<1x80xi32, #tpu.memory_space<vmem>>
        %dma_start3A_755 = tpu.memref_squeeze %dma_start3A_754 : memref<1x80xi32, #tpu.memory_space<vmem>> -> memref<80xi32, #tpu.memory_space<vmem>>
        %dma_start3A_756 = arith.constant 0 : i32
        %dma_start3A_757 = arith.constant 0 : i32
        %dma_start3A_758 = tpu.memref_slice %arg2[%dma_start3A_756, %dma_start3A_757] : memref<10000x128xf32, #tpu.memory_space<hbm>> -> memref<10000x128xf32, #tpu.memory_space<hbm>>
        tpu.enqueue_indirect_dma source(%dma_start3A_758 : memref<10000x128xf32, #tpu.memory_space<hbm>>) target(%arg10 : memref<80x128xf32, #tpu.memory_space<vmem>>) offsets(%dma_start3A_755 : memref<80xi32, #tpu.memory_space<vmem>>) semaphore(%arg15 : memref<!tpu.dma_semaphore, #tpu.memory_space<semaphore_mem>>)
      } else {
      }
      %add3A_370 = arith.constant 2 : i32
      %add3A_371 = arith.addi %add3A_122, %add3A_370 : i32
      %get3A_372 = arith.index_cast %add3A_371 : i32 to index
      %get3A_373 = arith.constant 0 : index
      %get3A_374 = tpu.vector_load %arg8[%get3A_372, %get3A_373] {strides = array<i32>} : memref<125x80xi32, #tpu.memory_space<vmem>>, vector<16xi32>,
      %and3A_375 = arith.constant 7 : i32
      %and3A_376 = vector.broadcast %and3A_375 : i32 to vector<16xi32>
      %and3A_377 = arith.andi %get3A_374, %and3A_376 : vector<16xi32>
      %add3A_378 = arith.constant 5000 : i32
      %add3A_379 = vector.broadcast %add3A_378 : i32 to vector<16xi32>
      %add3A_380 = arith.addi %add3A_379, %and3A_377 : vector<16xi32>
      %ge3A_381 = arith.constant 5000 : i32
      %ge3A_382 = vector.broadcast %ge3A_381 : i32 to vector<16xi32>
      %ge3A_383 = arith.cmpi sge, %get3A_374, %ge3A_382 : vector<16xi32>
      %sub3A_384 = arith.constant 5000 : i32
      %sub3A_385 = vector.broadcast %sub3A_384 : i32 to vector<16xi32>
      %sub3A_386 = arith.subi %get3A_374, %sub3A_385 : vector<16xi32>
      %select_n3A_387 = arith.select %ge3A_383, %sub3A_386, %add3A_380 : vector<16xi1>, vector<16xi32>
      %swap3A_388 = arith.constant 2 : i32
      %swap3A_389 = arith.index_cast %swap3A_388 : i32 to index
      %swap3A_390 = arith.constant 0 : index
      %swap3A_391 = tpu.vector_load %arg9[%swap3A_389, %swap3A_390] {strides = array<i32>} : memref<5x80xi32, #tpu.memory_space<vmem>>, vector<16xi32>,
      tpu.vector_store %arg9[%swap3A_389, %swap3A_390], %select_n3A_387 {strides = array<i32>} : memref<5x80xi32, #tpu.memory_space<vmem>>, vector<16xi32>,
      %get3A_392 = arith.index_cast %add3A_371 : i32 to index
      %get3A_393 = arith.constant 16 : index
      %get3A_394 = tpu.vector_load %arg8[%get3A_392, %get3A_393] {strides = array<i32>} : memref<125x80xi32, #tpu.memory_space<vmem>>, vector<16xi32>,
      %and3A_395 = arith.constant 7 : i32
      %and3A_396 = vector.broadcast %and3A_395 : i32 to vector<16xi32>
      %and3A_397 = arith.andi %get3A_394, %and3A_396 : vector<16xi32>
      %add3A_398 = arith.constant 5000 : i32
      %add3A_399 = vector.broadcast %add3A_398 : i32 to vector<16xi32>
      %add3A_400 = arith.addi %add3A_399, %and3A_397 : vector<16xi32>
      %ge3A_401 = arith.constant 5000 : i32
      %ge3A_402 = vector.broadcast %ge3A_401 : i32 to vector<16xi32>
      %ge3A_403 = arith.cmpi sge, %get3A_394, %ge3A_402 : vector<16xi32>
      %sub3A_404 = arith.constant 5000 : i32
      %sub3A_405 = vector.broadcast %sub3A_404 : i32 to vector<16xi32>
      %sub3A_406 = arith.subi %get3A_394, %sub3A_405 : vector<16xi32>
      %select_n3A_407 = arith.select %ge3A_403, %sub3A_406, %add3A_400 : vector<16xi1>, vector<16xi32>
      %swap3A_408 = arith.constant 2 : i32
      %swap3A_409 = arith.index_cast %swap3A_408 : i32 to index
      %swap3A_410 = arith.constant 16 : index
      %swap3A_411 = tpu.vector_load %arg9[%swap3A_409, %swap3A_410] {strides = array<i32>} : memref<5x80xi32, #tpu.memory_space<vmem>>, vector<16xi32>,
      tpu.vector_store %arg9[%swap3A_409, %swap3A_410], %select_n3A_407 {strides = array<i32>} : memref<5x80xi32, #tpu.memory_space<vmem>>, vector<16xi32>,
      %get3A_412 = arith.index_cast %add3A_371 : i32 to index
      %get3A_413 = arith.constant 32 : index
      %get3A_414 = tpu.vector_load %arg8[%get3A_412, %get3A_413] {strides = array<i32>} : memref<125x80xi32, #tpu.memory_space<vmem>>, vector<16xi32>,
      %and3A_415 = arith.constant 7 : i32
      %and3A_416 = vector.broadcast %and3A_415 : i32 to vector<16xi32>
      %and3A_417 = arith.andi %get3A_414, %and3A_416 : vector<16xi32>
      %add3A_418 = arith.constant 5000 : i32
      %add3A_419 = vector.broadcast %add3A_418 : i32 to vector<16xi32>
      %add3A_420 = arith.addi %add3A_419, %and3A_417 : vector<16xi32>
      %ge3A_421 = arith.constant 5000 : i32
      %ge3A_422 = vector.broadcast %ge3A_421 : i32 to vector<16xi32>
      %ge3A_423 = arith.cmpi sge, %get3A_414, %ge3A_422 : vector<16xi32>
      %sub3A_424 = arith.constant 5000 : i32
      %sub3A_425 = vector.broadcast %sub3A_424 : i32 to vector<16xi32>
      %sub3A_426 = arith.subi %get3A_414, %sub3A_425 : vector<16xi32>
      %select_n3A_427 = arith.select %ge3A_423, %sub3A_426, %add3A_420 : vector<16xi1>, vector<16xi32>
      %swap3A_428 = arith.constant 2 : i32
      %swap3A_429 = arith.index_cast %swap3A_428 : i32 to index
      %swap3A_430 = arith.constant 32 : index
      %swap3A_431 = tpu.vector_load %arg9[%swap3A_429, %swap3A_430] {strides = array<i32>} : memref<5x80xi32, #tpu.memory_space<vmem>>, vector<16xi32>,
      tpu.vector_store %arg9[%swap3A_429, %swap3A_430], %select_n3A_427 {strides = array<i32>} : memref<5x80xi32, #tpu.memory_space<vmem>>, vector<16xi32>,
      %get3A_432 = arith.index_cast %add3A_371 : i32 to index
      %get3A_433 = arith.constant 48 : index
      %get3A_434 = tpu.vector_load %arg8[%get3A_432, %get3A_433] {strides = array<i32>} : memref<125x80xi32, #tpu.memory_space<vmem>>, vector<16xi32>,
      %and3A_435 = arith.constant 7 : i32
      %and3A_436 = vector.broadcast %and3A_435 : i32 to vector<16xi32>
      %and3A_437 = arith.andi %get3A_434, %and3A_436 : vector<16xi32>
      %add3A_438 = arith.constant 5000 : i32
      %add3A_439 = vector.broadcast %add3A_438 : i32 to vector<16xi32>
      %add3A_440 = arith.addi %add3A_439, %and3A_437 : vector<16xi32>
      %ge3A_441 = arith.constant 5000 : i32
      %ge3A_442 = vector.broadcast %ge3A_441 : i32 to vector<16xi32>
      %ge3A_443 = arith.cmpi sge, %get3A_434, %ge3A_442 : vector<16xi32>
      %sub3A_444 = arith.constant 5000 : i32
      %sub3A_445 = vector.broadcast %sub3A_444 : i32 to vector<16xi32>
      %sub3A_446 = arith.subi %get3A_434, %sub3A_445 : vector<16xi32>
      %select_n3A_447 = arith.select %ge3A_443, %sub3A_446, %add3A_440 : vector<16xi1>, vector<16xi32>
      %swap3A_448 = arith.constant 2 : i32
      %swap3A_449 = arith.index_cast %swap3A_448 : i32 to index
      %swap3A_450 = arith.constant 48 : index
      %swap3A_451 = tpu.vector_load %arg9[%swap3A_449, %swap3A_450] {strides = array<i32>} : memref<5x80xi32, #tpu.memory_space<vmem>>, vector<16xi32>,
      tpu.vector_store %arg9[%swap3A_449, %swap3A_450], %select_n3A_447 {strides = array<i32>} : memref<5x80xi32, #tpu.memory_space<vmem>>, vector<16xi32>,
      %get3A_452 = arith.index_cast %add3A_371 : i32 to index
      %get3A_453 = arith.constant 64 : index
      %get3A_454 = tpu.vector_load %arg8[%get3A_452, %get3A_453] {strides = array<i32>} : memref<125x80xi32, #tpu.memory_space<vmem>>, vector<16xi32>,
      %and3A_455 = arith.constant 7 : i32
      %and3A_456 = vector.broadcast %and3A_455 : i32 to vector<16xi32>
      %and3A_457 = arith.andi %get3A_454, %and3A_456 : vector<16xi32>
      %add3A_458 = arith.constant 5000 : i32
      %add3A_459 = vector.broadcast %add3A_458 : i32 to vector<16xi32>
      %add3A_460 = arith.addi %add3A_459, %and3A_457 : vector<16xi32>
      %ge3A_461 = arith.constant 5000 : i32
      %ge3A_462 = vector.broadcast %ge3A_461 : i32 to vector<16xi32>
      %ge3A_463 = arith.cmpi sge, %get3A_454, %ge3A_462 : vector<16xi32>
      %sub3A_464 = arith.constant 5000 : i32
      %sub3A_465 = vector.broadcast %sub3A_464 : i32 to vector<16xi32>
      %sub3A_466 = arith.subi %get3A_454, %sub3A_465 : vector<16xi32>
      %select_n3A_467 = arith.select %ge3A_463, %sub3A_466, %add3A_460 : vector<16xi1>, vector<16xi32>
      %swap3A_468 = arith.constant 2 : i32
      %swap3A_469 = arith.index_cast %swap3A_468 : i32 to index
      %swap3A_470 = arith.constant 64 : index
      %swap3A_471 = tpu.vector_load %arg9[%swap3A_469, %swap3A_470] {strides = array<i32>} : memref<5x80xi32, #tpu.memory_space<vmem>>, vector<16xi32>,
      tpu.vector_store %arg9[%swap3A_469, %swap3A_470], %select_n3A_467 {strides = array<i32>} : memref<5x80xi32, #tpu.memory_space<vmem>>, vector<16xi32>,
      %dma_wait3A_472 = arith.constant 0 : i32
      %dma_wait3A_473 = tpu.memref_slice %arg7[%add3A_371, %dma_wait3A_472] : memref<125x80xi32, #tpu.memory_space<vmem>> -> memref<1x80xi32, #tpu.memory_space<vmem>>
      %dma_wait3A_474 = tpu.memref_squeeze %dma_wait3A_473 : memref<1x80xi32, #tpu.memory_space<vmem>> -> memref<80xi32, #tpu.memory_space<vmem>>
      %dma_wait3A_475 = arith.constant 0 : i32
      %dma_wait3A_476 = arith.constant 0 : i32
      %dma_wait3A_477 = tpu.memref_slice %arg2[%dma_wait3A_475, %dma_wait3A_476] : memref<10000x128xf32, #tpu.memory_space<hbm>> -> memref<10000x128xf32, #tpu.memory_space<hbm>>
      tpu.wait_indirect_dma semaphore(%arg17 : memref<!tpu.dma_semaphore, #tpu.memory_space<semaphore_mem>>) src(%dma_wait3A_477 : memref<10000x128xf32, #tpu.memory_space<hbm>>) dst(%arg12 : memref<80x128xf32, #tpu.memory_space<vmem>>)
      %dma_start3A_478 = arith.constant 2 : i32
      %dma_start3A_479 = arith.constant 0 : i32
      %dma_start3A_480 = tpu.memref_slice %arg9[%dma_start3A_478, %dma_start3A_479] : memref<5x80xi32, #tpu.memory_space<vmem>> -> memref<1x80xi32, #tpu.memory_space<vmem>>
      %dma_start3A_481 = tpu.memref_squeeze %dma_start3A_480 : memref<1x80xi32, #tpu.memory_space<vmem>> -> memref<80xi32, #tpu.memory_space<vmem>>
      %dma_start3A_482 = arith.constant 0 : i32
      %dma_start3A_483 = arith.constant 0 : i32
      %dma_start3A_484 = tpu.memref_slice %arg25[%dma_start3A_482, %dma_start3A_483] : memref<5008x128xf32, #tpu.memory_space<vmem_shared>> -> memref<5008x128xf32, #tpu.memory_space<vmem_shared>>
      tpu.enqueue_indirect_dma source(%arg12 : memref<80x128xf32, #tpu.memory_space<vmem>>) target(%dma_start3A_484 : memref<5008x128xf32, #tpu.memory_space<vmem_shared>>) offsets(%dma_start3A_481 : memref<80xi32, #tpu.memory_space<vmem>>) semaphore(%arg22 : memref<!tpu.dma_semaphore, #tpu.memory_space<semaphore_mem>>) {add = true}
      %ge3A_485 = arith.constant 1 : i32
      %ge3A_486 = arith.cmpi sge, %add3A_371, %ge3A_485 : i32
      %convert_element_type3A_487 = arith.extui %ge3A_486 : i1 to i32
      %cond3A_488 = arith.constant 0 : i32
      %cond3A_489 = arith.cmpi ne, %convert_element_type3A_487, %cond3A_488 : i32
      scf.if %cond3A_489 {
        %dma_wait3A_751 = arith.constant 1 : i32
        %dma_wait3A_752 = arith.constant 0 : i32
        %dma_wait3A_753 = tpu.memref_slice %arg9[%dma_wait3A_751, %dma_wait3A_752] : memref<5x80xi32, #tpu.memory_space<vmem>> -> memref<1x80xi32, #tpu.memory_space<vmem>>
        %dma_wait3A_754 = tpu.memref_squeeze %dma_wait3A_753 : memref<1x80xi32, #tpu.memory_space<vmem>> -> memref<80xi32, #tpu.memory_space<vmem>>
        %dma_wait3A_755 = arith.constant 0 : i32
        %dma_wait3A_756 = arith.constant 0 : i32
        %dma_wait3A_757 = tpu.memref_slice %arg25[%dma_wait3A_755, %dma_wait3A_756] : memref<5008x128xf32, #tpu.memory_space<vmem_shared>> -> memref<5008x128xf32, #tpu.memory_space<vmem_shared>>
        tpu.wait_indirect_dma semaphore(%arg21 : memref<!tpu.dma_semaphore, #tpu.memory_space<semaphore_mem>>) src(%arg11 : memref<80x128xf32, #tpu.memory_space<vmem>>) dst(%dma_wait3A_757 : memref<5008x128xf32, #tpu.memory_space<vmem_shared>>)
      } else {
      }
      %add3A_490 = arith.constant 4 : i32
      %add3A_491 = arith.addi %add3A_371, %add3A_490 : i32
      %lt3A_492 = arith.constant 125 : i32
      %lt3A_493 = arith.cmpi slt, %add3A_491, %lt3A_492 : i32
      %convert_element_type3A_494 = arith.extui %lt3A_493 : i1 to i32
      %cond3A_495 = arith.constant 0 : i32
      %cond3A_496 = arith.cmpi ne, %convert_element_type3A_494, %cond3A_495 : i32
      scf.if %cond3A_496 {
        %add3A_751 = arith.constant 4 : i32
        %add3A_752 = arith.addi %add3A_371, %add3A_751 : i32
        %dma_start3A_753 = arith.constant 0 : i32
        %dma_start3A_754 = tpu.memref_slice %arg7[%add3A_752, %dma_start3A_753] : memref<125x80xi32, #tpu.memory_space<vmem>> -> memref<1x80xi32, #tpu.memory_space<vmem>>
        %dma_start3A_755 = tpu.memref_squeeze %dma_start3A_754 : memref<1x80xi32, #tpu.memory_space<vmem>> -> memref<80xi32, #tpu.memory_space<vmem>>
        %dma_start3A_756 = arith.constant 0 : i32
        %dma_start3A_757 = arith.constant 0 : i32
        %dma_start3A_758 = tpu.memref_slice %arg2[%dma_start3A_756, %dma_start3A_757] : memref<10000x128xf32, #tpu.memory_space<hbm>> -> memref<10000x128xf32, #tpu.memory_space<hbm>>
        tpu.enqueue_indirect_dma source(%dma_start3A_758 : memref<10000x128xf32, #tpu.memory_space<hbm>>) target(%arg11 : memref<80x128xf32, #tpu.memory_space<vmem>>) offsets(%dma_start3A_755 : memref<80xi32, #tpu.memory_space<vmem>>) semaphore(%arg16 : memref<!tpu.dma_semaphore, #tpu.memory_space<semaphore_mem>>)
      } else {
      }
      %add3A_497 = arith.constant 3 : i32
      %add3A_498 = arith.addi %add3A_122, %add3A_497 : i32
      %get3A_499 = arith.index_cast %add3A_498 : i32 to index
      %get3A_500 = arith.constant 0 : index
      %get3A_501 = tpu.vector_load %arg8[%get3A_499, %get3A_500] {strides = array<i32>} : memref<125x80xi32, #tpu.memory_space<vmem>>, vector<16xi32>,
      %and3A_502 = arith.constant 7 : i32
      %and3A_503 = vector.broadcast %and3A_502 : i32 to vector<16xi32>
      %and3A_504 = arith.andi %get3A_501, %and3A_503 : vector<16xi32>
      %add3A_505 = arith.constant 5000 : i32
      %add3A_506 = vector.broadcast %add3A_505 : i32 to vector<16xi32>
      %add3A_507 = arith.addi %add3A_506, %and3A_504 : vector<16xi32>
      %ge3A_508 = arith.constant 5000 : i32
      %ge3A_509 = vector.broadcast %ge3A_508 : i32 to vector<16xi32>
      %ge3A_510 = arith.cmpi sge, %get3A_501, %ge3A_509 : vector<16xi32>
      %sub3A_511 = arith.constant 5000 : i32
      %sub3A_512 = vector.broadcast %sub3A_511 : i32 to vector<16xi32>
      %sub3A_513 = arith.subi %get3A_501, %sub3A_512 : vector<16xi32>
      %select_n3A_514 = arith.select %ge3A_510, %sub3A_513, %add3A_507 : vector<16xi1>, vector<16xi32>
      %swap3A_515 = arith.constant 3 : i32
      %swap3A_516 = arith.index_cast %swap3A_515 : i32 to index
      %swap3A_517 = arith.constant 0 : index
      %swap3A_518 = tpu.vector_load %arg9[%swap3A_516, %swap3A_517] {strides = array<i32>} : memref<5x80xi32, #tpu.memory_space<vmem>>, vector<16xi32>,
      tpu.vector_store %arg9[%swap3A_516, %swap3A_517], %select_n3A_514 {strides = array<i32>} : memref<5x80xi32, #tpu.memory_space<vmem>>, vector<16xi32>,
      %get3A_519 = arith.index_cast %add3A_498 : i32 to index
      %get3A_520 = arith.constant 16 : index
      %get3A_521 = tpu.vector_load %arg8[%get3A_519, %get3A_520] {strides = array<i32>} : memref<125x80xi32, #tpu.memory_space<vmem>>, vector<16xi32>,
      %and3A_522 = arith.constant 7 : i32
      %and3A_523 = vector.broadcast %and3A_522 : i32 to vector<16xi32>
      %and3A_524 = arith.andi %get3A_521, %and3A_523 : vector<16xi32>
      %add3A_525 = arith.constant 5000 : i32
      %add3A_526 = vector.broadcast %add3A_525 : i32 to vector<16xi32>
      %add3A_527 = arith.addi %add3A_526, %and3A_524 : vector<16xi32>
      %ge3A_528 = arith.constant 5000 : i32
      %ge3A_529 = vector.broadcast %ge3A_528 : i32 to vector<16xi32>
      %ge3A_530 = arith.cmpi sge, %get3A_521, %ge3A_529 : vector<16xi32>
      %sub3A_531 = arith.constant 5000 : i32
      %sub3A_532 = vector.broadcast %sub3A_531 : i32 to vector<16xi32>
      %sub3A_533 = arith.subi %get3A_521, %sub3A_532 : vector<16xi32>
      %select_n3A_534 = arith.select %ge3A_530, %sub3A_533, %add3A_527 : vector<16xi1>, vector<16xi32>
      %swap3A_535 = arith.constant 3 : i32
      %swap3A_536 = arith.index_cast %swap3A_535 : i32 to index
      %swap3A_537 = arith.constant 16 : index
      %swap3A_538 = tpu.vector_load %arg9[%swap3A_536, %swap3A_537] {strides = array<i32>} : memref<5x80xi32, #tpu.memory_space<vmem>>, vector<16xi32>,
      tpu.vector_store %arg9[%swap3A_536, %swap3A_537], %select_n3A_534 {strides = array<i32>} : memref<5x80xi32, #tpu.memory_space<vmem>>, vector<16xi32>,
      %get3A_539 = arith.index_cast %add3A_498 : i32 to index
      %get3A_540 = arith.constant 32 : index
      %get3A_541 = tpu.vector_load %arg8[%get3A_539, %get3A_540] {strides = array<i32>} : memref<125x80xi32, #tpu.memory_space<vmem>>, vector<16xi32>,
      %and3A_542 = arith.constant 7 : i32
      %and3A_543 = vector.broadcast %and3A_542 : i32 to vector<16xi32>
      %and3A_544 = arith.andi %get3A_541, %and3A_543 : vector<16xi32>
      %add3A_545 = arith.constant 5000 : i32
      %add3A_546 = vector.broadcast %add3A_545 : i32 to vector<16xi32>
      %add3A_547 = arith.addi %add3A_546, %and3A_544 : vector<16xi32>
      %ge3A_548 = arith.constant 5000 : i32
      %ge3A_549 = vector.broadcast %ge3A_548 : i32 to vector<16xi32>
      %ge3A_550 = arith.cmpi sge, %get3A_541, %ge3A_549 : vector<16xi32>
      %sub3A_551 = arith.constant 5000 : i32
      %sub3A_552 = vector.broadcast %sub3A_551 : i32 to vector<16xi32>
      %sub3A_553 = arith.subi %get3A_541, %sub3A_552 : vector<16xi32>
      %select_n3A_554 = arith.select %ge3A_550, %sub3A_553, %add3A_547 : vector<16xi1>, vector<16xi32>
      %swap3A_555 = arith.constant 3 : i32
      %swap3A_556 = arith.index_cast %swap3A_555 : i32 to index
      %swap3A_557 = arith.constant 32 : index
      %swap3A_558 = tpu.vector_load %arg9[%swap3A_556, %swap3A_557] {strides = array<i32>} : memref<5x80xi32, #tpu.memory_space<vmem>>, vector<16xi32>,
      tpu.vector_store %arg9[%swap3A_556, %swap3A_557], %select_n3A_554 {strides = array<i32>} : memref<5x80xi32, #tpu.memory_space<vmem>>, vector<16xi32>,
      %get3A_559 = arith.index_cast %add3A_498 : i32 to index
      %get3A_560 = arith.constant 48 : index
      %get3A_561 = tpu.vector_load %arg8[%get3A_559, %get3A_560] {strides = array<i32>} : memref<125x80xi32, #tpu.memory_space<vmem>>, vector<16xi32>,
      %and3A_562 = arith.constant 7 : i32
      %and3A_563 = vector.broadcast %and3A_562 : i32 to vector<16xi32>
      %and3A_564 = arith.andi %get3A_561, %and3A_563 : vector<16xi32>
      %add3A_565 = arith.constant 5000 : i32
      %add3A_566 = vector.broadcast %add3A_565 : i32 to vector<16xi32>
      %add3A_567 = arith.addi %add3A_566, %and3A_564 : vector<16xi32>
      %ge3A_568 = arith.constant 5000 : i32
      %ge3A_569 = vector.broadcast %ge3A_568 : i32 to vector<16xi32>
      %ge3A_570 = arith.cmpi sge, %get3A_561, %ge3A_569 : vector<16xi32>
      %sub3A_571 = arith.constant 5000 : i32
      %sub3A_572 = vector.broadcast %sub3A_571 : i32 to vector<16xi32>
      %sub3A_573 = arith.subi %get3A_561, %sub3A_572 : vector<16xi32>
      %select_n3A_574 = arith.select %ge3A_570, %sub3A_573, %add3A_567 : vector<16xi1>, vector<16xi32>
      %swap3A_575 = arith.constant 3 : i32
      %swap3A_576 = arith.index_cast %swap3A_575 : i32 to index
      %swap3A_577 = arith.constant 48 : index
      %swap3A_578 = tpu.vector_load %arg9[%swap3A_576, %swap3A_577] {strides = array<i32>} : memref<5x80xi32, #tpu.memory_space<vmem>>, vector<16xi32>,
      tpu.vector_store %arg9[%swap3A_576, %swap3A_577], %select_n3A_574 {strides = array<i32>} : memref<5x80xi32, #tpu.memory_space<vmem>>, vector<16xi32>,
      %get3A_579 = arith.index_cast %add3A_498 : i32 to index
      %get3A_580 = arith.constant 64 : index
      %get3A_581 = tpu.vector_load %arg8[%get3A_579, %get3A_580] {strides = array<i32>} : memref<125x80xi32, #tpu.memory_space<vmem>>, vector<16xi32>,
      %and3A_582 = arith.constant 7 : i32
      %and3A_583 = vector.broadcast %and3A_582 : i32 to vector<16xi32>
      %and3A_584 = arith.andi %get3A_581, %and3A_583 : vector<16xi32>
      %add3A_585 = arith.constant 5000 : i32
      %add3A_586 = vector.broadcast %add3A_585 : i32 to vector<16xi32>
      %add3A_587 = arith.addi %add3A_586, %and3A_584 : vector<16xi32>
      %ge3A_588 = arith.constant 5000 : i32
      %ge3A_589 = vector.broadcast %ge3A_588 : i32 to vector<16xi32>
      %ge3A_590 = arith.cmpi sge, %get3A_581, %ge3A_589 : vector<16xi32>
      %sub3A_591 = arith.constant 5000 : i32
      %sub3A_592 = vector.broadcast %sub3A_591 : i32 to vector<16xi32>
      %sub3A_593 = arith.subi %get3A_581, %sub3A_592 : vector<16xi32>
      %select_n3A_594 = arith.select %ge3A_590, %sub3A_593, %add3A_587 : vector<16xi1>, vector<16xi32>
      %swap3A_595 = arith.constant 3 : i32
      %swap3A_596 = arith.index_cast %swap3A_595 : i32 to index
      %swap3A_597 = arith.constant 64 : index
      %swap3A_598 = tpu.vector_load %arg9[%swap3A_596, %swap3A_597] {strides = array<i32>} : memref<5x80xi32, #tpu.memory_space<vmem>>, vector<16xi32>,
      tpu.vector_store %arg9[%swap3A_596, %swap3A_597], %select_n3A_594 {strides = array<i32>} : memref<5x80xi32, #tpu.memory_space<vmem>>, vector<16xi32>,
      %dma_wait3A_599 = arith.constant 0 : i32
      %dma_wait3A_600 = tpu.memref_slice %arg7[%add3A_498, %dma_wait3A_599] : memref<125x80xi32, #tpu.memory_space<vmem>> -> memref<1x80xi32, #tpu.memory_space<vmem>>
      %dma_wait3A_601 = tpu.memref_squeeze %dma_wait3A_600 : memref<1x80xi32, #tpu.memory_space<vmem>> -> memref<80xi32, #tpu.memory_space<vmem>>
      %dma_wait3A_602 = arith.constant 0 : i32
      %dma_wait3A_603 = arith.constant 0 : i32
      %dma_wait3A_604 = tpu.memref_slice %arg2[%dma_wait3A_602, %dma_wait3A_603] : memref<10000x128xf32, #tpu.memory_space<hbm>> -> memref<10000x128xf32, #tpu.memory_space<hbm>>
      tpu.wait_indirect_dma semaphore(%arg18 : memref<!tpu.dma_semaphore, #tpu.memory_space<semaphore_mem>>) src(%dma_wait3A_604 : memref<10000x128xf32, #tpu.memory_space<hbm>>) dst(%arg13 : memref<80x128xf32, #tpu.memory_space<vmem>>)
      %dma_start3A_605 = arith.constant 3 : i32
      %dma_start3A_606 = arith.constant 0 : i32
      %dma_start3A_607 = tpu.memref_slice %arg9[%dma_start3A_605, %dma_start3A_606] : memref<5x80xi32, #tpu.memory_space<vmem>> -> memref<1x80xi32, #tpu.memory_space<vmem>>
      %dma_start3A_608 = tpu.memref_squeeze %dma_start3A_607 : memref<1x80xi32, #tpu.memory_space<vmem>> -> memref<80xi32, #tpu.memory_space<vmem>>
      %dma_start3A_609 = arith.constant 0 : i32
      %dma_start3A_610 = arith.constant 0 : i32
      %dma_start3A_611 = tpu.memref_slice %arg25[%dma_start3A_609, %dma_start3A_610] : memref<5008x128xf32, #tpu.memory_space<vmem_shared>> -> memref<5008x128xf32, #tpu.memory_space<vmem_shared>>
      tpu.enqueue_indirect_dma source(%arg13 : memref<80x128xf32, #tpu.memory_space<vmem>>) target(%dma_start3A_611 : memref<5008x128xf32, #tpu.memory_space<vmem_shared>>) offsets(%dma_start3A_608 : memref<80xi32, #tpu.memory_space<vmem>>) semaphore(%arg23 : memref<!tpu.dma_semaphore, #tpu.memory_space<semaphore_mem>>) {add = true}
      %ge3A_612 = arith.constant 1 : i32
      %ge3A_613 = arith.cmpi sge, %add3A_498, %ge3A_612 : i32
      %convert_element_type3A_614 = arith.extui %ge3A_613 : i1 to i32
      %cond3A_615 = arith.constant 0 : i32
      %cond3A_616 = arith.cmpi ne, %convert_element_type3A_614, %cond3A_615 : i32
      scf.if %cond3A_616 {
        %dma_wait3A_751 = arith.constant 2 : i32
        %dma_wait3A_752 = arith.constant 0 : i32
        %dma_wait3A_753 = tpu.memref_slice %arg9[%dma_wait3A_751, %dma_wait3A_752] : memref<5x80xi32, #tpu.memory_space<vmem>> -> memref<1x80xi32, #tpu.memory_space<vmem>>
        %dma_wait3A_754 = tpu.memref_squeeze %dma_wait3A_753 : memref<1x80xi32, #tpu.memory_space<vmem>> -> memref<80xi32, #tpu.memory_space<vmem>>
        %dma_wait3A_755 = arith.constant 0 : i32
        %dma_wait3A_756 = arith.constant 0 : i32
        %dma_wait3A_757 = tpu.memref_slice %arg25[%dma_wait3A_755, %dma_wait3A_756] : memref<5008x128xf32, #tpu.memory_space<vmem_shared>> -> memref<5008x128xf32, #tpu.memory_space<vmem_shared>>
        tpu.wait_indirect_dma semaphore(%arg22 : memref<!tpu.dma_semaphore, #tpu.memory_space<semaphore_mem>>) src(%arg12 : memref<80x128xf32, #tpu.memory_space<vmem>>) dst(%dma_wait3A_757 : memref<5008x128xf32, #tpu.memory_space<vmem_shared>>)
      } else {
      }
      %add3A_617 = arith.constant 4 : i32
      %add3A_618 = arith.addi %add3A_498, %add3A_617 : i32
      %lt3A_619 = arith.constant 125 : i32
      %lt3A_620 = arith.cmpi slt, %add3A_618, %lt3A_619 : i32
      %convert_element_type3A_621 = arith.extui %lt3A_620 : i1 to i32
      %cond3A_622 = arith.constant 0 : i32
      %cond3A_623 = arith.cmpi ne, %convert_element_type3A_621, %cond3A_622 : i32
      scf.if %cond3A_623 {
        %add3A_751 = arith.constant 4 : i32
        %add3A_752 = arith.addi %add3A_498, %add3A_751 : i32
        %dma_start3A_753 = arith.constant 0 : i32
        %dma_start3A_754 = tpu.memref_slice %arg7[%add3A_752, %dma_start3A_753] : memref<125x80xi32, #tpu.memory_space<vmem>> -> memref<1x80xi32, #tpu.memory_space<vmem>>
        %dma_start3A_755 = tpu.memref_squeeze %dma_start3A_754 : memref<1x80xi32, #tpu.memory_space<vmem>> -> memref<80xi32, #tpu.memory_space<vmem>>
        %dma_start3A_756 = arith.constant 0 : i32
        %dma_start3A_757 = arith.constant 0 : i32
        %dma_start3A_758 = tpu.memref_slice %arg2[%dma_start3A_756, %dma_start3A_757] : memref<10000x128xf32, #tpu.memory_space<hbm>> -> memref<10000x128xf32, #tpu.memory_space<hbm>>
        tpu.enqueue_indirect_dma source(%dma_start3A_758 : memref<10000x128xf32, #tpu.memory_space<hbm>>) target(%arg12 : memref<80x128xf32, #tpu.memory_space<vmem>>) offsets(%dma_start3A_755 : memref<80xi32, #tpu.memory_space<vmem>>) semaphore(%arg17 : memref<!tpu.dma_semaphore, #tpu.memory_space<semaphore_mem>>)
      } else {
      }
      %add3A_624 = arith.constant 4 : i32
      %add3A_625 = arith.addi %add3A_122, %add3A_624 : i32
      %get3A_626 = arith.index_cast %add3A_625 : i32 to index
      %get3A_627 = arith.constant 0 : index
      %get3A_628 = tpu.vector_load %arg8[%get3A_626, %get3A_627] {strides = array<i32>} : memref<125x80xi32, #tpu.memory_space<vmem>>, vector<16xi32>,
      %and3A_629 = arith.constant 7 : i32
      %and3A_630 = vector.broadcast %and3A_629 : i32 to vector<16xi32>
      %and3A_631 = arith.andi %get3A_628, %and3A_630 : vector<16xi32>
      %add3A_632 = arith.constant 5000 : i32
      %add3A_633 = vector.broadcast %add3A_632 : i32 to vector<16xi32>
      %add3A_634 = arith.addi %add3A_633, %and3A_631 : vector<16xi32>
      %ge3A_635 = arith.constant 5000 : i32
      %ge3A_636 = vector.broadcast %ge3A_635 : i32 to vector<16xi32>
      %ge3A_637 = arith.cmpi sge, %get3A_628, %ge3A_636 : vector<16xi32>
      %sub3A_638 = arith.constant 5000 : i32
      %sub3A_639 = vector.broadcast %sub3A_638 : i32 to vector<16xi32>
      %sub3A_640 = arith.subi %get3A_628, %sub3A_639 : vector<16xi32>
      %select_n3A_641 = arith.select %ge3A_637, %sub3A_640, %add3A_634 : vector<16xi1>, vector<16xi32>
      %swap3A_642 = arith.constant 4 : i32
      %swap3A_643 = arith.index_cast %swap3A_642 : i32 to index
      %swap3A_644 = arith.constant 0 : index
      %swap3A_645 = tpu.vector_load %arg9[%swap3A_643, %swap3A_644] {strides = array<i32>} : memref<5x80xi32, #tpu.memory_space<vmem>>, vector<16xi32>,
      tpu.vector_store %arg9[%swap3A_643, %swap3A_644], %select_n3A_641 {strides = array<i32>} : memref<5x80xi32, #tpu.memory_space<vmem>>, vector<16xi32>,
      %get3A_646 = arith.index_cast %add3A_625 : i32 to index
      %get3A_647 = arith.constant 16 : index
      %get3A_648 = tpu.vector_load %arg8[%get3A_646, %get3A_647] {strides = array<i32>} : memref<125x80xi32, #tpu.memory_space<vmem>>, vector<16xi32>,
      %and3A_649 = arith.constant 7 : i32
      %and3A_650 = vector.broadcast %and3A_649 : i32 to vector<16xi32>
      %and3A_651 = arith.andi %get3A_648, %and3A_650 : vector<16xi32>
      %add3A_652 = arith.constant 5000 : i32
      %add3A_653 = vector.broadcast %add3A_652 : i32 to vector<16xi32>
      %add3A_654 = arith.addi %add3A_653, %and3A_651 : vector<16xi32>
      %ge3A_655 = arith.constant 5000 : i32
      %ge3A_656 = vector.broadcast %ge3A_655 : i32 to vector<16xi32>
      %ge3A_657 = arith.cmpi sge, %get3A_648, %ge3A_656 : vector<16xi32>
      %sub3A_658 = arith.constant 5000 : i32
      %sub3A_659 = vector.broadcast %sub3A_658 : i32 to vector<16xi32>
      %sub3A_660 = arith.subi %get3A_648, %sub3A_659 : vector<16xi32>
      %select_n3A_661 = arith.select %ge3A_657, %sub3A_660, %add3A_654 : vector<16xi1>, vector<16xi32>
      %swap3A_662 = arith.constant 4 : i32
      %swap3A_663 = arith.index_cast %swap3A_662 : i32 to index
      %swap3A_664 = arith.constant 16 : index
      %swap3A_665 = tpu.vector_load %arg9[%swap3A_663, %swap3A_664] {strides = array<i32>} : memref<5x80xi32, #tpu.memory_space<vmem>>, vector<16xi32>,
      tpu.vector_store %arg9[%swap3A_663, %swap3A_664], %select_n3A_661 {strides = array<i32>} : memref<5x80xi32, #tpu.memory_space<vmem>>, vector<16xi32>,
      %get3A_666 = arith.index_cast %add3A_625 : i32 to index
      %get3A_667 = arith.constant 32 : index
      %get3A_668 = tpu.vector_load %arg8[%get3A_666, %get3A_667] {strides = array<i32>} : memref<125x80xi32, #tpu.memory_space<vmem>>, vector<16xi32>,
      %and3A_669 = arith.constant 7 : i32
      %and3A_670 = vector.broadcast %and3A_669 : i32 to vector<16xi32>
      %and3A_671 = arith.andi %get3A_668, %and3A_670 : vector<16xi32>
      %add3A_672 = arith.constant 5000 : i32
      %add3A_673 = vector.broadcast %add3A_672 : i32 to vector<16xi32>
      %add3A_674 = arith.addi %add3A_673, %and3A_671 : vector<16xi32>
      %ge3A_675 = arith.constant 5000 : i32
      %ge3A_676 = vector.broadcast %ge3A_675 : i32 to vector<16xi32>
      %ge3A_677 = arith.cmpi sge, %get3A_668, %ge3A_676 : vector<16xi32>
      %sub3A_678 = arith.constant 5000 : i32
      %sub3A_679 = vector.broadcast %sub3A_678 : i32 to vector<16xi32>
      %sub3A_680 = arith.subi %get3A_668, %sub3A_679 : vector<16xi32>
      %select_n3A_681 = arith.select %ge3A_677, %sub3A_680, %add3A_674 : vector<16xi1>, vector<16xi32>
      %swap3A_682 = arith.constant 4 : i32
      %swap3A_683 = arith.index_cast %swap3A_682 : i32 to index
      %swap3A_684 = arith.constant 32 : index
      %swap3A_685 = tpu.vector_load %arg9[%swap3A_683, %swap3A_684] {strides = array<i32>} : memref<5x80xi32, #tpu.memory_space<vmem>>, vector<16xi32>,
      tpu.vector_store %arg9[%swap3A_683, %swap3A_684], %select_n3A_681 {strides = array<i32>} : memref<5x80xi32, #tpu.memory_space<vmem>>, vector<16xi32>,
      %get3A_686 = arith.index_cast %add3A_625 : i32 to index
      %get3A_687 = arith.constant 48 : index
      %get3A_688 = tpu.vector_load %arg8[%get3A_686, %get3A_687] {strides = array<i32>} : memref<125x80xi32, #tpu.memory_space<vmem>>, vector<16xi32>,
      %and3A_689 = arith.constant 7 : i32
      %and3A_690 = vector.broadcast %and3A_689 : i32 to vector<16xi32>
      %and3A_691 = arith.andi %get3A_688, %and3A_690 : vector<16xi32>
      %add3A_692 = arith.constant 5000 : i32
      %add3A_693 = vector.broadcast %add3A_692 : i32 to vector<16xi32>
      %add3A_694 = arith.addi %add3A_693, %and3A_691 : vector<16xi32>
      %ge3A_695 = arith.constant 5000 : i32
      %ge3A_696 = vector.broadcast %ge3A_695 : i32 to vector<16xi32>
      %ge3A_697 = arith.cmpi sge, %get3A_688, %ge3A_696 : vector<16xi32>
      %sub3A_698 = arith.constant 5000 : i32
      %sub3A_699 = vector.broadcast %sub3A_698 : i32 to vector<16xi32>
      %sub3A_700 = arith.subi %get3A_688, %sub3A_699 : vector<16xi32>
      %select_n3A_701 = arith.select %ge3A_697, %sub3A_700, %add3A_694 : vector<16xi1>, vector<16xi32>
      %swap3A_702 = arith.constant 4 : i32
      %swap3A_703 = arith.index_cast %swap3A_702 : i32 to index
      %swap3A_704 = arith.constant 48 : index
      %swap3A_705 = tpu.vector_load %arg9[%swap3A_703, %swap3A_704] {strides = array<i32>} : memref<5x80xi32, #tpu.memory_space<vmem>>, vector<16xi32>,
      tpu.vector_store %arg9[%swap3A_703, %swap3A_704], %select_n3A_701 {strides = array<i32>} : memref<5x80xi32, #tpu.memory_space<vmem>>, vector<16xi32>,
      %get3A_706 = arith.index_cast %add3A_625 : i32 to index
      %get3A_707 = arith.constant 64 : index
      %get3A_708 = tpu.vector_load %arg8[%get3A_706, %get3A_707] {strides = array<i32>} : memref<125x80xi32, #tpu.memory_space<vmem>>, vector<16xi32>,
      %and3A_709 = arith.constant 7 : i32
      %and3A_710 = vector.broadcast %and3A_709 : i32 to vector<16xi32>
      %and3A_711 = arith.andi %get3A_708, %and3A_710 : vector<16xi32>
      %add3A_712 = arith.constant 5000 : i32
      %add3A_713 = vector.broadcast %add3A_712 : i32 to vector<16xi32>
      %add3A_714 = arith.addi %add3A_713, %and3A_711 : vector<16xi32>
      %ge3A_715 = arith.constant 5000 : i32
      %ge3A_716 = vector.broadcast %ge3A_715 : i32 to vector<16xi32>
      %ge3A_717 = arith.cmpi sge, %get3A_708, %ge3A_716 : vector<16xi32>
      %sub3A_718 = arith.constant 5000 : i32
      %sub3A_719 = vector.broadcast %sub3A_718 : i32 to vector<16xi32>
      %sub3A_720 = arith.subi %get3A_708, %sub3A_719 : vector<16xi32>
      %select_n3A_721 = arith.select %ge3A_717, %sub3A_720, %add3A_714 : vector<16xi1>, vector<16xi32>
      %swap3A_722 = arith.constant 4 : i32
      %swap3A_723 = arith.index_cast %swap3A_722 : i32 to index
      %swap3A_724 = arith.constant 64 : index
      %swap3A_725 = tpu.vector_load %arg9[%swap3A_723, %swap3A_724] {strides = array<i32>} : memref<5x80xi32, #tpu.memory_space<vmem>>, vector<16xi32>,
      tpu.vector_store %arg9[%swap3A_723, %swap3A_724], %select_n3A_721 {strides = array<i32>} : memref<5x80xi32, #tpu.memory_space<vmem>>, vector<16xi32>,
      %dma_wait3A_726 = arith.constant 0 : i32
      %dma_wait3A_727 = tpu.memref_slice %arg7[%add3A_625, %dma_wait3A_726] : memref<125x80xi32, #tpu.memory_space<vmem>> -> memref<1x80xi32, #tpu.memory_space<vmem>>
      %dma_wait3A_728 = tpu.memref_squeeze %dma_wait3A_727 : memref<1x80xi32, #tpu.memory_space<vmem>> -> memref<80xi32, #tpu.memory_space<vmem>>
      %dma_wait3A_729 = arith.constant 0 : i32
      %dma_wait3A_730 = arith.constant 0 : i32
      %dma_wait3A_731 = tpu.memref_slice %arg2[%dma_wait3A_729, %dma_wait3A_730] : memref<10000x128xf32, #tpu.memory_space<hbm>> -> memref<10000x128xf32, #tpu.memory_space<hbm>>
      tpu.wait_indirect_dma semaphore(%arg19 : memref<!tpu.dma_semaphore, #tpu.memory_space<semaphore_mem>>) src(%dma_wait3A_731 : memref<10000x128xf32, #tpu.memory_space<hbm>>) dst(%arg14 : memref<80x128xf32, #tpu.memory_space<vmem>>)
      %dma_start3A_732 = arith.constant 4 : i32
      %dma_start3A_733 = arith.constant 0 : i32
      %dma_start3A_734 = tpu.memref_slice %arg9[%dma_start3A_732, %dma_start3A_733] : memref<5x80xi32, #tpu.memory_space<vmem>> -> memref<1x80xi32, #tpu.memory_space<vmem>>
      %dma_start3A_735 = tpu.memref_squeeze %dma_start3A_734 : memref<1x80xi32, #tpu.memory_space<vmem>> -> memref<80xi32, #tpu.memory_space<vmem>>
      %dma_start3A_736 = arith.constant 0 : i32
      %dma_start3A_737 = arith.constant 0 : i32
      %dma_start3A_738 = tpu.memref_slice %arg25[%dma_start3A_736, %dma_start3A_737] : memref<5008x128xf32, #tpu.memory_space<vmem_shared>> -> memref<5008x128xf32, #tpu.memory_space<vmem_shared>>
      tpu.enqueue_indirect_dma source(%arg14 : memref<80x128xf32, #tpu.memory_space<vmem>>) target(%dma_start3A_738 : memref<5008x128xf32, #tpu.memory_space<vmem_shared>>) offsets(%dma_start3A_735 : memref<80xi32, #tpu.memory_space<vmem>>) semaphore(%arg24 : memref<!tpu.dma_semaphore, #tpu.memory_space<semaphore_mem>>) {add = true}
      %ge3A_739 = arith.constant 1 : i32
      %ge3A_740 = arith.cmpi sge, %add3A_625, %ge3A_739 : i32
      %convert_element_type3A_741 = arith.extui %ge3A_740 : i1 to i32
      %cond3A_742 = arith.constant 0 : i32
      %cond3A_743 = arith.cmpi ne, %convert_element_type3A_741, %cond3A_742 : i32
      scf.if %cond3A_743 {
        %dma_wait3A_751 = arith.constant 3 : i32
        %dma_wait3A_752 = arith.constant 0 : i32
        %dma_wait3A_753 = tpu.memref_slice %arg9[%dma_wait3A_751, %dma_wait3A_752] : memref<5x80xi32, #tpu.memory_space<vmem>> -> memref<1x80xi32, #tpu.memory_space<vmem>>
        %dma_wait3A_754 = tpu.memref_squeeze %dma_wait3A_753 : memref<1x80xi32, #tpu.memory_space<vmem>> -> memref<80xi32, #tpu.memory_space<vmem>>
        %dma_wait3A_755 = arith.constant 0 : i32
        %dma_wait3A_756 = arith.constant 0 : i32
        %dma_wait3A_757 = tpu.memref_slice %arg25[%dma_wait3A_755, %dma_wait3A_756] : memref<5008x128xf32, #tpu.memory_space<vmem_shared>> -> memref<5008x128xf32, #tpu.memory_space<vmem_shared>>
        tpu.wait_indirect_dma semaphore(%arg23 : memref<!tpu.dma_semaphore, #tpu.memory_space<semaphore_mem>>) src(%arg13 : memref<80x128xf32, #tpu.memory_space<vmem>>) dst(%dma_wait3A_757 : memref<5008x128xf32, #tpu.memory_space<vmem_shared>>)
      } else {
      }
      %add3A_744 = arith.constant 4 : i32
      %add3A_745 = arith.addi %add3A_625, %add3A_744 : i32
      %lt3A_746 = arith.constant 125 : i32
      %lt3A_747 = arith.cmpi slt, %add3A_745, %lt3A_746 : i32
      %convert_element_type3A_748 = arith.extui %lt3A_747 : i1 to i32
      %cond3A_749 = arith.constant 0 : i32
      %cond3A_750 = arith.cmpi ne, %convert_element_type3A_748, %cond3A_749 : i32
      scf.if %cond3A_750 {
        %add3A_751 = arith.constant 4 : i32
        %add3A_752 = arith.addi %add3A_625, %add3A_751 : i32
        %dma_start3A_753 = arith.constant 0 : i32
        %dma_start3A_754 = tpu.memref_slice %arg7[%add3A_752, %dma_start3A_753] : memref<125x80xi32, #tpu.memory_space<vmem>> -> memref<1x80xi32, #tpu.memory_space<vmem>>
        %dma_start3A_755 = tpu.memref_squeeze %dma_start3A_754 : memref<1x80xi32, #tpu.memory_space<vmem>> -> memref<80xi32, #tpu.memory_space<vmem>>
        %dma_start3A_756 = arith.constant 0 : i32
        %dma_start3A_757 = arith.constant 0 : i32
        %dma_start3A_758 = tpu.memref_slice %arg2[%dma_start3A_756, %dma_start3A_757] : memref<10000x128xf32, #tpu.memory_space<hbm>> -> memref<10000x128xf32, #tpu.memory_space<hbm>>
        tpu.enqueue_indirect_dma source(%dma_start3A_758 : memref<10000x128xf32, #tpu.memory_space<hbm>>) target(%arg13 : memref<80x128xf32, #tpu.memory_space<vmem>>) offsets(%dma_start3A_755 : memref<80xi32, #tpu.memory_space<vmem>>) semaphore(%arg18 : memref<!tpu.dma_semaphore, #tpu.memory_space<semaphore_mem>>)
      } else {
      }
    }
    %scan3A_98 = arith.constant 25 : i32
    %dma_wait3A_99 = arith.constant 4 : i32
    %dma_wait3A_100 = arith.constant 0 : i32
    %dma_wait3A_101 = tpu.memref_slice %arg9[%dma_wait3A_99, %dma_wait3A_100] : memref<5x80xi32, #tpu.memory_space<vmem>> -> memref<1x80xi32, #tpu.memory_space<vmem>>
    %dma_wait3A_102 = tpu.memref_squeeze %dma_wait3A_101 : memref<1x80xi32, #tpu.memory_space<vmem>> -> memref<80xi32, #tpu.memory_space<vmem>>
    %dma_wait3A_103 = arith.constant 0 : i32
    %dma_wait3A_104 = arith.constant 0 : i32
    %dma_wait3A_105 = tpu.memref_slice %arg25[%dma_wait3A_103, %dma_wait3A_104] : memref<5008x128xf32, #tpu.memory_space<vmem_shared>> -> memref<5008x128xf32, #tpu.memory_space<vmem_shared>>
    tpu.wait_indirect_dma semaphore(%arg24 : memref<!tpu.dma_semaphore, #tpu.memory_space<semaphore_mem>>) src(%arg14 : memref<80x128xf32, #tpu.memory_space<vmem>>) dst(%dma_wait3A_105 : memref<5008x128xf32, #tpu.memory_space<vmem_shared>>)
    %barrier3A_106 = arith.constant 0 : index
    tpu.barrier barrier_id(%barrier3A_106)
    %mul3A_107 = arith.constant 312 : i32
    %mul3A_108 = arith.muli %arg1, %mul3A_107 : i32
    %mul3A_109 = arith.constant 312 : i32
    %mul3A_110 = arith.muli %arg1, %mul3A_109 : i32
    %add3A_111 = arith.constant 5000 : i32
    %add3A_112 = arith.addi %add3A_111, %mul3A_110 : i32
    "tpu.region"() ({
      %run_scoped3A = tpu.sem_alloc : memref<!tpu.dma_semaphore, #tpu.memory_space<semaphore_mem>>
      %dma_start3A_118 = arith.constant 0 : i32
      %dma_start3A_119 = tpu.memref_slice %arg6[%arg0, %add3A_112, %dma_start3A_118] : memref<2x10000x128xf32, #tpu.memory_space<hbm>> -> memref<1x312x128xf32, #tpu.memory_space<hbm>>
      %dma_start3A_120 = tpu.memref_squeeze %dma_start3A_119 : memref<1x312x128xf32, #tpu.memory_space<hbm>> -> memref<312x128xf32, #tpu.memory_space<hbm>>
      %dma_start3A_121 = arith.constant 0 : i32
      %dma_start3A_122 = tpu.memref_slice %arg25[%mul3A_108, %dma_start3A_121] : memref<5008x128xf32, #tpu.memory_space<vmem_shared>> -> memref<312x128xf32, #tpu.memory_space<vmem_shared>>
      tpu.enqueue_dma source(%dma_start3A_122 : memref<312x128xf32, #tpu.memory_space<vmem_shared>>) target(%dma_start3A_120 : memref<312x128xf32, #tpu.memory_space<hbm>>) target_semaphore(%run_scoped3A : memref<!tpu.dma_semaphore, #tpu.memory_space<semaphore_mem>>)
      %dma_wait3A_123 = arith.constant 0 : i32
      %dma_wait3A_124 = tpu.memref_slice %arg6[%arg0, %add3A_112, %dma_wait3A_123] : memref<2x10000x128xf32, #tpu.memory_space<hbm>> -> memref<1x312x128xf32, #tpu.memory_space<hbm>>
      %dma_wait3A_125 = tpu.memref_squeeze %dma_wait3A_124 : memref<1x312x128xf32, #tpu.memory_space<hbm>> -> memref<312x128xf32, #tpu.memory_space<hbm>>
      %dma_wait3A_126 = arith.constant 0 : i32
      %dma_wait3A_127 = tpu.memref_slice %arg25[%mul3A_108, %dma_wait3A_126] : memref<5008x128xf32, #tpu.memory_space<vmem_shared>> -> memref<312x128xf32, #tpu.memory_space<vmem_shared>>
      tpu.wait_dma2 semaphore(%run_scoped3A : memref<!tpu.dma_semaphore, #tpu.memory_space<semaphore_mem>>) src(%dma_wait3A_127 : memref<312x128xf32, #tpu.memory_space<vmem_shared>>) dst(%dma_wait3A_125 : memref<312x128xf32, #tpu.memory_space<hbm>>)
      tpu.yield
    }) : () -> ()
    %eq3A_113 = arith.constant 15 : i32
    %eq3A_114 = arith.cmpi eq, %arg1, %eq3A_113 : i32
    %convert_element_type3A_115 = arith.extui %eq3A_114 : i1 to i32
    %cond3A_116 = arith.constant 0 : i32
    %cond3A_117 = arith.cmpi ne, %convert_element_type3A_115, %cond3A_116 : i32
    scf.if %cond3A_117 {
      "tpu.region"() ({
        %run_scoped3A = tpu.sem_alloc : memref<!tpu.dma_semaphore, #tpu.memory_space<semaphore_mem>>
        %dma_start3A_118 = arith.constant 9992 : i32
        %dma_start3A_119 = arith.constant 0 : i32
        %dma_start3A_120 = tpu.memref_slice %arg6[%arg0, %dma_start3A_118, %dma_start3A_119] : memref<2x10000x128xf32, #tpu.memory_space<hbm>> -> memref<1x8x128xf32, #tpu.memory_space<hbm>>
        %dma_start3A_121 = tpu.memref_squeeze %dma_start3A_120 : memref<1x8x128xf32, #tpu.memory_space<hbm>> -> memref<8x128xf32, #tpu.memory_space<hbm>>
        %dma_start3A_122 = arith.constant 4992 : i32
        %dma_start3A_123 = arith.constant 0 : i32
        %dma_start3A_124 = tpu.memref_slice %arg25[%dma_start3A_122, %dma_start3A_123] : memref<5008x128xf32, #tpu.memory_space<vmem_shared>> -> memref<8x128xf32, #tpu.memory_space<vmem_shared>>
        tpu.enqueue_dma source(%dma_start3A_124 : memref<8x128xf32, #tpu.memory_space<vmem_shared>>) target(%dma_start3A_121 : memref<8x128xf32, #tpu.memory_space<hbm>>) target_semaphore(%run_scoped3A : memref<!tpu.dma_semaphore, #tpu.memory_space<semaphore_mem>>)
        %dma_wait3A_125 = arith.constant 9992 : i32
        %dma_wait3A_126 = arith.constant 0 : i32
        %dma_wait3A_127 = tpu.memref_slice %arg6[%arg0, %dma_wait3A_125, %dma_wait3A_126] : memref<2x10000x128xf32, #tpu.memory_space<hbm>> -> memref<1x8x128xf32, #tpu.memory_space<hbm>>
        %dma_wait3A_128 = tpu.memref_squeeze %dma_wait3A_127 : memref<1x8x128xf32, #tpu.memory_space<hbm>> -> memref<8x128xf32, #tpu.memory_space<hbm>>
        %dma_wait3A_129 = arith.constant 4992 : i32
        %dma_wait3A_130 = arith.constant 0 : i32
        %dma_wait3A_131 = tpu.memref_slice %arg25[%dma_wait3A_129, %dma_wait3A_130] : memref<5008x128xf32, #tpu.memory_space<vmem_shared>> -> memref<8x128xf32, #tpu.memory_space<vmem_shared>>
        tpu.wait_dma2 semaphore(%run_scoped3A : memref<!tpu.dma_semaphore, #tpu.memory_space<semaphore_mem>>) src(%dma_wait3A_131 : memref<8x128xf32, #tpu.memory_space<vmem_shared>>) dst(%dma_wait3A_128 : memref<8x128xf32, #tpu.memory_space<hbm>>)
        tpu.yield
      }) : () -> ()
    } else {
    }
    return
  }
}

module attributes {stable_mosaic.version = 14 : i64} {
  func.func @_reduce_body(%arg0: i32, %arg1: memref<32x88x128xf32, #tpu.memory_space<vmem>>, %arg2: memref<88x128xf32, #tpu.memory_space<vmem>>) attributes {dimension_semantics = [#tpu.dimension_semantics<arbitrary>], iteration_bounds = array<i64: 8>, scalar_prefetch = 0 : i64, scratch_operands = 0 : i64, tpu.core_type = #tpu.core_type<tc>, window_params = [{transform_indices = @transform_0, window_bounds = array<i64: 32, 88, 128>}, {transform_indices = @transform_1, window_bounds = array<i64: 88, 128>}]} {
    %get3A = arith.constant 0 : index
    %get3A_0 = arith.constant 0 : index
    %get3A_1 = arith.constant 0 : index
    %get3A_2 = vector.load %arg1[%get3A, %get3A_0, %get3A_1] : memref<32x88x128xf32, #tpu.memory_space<vmem>>, vector<32x88x128xf32>
    %reduce_sum3A = arith.constant dense<0.000000e+00> : vector<88x128xf32>
    %reduce_sum3A_3 = vector.multi_reduction <add>, %get3A_2, %reduce_sum3A [0] : vector<32x88x128xf32> to vector<88x128xf32>
    %swap3A = arith.constant 0 : index
    %swap3A_4 = arith.constant 0 : index
    %swap3A_5 = vector.load %arg2[%swap3A, %swap3A_4] : memref<88x128xf32, #tpu.memory_space<vmem>>, vector<88x128xf32>
    tpu.vector_store %arg2[%swap3A, %swap3A_4], %reduce_sum3A_3 {strides = array<i32>} : memref<88x128xf32, #tpu.memory_space<vmem>>, vector<88x128xf32>,
    return
  }
  func.func @transform_0(%arg0: i32) -> (i32, i32, i32) {
    %c0_i32 = arith.constant 0 : i32
    %c0_i32_0 = arith.constant 0 : i32
    %c0_i32_1 = arith.constant 0 : i32
    return %c0_i32, %arg0, %c0_i32_0 : i32, i32, i32
  }
  func.func @transform_1(%arg0: i32) -> (i32, i32) {
    %c0_i32 = arith.constant 0 : i32
    %c0_i32_0 = arith.constant 0 : i32
    return %arg0, %c0_i32 : i32, i32
  }
}

module attributes {stable_mosaic.version = 14 : i64} {
  func.func @_layer_body(%arg0: i32, %arg1: memref<1000x128xf32, #tpu.memory_space<vmem>>, %arg2: memref<2x1000x128xf32, #tpu.memory_space<vmem>>, %arg3: memref<1000x9xf32, #tpu.memory_space<vmem>>, %arg4: memref<9x128xf32, #tpu.memory_space<vmem>>, %arg5: memref<128x128xf32, #tpu.memory_space<vmem>>, %arg6: memref<1x128xf32, #tpu.memory_space<vmem>>, %arg7: memref<128x128xf32, #tpu.memory_space<vmem>>, %arg8: memref<1x128xf32, #tpu.memory_space<vmem>>, %arg9: memref<1x128xf32, #tpu.memory_space<vmem>>, %arg10: memref<1x128xf32, #tpu.memory_space<vmem>>, %arg11: memref<1000x128xf32, #tpu.memory_space<vmem>>) attributes {dimension_semantics = [#tpu.dimension_semantics<arbitrary>], iteration_bounds = array<i64: 10>, scalar_prefetch = 0 : i64, scratch_operands = 0 : i64, tpu.core_type = #tpu.core_type<tc>, window_params = [{transform_indices = @transform_0, window_bounds = array<i64: 1000, 128>}, {transform_indices = @transform_1, window_bounds = array<i64: 2, 1000, 128>}, {transform_indices = @transform_2, window_bounds = array<i64: 1000, 9>}, {pipeline_mode = #tpu.pipeline_mode<synchronous>, transform_indices = @transform_3, window_bounds = array<i64: 9, 128>}, {pipeline_mode = #tpu.pipeline_mode<synchronous>, transform_indices = @transform_4, window_bounds = array<i64: 128, 128>}, {pipeline_mode = #tpu.pipeline_mode<synchronous>, transform_indices = @transform_5, window_bounds = array<i64: 1, 128>}, {pipeline_mode = #tpu.pipeline_mode<synchronous>, transform_indices = @transform_6, window_bounds = array<i64: 128, 128>}, {pipeline_mode = #tpu.pipeline_mode<synchronous>, transform_indices = @transform_7, window_bounds = array<i64: 1, 128>}, {pipeline_mode = #tpu.pipeline_mode<synchronous>, transform_indices = @transform_8, window_bounds = array<i64: 1, 128>}, {pipeline_mode = #tpu.pipeline_mode<synchronous>, transform_indices = @transform_9, window_bounds = array<i64: 1, 128>}, {transform_indices = @transform_10, window_bounds = array<i64: 1000, 128>}]} {
    %get3A = arith.constant 0 : index
    %get3A_0 = arith.constant 0 : index
    %get3A_1 = vector.load %arg1[%get3A, %get3A_0] : memref<1000x128xf32, #tpu.memory_space<vmem>>, vector<1000x128xf32>
    %get3A_2 = arith.constant 0 : index
    %get3A_3 = arith.constant 0 : index
    %get3A_4 = arith.constant 0 : index
    %get3A_5 = vector.load %arg2[%get3A_2, %get3A_3, %get3A_4] : memref<2x1000x128xf32, #tpu.memory_space<vmem>>, vector<1x1000x128xf32>
    %get3A_6 = vector.shape_cast %get3A_5 : vector<1x1000x128xf32> to vector<1000x128xf32>
    %get3A_7 = arith.constant 1 : index
    %get3A_8 = arith.constant 0 : index
    %get3A_9 = arith.constant 0 : index
    %get3A_10 = vector.load %arg2[%get3A_7, %get3A_8, %get3A_9] : memref<2x1000x128xf32, #tpu.memory_space<vmem>>, vector<1x1000x128xf32>
    %get3A_11 = vector.shape_cast %get3A_10 : vector<1x1000x128xf32> to vector<1000x128xf32>
    %add3A = arith.addf %get3A_6, %get3A_11 : vector<1000x128xf32>
    %get3A_12 = arith.constant 0 : index
    %get3A_13 = arith.constant 0 : index
    %get3A_14 = vector.load %arg3[%get3A_12, %get3A_13] : memref<1000x9xf32, #tpu.memory_space<vmem>>, vector<1000x9xf32>
    %get3A_15 = arith.constant 0 : index
    %get3A_16 = arith.constant 0 : index
    %get3A_17 = vector.load %arg4[%get3A_15, %get3A_16] : memref<9x128xf32, #tpu.memory_space<vmem>>, vector<9x128xf32>
    %dot_general3A = arith.constant dense<0.000000e+00> : vector<1000x128xf32>
    %dot_general3A_18 = tpu.matmul %get3A_14, %get3A_17, %dot_general3A {dimension_numbers = #tpu.dot_dimension_numbers<[1], [0], [0], [1], [0, 0, 1, 1], [], []>, precision = #tpu.contract_precision<fp32>, transpose_lhs_hint = false} : vector<1000x9xf32>, vector<9x128xf32>, vector<1000x128xf32> -> vector<1000x128xf32>
    %add3A_19 = arith.addf %add3A, %dot_general3A_18 : vector<1000x128xf32>
    %get3A_20 = arith.constant 0 : index
    %get3A_21 = arith.constant 0 : index
    %get3A_22 = vector.load %arg5[%get3A_20, %get3A_21] : memref<128x128xf32, #tpu.memory_space<vmem>>, vector<128x128xf32>
    %dot_general3A_23 = arith.constant dense<0.000000e+00> : vector<1000x128xf32>
    %dot_general3A_24 = tpu.matmul %get3A_1, %get3A_22, %dot_general3A_23 {dimension_numbers = #tpu.dot_dimension_numbers<[1], [1], [0], [0], [0, 0, 1, 0], [], []>, precision = #tpu.contract_precision<fp32>, transpose_lhs_hint = false} : vector<1000x128xf32>, vector<128x128xf32>, vector<1000x128xf32> -> vector<1000x128xf32>
    %get3A_25 = arith.constant 0 : index
    %get3A_26 = arith.constant 0 : index
    %get3A_27 = vector.load %arg7[%get3A_25, %get3A_26] : memref<128x128xf32, #tpu.memory_space<vmem>>, vector<128x128xf32>
    %dot_general3A_28 = arith.constant dense<0.000000e+00> : vector<1000x128xf32>
    %dot_general3A_29 = tpu.matmul %add3A_19, %get3A_27, %dot_general3A_28 {dimension_numbers = #tpu.dot_dimension_numbers<[1], [1], [0], [0], [0, 0, 1, 0], [], []>, precision = #tpu.contract_precision<fp32>, transpose_lhs_hint = false} : vector<1000x128xf32>, vector<128x128xf32>, vector<1000x128xf32> -> vector<1000x128xf32>
    %add3A_30 = arith.addf %dot_general3A_24, %dot_general3A_29 : vector<1000x128xf32>
    %get3A_31 = arith.constant 0 : index
    %get3A_32 = arith.constant 0 : index
    %get3A_33 = vector.load %arg6[%get3A_31, %get3A_32] : memref<1x128xf32, #tpu.memory_space<vmem>>, vector<1x128xf32>
    %add3A_34 = vector.broadcast %get3A_33 : vector<1x128xf32> to vector<1000x128xf32>
    %add3A_35 = arith.addf %add3A_30, %add3A_34 : vector<1000x128xf32>
    %get3A_36 = arith.constant 0 : index
    %get3A_37 = arith.constant 0 : index
    %get3A_38 = vector.load %arg8[%get3A_36, %get3A_37] : memref<1x128xf32, #tpu.memory_space<vmem>>, vector<1x128xf32>
    %add3A_39 = vector.broadcast %get3A_38 : vector<1x128xf32> to vector<1000x128xf32>
    %add3A_40 = arith.addf %add3A_35, %add3A_39 : vector<1000x128xf32>
    %max3A = arith.constant 0.000000e+00 : f32
    %max3A_41 = vector.broadcast %max3A : f32 to vector<1000x128xf32>
    %max3A_42 = arith.maximumf %add3A_40, %max3A_41 : vector<1000x128xf32>
    %reduce_sum3A = arith.constant dense<0.000000e+00> : vector<1000xf32>
    %reduce_sum3A_43 = vector.multi_reduction <add>, %max3A_42, %reduce_sum3A [1] : vector<1000x128xf32> to vector<1000xf32>
    %broadcast_in_dim3A = vector.shape_cast %reduce_sum3A_43 : vector<1000xf32> to vector<1000x1xf32>
    %div3A = arith.constant 1.280000e+02 : f32
    %div3A_44 = vector.broadcast %div3A : f32 to vector<1000x1xf32>
    %div3A_45 = arith.divf %broadcast_in_dim3A, %div3A_44 : vector<1000x1xf32>
    %sub3A = vector.broadcast %div3A_45 : vector<1000x1xf32> to vector<1000x128xf32>
    %sub3A_46 = arith.subf %max3A_42, %sub3A : vector<1000x128xf32>
    %mul3A = arith.mulf %sub3A_46, %sub3A_46 : vector<1000x128xf32>
    %reduce_sum3A_47 = arith.constant dense<0.000000e+00> : vector<1000xf32>
    %reduce_sum3A_48 = vector.multi_reduction <add>, %mul3A, %reduce_sum3A_47 [1] : vector<1000x128xf32> to vector<1000xf32>
    %broadcast_in_dim3A_49 = vector.shape_cast %reduce_sum3A_48 : vector<1000xf32> to vector<1000x1xf32>
    %div3A_50 = arith.constant 1.280000e+02 : f32
    %div3A_51 = vector.broadcast %div3A_50 : f32 to vector<1000x1xf32>
    %div3A_52 = arith.divf %broadcast_in_dim3A_49, %div3A_51 : vector<1000x1xf32>
    %add3A_53 = arith.constant 9.99999974E-6 : f32
    %add3A_54 = vector.broadcast %add3A_53 : f32 to vector<1000x1xf32>
    %add3A_55 = arith.addf %div3A_52, %add3A_54 : vector<1000x1xf32>
    %rsqrt3A = math.rsqrt %add3A_55 : vector<1000x1xf32>
    %mul3A_56 = vector.broadcast %rsqrt3A : vector<1000x1xf32> to vector<1000x128xf32>
    %mul3A_57 = arith.mulf %sub3A_46, %mul3A_56 : vector<1000x128xf32>
    %get3A_58 = arith.constant 0 : index
    %get3A_59 = arith.constant 0 : index
    %get3A_60 = vector.load %arg9[%get3A_58, %get3A_59] : memref<1x128xf32, #tpu.memory_space<vmem>>, vector<1x128xf32>
    %mul3A_61 = vector.broadcast %get3A_60 : vector<1x128xf32> to vector<1000x128xf32>
    %mul3A_62 = arith.mulf %mul3A_57, %mul3A_61 : vector<1000x128xf32>
    %get3A_63 = arith.constant 0 : index
    %get3A_64 = arith.constant 0 : index
    %get3A_65 = vector.load %arg10[%get3A_63, %get3A_64] : memref<1x128xf32, #tpu.memory_space<vmem>>, vector<1x128xf32>
    %add3A_66 = vector.broadcast %get3A_65 : vector<1x128xf32> to vector<1000x128xf32>
    %add3A_67 = arith.addf %mul3A_62, %add3A_66 : vector<1000x128xf32>
    %swap3A = arith.constant 0 : index
    %swap3A_68 = arith.constant 0 : index
    %swap3A_69 = vector.load %arg11[%swap3A, %swap3A_68] : memref<1000x128xf32, #tpu.memory_space<vmem>>, vector<1000x128xf32>
    tpu.vector_store %arg11[%swap3A, %swap3A_68], %add3A_67 {strides = array<i32>} : memref<1000x128xf32, #tpu.memory_space<vmem>>, vector<1000x128xf32>,
    return
  }
  func.func @transform_0(%arg0: i32) -> (i32, i32) {
    %c0_i32 = arith.constant 0 : i32
    %c0_i32_0 = arith.constant 0 : i32
    return %arg0, %c0_i32 : i32, i32
  }
  func.func @transform_1(%arg0: i32) -> (i32, i32, i32) {
    %c0_i32 = arith.constant 0 : i32
    %c0_i32_0 = arith.constant 0 : i32
    %c0_i32_1 = arith.constant 0 : i32
    return %c0_i32, %arg0, %c0_i32_0 : i32, i32, i32
  }
  func.func @transform_2(%arg0: i32) -> (i32, i32) {
    %c0_i32 = arith.constant 0 : i32
    %c0_i32_0 = arith.constant 0 : i32
    return %arg0, %c0_i32 : i32, i32
  }
  func.func @transform_3(%arg0: i32) -> (i32, i32) {
    %c0_i32 = arith.constant 0 : i32
    %c0_i32_0 = arith.constant 0 : i32
    %c0_i32_1 = arith.constant 0 : i32
    return %c0_i32, %c0_i32_0 : i32, i32
  }
  func.func @transform_4(%arg0: i32) -> (i32, i32) {
    %c0_i32 = arith.constant 0 : i32
    %c0_i32_0 = arith.constant 0 : i32
    %c0_i32_1 = arith.constant 0 : i32
    return %c0_i32, %c0_i32_0 : i32, i32
  }
  func.func @transform_5(%arg0: i32) -> (i32, i32) {
    %c0_i32 = arith.constant 0 : i32
    %c0_i32_0 = arith.constant 0 : i32
    %c0_i32_1 = arith.constant 0 : i32
    return %c0_i32, %c0_i32_0 : i32, i32
  }
  func.func @transform_6(%arg0: i32) -> (i32, i32) {
    %c0_i32 = arith.constant 0 : i32
    %c0_i32_0 = arith.constant 0 : i32
    %c0_i32_1 = arith.constant 0 : i32
    return %c0_i32, %c0_i32_0 : i32, i32
  }
  func.func @transform_7(%arg0: i32) -> (i32, i32) {
    %c0_i32 = arith.constant 0 : i32
    %c0_i32_0 = arith.constant 0 : i32
    %c0_i32_1 = arith.constant 0 : i32
    return %c0_i32, %c0_i32_0 : i32, i32
  }
  func.func @transform_8(%arg0: i32) -> (i32, i32) {
    %c0_i32 = arith.constant 0 : i32
    %c0_i32_0 = arith.constant 0 : i32
    %c0_i32_1 = arith.constant 0 : i32
    return %c0_i32, %c0_i32_0 : i32, i32
  }
  func.func @transform_9(%arg0: i32) -> (i32, i32) {
    %c0_i32 = arith.constant 0 : i32
    %c0_i32_0 = arith.constant 0 : i32
    %c0_i32_1 = arith.constant 0 : i32
    return %c0_i32, %c0_i32_0 : i32, i32
  }
  func.func @transform_10(%arg0: i32) -> (i32, i32) {
    %c0_i32 = arith.constant 0 : i32
    %c0_i32_0 = arith.constant 0 : i32
    return %arg0, %c0_i32 : i32, i32
  }
}

module attributes {stable_mosaic.version = 14 : i64} {
  func.func @_layer_body(%arg0: i32, %arg1: memref<1000x128xf32, #tpu.memory_space<vmem>>, %arg2: memref<2x1000x128xf32, #tpu.memory_space<vmem>>, %arg3: memref<1000x9xf32, #tpu.memory_space<vmem>>, %arg4: memref<9x128xf32, #tpu.memory_space<vmem>>, %arg5: memref<128x128xf32, #tpu.memory_space<vmem>>, %arg6: memref<1x128xf32, #tpu.memory_space<vmem>>, %arg7: memref<128x128xf32, #tpu.memory_space<vmem>>, %arg8: memref<1x128xf32, #tpu.memory_space<vmem>>, %arg9: memref<1x128xf32, #tpu.memory_space<vmem>>, %arg10: memref<1x128xf32, #tpu.memory_space<vmem>>, %arg11: memref<1x128xf32, #tpu.memory_space<vmem>>) attributes {dimension_semantics = [#tpu.dimension_semantics<arbitrary>], iteration_bounds = array<i64: 10>, scalar_prefetch = 0 : i64, scratch_operands = 0 : i64, tpu.core_type = #tpu.core_type<tc>, window_params = [{transform_indices = @transform_0, window_bounds = array<i64: 1000, 128>}, {transform_indices = @transform_1, window_bounds = array<i64: 2, 1000, 128>}, {transform_indices = @transform_2, window_bounds = array<i64: 1000, 9>}, {pipeline_mode = #tpu.pipeline_mode<synchronous>, transform_indices = @transform_3, window_bounds = array<i64: 9, 128>}, {pipeline_mode = #tpu.pipeline_mode<synchronous>, transform_indices = @transform_4, window_bounds = array<i64: 128, 128>}, {pipeline_mode = #tpu.pipeline_mode<synchronous>, transform_indices = @transform_5, window_bounds = array<i64: 1, 128>}, {pipeline_mode = #tpu.pipeline_mode<synchronous>, transform_indices = @transform_6, window_bounds = array<i64: 128, 128>}, {pipeline_mode = #tpu.pipeline_mode<synchronous>, transform_indices = @transform_7, window_bounds = array<i64: 1, 128>}, {pipeline_mode = #tpu.pipeline_mode<synchronous>, transform_indices = @transform_8, window_bounds = array<i64: 1, 128>}, {pipeline_mode = #tpu.pipeline_mode<synchronous>, transform_indices = @transform_9, window_bounds = array<i64: 1, 128>}, {pipeline_mode = #tpu.pipeline_mode<synchronous>, transform_indices = @transform_10, window_bounds = array<i64: 1, 128>}]} {
    %get3A = arith.constant 0 : index
    %get3A_0 = arith.constant 0 : index
    %get3A_1 = vector.load %arg1[%get3A, %get3A_0] : memref<1000x128xf32, #tpu.memory_space<vmem>>, vector<1000x128xf32>
    %get3A_2 = arith.constant 0 : index
    %get3A_3 = arith.constant 0 : index
    %get3A_4 = arith.constant 0 : index
    %get3A_5 = vector.load %arg2[%get3A_2, %get3A_3, %get3A_4] : memref<2x1000x128xf32, #tpu.memory_space<vmem>>, vector<1x1000x128xf32>
    %get3A_6 = vector.shape_cast %get3A_5 : vector<1x1000x128xf32> to vector<1000x128xf32>
    %get3A_7 = arith.constant 1 : index
    %get3A_8 = arith.constant 0 : index
    %get3A_9 = arith.constant 0 : index
    %get3A_10 = vector.load %arg2[%get3A_7, %get3A_8, %get3A_9] : memref<2x1000x128xf32, #tpu.memory_space<vmem>>, vector<1x1000x128xf32>
    %get3A_11 = vector.shape_cast %get3A_10 : vector<1x1000x128xf32> to vector<1000x128xf32>
    %add3A = arith.addf %get3A_6, %get3A_11 : vector<1000x128xf32>
    %get3A_12 = arith.constant 0 : index
    %get3A_13 = arith.constant 0 : index
    %get3A_14 = vector.load %arg3[%get3A_12, %get3A_13] : memref<1000x9xf32, #tpu.memory_space<vmem>>, vector<1000x9xf32>
    %get3A_15 = arith.constant 0 : index
    %get3A_16 = arith.constant 0 : index
    %get3A_17 = vector.load %arg4[%get3A_15, %get3A_16] : memref<9x128xf32, #tpu.memory_space<vmem>>, vector<9x128xf32>
    %dot_general3A = arith.constant dense<0.000000e+00> : vector<1000x128xf32>
    %dot_general3A_18 = tpu.matmul %get3A_14, %get3A_17, %dot_general3A {dimension_numbers = #tpu.dot_dimension_numbers<[1], [0], [0], [1], [0, 0, 1, 1], [], []>, precision = #tpu.contract_precision<fp32>, transpose_lhs_hint = false} : vector<1000x9xf32>, vector<9x128xf32>, vector<1000x128xf32> -> vector<1000x128xf32>
    %add3A_19 = arith.addf %add3A, %dot_general3A_18 : vector<1000x128xf32>
    %get3A_20 = arith.constant 0 : index
    %get3A_21 = arith.constant 0 : index
    %get3A_22 = vector.load %arg5[%get3A_20, %get3A_21] : memref<128x128xf32, #tpu.memory_space<vmem>>, vector<128x128xf32>
    %dot_general3A_23 = arith.constant dense<0.000000e+00> : vector<1000x128xf32>
    %dot_general3A_24 = tpu.matmul %get3A_1, %get3A_22, %dot_general3A_23 {dimension_numbers = #tpu.dot_dimension_numbers<[1], [1], [0], [0], [0, 0, 1, 0], [], []>, precision = #tpu.contract_precision<fp32>, transpose_lhs_hint = false} : vector<1000x128xf32>, vector<128x128xf32>, vector<1000x128xf32> -> vector<1000x128xf32>
    %get3A_25 = arith.constant 0 : index
    %get3A_26 = arith.constant 0 : index
    %get3A_27 = vector.load %arg7[%get3A_25, %get3A_26] : memref<128x128xf32, #tpu.memory_space<vmem>>, vector<128x128xf32>
    %dot_general3A_28 = arith.constant dense<0.000000e+00> : vector<1000x128xf32>
    %dot_general3A_29 = tpu.matmul %add3A_19, %get3A_27, %dot_general3A_28 {dimension_numbers = #tpu.dot_dimension_numbers<[1], [1], [0], [0], [0, 0, 1, 0], [], []>, precision = #tpu.contract_precision<fp32>, transpose_lhs_hint = false} : vector<1000x128xf32>, vector<128x128xf32>, vector<1000x128xf32> -> vector<1000x128xf32>
    %add3A_30 = arith.addf %dot_general3A_24, %dot_general3A_29 : vector<1000x128xf32>
    %get3A_31 = arith.constant 0 : index
    %get3A_32 = arith.constant 0 : index
    %get3A_33 = vector.load %arg6[%get3A_31, %get3A_32] : memref<1x128xf32, #tpu.memory_space<vmem>>, vector<1x128xf32>
    %add3A_34 = vector.broadcast %get3A_33 : vector<1x128xf32> to vector<1000x128xf32>
    %add3A_35 = arith.addf %add3A_30, %add3A_34 : vector<1000x128xf32>
    %get3A_36 = arith.constant 0 : index
    %get3A_37 = arith.constant 0 : index
    %get3A_38 = vector.load %arg8[%get3A_36, %get3A_37] : memref<1x128xf32, #tpu.memory_space<vmem>>, vector<1x128xf32>
    %add3A_39 = vector.broadcast %get3A_38 : vector<1x128xf32> to vector<1000x128xf32>
    %add3A_40 = arith.addf %add3A_35, %add3A_39 : vector<1000x128xf32>
    %max3A = arith.constant 0.000000e+00 : f32
    %max3A_41 = vector.broadcast %max3A : f32 to vector<1000x128xf32>
    %max3A_42 = arith.maximumf %add3A_40, %max3A_41 : vector<1000x128xf32>
    %reduce_sum3A = arith.constant dense<0.000000e+00> : vector<1000xf32>
    %reduce_sum3A_43 = vector.multi_reduction <add>, %max3A_42, %reduce_sum3A [1] : vector<1000x128xf32> to vector<1000xf32>
    %broadcast_in_dim3A = vector.shape_cast %reduce_sum3A_43 : vector<1000xf32> to vector<1000x1xf32>
    %div3A = arith.constant 1.280000e+02 : f32
    %div3A_44 = vector.broadcast %div3A : f32 to vector<1000x1xf32>
    %div3A_45 = arith.divf %broadcast_in_dim3A, %div3A_44 : vector<1000x1xf32>
    %sub3A = vector.broadcast %div3A_45 : vector<1000x1xf32> to vector<1000x128xf32>
    %sub3A_46 = arith.subf %max3A_42, %sub3A : vector<1000x128xf32>
    %mul3A = arith.mulf %sub3A_46, %sub3A_46 : vector<1000x128xf32>
    %reduce_sum3A_47 = arith.constant dense<0.000000e+00> : vector<1000xf32>
    %reduce_sum3A_48 = vector.multi_reduction <add>, %mul3A, %reduce_sum3A_47 [1] : vector<1000x128xf32> to vector<1000xf32>
    %broadcast_in_dim3A_49 = vector.shape_cast %reduce_sum3A_48 : vector<1000xf32> to vector<1000x1xf32>
    %div3A_50 = arith.constant 1.280000e+02 : f32
    %div3A_51 = vector.broadcast %div3A_50 : f32 to vector<1000x1xf32>
    %div3A_52 = arith.divf %broadcast_in_dim3A_49, %div3A_51 : vector<1000x1xf32>
    %add3A_53 = arith.constant 9.99999974E-6 : f32
    %add3A_54 = vector.broadcast %add3A_53 : f32 to vector<1000x1xf32>
    %add3A_55 = arith.addf %div3A_52, %add3A_54 : vector<1000x1xf32>
    %rsqrt3A = math.rsqrt %add3A_55 : vector<1000x1xf32>
    %mul3A_56 = vector.broadcast %rsqrt3A : vector<1000x1xf32> to vector<1000x128xf32>
    %mul3A_57 = arith.mulf %sub3A_46, %mul3A_56 : vector<1000x128xf32>
    %get3A_58 = arith.constant 0 : index
    %get3A_59 = arith.constant 0 : index
    %get3A_60 = vector.load %arg9[%get3A_58, %get3A_59] : memref<1x128xf32, #tpu.memory_space<vmem>>, vector<1x128xf32>
    %mul3A_61 = vector.broadcast %get3A_60 : vector<1x128xf32> to vector<1000x128xf32>
    %mul3A_62 = arith.mulf %mul3A_57, %mul3A_61 : vector<1000x128xf32>
    %get3A_63 = arith.constant 0 : index
    %get3A_64 = arith.constant 0 : index
    %get3A_65 = vector.load %arg10[%get3A_63, %get3A_64] : memref<1x128xf32, #tpu.memory_space<vmem>>, vector<1x128xf32>
    %add3A_66 = vector.broadcast %get3A_65 : vector<1x128xf32> to vector<1000x128xf32>
    %add3A_67 = arith.addf %mul3A_62, %add3A_66 : vector<1000x128xf32>
    %eq3A = arith.constant 0 : i32
    %eq3A_68 = arith.cmpi eq, %arg0, %eq3A : i32
    %convert_element_type3A = arith.extui %eq3A_68 : i1 to i32
    %cond3A = arith.constant 0 : i32
    %cond3A_69 = arith.cmpi ne, %convert_element_type3A, %cond3A : i32
    scf.if %cond3A_69 {
      %broadcast_in_dim3A_82 = arith.constant 0.000000e+00 : f32
      %broadcast_in_dim3A_83 = vector.broadcast %broadcast_in_dim3A_82 : f32 to vector<1x128xf32>
      %swap3A_84 = arith.constant 0 : index
      %swap3A_85 = arith.constant 0 : index
      %swap3A_86 = vector.load %arg11[%swap3A_84, %swap3A_85] : memref<1x128xf32, #tpu.memory_space<vmem>>, vector<1x128xf32>
      tpu.vector_store %arg11[%swap3A_84, %swap3A_85], %broadcast_in_dim3A_83 {strides = array<i32>} : memref<1x128xf32, #tpu.memory_space<vmem>>, vector<1x128xf32>,
    } else {
    }
    %get3A_70 = arith.constant 0 : index
    %get3A_71 = arith.constant 0 : index
    %get3A_72 = vector.load %arg11[%get3A_70, %get3A_71] : memref<1x128xf32, #tpu.memory_space<vmem>>, vector<1x128xf32>
    %reduce_sum3A_73 = arith.constant dense<0.000000e+00> : vector<128xf32>
    %reduce_sum3A_74 = vector.multi_reduction <add>, %add3A_67, %reduce_sum3A_73 [0] : vector<1000x128xf32> to vector<128xf32>
    %broadcast_in_dim3A_75 = vector.shape_cast %reduce_sum3A_74 : vector<128xf32> to vector<1x128xf32>
    %mul3A_76 = arith.constant 9.99999974E-5 : f32
    %mul3A_77 = vector.broadcast %mul3A_76 : f32 to vector<1x128xf32>
    %mul3A_78 = arith.mulf %broadcast_in_dim3A_75, %mul3A_77 : vector<1x128xf32>
    %add3A_79 = arith.addf %get3A_72, %mul3A_78 : vector<1x128xf32>
    %swap3A = arith.constant 0 : index
    %swap3A_80 = arith.constant 0 : index
    %swap3A_81 = vector.load %arg11[%swap3A, %swap3A_80] : memref<1x128xf32, #tpu.memory_space<vmem>>, vector<1x128xf32>
    tpu.vector_store %arg11[%swap3A, %swap3A_80], %add3A_79 {strides = array<i32>} : memref<1x128xf32, #tpu.memory_space<vmem>>, vector<1x128xf32>,
    return
  }
  func.func @transform_0(%arg0: i32) -> (i32, i32) {
    %c0_i32 = arith.constant 0 : i32
    %c0_i32_0 = arith.constant 0 : i32
    return %arg0, %c0_i32 : i32, i32
  }
  func.func @transform_1(%arg0: i32) -> (i32, i32, i32) {
    %c0_i32 = arith.constant 0 : i32
    %c0_i32_0 = arith.constant 0 : i32
    %c0_i32_1 = arith.constant 0 : i32
    return %c0_i32, %arg0, %c0_i32_0 : i32, i32, i32
  }
  func.func @transform_2(%arg0: i32) -> (i32, i32) {
    %c0_i32 = arith.constant 0 : i32
    %c0_i32_0 = arith.constant 0 : i32
    return %arg0, %c0_i32 : i32, i32
  }
  func.func @transform_3(%arg0: i32) -> (i32, i32) {
    %c0_i32 = arith.constant 0 : i32
    %c0_i32_0 = arith.constant 0 : i32
    %c0_i32_1 = arith.constant 0 : i32
    return %c0_i32, %c0_i32_0 : i32, i32
  }
  func.func @transform_4(%arg0: i32) -> (i32, i32) {
    %c0_i32 = arith.constant 0 : i32
    %c0_i32_0 = arith.constant 0 : i32
    %c0_i32_1 = arith.constant 0 : i32
    return %c0_i32, %c0_i32_0 : i32, i32
  }
  func.func @transform_5(%arg0: i32) -> (i32, i32) {
    %c0_i32 = arith.constant 0 : i32
    %c0_i32_0 = arith.constant 0 : i32
    %c0_i32_1 = arith.constant 0 : i32
    return %c0_i32, %c0_i32_0 : i32, i32
  }
  func.func @transform_6(%arg0: i32) -> (i32, i32) {
    %c0_i32 = arith.constant 0 : i32
    %c0_i32_0 = arith.constant 0 : i32
    %c0_i32_1 = arith.constant 0 : i32
    return %c0_i32, %c0_i32_0 : i32, i32
  }
  func.func @transform_7(%arg0: i32) -> (i32, i32) {
    %c0_i32 = arith.constant 0 : i32
    %c0_i32_0 = arith.constant 0 : i32
    %c0_i32_1 = arith.constant 0 : i32
    return %c0_i32, %c0_i32_0 : i32, i32
  }
  func.func @transform_8(%arg0: i32) -> (i32, i32) {
    %c0_i32 = arith.constant 0 : i32
    %c0_i32_0 = arith.constant 0 : i32
    %c0_i32_1 = arith.constant 0 : i32
    return %c0_i32, %c0_i32_0 : i32, i32
  }
  func.func @transform_9(%arg0: i32) -> (i32, i32) {
    %c0_i32 = arith.constant 0 : i32
    %c0_i32_0 = arith.constant 0 : i32
    %c0_i32_1 = arith.constant 0 : i32
    return %c0_i32, %c0_i32_0 : i32, i32
  }
  func.func @transform_10(%arg0: i32) -> (i32, i32) {
    %c0_i32 = arith.constant 0 : i32
    %c0_i32_0 = arith.constant 0 : i32
    %c0_i32_1 = arith.constant 0 : i32
    return %c0_i32, %c0_i32_0 : i32, i32
  }
}

</mosaic_0001>

<sc_bundles>
// kernel: kernel.11.cloned.1.call-start
scs
__scs_entry_jumppad:
0x0: {  	(pc) =	sbr.rel $0x88, $3  }
0x1: {  	(tag) =	ssettag $0x0;
	lr =	simm.s32 $0x1  }
0x2: {  	[smem:$0x3F90] =	sst lr;
	_ =	strace $0xD0000000  }
0x3: {  	_ = 	snop  }
0x4: {  	_ = 	snop  }
0x5: {  	_ = 	snop  }
0x6: {  	_ = 	snop  }
0x7: {  	_ = 	snop  }
__scs_overlays_trampoline_lowered:
0x8: {  	[smem:$0x3F9F] =	sst s0  }
0x9: {  	[smem:$0x3FA0] =	sst s1  }
0xa: {  	[smem:$0x3FA1] =	sst s2  }
0xb: {  	[smem:$0x3FA2] =	sst s3  }
0xc: {  	[smem:$0x3FA3] =	sst s4  }
0xd: {  	[smem:$0x3FA4] =	sst s5  }
0xe: {  	[smem:$0x3FA5] =	sst s6  }
0xf: {  	[smem:$0x3FA6] =	sst s7  }
0x10: {  	[smem:$0x3FA7] =	sst s8  }
0x11: {  	[smem:$0x3FA8] =	sst s9;
	s0 =	simm.s32 @!p0 $0x0  }
0x12: {  	s1 =	sld [smem:$0x3F8E];
	s0 =	simm.s32 @p0 $0x1  }
0x13: {  	[smem:$0x3FA9] =	sst s0;
	s0 =	simm.s32 @!p1 $0x0  }
0x14: {  	s2 =	sld [smem:$0x3F8D];
	s0 =	simm.s32 @p1 $0x1  }
0x15: {  	[smem:$0x3FAA] =	sst s0;
	s0 =	simm.s32 @!p2 $0x0  }
0x16: {  	s3 =	sld [smem:$0x3FDB];
	s0 =	simm.s32 @p2 $0x1  }
0x17: {  	s4 =	simm.s32 $0x1BF5;
	[smem:$0x3FAC] =	sst s0  }
0x18: {  	s0 =	sld [smem:$0x3F8F];
	_ =	swait.ge [sflag:s4], $0x0  }
0x19: {  	s7 =	sld [smem:$0x3F90]  }
0x1a: {  	s8 =	sadd.s32 $0xFFFFE003, lr  }
0x1b: {  	s9 =	sadd.s32 $0xFFFFFEF7, lr;
	s5 =	simm.s32 $0xFFFFFFFF;
	p2 =	slt.u32 s8, $0xFFFFF086  }
0x1c: {  	p1 =	slt.u32 s9, $0xF7A;
	s5 =	simm.s32 @!p2 $0x0  }
0x1d: {  	s5 =	simm.s32 @p1 $0x1;
	p0 =	seq.s32 s7, s2  }
0x1e: {  	s7 =	smul.u32 @!p0 $0xF7A, s2;
	p2 =	seq.s32 @!p0 s5, $0x0  }
0x1f: {  	s9 =	smul.u32 $0xF7A, s1;
	s8 =	simm.s32 @!p0 $0x1BF5;
	p2 =	por !p2, p0  }
0x20: {  	[sflag:s8] =	ssyncset.s32 @!p0 $0xFFFFF086;
	s6 =	sadd.s32 @!p0 s3, s7;
	s7 =	simm.s32 @!p0 $0x108  }
0x21: {  	s3 =	sadd.s32 s3, s9;
	s6 =	sadd.s32 @!p0 $0x88, s6;
	s7 =	simm.s32 @p2 $0x1082  }
0x22: {  	[simem:s7], [sflag:s8] =	dma.local @!p0 [hbm:s6], $0xF7A  }
0x23: {  	s9 =	sor.u32 $0xD0000000, s2;
	s6 =	simm.s32 $0x108;
	_ =	swait.ge @!p0 [sflag:s8], $0x0  }
0x24: {  	s3 =	sadd.s32 $0x88, s3;
	s6 =	simm.s32 @!p1 $0x1082;
	[sflag:s4] =	ssyncset.s32 $0xFFFFF086  }
0x25: {  	[simem:s6], [sflag:s4] =	dma.local [hbm:s3], $0xF7A  }
0x26: {  	[smem:$0x3F90] =	sst s1;
	(tag) =	ssettag s2;
	_ =	strace s9  }
0x27: {  	s1 =	sld [smem:$0x3FA0]  }
0x28: {  	s2 =	sld [smem:$0x3FA1]  }
0x29: {  	s4 =	sld [smem:$0x3FA3]  }
0x2a: {  	p0 =	seq.s32 s5, $0x0;
	s5 =	sld [smem:$0x3FA4]  }
0x2b: {  	s6 =	sld [smem:$0x3FA5]  }
0x2c: {  	s7 =	sld [smem:$0x3FA6]  }
0x2d: {  	s3 =	simm.s32 $0x108;
	s8 =	sld [smem:$0x3FA7]  }
0x2e: {  	s3 =	simm.s32 @!p0 $0x1082;
	s9 =	sld [smem:$0x3FA8]  }
0x2f: {  	lr =	sadd.s32 s0, s3;
	s0 =	sld [smem:$0x3F9F]  }
0x30: {  	s3 =	sld [smem:$0x3FA2]  }
0x31: {  	[smem:$0x3FAB] =	sst s10  }
0x32: {  	s10 =	sld [smem:$0x3FA9];
	_ =	sdelay $0x3  }
0x33: {  	p0 =	seq.s32 s10, $0x1;
	s10 =	sld [smem:$0x3FAB];
	_ =	sdelay $0x3  }
0x34: {  	[smem:$0x3FAB] =	sst s10  }
0x35: {  	s10 =	sld [smem:$0x3FAA];
	_ =	sdelay $0x3  }
0x36: {  	p1 =	seq.s32 s10, $0x1;
	s10 =	sld [smem:$0x3FAB];
	_ =	sdelay $0x3  }
0x37: {  	[smem:$0x3FAB] =	sst s10  }
0x38: {  	s10 =	sld [smem:$0x3FAC]  }
0x39: {  	_ = 	snop;
	(pc) =	sbr.ind lr, $3  }
0x3a: {  	_ = 	snop  }
0x3b: {  	_ = 	snop  }
0x3c: {  	p2 =	seq.s32 s10, $0x1;
	s10 =	sld [smem:$0x3FAB]  }
0x3d: {  	_ =	shalt  }
0x3e: {  	_ =	shalt  }
0x3f: {  	_ =	shalt  }
0x40: {  	_ =	shalt  }
0x41: {  	_ =	shalt  }
0x42: {  	_ =	shalt  }
0x43: {  	_ =	shalt  }
0x44: {  	_ =	shalt  }
0x45: {  	_ =	shalt  }
0x46: {  	_ =	shalt  }
0x47: {  	_ =	shalt  }
0x48: {  	_ =	shalt  }
0x49: {  	_ =	shalt  }
0x4a: {  	_ =	shalt  }
0x4b: {  	_ =	shalt  }
0x4c: {  	_ =	shalt  }
0x4d: {  	_ =	shalt  }
0x4e: {  	_ =	shalt  }
0x4f: {  	_ =	shalt  }
0x50: {  	_ =	shalt  }
0x51: {  	_ =	shalt  }
0x52: {  	_ =	shalt  }
0x53: {  	_ =	shalt  }
0x54: {  	_ =	shalt  }
0x55: {  	_ =	shalt  }
0x56: {  	_ =	shalt  }
0x57: {  	_ =	shalt  }
0x58: {  	_ =	shalt  }
0x59: {  	_ =	shalt  }
0x5a: {  	_ =	shalt  }
0x5b: {  	_ =	shalt  }
0x5c: {  	_ =	shalt  }
0x5d: {  	_ =	shalt  }
0x5e: {  	_ =	shalt  }
0x5f: {  	_ =	shalt  }
0x60: {  	_ =	shalt  }
0x61: {  	_ =	shalt  }
0x62: {  	_ =	shalt  }
0x63: {  	_ =	shalt  }
0x64: {  	_ =	shalt  }
0x65: {  	_ =	shalt  }
0x66: {  	_ =	shalt  }
0x67: {  	_ =	shalt  }
0x68: {  	_ =	shalt  }
0x69: {  	_ =	shalt  }
0x6a: {  	_ =	shalt  }
0x6b: {  	_ =	shalt  }
0x6c: {  	_ =	shalt  }
0x6d: {  	_ =	shalt  }
0x6e: {  	_ =	shalt  }
0x6f: {  	_ =	shalt  }
0x70: {  	_ =	shalt  }
0x71: {  	_ =	shalt  }
0x72: {  	_ =	shalt  }
0x73: {  	_ =	shalt  }
0x74: {  	_ =	shalt  }
0x75: {  	_ =	shalt  }
0x76: {  	_ =	shalt  }
0x77: {  	_ =	shalt  }
0x78: {  	_ =	shalt  }
0x79: {  	_ =	shalt  }
0x7a: {  	_ =	shalt  }
0x7b: {  	_ =	shalt  }
0x7c: {  	_ =	shalt  }
0x7d: {  	_ =	shalt  }
0x7e: {  	_ =	shalt  }
0x7f: {  	_ =	shalt  }
0x80: {  	_ =	shalt  }
0x81: {  	_ =	shalt  }
0x82: {  	_ =	shalt  }
0x83: {  	_ =	shalt  }
0x84: {  	_ =	shalt  }
0x85: {  	_ =	shalt  }
0x86: {  	_ =	shalt  }
0x87: {  	_ =	shalt  }
.Lfunc_end0:
.L_simem_size_0:
called_computation.1_lowered:
.L_overlay_start_0:
0x88: {  	s2 =	sld [smem:$0x3FD9]  }
0x89: {  	s3 =	sld [smem:$0x3FFE];
	_ =	sdelay $0x1  }
0x8a: {  	s1 =	srdreg.scid  }
0x8b: {  	s0 =	sand.u32 $0x1, s1  }
0x8c: {  	s17 =	sshll.u32 s0, $0xA;
	s2 =	sadd.s32 s3, s2  }
0x8d: {  	s2 =	sadd.s32 s2, s17  }
0x8e: {  	[smem:$0x3FB7] =	sst s2  }
0x8f: {  	_ = 	snop  }
0x90: {  	s18 =	sld [smem:$0x3FC9];
	(tm) =	ssettm $0x1  }
0x91: {  	s19 =	sld [smem:$0x3FFB];
	_ =	sdelay $0x3  }
0x92: {  	_ =	strace s19  }
0x93: {  	s2 =	sld [smem:$0x3FFC];
	_ =	sdelay $0x3  }
0x94: {  	_ =	strace s2  }
0x95: {  	s2 =	sld [smem:$0x3FFD];
	_ =	sdelay $0x3  }
0x96: {  	_ =	strace s2  }
0x97: {  	_ =	strace $0x8FFFFFFF  }
0x98: {  	s20 =	sld [smem:$0x3FDB];
	_ =	sdelay $0x1  }
0x99: {  	s4 =	simm.s32 $_scs_section_size  }
0x9a: {  	s5 =	simm.s32 $_size__tile_overlayer_lowered;
	s6 =	simm.s32 $_tile_overlayer_lowered  }
0x9b: {  	s7 =	simm.s32 $0x1BFF;
	s21 =	sshll.u32 s6, $0x1;
	s4 =	sadd.s32 s4, s20  }
0x9c: {  	s22 =	simm.s32 $0x0;
	s5 =	sshll.u32 s5, $0x1;
	s6 =	sadd.s32 s21, s4  }
0x9d: {  	[timem:s22], [sflag:s7] =	dma.local [hbm:s6], s5  }
0x9e: {  	_ =	swait.ge [sflag:s7], s5  }
0x9f: {  	s5 =	ssub.s32 $0x0, s5;
	[sflag:s7] =	ssyncset.done $0x0  }
0xa0: {  	[sflag:s7] =	ssyncadd.s32 s5;
	_ =	sdelay $0x1  }
0xa1: {  	s23 =	simm.s32 $0x1B8B  }
0xa2: {  	_ =	swait.ge [sflag:s23], $0x1  }
0xa3: {  	[sflag:s23] =	ssyncset.done $0x0  }
0xa4: {  	[sflag:s23] =	ssyncadd.s32 $0xFFFFFFFF  }
0xa5: {  	s5 =	sld [smem:$0x0]  }
0xa6: {  	s6 =	sand.u32 $0xFFFFFFFE, s1  }
0xa7: {  	p0 =	sne.s32 s1, s6  }
0xa8: {  	s6 =	sshll.u32 @p0 s6, $0xE  }
0xa9: {  	s6 =	sadd.s32 @p0 $0x11B8D, s6;
	s7 =	sshll.u32 @p0 s5, $0x11  }
0xaa: {  	s6 =	sor.u32 @p0 s7, s6  }
0xab: {  	[sflag:s6] =	ssyncadd.remote.s32 @p0 $0x1;
	_ =	sdelay $0x1  }
0xac: {  	s6 =	simm.s32 @p0 $0x1B8D  }
0xad: {  	_ =	swait.eq @p0 [sflag:s6], $0x1  }
0xae: {  	[sflag:s6] =	ssyncadd.s32 @p0 $0xFFFFFFFF  }
0xaf: {  	s7 =	sshll.u32 @!p0 s1, $0xE  }
0xb0: {  	s7 =	sor.u32 @!p0 $0x4000, s7;
	s6 =	simm.s32 @!p0 $0x1B8D  }
0xb1: {  	s5 =	sshll.u32 @!p0 s5, $0x11;
	s7 =	sadd.s32 @!p0 $0x11B8D, s7;
	_ =	swait.eq @!p0 [sflag:s6], $0x1  }
0xb2: {  	s5 =	sor.u32 @!p0 s5, s7;
	[sflag:s6] =	ssyncadd.s32 @!p0 $0xFFFFFFFF  }
0xb3: {  	s25 =	simm.s32 $0x1B8E;
	s24 =	sld [smem:$0x3FFE];
	[sflag:s5] =	ssyncadd.remote.s32 @!p0 $0x1  }
0xb4: {  	s26 =	simm.s32 $execute0_lowered;
	[smem:$0x3FD2] =	sst s25  }
0xb5: {  	s6 =	sshll.u32 s26, $0x1;
	_ =	strace $0x80000049;
	[dreg:$0x1] =	wrdreg $0xFFFFFFFF  }
0xb6: {  	s28 =	simm.s32 $_size_execute0_lowered;
	s4 =	sadd.s32 s4, s6;
	[dreg:$0x0] =	wrdreg $0x0  }
0xb7: {  	s6 =	sshll.u32 s28, $0x1;
	[dreg:$0x2] =	wrdreg s4  }
0xb8: {  	[dreg:$0x3] =	wrdreg s6  }
0xb9: {  	[dreg:$0x4] =	wrdreg $0xC0  }
0xba: {  	_ =	task [dreg:s22], $0x5FFFF  }
0xbb: {  	[dreg:$0x1] =	wrdreg $0xFFFFFFFF  }
0xbc: {  	[dreg:$0x0] =	wrdreg $0x60  }
0xbd: {  	[dreg:$0x2] =	wrdreg s18  }
0xbe: {  	[dreg:$0x3] =	wrdreg s24  }
0xbf: {  	[dreg:$0x4] =	wrdreg $0x14C000  }
0xc0: {  	[dreg:$0x5] =	wrdreg $0xA  }
0xc1: {  	_ =	task.clear_ibuf [dreg:s22], $0x6FFFF;
	_ =	strace $0x90000049  }
0xc2: {  	s29 =	simm.s32 $0xA;
	_ =	strace $0x8000004B  }
0xc3: {  	_ =	swait.ge [sflag:s29], $0x1  }
0xc4: {  	[sflag:s29] =	ssyncadd.s32 $0xFFFFFFFF  }
0xc5: {  	_ =	strace $0x9000004B  }
0xc6: {  	_ =	sfence  }
0xc7: {  	s30 =	sld [smem:$0x0];
	_ =	sdelay $0x2  }
0xc8: {  	s31 =	sshll.u32 s1, $0xD;
	s1 =	sshrl.u32 s1, $0x2  }
0xc9: {  	s4 =	sand.u32 $0x4000, s31;
	s1 =	sadd.s32 s1, s30  }
0xca: {  	s0 =	sor.u32 s4, s0;
	s1 =	sshll.u32 s1, $0x11  }
0xcb: {  	s0 =	sor.u32 s1, s0  }
0xcc: {  	s0 =	sadd.s32 $0x8F2B, s0  }
0xcd: {  	[sflag:s0] =	ssyncadd.remote.s32 $0x1  }
0xce: {  	_ =	sfence.sel $0xFFFF  }
0xcf: {  	[dreg:$0x0] =	wrdreg $0xFFFFFFFF;
	(pc) =	sbr.abs _section_cstart, $3  }
0xd0: {  	[dreg:$0x1] =	wrdreg $0xFFFFFFFF  }
0xd1: {  	_ =	task.clear_ibuf [dreg:s22], $0x2FFFF;
	_ =	strace $0x9FFFFFFF  }
0xd2: {  	(tm) =	ssettm $0x7FFFFFFF  }
0xd3: {  	_ =	shalt  }
tec
execute0_lowered:
.L_overlay_start_1:
0x0: {  	(tag) =	ssettag $0x1  }
0x1: {  	s1 =	rddreg [dreg:$0x0]  }
0x2: {  	s0 =	rddreg [dreg:$0x1]  }
0x3: {  	s2 =	rddreg [dreg:$0x2]  }
0x4: {  	s4 =	simm.s32 $0x0;
	s3 =	srdreg.scid;
	s11 =	stileid.u32  }
0x5: {  	s15 =	simm.s32 $0xB;
	s28 =	simm.s32 $0xFC00;
	s29 =	simm.s32 $0x1  }
0x6: {  	s30 =	simm.s32 $0x8000;
	s31 =	simm.s32 $0x12400;
	s12 =	simm.s32 $0x4  }
0x7: {  	s13 =	simm.s32 $0x8180;
	s14 =	simm.s32 $0x8;
	[smem:$0x7FF] =	sst s4  }
0x8: {  	s3 =	sand.u32 $0x1, s3;
	s5 =	sshll.u32 s11, $0xB;
	s6 =	smul.u32 $0x9C00, s11  }
0x9: {  	s9 =	smul.u32 $0x27000, s11;
	s10 =	sadd.s32 $0xB2400, s0;
	p0 =	sne.s32 s11, $0xF  }
0xa: {  	s26 =	sshll.u32 s11, $0x6;
	s11 =	simm.s32 $0x7;
	s16 =	sshll.u32 s3, $0xF  }
0xb: {  	_ =	strace $0x8000004A;
	s7 =	ssub.s32 $0x2, s3;
	s3 =	smul.u32 $0x138800, s3  }
0xc: {  	s4 =	sor.u32 s5, s16;
	s17 =	sshrl.u32 s6, $0x3;
	s8 =	sshrl.u32 s7, $0x1  }
0xd: {  	s19 =	sshrl.u32 s9, $0x2;
	s16 =	simm.s32 $0x6;
	s4 =	sadd.s32 s4, s0  }
0xe: {  	s5 =	sadd.s32 s17, s0;
	s7 =	ssub.s32 s7, s8;
	s20 =	sadd.s32 s19, s2  }
0xf: {  	s22 =	sadd.s32 s6, s3;
	s3 =	sshrl.u32 s3, $0x3;
	s0 =	sadd.s32 $0x36A00, s0  }
0x10: {  	s17 =	sor.u32 $0x1C0B, s26;
	s6 =	simm.s32 $0x8100;
	[dreg:$0x8] =	wrdreg s0  }
0x11: {  	s26 =	simm.s32 $0x9;
	s18 =	sadd.s32 $0xA2400, s4;
	[dreg:$0x6] =	wrdreg s20  }
0x12: {  	s4 =	sadd.s32 $0x13200, s4;
	s21 =	sadd.s32 $0x23200, s5;
	[dreg:$0x4] =	wrdreg s18  }
0x13: {  	s5 =	sadd.s32 $0x9C000, s2;
	s23 =	sadd.s32 s10, s3;
	[dreg:$0x5] =	wrdreg s4  }
0x14: {  	s25 =	smax.u32 s7, $0x1;
	[dreg:$0x7] =	wrdreg s21;
	s4 =	sshrl.u32 s22, $0x3  }
0x15: {  	s3 =	sadd.s32 $0x13800, s23;
	s0 =	sadd.s32 $0x27080, s23;
	[dreg:$0xd] =	wrdreg s25  }
0x16: {  	s18 =	sshrl.u32 @!p0 s5, $0x3;
	s21 =	simm.s32 $0x8400;
	s23 =	simm.s32 $0xAC00  }
0x17: {  	s25 =	simm.s32 $0xD400;
	s5 =	simm.s32 $0x3;
	[dreg:$0xa] =	wrdreg s3  }
.Ltmp0:
0x18: {  	s22 =	simm.s32 $0x5;
	[dreg:$0xc] =	wrdreg s0;
	(pc) =	sbr.rel .LBB2_1-.Ltmp0, $4  }
0x19: {  	s4 =	sadd.s32 s10, s4;
	s10 =	sshrl.u32 s20, $0x3;
	[dreg:$0xf] =	wrdreg s18  }
0x1a: {  	s20 =	simm.s32 $0x50;
	s0 =	simm.s32 $0x2;
	[dreg:$0x9] =	wrdreg s4  }
0x1b: {  	s3 =	simm.s32 $0x8080;
	s24 =	sadd.s32 $0x13880, s4;
	[dreg:$0xe] =	wrdreg s10  }
0x1c: {  	s4 =	simm.s32 $0x0;
	[dreg:$0xb] =	wrdreg s24;
	s24 =	simm.s32 $0x8200  }
.LBB2_7:
0x1d: {  	s7 =	simm.s32 $0xA  }
0x1e: {  	_ =	swait.ge [sflag:s7], $0x2800  }
0x1f: {  	[sflag:s7] =	ssyncset.done $0x0  }
0x20: {  	[sflag:s7] =	ssyncadd.s32 $0xFFFFD800  }
0x21: {  	[bflag:$0x0] =	sbarrier.arrive $0xFFFF  }
0x22: {  	s19 =	rddreg [dreg:$0xb]  }
0x23: {  	s10 =	rddreg [dreg:$0xe]  }
0x24: {  	[hbm:s19], [sflag:s17] =	dma.local [spmem:s10], $0x1380  }
0x25: {  	_ =	swait.ge [sflag:s15], $0x1380  }
0x26: {  	[sflag:s15] =	ssyncset.done $0x0;
	s7 =	rddreg [dreg:$0xc]  }
0x27: {  	s18 =	rddreg [dreg:$0xf];
	[sflag:s15] =	ssyncadd.s32 $0xFFFFEC80  }
0x28: {  	[hbm:s7], [sflag:s17] =	dma.local @!p0 [spmem:s18], $0x80  }
0x29: {  	s7 =	simm.s32 @!p0 $0xB  }
0x2a: {  	_ =	swait.ge @!p0 [sflag:s7], $0x80  }
0x2b: {  	s4 =	sadd.s32 $0x1, s4;
	s8 =	rddreg [dreg:$0xd]  }
0x2c: {  	p1 =	sne.s32 s4, s8  }
.Ltmp1:
0x2d: {  	_ = 	snop;
	(pc) =	sbr.rel @!p1 .LBB2_8-.Ltmp1, $3  }
0x2e: {  	_ =	sdelay $0x1  }
0x2f: {  	[sflag:s7] =	ssyncset.done @!p0 $0x0  }
0x30: {  	[sflag:s7] =	ssyncadd.s32 @!p0 $0xFFFFFF80  }
.LBB2_1:
0x31: {  	s8 =	simm.s32 $0x0;
	s7 =	rddreg [dreg:$0x4]  }
0x32: {  	[tilespmem:s8], [sflag:$0xB] =	stream.linear.gather [hbm4b:s7+s8], $0x3E80, $0x38;
	[tilespmem:$0x1E880] =	vst v63  }
0x33: {  	_ =	swait.ge [sflag:s15], $0x3E80  }
0x34: {  	[sflag:s15] =	ssyncset.done $0x0  }
0x35: {  	s9 =	simm.s32 $0x4000;
	s19 =	rddreg [dreg:$0x5];
	[sflag:s15] =	ssyncadd.s32 $0xFFFFC180  }
0x36: {  	[tilespmem:s9], [sflag:$0xB] =	stream.linear.gather [hbm4b:s19+s8], $0x3E80, $0x38;
	[tilespmem:$0x1E880] =	vst v63  }
0x37: {  	_ =	swait.ge [sflag:s15], $0x3E80  }
0x38: {  	[sflag:s15] =	ssyncset.done $0x0  }
0x39: {  	s9 =	rddreg [dreg:$0x7];
	[sflag:s15] =	ssyncadd.s32 $0xFFFFC180  }
0x3a: {  	[spmem:s10], [sflag:s17] =	dma.local [hbm:s9], $0x1380  }
0x3b: {  	_ =	swait.ge [sflag:s15], $0x1380  }
0x3c: {  	[sflag:s15] =	ssyncset.done $0x0  }
0x3d: {  	s7 =	rddreg [dreg:$0x8];
	[sflag:s15] =	ssyncadd.s32 $0xFFFFEC80  }
0x3e: {  	[spmem:s18], [sflag:s17] =	dma.local @!p0 [hbm:s7], $0x100  }
0x3f: {  	s7 =	simm.s32 @!p0 $0xB  }
0x40: {  	_ =	swait.ge @!p0 [sflag:s7], $0x100  }
0x41: {  	[sflag:s7] =	ssyncset.done @!p0 $0x0  }
0x42: {  	[sflag:s7] =	ssyncadd.s32 @!p0 $0xFFFFFF00  }
0x43: {  	[tilespmem:s21], [sflag:$0x1] =	stream.indirect.gather [hbm4b:s1+s20], $0x80, s8, s20, $0xb8;
	[tilespmem:$0x1E880] =	vst v63  }
0x44: {  	s10 =	simm.s32 $0x80  }
0x45: {  	[tilespmem:s23], [sflag:$0x2] =	stream.indirect.gather [hbm4b:s1+s20], $0x80, s10, s20, $0xb8;
	[tilespmem:$0x1E880] =	vst v63  }
0x46: {  	s18 =	simm.s32 $0x100  }
0x47: {  	[tilespmem:s25], [sflag:$0x3] =	stream.indirect.gather [hbm4b:s1+s20], $0x80, s18, s20, $0xb8;
	[tilespmem:$0x1E880] =	vst v63  }
0x48: {  	s19 =	simm.s32 $0x180  }
0x49: {  	[tilespmem:s28], [sflag:$0x4] =	stream.indirect.gather [hbm4b:s1+s20], $0x80, s19, s20, $0xb8;
	[tilespmem:$0x1E880] =	vst v63  }
0x4a: {  	s7 =	simm.s32 $0x0;
	[bflag:$0x0] =	sbarrier.arrive $0xFFFF  }
.LBB2_2:
0x4b: {  	s9 =	sshra.s32 s7, $0x2  }
0x4c: {  	v0 =	vld [tilespmem:s9+$0x4000];
	_ =	sdelay $0x4  }
0x4d: {  	v1 =	vand.u32 $0x7, v0  }
0x4e: {  	vm0 =	vlt.s32 v0, $0x1388;
	v1 =	vor.u32 $0x1388, v1  }
0x4f: {  	v0 =	vsel vm0, v0, v1  }
0x50: {  	[tilespmem:$0x8000] =	vst v0  }
0x51: {  	v0 =	vld [tilespmem:s9+$0x4010];
	_ =	sdelay $0x4  }
0x52: {  	v36 =	vand.u32 $0x7, v0  }
0x53: {  	vm4 =	vlt.s32 v0, $0x1388;
	v1 =	vor.u32 $0x1388, v36  }
0x54: {  	v0 =	vsel vm4, v0, v1  }
0x55: {  	[tilespmem:$0x8010] =	vst v0  }
0x56: {  	v0 =	vld [tilespmem:s9+$0x4020];
	_ =	sdelay $0x4  }
0x57: {  	v37 =	vand.u32 $0x7, v0  }
0x58: {  	vm5 =	vlt.s32 v0, $0x1388;
	v1 =	vor.u32 $0x1388, v37  }
0x59: {  	v0 =	vsel vm5, v0, v1  }
0x5a: {  	[tilespmem:$0x8020] =	vst v0  }
0x5b: {  	v0 =	vld [tilespmem:s9+$0x4030];
	_ =	sdelay $0x4  }
0x5c: {  	v38 =	vand.u32 $0x7, v0  }
0x5d: {  	vm6 =	vlt.s32 v0, $0x1388;
	v1 =	vor.u32 $0x1388, v38  }
0x5e: {  	v0 =	vsel vm6, v0, v1  }
0x5f: {  	[tilespmem:$0x8030] =	vst v0  }
0x60: {  	v0 =	vld [tilespmem:s9+$0x4040];
	_ =	sdelay $0x4  }
0x61: {  	v39 =	vand.u32 $0x7, v0  }
0x62: {  	vm7 =	vlt.s32 v0, $0x1388;
	v1 =	vor.u32 $0x1388, v39  }
0x63: {  	v0 =	vsel vm7, v0, v1  }
0x64: {  	[tilespmem:$0x8040] =	vst v0  }
0x65: {  	_ =	swait.ge [sflag:s29], $0x2800  }
0x66: {  	p1 =	seq.s32 s7, $0x0;
	[sflag:s29] =	ssyncset.done $0x0  }
0x67: {  	s8 =	simm.s32 @!p1 $0xA;
	[sflag:s29] =	ssyncadd.s32 $0xFFFFD800  }
0x68: {  	[spmem:s2] =	stream.indirect.scatter.add.f32 [tilespmem:s21], [sflag:$0x6], $0x80, s30, s20, $0xb8;
	[tilespmem:$0x1E880] =	vst v63  }
0x69: {  	_ =	swait.ge @!p1 [sflag:s8], $0x2800  }
0x6a: {  	[sflag:s8] =	ssyncset.done @!p1 $0x0  }
0x6b: {  	s19 =	sadd.s32 $0x200, s9;
	[sflag:s8] =	ssyncadd.s32 @!p1 $0xFFFFD800  }
0x6c: {  	[tilespmem:s31], [sflag:$0x5] =	stream.indirect.gather [hbm4b:s1+s20], $0x80, s19, s20, $0xb8;
	[tilespmem:$0x1E880] =	vst v63  }
0x6d: {  	v40 =	vld [tilespmem:s9+$0x4080];
	_ =	sdelay $0x4  }
0x6e: {  	v41 =	vand.u32 $0x7, v40  }
0x6f: {  	vm8 =	vlt.s32 v40, $0x1388;
	v1 =	vor.u32 $0x1388, v41  }
0x70: {  	v0 =	vsel vm8, v40, v1  }
0x71: {  	[tilespmem:$0x8080] =	vst v0  }
0x72: {  	v0 =	vld [tilespmem:s9+$0x4090];
	_ =	sdelay $0x4  }
0x73: {  	v42 =	vand.u32 $0x7, v0  }
0x74: {  	vm9 =	vlt.s32 v0, $0x1388;
	v1 =	vor.u32 $0x1388, v42  }
0x75: {  	v0 =	vsel vm9, v0, v1  }
0x76: {  	[tilespmem:$0x8090] =	vst v0  }
0x77: {  	v0 =	vld [tilespmem:s9+$0x40A0];
	_ =	sdelay $0x4  }
0x78: {  	v43 =	vand.u32 $0x7, v0  }
0x79: {  	vm10 =	vlt.s32 v0, $0x1388;
	v1 =	vor.u32 $0x1388, v43  }
0x7a: {  	v0 =	vsel vm10, v0, v1  }
0x7b: {  	[tilespmem:$0x80A0] =	vst v0  }
0x7c: {  	v0 =	vld [tilespmem:s9+$0x40B0];
	_ =	sdelay $0x4  }
0x7d: {  	v44 =	vand.u32 $0x7, v0  }
0x7e: {  	vm11 =	vlt.s32 v0, $0x1388;
	v1 =	vor.u32 $0x1388, v44  }
0x7f: {  	v0 =	vsel vm11, v0, v1  }
0x80: {  	[tilespmem:$0x80B0] =	vst v0  }
0x81: {  	v0 =	vld [tilespmem:s9+$0x40C0];
	_ =	sdelay $0x4  }
0x82: {  	v45 =	vand.u32 $0x7, v0  }
0x83: {  	vm12 =	vlt.s32 v0, $0x1388;
	v1 =	vor.u32 $0x1388, v45  }
0x84: {  	v0 =	vsel vm12, v0, v1  }
0x85: {  	[tilespmem:$0x80C0] =	vst v0  }
0x86: {  	_ =	swait.ge [sflag:s0], $0x2800  }
0x87: {  	[sflag:s0] =	ssyncset.done $0x0  }
0x88: {  	[sflag:s0] =	ssyncadd.s32 $0xFFFFD800  }
0x89: {  	[spmem:s2] =	stream.indirect.scatter.add.f32 [tilespmem:s23], [sflag:$0x7], $0x80, s3, s20, $0xb8;
	[tilespmem:$0x1E880] =	vst v63  }
0x8a: {  	p1 =	seq.s32 s7, $0xF000;
	_ =	swait.ge [sflag:s16], $0x2800  }
0x8b: {  	s8 =	sshra.s32 @!p1 s7, $0x2;
	s18 =	simm.s32 @!p1 $0x50;
	[sflag:s16] =	ssyncset.done $0x0  }
0x8c: {  	s19 =	simm.s32 @!p1 $0x8400;
	s10 =	sadd.s32 @!p1 $0x280, s8;
	[sflag:s16] =	ssyncadd.s32 $0xFFFFD800  }
0x8d: {  	[tilespmem:s19], [sflag:$0x1] =	stream.indirect.gather @!p1 [hbm4b:s1+s18], $0x80, s10, s18, $0xb8;
	[tilespmem:$0x1E880] =	vst v63  }
0x8e: {  	v46 =	vld [tilespmem:s9+$0x4100];
	_ =	sdelay $0x4  }
0x8f: {  	v47 =	vand.u32 $0x7, v46  }
0x90: {  	vm13 =	vlt.s32 v46, $0x1388;
	v1 =	vor.u32 $0x1388, v47  }
0x91: {  	v0 =	vsel vm13, v46, v1  }
0x92: {  	[tilespmem:$0x8100] =	vst v0  }
0x93: {  	v0 =	vld [tilespmem:s9+$0x4110];
	_ =	sdelay $0x4  }
0x94: {  	v48 =	vand.u32 $0x7, v0  }
0x95: {  	vm14 =	vlt.s32 v0, $0x1388;
	v1 =	vor.u32 $0x1388, v48  }
0x96: {  	v0 =	vsel vm14, v0, v1  }
0x97: {  	[tilespmem:$0x8110] =	vst v0  }
0x98: {  	v0 =	vld [tilespmem:s9+$0x4120];
	_ =	sdelay $0x4  }
0x99: {  	v49 =	vand.u32 $0x7, v0  }
0x9a: {  	vm15 =	vlt.s32 v0, $0x1388;
	v1 =	vor.u32 $0x1388, v49  }
0x9b: {  	v0 =	vsel vm15, v0, v1  }
0x9c: {  	[tilespmem:$0x8120] =	vst v0  }
0x9d: {  	v0 =	vld [tilespmem:s9+$0x4130];
	_ =	sdelay $0x4  }
0x9e: {  	v50 =	vand.u32 $0x7, v0  }
0x9f: {  	vm4 =	vlt.s32 v0, $0x1388;
	v1 =	vor.u32 $0x1388, v50  }
0xa0: {  	v0 =	vsel vm4, v0, v1  }
0xa1: {  	[tilespmem:$0x8130] =	vst v0  }
0xa2: {  	v0 =	vld [tilespmem:s9+$0x4140];
	_ =	sdelay $0x4  }
0xa3: {  	v51 =	vand.u32 $0x7, v0  }
0xa4: {  	vm5 =	vlt.s32 v0, $0x1388;
	v1 =	vor.u32 $0x1388, v51  }
0xa5: {  	v0 =	vsel vm5, v0, v1  }
0xa6: {  	[tilespmem:$0x8140] =	vst v0  }
0xa7: {  	_ =	swait.ge [sflag:s5], $0x2800  }
0xa8: {  	[sflag:s5] =	ssyncset.done $0x0  }
0xa9: {  	[sflag:s5] =	ssyncadd.s32 $0xFFFFD800  }
0xaa: {  	[spmem:s2] =	stream.indirect.scatter.add.f32 [tilespmem:s25], [sflag:$0x8], $0x80, s6, s20, $0xb8;
	[tilespmem:$0x1E880] =	vst v63  }
0xab: {  	_ =	swait.ge [sflag:s11], $0x2800  }
0xac: {  	[sflag:s11] =	ssyncset.done $0x0  }
0xad: {  	s10 =	sadd.s32 @!p1 $0x300, s8;
	s19 =	simm.s32 @!p1 $0xAC00;
	[sflag:s11] =	ssyncadd.s32 $0xFFFFD800  }
0xae: {  	[tilespmem:s19], [sflag:$0x2] =	stream.indirect.gather @!p1 [hbm4b:s1+s18], $0x80, s10, s18, $0xb8;
	[tilespmem:$0x1E880] =	vst v63  }
0xaf: {  	v52 =	vld [tilespmem:s9+$0x4180];
	_ =	sdelay $0x4  }
0xb0: {  	v53 =	vand.u32 $0x7, v52  }
0xb1: {  	vm6 =	vlt.s32 v52, $0x1388;
	v1 =	vor.u32 $0x1388, v53  }
0xb2: {  	v0 =	vsel vm6, v52, v1  }
0xb3: {  	[tilespmem:$0x8180] =	vst v0  }
0xb4: {  	v0 =	vld [tilespmem:s9+$0x4190];
	_ =	sdelay $0x4  }
0xb5: {  	v54 =	vand.u32 $0x7, v0  }
0xb6: {  	vm7 =	vlt.s32 v0, $0x1388;
	v1 =	vor.u32 $0x1388, v54  }
0xb7: {  	v0 =	vsel vm7, v0, v1  }
0xb8: {  	[tilespmem:$0x8190] =	vst v0  }
0xb9: {  	v0 =	vld [tilespmem:s9+$0x41A0];
	_ =	sdelay $0x4  }
0xba: {  	v55 =	vand.u32 $0x7, v0  }
0xbb: {  	vm8 =	vlt.s32 v0, $0x1388;
	v1 =	vor.u32 $0x1388, v55  }
0xbc: {  	v0 =	vsel vm8, v0, v1  }
0xbd: {  	[tilespmem:$0x81A0] =	vst v0  }
0xbe: {  	v0 =	vld [tilespmem:s9+$0x41B0];
	_ =	sdelay $0x4  }
0xbf: {  	v56 =	vand.u32 $0x7, v0  }
0xc0: {  	vm9 =	vlt.s32 v0, $0x1388;
	v1 =	vor.u32 $0x1388, v56  }
0xc1: {  	v0 =	vsel vm9, v0, v1  }
0xc2: {  	[tilespmem:$0x81B0] =	vst v0  }
0xc3: {  	v0 =	vld [tilespmem:s9+$0x41C0];
	_ =	sdelay $0x4  }
0xc4: {  	v57 =	vand.u32 $0x7, v0  }
0xc5: {  	vm10 =	vlt.s32 v0, $0x1388;
	v1 =	vor.u32 $0x1388, v57  }
0xc6: {  	v0 =	vsel vm10, v0, v1  }
0xc7: {  	[tilespmem:$0x81C0] =	vst v0  }
0xc8: {  	_ =	swait.ge [sflag:s12], $0x2800  }
0xc9: {  	[sflag:s12] =	ssyncset.done $0x0  }
0xca: {  	[sflag:s12] =	ssyncadd.s32 $0xFFFFD800  }
0xcb: {  	[spmem:s2] =	stream.indirect.scatter.add.f32 [tilespmem:s28], [sflag:$0x9], $0x80, s13, s20, $0xb8;
	[tilespmem:$0x1E880] =	vst v63  }
0xcc: {  	_ =	swait.ge [sflag:s14], $0x2800  }
0xcd: {  	[sflag:s14] =	ssyncset.done $0x0  }
0xce: {  	s8 =	sadd.s32 @!p1 $0x380, s8;
	s10 =	simm.s32 @!p1 $0xD400;
	[sflag:s14] =	ssyncadd.s32 $0xFFFFD800  }
0xcf: {  	[tilespmem:s10], [sflag:$0x3] =	stream.indirect.gather @!p1 [hbm4b:s1+s18], $0x80, s8, s18, $0xb8;
	[tilespmem:$0x1E880] =	vst v63  }
0xd0: {  	v58 =	vld [tilespmem:s9+$0x4200];
	_ =	sdelay $0x4  }
0xd1: {  	v59 =	vand.u32 $0x7, v58  }
0xd2: {  	vm11 =	vlt.s32 v58, $0x1388;
	v1 =	vor.u32 $0x1388, v59  }
0xd3: {  	v0 =	vsel vm11, v58, v1  }
0xd4: {  	[tilespmem:$0x8200] =	vst v0  }
0xd5: {  	v0 =	vld [tilespmem:s9+$0x4210];
	_ =	sdelay $0x4  }
0xd6: {  	v60 =	vand.u32 $0x7, v0  }
0xd7: {  	vm12 =	vlt.s32 v0, $0x1388;
	v1 =	vor.u32 $0x1388, v60  }
0xd8: {  	v0 =	vsel vm12, v0, v1  }
0xd9: {  	[tilespmem:$0x8210] =	vst v0  }
0xda: {  	v0 =	vld [tilespmem:s9+$0x4220];
	_ =	sdelay $0x4  }
0xdb: {  	v61 =	vand.u32 $0x7, v0  }
0xdc: {  	vm13 =	vlt.s32 v0, $0x1388;
	v1 =	vor.u32 $0x1388, v61  }
0xdd: {  	v0 =	vsel vm13, v0, v1  }
0xde: {  	[tilespmem:$0x8220] =	vst v0  }
0xdf: {  	v0 =	vld [tilespmem:s9+$0x4230];
	_ =	sdelay $0x4  }
0xe0: {  	v62 =	vand.u32 $0x7, v0  }
0xe1: {  	vm14 =	vlt.s32 v0, $0x1388;
	v1 =	vor.u32 $0x1388, v62  }
0xe2: {  	v0 =	vsel vm14, v0, v1  }
0xe3: {  	[tilespmem:$0x8230] =	vst v0  }
0xe4: {  	v0 =	vld [tilespmem:s9+$0x4240];
	_ =	sdelay $0x4  }
0xe5: {  	v63 =	vand.u32 $0x7, v0  }
0xe6: {  	vm15 =	vlt.s32 v0, $0x1388;
	v1 =	vor.u32 $0x1388, v63  }
0xe7: {  	v0 =	vsel vm15, v0, v1  }
0xe8: {  	[tilespmem:$0x8240] =	vst v0  }
0xe9: {  	_ =	swait.ge [sflag:s22], $0x2800  }
0xea: {  	[sflag:s22] =	ssyncset.done $0x0  }
.Ltmp2:
0xeb: {  	[sflag:s22] =	ssyncadd.s32 $0xFFFFD800;
	(pc) =	sbr.rel @p1 .LBB2_4-.Ltmp2, $4  }
0xec: {  	[spmem:s2] =	stream.indirect.scatter.add.f32 [tilespmem:s31], [sflag:$0xA], $0x80, s24, s20, $0xb8;
	[tilespmem:$0x1E880] =	vst v63  }
0xed: {  	_ =	swait.ge [sflag:s26], $0x2800  }
0xee: {  	[sflag:s26] =	ssyncset.done $0x0  }
0xef: {  	[sflag:s26] =	ssyncadd.s32 $0xFFFFD800  }
.Ltmp3:
0xf0: {  	(pc) =	sbr.rel .LBB2_2-.Ltmp3, $3  }
0xf1: {  	_ =	sdelay $0x1  }
0xf2: {  	s8 =	sadd.s32 $0x400, s9;
	s7 =	sadd.s32 $0xA00, s7  }
0xf3: {  	[tilespmem:s28], [sflag:$0x4] =	stream.indirect.gather [hbm4b:s1+s20], $0x80, s8, s20, $0xb8;
	[tilespmem:$0x1E880] =	vst v63  }
.LBB2_4:
0xf4: {  	s7 =	simm.s32 $0xA  }
0xf5: {  	_ =	swait.ge [sflag:s7], $0x2800  }
0xf6: {  	[sflag:s7] =	ssyncset.done $0x0  }
0xf7: {  	[sflag:s7] =	ssyncadd.s32 $0xFFFFD800  }
0xf8: {  	[bflag:$0x0] =	sbarrier.arrive $0xFFFF  }
0xf9: {  	s9 =	rddreg [dreg:$0x9]  }
0xfa: {  	s8 =	rddreg [dreg:$0xe]  }
0xfb: {  	[hbm:s9], [sflag:s17] =	dma.local [spmem:s8], $0x1380  }
0xfc: {  	_ =	swait.ge [sflag:s15], $0x1380  }
0xfd: {  	[sflag:s15] =	ssyncset.done $0x0;
	s8 =	rddreg [dreg:$0x6]  }
0xfe: {  	s9 =	rddreg [dreg:$0x7];
	[sflag:s15] =	ssyncadd.s32 $0xFFFFEC80;
	s7 =	sshrl.u32 @p0 s8, $0x3  }
0xff: {  	[spmem:s7], [sflag:s17] =	dma.local @p0 [hbm:s9], $0x1380  }
0x100: {  	s7 =	simm.s32 @p0 $0xB  }
0x101: {  	_ =	swait.ge @p0 [sflag:s7], $0x1380  }
0x102: {  	[sflag:s7] =	ssyncset.done @p0 $0x0;
	s10 =	rddreg [dreg:$0xf]  }
0x103: {  	[sflag:s7] =	ssyncadd.s32 @p0 $0xFFFFEC80;
	s7 =	rddreg [dreg:$0xa]  }
0x104: {  	[hbm:s7], [sflag:s17] =	dma.local @!p0 [spmem:s10], $0x80  }
0x105: {  	s7 =	simm.s32 @!p0 $0xB  }
0x106: {  	_ =	swait.ge @!p0 [sflag:s7], $0x80  }
0x107: {  	[sflag:s7] =	ssyncset.done @!p0 $0x0  }
0x108: {  	s8 =	sshrl.u32 @!p0 s8, $0x3;
	[sflag:s7] =	ssyncadd.s32 @!p0 $0xFFFFFF80  }
0x109: {  	[spmem:s8], [sflag:s17] =	dma.local @!p0 [hbm:s9], $0x1380  }
0x10a: {  	_ =	swait.ge @!p0 [sflag:s7], $0x1380  }
0x10b: {  	[sflag:s7] =	ssyncset.done @!p0 $0x0  }
0x10c: {  	s8 =	rddreg [dreg:$0x8];
	[sflag:s7] =	ssyncadd.s32 @!p0 $0xFFFFEC80  }
0x10d: {  	[spmem:s10], [sflag:s17] =	dma.local @!p0 [hbm:s8], $0x100  }
0x10e: {  	_ =	swait.ge @!p0 [sflag:s7], $0x100  }
0x10f: {  	[sflag:s7] =	ssyncset.done @!p0 $0x0  }
0x110: {  	s9 =	simm.s32 $0x0;
	[sflag:s7] =	ssyncadd.s32 @!p0 $0xFFFFFF00  }
0x111: {  	[tilespmem:s21], [sflag:$0x1] =	stream.indirect.gather [hbm4b:s1+s20], $0x80, s9, s20, $0xb8;
	[tilespmem:$0x1E880] =	vst v63  }
0x112: {  	s10 =	simm.s32 $0x80  }
0x113: {  	[tilespmem:s23], [sflag:$0x2] =	stream.indirect.gather [hbm4b:s1+s20], $0x80, s10, s20, $0xb8;
	[tilespmem:$0x1E880] =	vst v63  }
0x114: {  	s18 =	simm.s32 $0x100  }
0x115: {  	[tilespmem:s25], [sflag:$0x3] =	stream.indirect.gather [hbm4b:s1+s20], $0x80, s18, s20, $0xb8;
	[tilespmem:$0x1E880] =	vst v63  }
0x116: {  	s19 =	simm.s32 $0x180  }
0x117: {  	[tilespmem:s28], [sflag:$0x4] =	stream.indirect.gather [hbm4b:s1+s20], $0x80, s19, s20, $0xb8;
	[tilespmem:$0x1E880] =	vst v63  }
0x118: {  	[bflag:$0x0] =	sbarrier.arrive $0xFFFF  }
.LBB2_5:
0x119: {  	s7 =	sshra.s32 s9, $0x2  }
0x11a: {  	v0 =	vld [tilespmem:s7+$0x4000];
	_ =	sdelay $0x4  }
0x11b: {  	v1 =	vand.u32 $0x7, v0  }
0x11c: {  	vm0 =	vgt.s32 v0, $0x1387;
	v0 =	vadd.s32 $0xFFFFEC78, v0;
	v1 =	vor.u32 $0x1388, v1  }
0x11d: {  	v0 =	vsel vm0, v0, v1  }
0x11e: {  	[tilespmem:$0x8000] =	vst v0  }
0x11f: {  	v0 =	vld [tilespmem:s7+$0x4010];
	_ =	sdelay $0x4  }
0x120: {  	v36 =	vand.u32 $0x7, v0  }
0x121: {  	vm4 =	vgt.s32 v0, $0x1387;
	v0 =	vadd.s32 $0xFFFFEC78, v0;
	v1 =	vor.u32 $0x1388, v36  }
0x122: {  	v0 =	vsel vm4, v0, v1  }
0x123: {  	[tilespmem:$0x8010] =	vst v0  }
0x124: {  	v0 =	vld [tilespmem:s7+$0x4020];
	_ =	sdelay $0x4  }
0x125: {  	v37 =	vand.u32 $0x7, v0  }
0x126: {  	vm5 =	vgt.s32 v0, $0x1387;
	v0 =	vadd.s32 $0xFFFFEC78, v0;
	v1 =	vor.u32 $0x1388, v37  }
0x127: {  	v0 =	vsel vm5, v0, v1  }
0x128: {  	[tilespmem:$0x8020] =	vst v0  }
0x129: {  	v0 =	vld [tilespmem:s7+$0x4030];
	_ =	sdelay $0x4  }
0x12a: {  	v38 =	vand.u32 $0x7, v0  }
0x12b: {  	vm6 =	vgt.s32 v0, $0x1387;
	v0 =	vadd.s32 $0xFFFFEC78, v0;
	v1 =	vor.u32 $0x1388, v38  }
0x12c: {  	v0 =	vsel vm6, v0, v1  }
0x12d: {  	[tilespmem:$0x8030] =	vst v0  }
0x12e: {  	v0 =	vld [tilespmem:s7+$0x4040];
	_ =	sdelay $0x4  }
0x12f: {  	v39 =	vand.u32 $0x7, v0  }
0x130: {  	vm7 =	vgt.s32 v0, $0x1387;
	v0 =	vadd.s32 $0xFFFFEC78, v0;
	v1 =	vor.u32 $0x1388, v39  }
0x131: {  	v0 =	vsel vm7, v0, v1  }
0x132: {  	[tilespmem:$0x8040] =	vst v0  }
0x133: {  	_ =	swait.ge [sflag:s29], $0x2800  }
0x134: {  	p1 =	seq.s32 s9, $0x0;
	[sflag:s29] =	ssyncset.done $0x0  }
0x135: {  	s8 =	simm.s32 @!p1 $0xA;
	[sflag:s29] =	ssyncadd.s32 $0xFFFFD800  }
0x136: {  	[spmem:s2] =	stream.indirect.scatter.add.f32 [tilespmem:s21], [sflag:$0x6], $0x80, s30, s20, $0xb8;
	[tilespmem:$0x1E880] =	vst v63  }
0x137: {  	_ =	swait.ge @!p1 [sflag:s8], $0x2800  }
0x138: {  	[sflag:s8] =	ssyncset.done @!p1 $0x0  }
0x139: {  	s19 =	sadd.s32 $0x200, s7;
	[sflag:s8] =	ssyncadd.s32 @!p1 $0xFFFFD800  }
0x13a: {  	[tilespmem:s31], [sflag:$0x5] =	stream.indirect.gather [hbm4b:s1+s20], $0x80, s19, s20, $0xb8;
	[tilespmem:$0x1E880] =	vst v63  }
0x13b: {  	v40 =	vld [tilespmem:s7+$0x4080];
	_ =	sdelay $0x4  }
0x13c: {  	v41 =	vand.u32 $0x7, v40  }
0x13d: {  	vm8 =	vgt.s32 v40, $0x1387;
	v0 =	vadd.s32 $0xFFFFEC78, v40;
	v1 =	vor.u32 $0x1388, v41  }
0x13e: {  	v0 =	vsel vm8, v0, v1  }
0x13f: {  	[tilespmem:$0x8080] =	vst v0  }
0x140: {  	v0 =	vld [tilespmem:s7+$0x4090];
	_ =	sdelay $0x4  }
0x141: {  	v42 =	vand.u32 $0x7, v0  }
0x142: {  	vm9 =	vgt.s32 v0, $0x1387;
	v0 =	vadd.s32 $0xFFFFEC78, v0;
	v1 =	vor.u32 $0x1388, v42  }
0x143: {  	v0 =	vsel vm9, v0, v1  }
0x144: {  	[tilespmem:$0x8090] =	vst v0  }
0x145: {  	v0 =	vld [tilespmem:s7+$0x40A0];
	_ =	sdelay $0x4  }
0x146: {  	v43 =	vand.u32 $0x7, v0  }
0x147: {  	vm10 =	vgt.s32 v0, $0x1387;
	v0 =	vadd.s32 $0xFFFFEC78, v0;
	v1 =	vor.u32 $0x1388, v43  }
0x148: {  	v0 =	vsel vm10, v0, v1  }
0x149: {  	[tilespmem:$0x80A0] =	vst v0  }
0x14a: {  	v0 =	vld [tilespmem:s7+$0x40B0];
	_ =	sdelay $0x4  }
0x14b: {  	v44 =	vand.u32 $0x7, v0  }
0x14c: {  	vm11 =	vgt.s32 v0, $0x1387;
	v0 =	vadd.s32 $0xFFFFEC78, v0;
	v1 =	vor.u32 $0x1388, v44  }
0x14d: {  	v0 =	vsel vm11, v0, v1  }
0x14e: {  	[tilespmem:$0x80B0] =	vst v0  }
0x14f: {  	v0 =	vld [tilespmem:s7+$0x40C0];
	_ =	sdelay $0x4  }
0x150: {  	v45 =	vand.u32 $0x7, v0  }
0x151: {  	vm12 =	vgt.s32 v0, $0x1387;
	v0 =	vadd.s32 $0xFFFFEC78, v0;
	v1 =	vor.u32 $0x1388, v45  }
0x152: {  	v0 =	vsel vm12, v0, v1  }
0x153: {  	[tilespmem:$0x80C0] =	vst v0  }
0x154: {  	_ =	swait.ge [sflag:s0], $0x2800  }
0x155: {  	[sflag:s0] =	ssyncset.done $0x0  }
0x156: {  	[sflag:s0] =	ssyncadd.s32 $0xFFFFD800  }
0x157: {  	[spmem:s2] =	stream.indirect.scatter.add.f32 [tilespmem:s23], [sflag:$0x7], $0x80, s3, s20, $0xb8;
	[tilespmem:$0x1E880] =	vst v63  }
0x158: {  	p1 =	seq.s32 s9, $0xF000;
	_ =	swait.ge [sflag:s16], $0x2800  }
0x159: {  	s8 =	sshra.s32 @!p1 s9, $0x2;
	s18 =	simm.s32 @!p1 $0x50;
	[sflag:s16] =	ssyncset.done $0x0  }
0x15a: {  	s19 =	simm.s32 @!p1 $0x8400;
	s10 =	sadd.s32 @!p1 $0x280, s8;
	[sflag:s16] =	ssyncadd.s32 $0xFFFFD800  }
0x15b: {  	[tilespmem:s19], [sflag:$0x1] =	stream.indirect.gather @!p1 [hbm4b:s1+s18], $0x80, s10, s18, $0xb8;
	[tilespmem:$0x1E880] =	vst v63  }
0x15c: {  	v46 =	vld [tilespmem:s7+$0x4100];
	_ =	sdelay $0x4  }
0x15d: {  	v47 =	vand.u32 $0x7, v46  }
0x15e: {  	vm13 =	vgt.s32 v46, $0x1387;
	v0 =	vadd.s32 $0xFFFFEC78, v46;
	v1 =	vor.u32 $0x1388, v47  }
0x15f: {  	v0 =	vsel vm13, v0, v1  }
0x160: {  	[tilespmem:$0x8100] =	vst v0  }
0x161: {  	v0 =	vld [tilespmem:s7+$0x4110];
	_ =	sdelay $0x4  }
0x162: {  	v48 =	vand.u32 $0x7, v0  }
0x163: {  	vm14 =	vgt.s32 v0, $0x1387;
	v0 =	vadd.s32 $0xFFFFEC78, v0;
	v1 =	vor.u32 $0x1388, v48  }
0x164: {  	v0 =	vsel vm14, v0, v1  }
0x165: {  	[tilespmem:$0x8110] =	vst v0  }
0x166: {  	v0 =	vld [tilespmem:s7+$0x4120];
	_ =	sdelay $0x4  }
0x167: {  	v49 =	vand.u32 $0x7, v0  }
0x168: {  	vm15 =	vgt.s32 v0, $0x1387;
	v0 =	vadd.s32 $0xFFFFEC78, v0;
	v1 =	vor.u32 $0x1388, v49  }
0x169: {  	v0 =	vsel vm15, v0, v1  }
0x16a: {  	[tilespmem:$0x8120] =	vst v0  }
0x16b: {  	v0 =	vld [tilespmem:s7+$0x4130];
	_ =	sdelay $0x4  }
0x16c: {  	v50 =	vand.u32 $0x7, v0  }
0x16d: {  	vm4 =	vgt.s32 v0, $0x1387;
	v0 =	vadd.s32 $0xFFFFEC78, v0;
	v1 =	vor.u32 $0x1388, v50  }
0x16e: {  	v0 =	vsel vm4, v0, v1  }
0x16f: {  	[tilespmem:$0x8130] =	vst v0  }
0x170: {  	v0 =	vld [tilespmem:s7+$0x4140];
	_ =	sdelay $0x4  }
0x171: {  	v51 =	vand.u32 $0x7, v0  }
0x172: {  	vm5 =	vgt.s32 v0, $0x1387;
	v0 =	vadd.s32 $0xFFFFEC78, v0;
	v1 =	vor.u32 $0x1388, v51  }
0x173: {  	v0 =	vsel vm5, v0, v1  }
0x174: {  	[tilespmem:$0x8140] =	vst v0  }
0x175: {  	_ =	swait.ge [sflag:s5], $0x2800  }
0x176: {  	[sflag:s5] =	ssyncset.done $0x0  }
0x177: {  	[sflag:s5] =	ssyncadd.s32 $0xFFFFD800  }
0x178: {  	[spmem:s2] =	stream.indirect.scatter.add.f32 [tilespmem:s25], [sflag:$0x8], $0x80, s6, s20, $0xb8;
	[tilespmem:$0x1E880] =	vst v63  }
0x179: {  	_ =	swait.ge [sflag:s11], $0x2800  }
0x17a: {  	[sflag:s11] =	ssyncset.done $0x0  }
0x17b: {  	s10 =	sadd.s32 @!p1 $0x300, s8;
	s19 =	simm.s32 @!p1 $0xAC00;
	[sflag:s11] =	ssyncadd.s32 $0xFFFFD800  }
0x17c: {  	[tilespmem:s19], [sflag:$0x2] =	stream.indirect.gather @!p1 [hbm4b:s1+s18], $0x80, s10, s18, $0xb8;
	[tilespmem:$0x1E880] =	vst v63  }
0x17d: {  	v52 =	vld [tilespmem:s7+$0x4180];
	_ =	sdelay $0x4  }
0x17e: {  	v53 =	vand.u32 $0x7, v52  }
0x17f: {  	vm6 =	vgt.s32 v52, $0x1387;
	v0 =	vadd.s32 $0xFFFFEC78, v52;
	v1 =	vor.u32 $0x1388, v53  }
0x180: {  	v0 =	vsel vm6, v0, v1  }
0x181: {  	[tilespmem:$0x8180] =	vst v0  }
0x182: {  	v0 =	vld [tilespmem:s7+$0x4190];
	_ =	sdelay $0x4  }
0x183: {  	v54 =	vand.u32 $0x7, v0  }
0x184: {  	vm7 =	vgt.s32 v0, $0x1387;
	v0 =	vadd.s32 $0xFFFFEC78, v0;
	v1 =	vor.u32 $0x1388, v54  }
0x185: {  	v0 =	vsel vm7, v0, v1  }
0x186: {  	[tilespmem:$0x8190] =	vst v0  }
0x187: {  	v0 =	vld [tilespmem:s7+$0x41A0];
	_ =	sdelay $0x4  }
0x188: {  	v55 =	vand.u32 $0x7, v0  }
0x189: {  	vm8 =	vgt.s32 v0, $0x1387;
	v0 =	vadd.s32 $0xFFFFEC78, v0;
	v1 =	vor.u32 $0x1388, v55  }
0x18a: {  	v0 =	vsel vm8, v0, v1  }
0x18b: {  	[tilespmem:$0x81A0] =	vst v0  }
0x18c: {  	v0 =	vld [tilespmem:s7+$0x41B0];
	_ =	sdelay $0x4  }
0x18d: {  	v56 =	vand.u32 $0x7, v0  }
0x18e: {  	vm9 =	vgt.s32 v0, $0x1387;
	v0 =	vadd.s32 $0xFFFFEC78, v0;
	v1 =	vor.u32 $0x1388, v56  }
0x18f: {  	v0 =	vsel vm9, v0, v1  }
0x190: {  	[tilespmem:$0x81B0] =	vst v0  }
0x191: {  	v0 =	vld [tilespmem:s7+$0x41C0];
	_ =	sdelay $0x4  }
0x192: {  	v57 =	vand.u32 $0x7, v0  }
0x193: {  	vm10 =	vgt.s32 v0, $0x1387;
	v0 =	vadd.s32 $0xFFFFEC78, v0;
	v1 =	vor.u32 $0x1388, v57  }
0x194: {  	v0 =	vsel vm10, v0, v1  }
0x195: {  	[tilespmem:$0x81C0] =	vst v0  }
0x196: {  	_ =	swait.ge [sflag:s12], $0x2800  }
0x197: {  	[sflag:s12] =	ssyncset.done $0x0  }
0x198: {  	[sflag:s12] =	ssyncadd.s32 $0xFFFFD800  }
0x199: {  	[spmem:s2] =	stream.indirect.scatter.add.f32 [tilespmem:s28], [sflag:$0x9], $0x80, s13, s20, $0xb8;
	[tilespmem:$0x1E880] =	vst v63  }
0x19a: {  	_ =	swait.ge [sflag:s14], $0x2800  }
0x19b: {  	[sflag:s14] =	ssyncset.done $0x0  }
0x19c: {  	s8 =	sadd.s32 @!p1 $0x380, s8;
	s10 =	simm.s32 @!p1 $0xD400;
	[sflag:s14] =	ssyncadd.s32 $0xFFFFD800  }
0x19d: {  	[tilespmem:s10], [sflag:$0x3] =	stream.indirect.gather @!p1 [hbm4b:s1+s18], $0x80, s8, s18, $0xb8;
	[tilespmem:$0x1E880] =	vst v63  }
0x19e: {  	v58 =	vld [tilespmem:s7+$0x4200];
	_ =	sdelay $0x4  }
0x19f: {  	v59 =	vand.u32 $0x7, v58  }
0x1a0: {  	vm11 =	vgt.s32 v58, $0x1387;
	v0 =	vadd.s32 $0xFFFFEC78, v58;
	v1 =	vor.u32 $0x1388, v59  }
0x1a1: {  	v0 =	vsel vm11, v0, v1  }
0x1a2: {  	[tilespmem:$0x8200] =	vst v0  }
0x1a3: {  	v0 =	vld [tilespmem:s7+$0x4210];
	_ =	sdelay $0x4  }
0x1a4: {  	v60 =	vand.u32 $0x7, v0  }
0x1a5: {  	vm12 =	vgt.s32 v0, $0x1387;
	v0 =	vadd.s32 $0xFFFFEC78, v0;
	v1 =	vor.u32 $0x1388, v60  }
0x1a6: {  	v0 =	vsel vm12, v0, v1  }
0x1a7: {  	[tilespmem:$0x8210] =	vst v0  }
0x1a8: {  	v0 =	vld [tilespmem:s7+$0x4220];
	_ =	sdelay $0x4  }
0x1a9: {  	v61 =	vand.u32 $0x7, v0  }
0x1aa: {  	vm13 =	vgt.s32 v0, $0x1387;
	v0 =	vadd.s32 $0xFFFFEC78, v0;
	v1 =	vor.u32 $0x1388, v61  }
0x1ab: {  	v0 =	vsel vm13, v0, v1  }
0x1ac: {  	[tilespmem:$0x8220] =	vst v0  }
0x1ad: {  	v0 =	vld [tilespmem:s7+$0x4230];
	_ =	sdelay $0x4  }
0x1ae: {  	v62 =	vand.u32 $0x7, v0  }
0x1af: {  	vm14 =	vgt.s32 v0, $0x1387;
	v0 =	vadd.s32 $0xFFFFEC78, v0;
	v1 =	vor.u32 $0x1388, v62  }
0x1b0: {  	v0 =	vsel vm14, v0, v1  }
0x1b1: {  	[tilespmem:$0x8230] =	vst v0  }
0x1b2: {  	v0 =	vld [tilespmem:s7+$0x4240];
	_ =	sdelay $0x4  }
0x1b3: {  	v63 =	vand.u32 $0x7, v0  }
0x1b4: {  	vm15 =	vgt.s32 v0, $0x1387;
	v0 =	vadd.s32 $0xFFFFEC78, v0;
	v1 =	vor.u32 $0x1388, v63  }
0x1b5: {  	v0 =	vsel vm15, v0, v1  }
0x1b6: {  	[tilespmem:$0x8240] =	vst v0  }
0x1b7: {  	_ =	swait.ge [sflag:s22], $0x2800  }
0x1b8: {  	[sflag:s22] =	ssyncset.done $0x0  }
.Ltmp4:
0x1b9: {  	[sflag:s22] =	ssyncadd.s32 $0xFFFFD800;
	(pc) =	sbr.rel @p1 .LBB2_7-.Ltmp4, $4  }
0x1ba: {  	[spmem:s2] =	stream.indirect.scatter.add.f32 [tilespmem:s31], [sflag:$0xA], $0x80, s24, s20, $0xb8;
	[tilespmem:$0x1E880] =	vst v63  }
0x1bb: {  	_ =	swait.ge [sflag:s26], $0x2800  }
0x1bc: {  	[sflag:s26] =	ssyncset.done $0x0  }
0x1bd: {  	[sflag:s26] =	ssyncadd.s32 $0xFFFFD800  }
.Ltmp5:
0x1be: {  	(pc) =	sbr.rel .LBB2_5-.Ltmp5, $3  }
0x1bf: {  	_ =	sdelay $0x1  }
0x1c0: {  	s7 =	sadd.s32 $0x400, s7;
	s9 =	sadd.s32 $0xA00, s9  }
0x1c1: {  	[tilespmem:s28], [sflag:$0x4] =	stream.indirect.gather [hbm4b:s1+s20], $0x80, s7, s20, $0xb8;
	[tilespmem:$0x1E880] =	vst v63  }
.LBB2_8:
0x1c2: {  	_ =	sfence.sel $0x180000  }
0x1c3: {  	[bflag:$0x0] =	sbarrier.arrive $0xFFFF  }
0x1c4: {  	_ =	strace $0x9000004A  }
0x1c5: {  	s0 =	stileid.u32;
	[bflag:$0x2] =	sbarrier.arrive $0xFFFF  }
0x1c6: {  	p0 =	sne.s32 s0, $0x0;
	s0 =	rddreg [dreg:$0x3]  }
0x1c7: {  	s0 =	sadd.s32 @!p0 $0x100000, s0  }
0x1c8: {  	[sflag:s0] =	ssyncadd.tile.s32 @!p0 $0x1;
	_ =	shalt  }
.Lfunc_end2:
_tile_overlayer_lowered:
.L_overlay_start_2:
0x1c9: {  	(tag) =	ssettag $0x2  }
0x1ca: {  	s0 =	rddreg [dreg:$0x0];
	s2 =	stileid.u32  }
0x1cb: {  	s1 =	rddreg [dreg:$0x1];
	p0 =	sne.s32 s2, $0x0  }
0x1cc: {  	s3 =	rddreg [dreg:$0x2];
	[bflag:$0x3] =	sbarrier.arrive $0xFFFF;
	s2 =	simm.s32 @!p0 $0x1C0B  }
0x1cd: {  	[timem:s3], [sflag:s2] =	dma.local @!p0 [hbm:s0], s1  }
0x1ce: {  	s0 =	simm.s32 @!p0 $0xB  }
0x1cf: {  	_ =	swait.ge @!p0 [sflag:s0], s1  }
0x1d0: {  	s1 =	ssub.s32 @!p0 $0x0, s1;
	[sflag:s0] =	ssyncset.done @!p0 $0x0  }
0x1d1: {  	[sflag:s0] =	ssyncadd.s32 @!p0 s1  }
0x1d2: {  	[bflag:$0x3] =	sbarrier.arrive $0xFFFF  }
0x1d3: {  	_ =	shalt  }

// kernel: kernel.14.cloned.1.call-start
scs
__scs_entry_jumppad:
0x0: {  	(pc) =	sbr.rel $0x88, $3  }
0x1: {  	(tag) =	ssettag $0x0;
	lr =	simm.s32 $0x1  }
0x2: {  	[smem:$0x3F90] =	sst lr;
	_ =	strace $0xD0000000  }
0x3: {  	_ = 	snop  }
0x4: {  	_ = 	snop  }
0x5: {  	_ = 	snop  }
0x6: {  	_ = 	snop  }
0x7: {  	_ = 	snop  }
__scs_overlays_trampoline_lowered:
0x8: {  	[smem:$0x3F9F] =	sst s0  }
0x9: {  	[smem:$0x3FA0] =	sst s1  }
0xa: {  	[smem:$0x3FA1] =	sst s2  }
0xb: {  	[smem:$0x3FA2] =	sst s3  }
0xc: {  	[smem:$0x3FA3] =	sst s4  }
0xd: {  	[smem:$0x3FA4] =	sst s5  }
0xe: {  	[smem:$0x3FA5] =	sst s6  }
0xf: {  	[smem:$0x3FA6] =	sst s7  }
0x10: {  	[smem:$0x3FA7] =	sst s8  }
0x11: {  	[smem:$0x3FA8] =	sst s9;
	s0 =	simm.s32 @!p0 $0x0  }
0x12: {  	s1 =	sld [smem:$0x3F8E];
	s0 =	simm.s32 @p0 $0x1  }
0x13: {  	[smem:$0x3FA9] =	sst s0;
	s0 =	simm.s32 @!p1 $0x0  }
0x14: {  	s2 =	sld [smem:$0x3F8D];
	s0 =	simm.s32 @p1 $0x1  }
0x15: {  	[smem:$0x3FAA] =	sst s0;
	s0 =	simm.s32 @!p2 $0x0  }
0x16: {  	s3 =	sld [smem:$0x3FDB];
	s0 =	simm.s32 @p2 $0x1  }
0x17: {  	s4 =	simm.s32 $0x1BF5;
	[smem:$0x3FAC] =	sst s0  }
0x18: {  	s0 =	sld [smem:$0x3F8F];
	_ =	swait.ge [sflag:s4], $0x0  }
0x19: {  	s7 =	sld [smem:$0x3F90]  }
0x1a: {  	s8 =	sadd.s32 $0xFFFFE003, lr  }
0x1b: {  	s9 =	sadd.s32 $0xFFFFFEF7, lr;
	s5 =	simm.s32 $0xFFFFFFFF;
	p2 =	slt.u32 s8, $0xFFFFF086  }
0x1c: {  	p1 =	slt.u32 s9, $0xF7A;
	s5 =	simm.s32 @!p2 $0x0  }
0x1d: {  	s5 =	simm.s32 @p1 $0x1;
	p0 =	seq.s32 s7, s2  }
0x1e: {  	s7 =	smul.u32 @!p0 $0xF7A, s2;
	p2 =	seq.s32 @!p0 s5, $0x0  }
0x1f: {  	s9 =	smul.u32 $0xF7A, s1;
	s8 =	simm.s32 @!p0 $0x1BF5;
	p2 =	por !p2, p0  }
0x20: {  	[sflag:s8] =	ssyncset.s32 @!p0 $0xFFFFF086;
	s6 =	sadd.s32 @!p0 s3, s7;
	s7 =	simm.s32 @!p0 $0x108  }
0x21: {  	s3 =	sadd.s32 s3, s9;
	s6 =	sadd.s32 @!p0 $0x88, s6;
	s7 =	simm.s32 @p2 $0x1082  }
0x22: {  	[simem:s7], [sflag:s8] =	dma.local @!p0 [hbm:s6], $0xF7A  }
0x23: {  	s9 =	sor.u32 $0xD0000000, s2;
	s6 =	simm.s32 $0x108;
	_ =	swait.ge @!p0 [sflag:s8], $0x0  }
0x24: {  	s3 =	sadd.s32 $0x88, s3;
	s6 =	simm.s32 @!p1 $0x1082;
	[sflag:s4] =	ssyncset.s32 $0xFFFFF086  }
0x25: {  	[simem:s6], [sflag:s4] =	dma.local [hbm:s3], $0xF7A  }
0x26: {  	[smem:$0x3F90] =	sst s1;
	(tag) =	ssettag s2;
	_ =	strace s9  }
0x27: {  	s1 =	sld [smem:$0x3FA0]  }
0x28: {  	s2 =	sld [smem:$0x3FA1]  }
0x29: {  	s4 =	sld [smem:$0x3FA3]  }
0x2a: {  	p0 =	seq.s32 s5, $0x0;
	s5 =	sld [smem:$0x3FA4]  }
0x2b: {  	s6 =	sld [smem:$0x3FA5]  }
0x2c: {  	s7 =	sld [smem:$0x3FA6]  }
0x2d: {  	s3 =	simm.s32 $0x108;
	s8 =	sld [smem:$0x3FA7]  }
0x2e: {  	s3 =	simm.s32 @!p0 $0x1082;
	s9 =	sld [smem:$0x3FA8]  }
0x2f: {  	lr =	sadd.s32 s0, s3;
	s0 =	sld [smem:$0x3F9F]  }
0x30: {  	s3 =	sld [smem:$0x3FA2]  }
0x31: {  	[smem:$0x3FAB] =	sst s10  }
0x32: {  	s10 =	sld [smem:$0x3FA9];
	_ =	sdelay $0x3  }
0x33: {  	p0 =	seq.s32 s10, $0x1;
	s10 =	sld [smem:$0x3FAB];
	_ =	sdelay $0x3  }
0x34: {  	[smem:$0x3FAB] =	sst s10  }
0x35: {  	s10 =	sld [smem:$0x3FAA];
	_ =	sdelay $0x3  }
0x36: {  	p1 =	seq.s32 s10, $0x1;
	s10 =	sld [smem:$0x3FAB];
	_ =	sdelay $0x3  }
0x37: {  	[smem:$0x3FAB] =	sst s10  }
0x38: {  	s10 =	sld [smem:$0x3FAC]  }
0x39: {  	_ = 	snop;
	(pc) =	sbr.ind lr, $3  }
0x3a: {  	_ = 	snop  }
0x3b: {  	_ = 	snop  }
0x3c: {  	p2 =	seq.s32 s10, $0x1;
	s10 =	sld [smem:$0x3FAB]  }
0x3d: {  	_ =	shalt  }
0x3e: {  	_ =	shalt  }
0x3f: {  	_ =	shalt  }
0x40: {  	_ =	shalt  }
0x41: {  	_ =	shalt  }
0x42: {  	_ =	shalt  }
0x43: {  	_ =	shalt  }
0x44: {  	_ =	shalt  }
0x45: {  	_ =	shalt  }
0x46: {  	_ =	shalt  }
0x47: {  	_ =	shalt  }
0x48: {  	_ =	shalt  }
0x49: {  	_ =	shalt  }
0x4a: {  	_ =	shalt  }
0x4b: {  	_ =	shalt  }
0x4c: {  	_ =	shalt  }
0x4d: {  	_ =	shalt  }
0x4e: {  	_ =	shalt  }
0x4f: {  	_ =	shalt  }
0x50: {  	_ =	shalt  }
0x51: {  	_ =	shalt  }
0x52: {  	_ =	shalt  }
0x53: {  	_ =	shalt  }
0x54: {  	_ =	shalt  }
0x55: {  	_ =	shalt  }
0x56: {  	_ =	shalt  }
0x57: {  	_ =	shalt  }
0x58: {  	_ =	shalt  }
0x59: {  	_ =	shalt  }
0x5a: {  	_ =	shalt  }
0x5b: {  	_ =	shalt  }
0x5c: {  	_ =	shalt  }
0x5d: {  	_ =	shalt  }
0x5e: {  	_ =	shalt  }
0x5f: {  	_ =	shalt  }
0x60: {  	_ =	shalt  }
0x61: {  	_ =	shalt  }
0x62: {  	_ =	shalt  }
0x63: {  	_ =	shalt  }
0x64: {  	_ =	shalt  }
0x65: {  	_ =	shalt  }
0x66: {  	_ =	shalt  }
0x67: {  	_ =	shalt  }
0x68: {  	_ =	shalt  }
0x69: {  	_ =	shalt  }
0x6a: {  	_ =	shalt  }
0x6b: {  	_ =	shalt  }
0x6c: {  	_ =	shalt  }
0x6d: {  	_ =	shalt  }
0x6e: {  	_ =	shalt  }
0x6f: {  	_ =	shalt  }
0x70: {  	_ =	shalt  }
0x71: {  	_ =	shalt  }
0x72: {  	_ =	shalt  }
0x73: {  	_ =	shalt  }
0x74: {  	_ =	shalt  }
0x75: {  	_ =	shalt  }
0x76: {  	_ =	shalt  }
0x77: {  	_ =	shalt  }
0x78: {  	_ =	shalt  }
0x79: {  	_ =	shalt  }
0x7a: {  	_ =	shalt  }
0x7b: {  	_ =	shalt  }
0x7c: {  	_ =	shalt  }
0x7d: {  	_ =	shalt  }
0x7e: {  	_ =	shalt  }
0x7f: {  	_ =	shalt  }
0x80: {  	_ =	shalt  }
0x81: {  	_ =	shalt  }
0x82: {  	_ =	shalt  }
0x83: {  	_ =	shalt  }
0x84: {  	_ =	shalt  }
0x85: {  	_ =	shalt  }
0x86: {  	_ =	shalt  }
0x87: {  	_ =	shalt  }
.Lfunc_end0:
.L_simem_size_0:
called_computation.2_lowered:
.L_overlay_start_0:
0x88: {  	s2 =	sld [smem:$0x3FD9]  }
0x89: {  	s3 =	sld [smem:$0x3FFE];
	_ =	sdelay $0x1  }
0x8a: {  	s1 =	srdreg.scid  }
0x8b: {  	s0 =	sand.u32 $0x1, s1  }
0x8c: {  	s16 =	sshll.u32 s0, $0xA;
	s2 =	sadd.s32 s3, s2  }
0x8d: {  	s2 =	sadd.s32 s2, s16  }
0x8e: {  	[smem:$0x3FB7] =	sst s2  }
0x8f: {  	_ = 	snop  }
0x90: {  	(tm) =	ssettm $0x1  }
0x91: {  	s17 =	sld [smem:$0x3FFB];
	_ =	sdelay $0x3  }
0x92: {  	_ =	strace s17  }
0x93: {  	s2 =	sld [smem:$0x3FFC];
	_ =	sdelay $0x3  }
0x94: {  	_ =	strace s2  }
0x95: {  	s2 =	sld [smem:$0x3FFD];
	_ =	sdelay $0x3  }
0x96: {  	_ =	strace s2  }
0x97: {  	_ =	strace $0x8FFFFFFF  }
0x98: {  	s18 =	sld [smem:$0x3FDB];
	_ =	sdelay $0x1  }
0x99: {  	s19 =	simm.s32 $_scs_section_size  }
0x9a: {  	s4 =	simm.s32 $_size__tile_overlayer_lowered;
	s5 =	simm.s32 $_tile_overlayer_lowered  }
0x9b: {  	s22 =	simm.s32 $0x1BFF;
	s21 =	sshll.u32 s5, $0x1;
	s2 =	sadd.s32 s19, s18  }
0x9c: {  	s6 =	simm.s32 $0x0;
	s20 =	sshll.u32 s4, $0x1;
	s4 =	sadd.s32 s21, s2  }
0x9d: {  	[timem:s6], [sflag:s22] =	dma.local [hbm:s4], s20  }
0x9e: {  	_ =	swait.ge [sflag:s22], s20  }
0x9f: {  	s3 =	ssub.s32 $0x0, s20;
	[sflag:s22] =	ssyncset.done $0x0  }
0xa0: {  	[sflag:s22] =	ssyncadd.s32 s3;
	_ =	sdelay $0x1  }
0xa1: {  	s23 =	simm.s32 $0x1B8B  }
0xa2: {  	_ =	swait.ge [sflag:s23], $0x1  }
0xa3: {  	[sflag:s23] =	ssyncset.done $0x0  }
0xa4: {  	s25 =	simm.s32 $0x1B8E;
	s24 =	sld [smem:$0x3FFE];
	[sflag:s23] =	ssyncadd.s32 $0xFFFFFFFF  }
0xa5: {  	s26 =	simm.s32 $execute0_lowered;
	[smem:$0x3FD2] =	sst s25  }
0xa6: {  	s4 =	sshll.u32 s26, $0x1;
	_ =	strace $0x8000004C;
	[dreg:$0x1] =	wrdreg $0xFFFFFFFF  }
0xa7: {  	s28 =	simm.s32 $_size_execute0_lowered;
	s2 =	sadd.s32 s2, s4;
	[dreg:$0x0] =	wrdreg $0x0  }
0xa8: {  	s4 =	sshll.u32 s28, $0x1;
	[dreg:$0x2] =	wrdreg s2  }
0xa9: {  	[dreg:$0x3] =	wrdreg s4  }
0xaa: {  	[dreg:$0x4] =	wrdreg $0xC0  }
0xab: {  	_ =	task [dreg:s6], $0x5FFFF  }
0xac: {  	[dreg:$0x1] =	wrdreg $0xFFFFFFFF  }
0xad: {  	[dreg:$0x0] =	wrdreg $0x60  }
0xae: {  	[dreg:$0x2] =	wrdreg s24  }
0xaf: {  	[dreg:$0x3] =	wrdreg $0x14C000  }
0xb0: {  	[dreg:$0x4] =	wrdreg $0x9  }
0xb1: {  	_ =	task.clear_ibuf [dreg:s6], $0x5FFFF;
	_ =	strace $0x9000004C  }
0xb2: {  	s29 =	simm.s32 $0x9;
	_ =	strace $0x8000004E  }
0xb3: {  	_ =	swait.ge [sflag:s29], $0x1  }
0xb4: {  	[sflag:s29] =	ssyncadd.s32 $0xFFFFFFFF  }
0xb5: {  	_ =	strace $0x9000004E  }
0xb6: {  	_ =	sfence  }
0xb7: {  	s30 =	sld [smem:$0x0];
	_ =	sdelay $0x2  }
0xb8: {  	s31 =	sshll.u32 s1, $0xD;
	s1 =	sshrl.u32 s1, $0x2  }
0xb9: {  	s3 =	sand.u32 $0x4000, s31;
	s1 =	sadd.s32 s1, s30  }
0xba: {  	s0 =	sor.u32 s3, s0;
	s1 =	sshll.u32 s1, $0x11  }
0xbb: {  	s0 =	sor.u32 s1, s0  }
0xbc: {  	s0 =	sadd.s32 $0x8F2B, s0  }
0xbd: {  	[sflag:s0] =	ssyncadd.remote.s32 $0x1  }
0xbe: {  	_ =	sfence.sel $0xFFFF  }
0xbf: {  	[dreg:$0x0] =	wrdreg $0xFFFFFFFF;
	(pc) =	sbr.abs _section_cstart, $3  }
0xc0: {  	[dreg:$0x1] =	wrdreg $0xFFFFFFFF  }
0xc1: {  	_ =	task.clear_ibuf [dreg:s6], $0x2FFFF;
	_ =	strace $0x9FFFFFFF  }
0xc2: {  	(tm) =	ssettm $0x7FFFFFFF  }
0xc3: {  	_ =	shalt  }
tec
execute0_lowered:
.L_overlay_start_1:
0x0: {  	(tag) =	ssettag $0x1  }
0x1: {  	s0 =	rddreg [dreg:$0x0]  }
0x2: {  	s1 =	rddreg [dreg:$0x1];
	s3 =	simm.s32 $0x0  }
0x3: {  	s2 =	srdreg.scid;
	s11 =	stileid.u32;
	s15 =	simm.s32 $0xB  }
0x4: {  	s28 =	simm.s32 $0xFC00;
	s29 =	simm.s32 $0x1;
	s30 =	simm.s32 $0x8000  }
0x5: {  	s31 =	simm.s32 $0x12400;
	s12 =	simm.s32 $0x4;
	s13 =	simm.s32 $0x8180  }
0x6: {  	s14 =	simm.s32 $0x8;
	[smem:$0x7FF] =	sst s3;
	s2 =	sand.u32 $0x1, s2  }
0x7: {  	s5 =	sshll.u32 s11, $0xB;
	s6 =	smul.u32 $0x9C00, s11;
	s4 =	sadd.s32 $0x4A400, s0  }
0x8: {  	s9 =	smul.u32 $0x27000, s11;
	s10 =	sadd.s32 $0xB2400, s0;
	p0 =	sne.s32 s11, $0xF  }
0x9: {  	s26 =	sshll.u32 s11, $0x6;
	s11 =	simm.s32 $0x7;
	s16 =	sshll.u32 s2, $0xF  }
0xa: {  	_ =	strace $0x8000004D;
	s7 =	ssub.s32 $0x2, s2;
	s2 =	smul.u32 $0x138800, s2  }
0xb: {  	s3 =	sor.u32 s5, s16;
	s17 =	sshrl.u32 s6, $0x3;
	s8 =	sshrl.u32 s7, $0x1  }
0xc: {  	s19 =	sshrl.u32 s9, $0x2;
	s16 =	simm.s32 $0x6;
	s3 =	sadd.s32 s3, s0  }
0xd: {  	s5 =	sadd.s32 s17, s0;
	s7 =	ssub.s32 s7, s8;
	s20 =	sadd.s32 s19, s1  }
0xe: {  	s22 =	sadd.s32 s6, s2;
	s2 =	sshrl.u32 s2, $0x3;
	s0 =	sadd.s32 $0x36A00, s0  }
0xf: {  	s17 =	sor.u32 $0x1C0B, s26;
	s6 =	simm.s32 $0x8100;
	[dreg:$0x7] =	wrdreg s0  }
0x10: {  	s26 =	simm.s32 $0x9;
	s18 =	sadd.s32 $0xA2400, s3;
	[dreg:$0x5] =	wrdreg s20  }
0x11: {  	s3 =	sadd.s32 $0x13200, s3;
	s21 =	sadd.s32 $0x23200, s5;
	[dreg:$0x3] =	wrdreg s18  }
0x12: {  	s5 =	sadd.s32 $0x9C000, s1;
	s23 =	sadd.s32 s10, s2;
	[dreg:$0x4] =	wrdreg s3  }
0x13: {  	s25 =	smax.u32 s7, $0x1;
	[dreg:$0x6] =	wrdreg s21;
	s3 =	sshrl.u32 s22, $0x3  }
0x14: {  	s2 =	sadd.s32 $0x13800, s23;
	s0 =	sadd.s32 $0x27080, s23;
	[dreg:$0xc] =	wrdreg s25  }
0x15: {  	s18 =	sshrl.u32 @!p0 s5, $0x3;
	s21 =	simm.s32 $0x8400;
	s23 =	simm.s32 $0xAC00  }
0x16: {  	s25 =	simm.s32 $0xD400;
	s5 =	simm.s32 $0x3;
	[dreg:$0x9] =	wrdreg s2  }
.Ltmp0:
0x17: {  	s22 =	simm.s32 $0x5;
	[dreg:$0xb] =	wrdreg s0;
	(pc) =	sbr.rel .LBB2_1-.Ltmp0, $4  }
0x18: {  	s3 =	sadd.s32 s10, s3;
	s10 =	sshrl.u32 s20, $0x3;
	[dreg:$0xe] =	wrdreg s18  }
0x19: {  	s20 =	simm.s32 $0x50;
	s0 =	simm.s32 $0x2;
	[dreg:$0x8] =	wrdreg s3  }
0x1a: {  	s2 =	simm.s32 $0x8080;
	s24 =	sadd.s32 $0x13880, s3;
	[dreg:$0xd] =	wrdreg s10  }
0x1b: {  	s3 =	simm.s32 $0x0;
	[dreg:$0xa] =	wrdreg s24;
	s24 =	simm.s32 $0x8200  }
.LBB2_7:
0x1c: {  	s7 =	simm.s32 $0xA  }
0x1d: {  	_ =	swait.ge [sflag:s7], $0x2800  }
0x1e: {  	[sflag:s7] =	ssyncset.done $0x0  }
0x1f: {  	[sflag:s7] =	ssyncadd.s32 $0xFFFFD800  }
0x20: {  	[bflag:$0x0] =	sbarrier.arrive $0xFFFF  }
0x21: {  	s19 =	rddreg [dreg:$0xa]  }
0x22: {  	s10 =	rddreg [dreg:$0xd]  }
0x23: {  	[hbm:s19], [sflag:s17] =	dma.local [spmem:s10], $0x1380  }
0x24: {  	_ =	swait.ge [sflag:s15], $0x1380  }
0x25: {  	[sflag:s15] =	ssyncset.done $0x0;
	s7 =	rddreg [dreg:$0xb]  }
0x26: {  	s18 =	rddreg [dreg:$0xe];
	[sflag:s15] =	ssyncadd.s32 $0xFFFFEC80  }
0x27: {  	[hbm:s7], [sflag:s17] =	dma.local @!p0 [spmem:s18], $0x80  }
0x28: {  	s7 =	simm.s32 @!p0 $0xB  }
0x29: {  	_ =	swait.ge @!p0 [sflag:s7], $0x80  }
0x2a: {  	s3 =	sadd.s32 $0x1, s3;
	s8 =	rddreg [dreg:$0xc]  }
0x2b: {  	p1 =	sne.s32 s3, s8  }
.Ltmp1:
0x2c: {  	_ = 	snop;
	(pc) =	sbr.rel @!p1 .LBB2_8-.Ltmp1, $3  }
0x2d: {  	_ =	sdelay $0x1  }
0x2e: {  	[sflag:s7] =	ssyncset.done @!p0 $0x0  }
0x2f: {  	[sflag:s7] =	ssyncadd.s32 @!p0 $0xFFFFFF80  }
.LBB2_1:
0x30: {  	s8 =	simm.s32 $0x0;
	s7 =	rddreg [dreg:$0x3]  }
0x31: {  	[tilespmem:s8], [sflag:$0xB] =	stream.linear.gather [hbm4b:s7+s8], $0x3E80, $0x38;
	[tilespmem:$0x1E880] =	vst v63  }
0x32: {  	_ =	swait.ge [sflag:s15], $0x3E80  }
0x33: {  	[sflag:s15] =	ssyncset.done $0x0  }
0x34: {  	s9 =	simm.s32 $0x4000;
	s19 =	rddreg [dreg:$0x4];
	[sflag:s15] =	ssyncadd.s32 $0xFFFFC180  }
0x35: {  	[tilespmem:s9], [sflag:$0xB] =	stream.linear.gather [hbm4b:s19+s8], $0x3E80, $0x38;
	[tilespmem:$0x1E880] =	vst v63  }
0x36: {  	_ =	swait.ge [sflag:s15], $0x3E80  }
0x37: {  	[sflag:s15] =	ssyncset.done $0x0  }
0x38: {  	s9 =	rddreg [dreg:$0x6];
	[sflag:s15] =	ssyncadd.s32 $0xFFFFC180  }
0x39: {  	[spmem:s10], [sflag:s17] =	dma.local [hbm:s9], $0x1380  }
0x3a: {  	_ =	swait.ge [sflag:s15], $0x1380  }
0x3b: {  	[sflag:s15] =	ssyncset.done $0x0  }
0x3c: {  	s7 =	rddreg [dreg:$0x7];
	[sflag:s15] =	ssyncadd.s32 $0xFFFFEC80  }
0x3d: {  	[spmem:s18], [sflag:s17] =	dma.local @!p0 [hbm:s7], $0x100  }
0x3e: {  	s7 =	simm.s32 @!p0 $0xB  }
0x3f: {  	_ =	swait.ge @!p0 [sflag:s7], $0x100  }
0x40: {  	[sflag:s7] =	ssyncset.done @!p0 $0x0  }
0x41: {  	[sflag:s7] =	ssyncadd.s32 @!p0 $0xFFFFFF00  }
0x42: {  	[tilespmem:s21], [sflag:$0x1] =	stream.indirect.gather [hbm4b:s4+s20], $0x80, s8, s20, $0xb8;
	[tilespmem:$0x1E880] =	vst v63  }
0x43: {  	s10 =	simm.s32 $0x80  }
0x44: {  	[tilespmem:s23], [sflag:$0x2] =	stream.indirect.gather [hbm4b:s4+s20], $0x80, s10, s20, $0xb8;
	[tilespmem:$0x1E880] =	vst v63  }
0x45: {  	s18 =	simm.s32 $0x100  }
0x46: {  	[tilespmem:s25], [sflag:$0x3] =	stream.indirect.gather [hbm4b:s4+s20], $0x80, s18, s20, $0xb8;
	[tilespmem:$0x1E880] =	vst v63  }
0x47: {  	s19 =	simm.s32 $0x180  }
0x48: {  	[tilespmem:s28], [sflag:$0x4] =	stream.indirect.gather [hbm4b:s4+s20], $0x80, s19, s20, $0xb8;
	[tilespmem:$0x1E880] =	vst v63  }
0x49: {  	s7 =	simm.s32 $0x0;
	[bflag:$0x0] =	sbarrier.arrive $0xFFFF  }
.LBB2_2:
0x4a: {  	s9 =	sshra.s32 s7, $0x2  }
0x4b: {  	v0 =	vld [tilespmem:s9+$0x4000];
	_ =	sdelay $0x4  }
0x4c: {  	v1 =	vand.u32 $0x7, v0  }
0x4d: {  	vm0 =	vlt.s32 v0, $0x1388;
	v1 =	vor.u32 $0x1388, v1  }
0x4e: {  	v0 =	vsel vm0, v0, v1  }
0x4f: {  	[tilespmem:$0x8000] =	vst v0  }
0x50: {  	v0 =	vld [tilespmem:s9+$0x4010];
	_ =	sdelay $0x4  }
0x51: {  	v36 =	vand.u32 $0x7, v0  }
0x52: {  	vm4 =	vlt.s32 v0, $0x1388;
	v1 =	vor.u32 $0x1388, v36  }
0x53: {  	v0 =	vsel vm4, v0, v1  }
0x54: {  	[tilespmem:$0x8010] =	vst v0  }
0x55: {  	v0 =	vld [tilespmem:s9+$0x4020];
	_ =	sdelay $0x4  }
0x56: {  	v37 =	vand.u32 $0x7, v0  }
0x57: {  	vm5 =	vlt.s32 v0, $0x1388;
	v1 =	vor.u32 $0x1388, v37  }
0x58: {  	v0 =	vsel vm5, v0, v1  }
0x59: {  	[tilespmem:$0x8020] =	vst v0  }
0x5a: {  	v0 =	vld [tilespmem:s9+$0x4030];
	_ =	sdelay $0x4  }
0x5b: {  	v38 =	vand.u32 $0x7, v0  }
0x5c: {  	vm6 =	vlt.s32 v0, $0x1388;
	v1 =	vor.u32 $0x1388, v38  }
0x5d: {  	v0 =	vsel vm6, v0, v1  }
0x5e: {  	[tilespmem:$0x8030] =	vst v0  }
0x5f: {  	v0 =	vld [tilespmem:s9+$0x4040];
	_ =	sdelay $0x4  }
0x60: {  	v39 =	vand.u32 $0x7, v0  }
0x61: {  	vm7 =	vlt.s32 v0, $0x1388;
	v1 =	vor.u32 $0x1388, v39  }
0x62: {  	v0 =	vsel vm7, v0, v1  }
0x63: {  	[tilespmem:$0x8040] =	vst v0  }
0x64: {  	_ =	swait.ge [sflag:s29], $0x2800  }
0x65: {  	p1 =	seq.s32 s7, $0x0;
	[sflag:s29] =	ssyncset.done $0x0  }
0x66: {  	s8 =	simm.s32 @!p1 $0xA;
	[sflag:s29] =	ssyncadd.s32 $0xFFFFD800  }
0x67: {  	[spmem:s1] =	stream.indirect.scatter.add.f32 [tilespmem:s21], [sflag:$0x6], $0x80, s30, s20, $0xb8;
	[tilespmem:$0x1E880] =	vst v63  }
0x68: {  	_ =	swait.ge @!p1 [sflag:s8], $0x2800  }
0x69: {  	[sflag:s8] =	ssyncset.done @!p1 $0x0  }
0x6a: {  	s19 =	sadd.s32 $0x200, s9;
	[sflag:s8] =	ssyncadd.s32 @!p1 $0xFFFFD800  }
0x6b: {  	[tilespmem:s31], [sflag:$0x5] =	stream.indirect.gather [hbm4b:s4+s20], $0x80, s19, s20, $0xb8;
	[tilespmem:$0x1E880] =	vst v63  }
0x6c: {  	v40 =	vld [tilespmem:s9+$0x4080];
	_ =	sdelay $0x4  }
0x6d: {  	v41 =	vand.u32 $0x7, v40  }
0x6e: {  	vm8 =	vlt.s32 v40, $0x1388;
	v1 =	vor.u32 $0x1388, v41  }
0x6f: {  	v0 =	vsel vm8, v40, v1  }
0x70: {  	[tilespmem:$0x8080] =	vst v0  }
0x71: {  	v0 =	vld [tilespmem:s9+$0x4090];
	_ =	sdelay $0x4  }
0x72: {  	v42 =	vand.u32 $0x7, v0  }
0x73: {  	vm9 =	vlt.s32 v0, $0x1388;
	v1 =	vor.u32 $0x1388, v42  }
0x74: {  	v0 =	vsel vm9, v0, v1  }
0x75: {  	[tilespmem:$0x8090] =	vst v0  }
0x76: {  	v0 =	vld [tilespmem:s9+$0x40A0];
	_ =	sdelay $0x4  }
0x77: {  	v43 =	vand.u32 $0x7, v0  }
0x78: {  	vm10 =	vlt.s32 v0, $0x1388;
	v1 =	vor.u32 $0x1388, v43  }
0x79: {  	v0 =	vsel vm10, v0, v1  }
0x7a: {  	[tilespmem:$0x80A0] =	vst v0  }
0x7b: {  	v0 =	vld [tilespmem:s9+$0x40B0];
	_ =	sdelay $0x4  }
0x7c: {  	v44 =	vand.u32 $0x7, v0  }
0x7d: {  	vm11 =	vlt.s32 v0, $0x1388;
	v1 =	vor.u32 $0x1388, v44  }
0x7e: {  	v0 =	vsel vm11, v0, v1  }
0x7f: {  	[tilespmem:$0x80B0] =	vst v0  }
0x80: {  	v0 =	vld [tilespmem:s9+$0x40C0];
	_ =	sdelay $0x4  }
0x81: {  	v45 =	vand.u32 $0x7, v0  }
0x82: {  	vm12 =	vlt.s32 v0, $0x1388;
	v1 =	vor.u32 $0x1388, v45  }
0x83: {  	v0 =	vsel vm12, v0, v1  }
0x84: {  	[tilespmem:$0x80C0] =	vst v0  }
0x85: {  	_ =	swait.ge [sflag:s0], $0x2800  }
0x86: {  	[sflag:s0] =	ssyncset.done $0x0  }
0x87: {  	[sflag:s0] =	ssyncadd.s32 $0xFFFFD800  }
0x88: {  	[spmem:s1] =	stream.indirect.scatter.add.f32 [tilespmem:s23], [sflag:$0x7], $0x80, s2, s20, $0xb8;
	[tilespmem:$0x1E880] =	vst v63  }
0x89: {  	p1 =	seq.s32 s7, $0xF000;
	_ =	swait.ge [sflag:s16], $0x2800  }
0x8a: {  	s8 =	sshra.s32 @!p1 s7, $0x2;
	s18 =	simm.s32 @!p1 $0x50;
	[sflag:s16] =	ssyncset.done $0x0  }
0x8b: {  	s19 =	simm.s32 @!p1 $0x8400;
	s10 =	sadd.s32 @!p1 $0x280, s8;
	[sflag:s16] =	ssyncadd.s32 $0xFFFFD800  }
0x8c: {  	[tilespmem:s19], [sflag:$0x1] =	stream.indirect.gather @!p1 [hbm4b:s4+s18], $0x80, s10, s18, $0xb8;
	[tilespmem:$0x1E880] =	vst v63  }
0x8d: {  	v46 =	vld [tilespmem:s9+$0x4100];
	_ =	sdelay $0x4  }
0x8e: {  	v47 =	vand.u32 $0x7, v46  }
0x8f: {  	vm13 =	vlt.s32 v46, $0x1388;
	v1 =	vor.u32 $0x1388, v47  }
0x90: {  	v0 =	vsel vm13, v46, v1  }
0x91: {  	[tilespmem:$0x8100] =	vst v0  }
0x92: {  	v0 =	vld [tilespmem:s9+$0x4110];
	_ =	sdelay $0x4  }
0x93: {  	v48 =	vand.u32 $0x7, v0  }
0x94: {  	vm14 =	vlt.s32 v0, $0x1388;
	v1 =	vor.u32 $0x1388, v48  }
0x95: {  	v0 =	vsel vm14, v0, v1  }
0x96: {  	[tilespmem:$0x8110] =	vst v0  }
0x97: {  	v0 =	vld [tilespmem:s9+$0x4120];
	_ =	sdelay $0x4  }
0x98: {  	v49 =	vand.u32 $0x7, v0  }
0x99: {  	vm15 =	vlt.s32 v0, $0x1388;
	v1 =	vor.u32 $0x1388, v49  }
0x9a: {  	v0 =	vsel vm15, v0, v1  }
0x9b: {  	[tilespmem:$0x8120] =	vst v0  }
0x9c: {  	v0 =	vld [tilespmem:s9+$0x4130];
	_ =	sdelay $0x4  }
0x9d: {  	v50 =	vand.u32 $0x7, v0  }
0x9e: {  	vm4 =	vlt.s32 v0, $0x1388;
	v1 =	vor.u32 $0x1388, v50  }
0x9f: {  	v0 =	vsel vm4, v0, v1  }
0xa0: {  	[tilespmem:$0x8130] =	vst v0  }
0xa1: {  	v0 =	vld [tilespmem:s9+$0x4140];
	_ =	sdelay $0x4  }
0xa2: {  	v51 =	vand.u32 $0x7, v0  }
0xa3: {  	vm5 =	vlt.s32 v0, $0x1388;
	v1 =	vor.u32 $0x1388, v51  }
0xa4: {  	v0 =	vsel vm5, v0, v1  }
0xa5: {  	[tilespmem:$0x8140] =	vst v0  }
0xa6: {  	_ =	swait.ge [sflag:s5], $0x2800  }
0xa7: {  	[sflag:s5] =	ssyncset.done $0x0  }
0xa8: {  	[sflag:s5] =	ssyncadd.s32 $0xFFFFD800  }
0xa9: {  	[spmem:s1] =	stream.indirect.scatter.add.f32 [tilespmem:s25], [sflag:$0x8], $0x80, s6, s20, $0xb8;
	[tilespmem:$0x1E880] =	vst v63  }
0xaa: {  	_ =	swait.ge [sflag:s11], $0x2800  }
0xab: {  	[sflag:s11] =	ssyncset.done $0x0  }
0xac: {  	s10 =	sadd.s32 @!p1 $0x300, s8;
	s19 =	simm.s32 @!p1 $0xAC00;
	[sflag:s11] =	ssyncadd.s32 $0xFFFFD800  }
0xad: {  	[tilespmem:s19], [sflag:$0x2] =	stream.indirect.gather @!p1 [hbm4b:s4+s18], $0x80, s10, s18, $0xb8;
	[tilespmem:$0x1E880] =	vst v63  }
0xae: {  	v52 =	vld [tilespmem:s9+$0x4180];
	_ =	sdelay $0x4  }
0xaf: {  	v53 =	vand.u32 $0x7, v52  }
0xb0: {  	vm6 =	vlt.s32 v52, $0x1388;
	v1 =	vor.u32 $0x1388, v53  }
0xb1: {  	v0 =	vsel vm6, v52, v1  }
0xb2: {  	[tilespmem:$0x8180] =	vst v0  }
0xb3: {  	v0 =	vld [tilespmem:s9+$0x4190];
	_ =	sdelay $0x4  }
0xb4: {  	v54 =	vand.u32 $0x7, v0  }
0xb5: {  	vm7 =	vlt.s32 v0, $0x1388;
	v1 =	vor.u32 $0x1388, v54  }
0xb6: {  	v0 =	vsel vm7, v0, v1  }
0xb7: {  	[tilespmem:$0x8190] =	vst v0  }
0xb8: {  	v0 =	vld [tilespmem:s9+$0x41A0];
	_ =	sdelay $0x4  }
0xb9: {  	v55 =	vand.u32 $0x7, v0  }
0xba: {  	vm8 =	vlt.s32 v0, $0x1388;
	v1 =	vor.u32 $0x1388, v55  }
0xbb: {  	v0 =	vsel vm8, v0, v1  }
0xbc: {  	[tilespmem:$0x81A0] =	vst v0  }
0xbd: {  	v0 =	vld [tilespmem:s9+$0x41B0];
	_ =	sdelay $0x4  }
0xbe: {  	v56 =	vand.u32 $0x7, v0  }
0xbf: {  	vm9 =	vlt.s32 v0, $0x1388;
	v1 =	vor.u32 $0x1388, v56  }
0xc0: {  	v0 =	vsel vm9, v0, v1  }
0xc1: {  	[tilespmem:$0x81B0] =	vst v0  }
0xc2: {  	v0 =	vld [tilespmem:s9+$0x41C0];
	_ =	sdelay $0x4  }
0xc3: {  	v57 =	vand.u32 $0x7, v0  }
0xc4: {  	vm10 =	vlt.s32 v0, $0x1388;
	v1 =	vor.u32 $0x1388, v57  }
0xc5: {  	v0 =	vsel vm10, v0, v1  }
0xc6: {  	[tilespmem:$0x81C0] =	vst v0  }
0xc7: {  	_ =	swait.ge [sflag:s12], $0x2800  }
0xc8: {  	[sflag:s12] =	ssyncset.done $0x0  }
0xc9: {  	[sflag:s12] =	ssyncadd.s32 $0xFFFFD800  }
0xca: {  	[spmem:s1] =	stream.indirect.scatter.add.f32 [tilespmem:s28], [sflag:$0x9], $0x80, s13, s20, $0xb8;
	[tilespmem:$0x1E880] =	vst v63  }
0xcb: {  	_ =	swait.ge [sflag:s14], $0x2800  }
0xcc: {  	[sflag:s14] =	ssyncset.done $0x0  }
0xcd: {  	s8 =	sadd.s32 @!p1 $0x380, s8;
	s10 =	simm.s32 @!p1 $0xD400;
	[sflag:s14] =	ssyncadd.s32 $0xFFFFD800  }
0xce: {  	[tilespmem:s10], [sflag:$0x3] =	stream.indirect.gather @!p1 [hbm4b:s4+s18], $0x80, s8, s18, $0xb8;
	[tilespmem:$0x1E880] =	vst v63  }
0xcf: {  	v58 =	vld [tilespmem:s9+$0x4200];
	_ =	sdelay $0x4  }
0xd0: {  	v59 =	vand.u32 $0x7, v58  }
0xd1: {  	vm11 =	vlt.s32 v58, $0x1388;
	v1 =	vor.u32 $0x1388, v59  }
0xd2: {  	v0 =	vsel vm11, v58, v1  }
0xd3: {  	[tilespmem:$0x8200] =	vst v0  }
0xd4: {  	v0 =	vld [tilespmem:s9+$0x4210];
	_ =	sdelay $0x4  }
0xd5: {  	v60 =	vand.u32 $0x7, v0  }
0xd6: {  	vm12 =	vlt.s32 v0, $0x1388;
	v1 =	vor.u32 $0x1388, v60  }
0xd7: {  	v0 =	vsel vm12, v0, v1  }
0xd8: {  	[tilespmem:$0x8210] =	vst v0  }
0xd9: {  	v0 =	vld [tilespmem:s9+$0x4220];
	_ =	sdelay $0x4  }
0xda: {  	v61 =	vand.u32 $0x7, v0  }
0xdb: {  	vm13 =	vlt.s32 v0, $0x1388;
	v1 =	vor.u32 $0x1388, v61  }
0xdc: {  	v0 =	vsel vm13, v0, v1  }
0xdd: {  	[tilespmem:$0x8220] =	vst v0  }
0xde: {  	v0 =	vld [tilespmem:s9+$0x4230];
	_ =	sdelay $0x4  }
0xdf: {  	v62 =	vand.u32 $0x7, v0  }
0xe0: {  	vm14 =	vlt.s32 v0, $0x1388;
	v1 =	vor.u32 $0x1388, v62  }
0xe1: {  	v0 =	vsel vm14, v0, v1  }
0xe2: {  	[tilespmem:$0x8230] =	vst v0  }
0xe3: {  	v0 =	vld [tilespmem:s9+$0x4240];
	_ =	sdelay $0x4  }
0xe4: {  	v63 =	vand.u32 $0x7, v0  }
0xe5: {  	vm15 =	vlt.s32 v0, $0x1388;
	v1 =	vor.u32 $0x1388, v63  }
0xe6: {  	v0 =	vsel vm15, v0, v1  }
0xe7: {  	[tilespmem:$0x8240] =	vst v0  }
0xe8: {  	_ =	swait.ge [sflag:s22], $0x2800  }
0xe9: {  	[sflag:s22] =	ssyncset.done $0x0  }
.Ltmp2:
0xea: {  	[sflag:s22] =	ssyncadd.s32 $0xFFFFD800;
	(pc) =	sbr.rel @p1 .LBB2_4-.Ltmp2, $4  }
0xeb: {  	[spmem:s1] =	stream.indirect.scatter.add.f32 [tilespmem:s31], [sflag:$0xA], $0x80, s24, s20, $0xb8;
	[tilespmem:$0x1E880] =	vst v63  }
0xec: {  	_ =	swait.ge [sflag:s26], $0x2800  }
0xed: {  	[sflag:s26] =	ssyncset.done $0x0  }
0xee: {  	[sflag:s26] =	ssyncadd.s32 $0xFFFFD800  }
.Ltmp3:
0xef: {  	(pc) =	sbr.rel .LBB2_2-.Ltmp3, $3  }
0xf0: {  	_ =	sdelay $0x1  }
0xf1: {  	s8 =	sadd.s32 $0x400, s9;
	s7 =	sadd.s32 $0xA00, s7  }
0xf2: {  	[tilespmem:s28], [sflag:$0x4] =	stream.indirect.gather [hbm4b:s4+s20], $0x80, s8, s20, $0xb8;
	[tilespmem:$0x1E880] =	vst v63  }
.LBB2_4:
0xf3: {  	s7 =	simm.s32 $0xA  }
0xf4: {  	_ =	swait.ge [sflag:s7], $0x2800  }
0xf5: {  	[sflag:s7] =	ssyncset.done $0x0  }
0xf6: {  	[sflag:s7] =	ssyncadd.s32 $0xFFFFD800  }
0xf7: {  	[bflag:$0x0] =	sbarrier.arrive $0xFFFF  }
0xf8: {  	s9 =	rddreg [dreg:$0x8]  }
0xf9: {  	s8 =	rddreg [dreg:$0xd]  }
0xfa: {  	[hbm:s9], [sflag:s17] =	dma.local [spmem:s8], $0x1380  }
0xfb: {  	_ =	swait.ge [sflag:s15], $0x1380  }
0xfc: {  	[sflag:s15] =	ssyncset.done $0x0;
	s8 =	rddreg [dreg:$0x5]  }
0xfd: {  	s9 =	rddreg [dreg:$0x6];
	[sflag:s15] =	ssyncadd.s32 $0xFFFFEC80;
	s7 =	sshrl.u32 @p0 s8, $0x3  }
0xfe: {  	[spmem:s7], [sflag:s17] =	dma.local @p0 [hbm:s9], $0x1380  }
0xff: {  	s7 =	simm.s32 @p0 $0xB  }
0x100: {  	_ =	swait.ge @p0 [sflag:s7], $0x1380  }
0x101: {  	[sflag:s7] =	ssyncset.done @p0 $0x0;
	s10 =	rddreg [dreg:$0xe]  }
0x102: {  	[sflag:s7] =	ssyncadd.s32 @p0 $0xFFFFEC80;
	s7 =	rddreg [dreg:$0x9]  }
0x103: {  	[hbm:s7], [sflag:s17] =	dma.local @!p0 [spmem:s10], $0x80  }
0x104: {  	s7 =	simm.s32 @!p0 $0xB  }
0x105: {  	_ =	swait.ge @!p0 [sflag:s7], $0x80  }
0x106: {  	[sflag:s7] =	ssyncset.done @!p0 $0x0  }
0x107: {  	s8 =	sshrl.u32 @!p0 s8, $0x3;
	[sflag:s7] =	ssyncadd.s32 @!p0 $0xFFFFFF80  }
0x108: {  	[spmem:s8], [sflag:s17] =	dma.local @!p0 [hbm:s9], $0x1380  }
0x109: {  	_ =	swait.ge @!p0 [sflag:s7], $0x1380  }
0x10a: {  	[sflag:s7] =	ssyncset.done @!p0 $0x0  }
0x10b: {  	s8 =	rddreg [dreg:$0x7];
	[sflag:s7] =	ssyncadd.s32 @!p0 $0xFFFFEC80  }
0x10c: {  	[spmem:s10], [sflag:s17] =	dma.local @!p0 [hbm:s8], $0x100  }
0x10d: {  	_ =	swait.ge @!p0 [sflag:s7], $0x100  }
0x10e: {  	[sflag:s7] =	ssyncset.done @!p0 $0x0  }
0x10f: {  	s9 =	simm.s32 $0x0;
	[sflag:s7] =	ssyncadd.s32 @!p0 $0xFFFFFF00  }
0x110: {  	[tilespmem:s21], [sflag:$0x1] =	stream.indirect.gather [hbm4b:s4+s20], $0x80, s9, s20, $0xb8;
	[tilespmem:$0x1E880] =	vst v63  }
0x111: {  	s10 =	simm.s32 $0x80  }
0x112: {  	[tilespmem:s23], [sflag:$0x2] =	stream.indirect.gather [hbm4b:s4+s20], $0x80, s10, s20, $0xb8;
	[tilespmem:$0x1E880] =	vst v63  }
0x113: {  	s18 =	simm.s32 $0x100  }
0x114: {  	[tilespmem:s25], [sflag:$0x3] =	stream.indirect.gather [hbm4b:s4+s20], $0x80, s18, s20, $0xb8;
	[tilespmem:$0x1E880] =	vst v63  }
0x115: {  	s19 =	simm.s32 $0x180  }
0x116: {  	[tilespmem:s28], [sflag:$0x4] =	stream.indirect.gather [hbm4b:s4+s20], $0x80, s19, s20, $0xb8;
	[tilespmem:$0x1E880] =	vst v63  }
0x117: {  	[bflag:$0x0] =	sbarrier.arrive $0xFFFF  }
.LBB2_5:
0x118: {  	s7 =	sshra.s32 s9, $0x2  }
0x119: {  	v0 =	vld [tilespmem:s7+$0x4000];
	_ =	sdelay $0x4  }
0x11a: {  	v1 =	vand.u32 $0x7, v0  }
0x11b: {  	vm0 =	vgt.s32 v0, $0x1387;
	v0 =	vadd.s32 $0xFFFFEC78, v0;
	v1 =	vor.u32 $0x1388, v1  }
0x11c: {  	v0 =	vsel vm0, v0, v1  }
0x11d: {  	[tilespmem:$0x8000] =	vst v0  }
0x11e: {  	v0 =	vld [tilespmem:s7+$0x4010];
	_ =	sdelay $0x4  }
0x11f: {  	v36 =	vand.u32 $0x7, v0  }
0x120: {  	vm4 =	vgt.s32 v0, $0x1387;
	v0 =	vadd.s32 $0xFFFFEC78, v0;
	v1 =	vor.u32 $0x1388, v36  }
0x121: {  	v0 =	vsel vm4, v0, v1  }
0x122: {  	[tilespmem:$0x8010] =	vst v0  }
0x123: {  	v0 =	vld [tilespmem:s7+$0x4020];
	_ =	sdelay $0x4  }
0x124: {  	v37 =	vand.u32 $0x7, v0  }
0x125: {  	vm5 =	vgt.s32 v0, $0x1387;
	v0 =	vadd.s32 $0xFFFFEC78, v0;
	v1 =	vor.u32 $0x1388, v37  }
0x126: {  	v0 =	vsel vm5, v0, v1  }
0x127: {  	[tilespmem:$0x8020] =	vst v0  }
0x128: {  	v0 =	vld [tilespmem:s7+$0x4030];
	_ =	sdelay $0x4  }
0x129: {  	v38 =	vand.u32 $0x7, v0  }
0x12a: {  	vm6 =	vgt.s32 v0, $0x1387;
	v0 =	vadd.s32 $0xFFFFEC78, v0;
	v1 =	vor.u32 $0x1388, v38  }
0x12b: {  	v0 =	vsel vm6, v0, v1  }
0x12c: {  	[tilespmem:$0x8030] =	vst v0  }
0x12d: {  	v0 =	vld [tilespmem:s7+$0x4040];
	_ =	sdelay $0x4  }
0x12e: {  	v39 =	vand.u32 $0x7, v0  }
0x12f: {  	vm7 =	vgt.s32 v0, $0x1387;
	v0 =	vadd.s32 $0xFFFFEC78, v0;
	v1 =	vor.u32 $0x1388, v39  }
0x130: {  	v0 =	vsel vm7, v0, v1  }
0x131: {  	[tilespmem:$0x8040] =	vst v0  }
0x132: {  	_ =	swait.ge [sflag:s29], $0x2800  }
0x133: {  	p1 =	seq.s32 s9, $0x0;
	[sflag:s29] =	ssyncset.done $0x0  }
0x134: {  	s8 =	simm.s32 @!p1 $0xA;
	[sflag:s29] =	ssyncadd.s32 $0xFFFFD800  }
0x135: {  	[spmem:s1] =	stream.indirect.scatter.add.f32 [tilespmem:s21], [sflag:$0x6], $0x80, s30, s20, $0xb8;
	[tilespmem:$0x1E880] =	vst v63  }
0x136: {  	_ =	swait.ge @!p1 [sflag:s8], $0x2800  }
0x137: {  	[sflag:s8] =	ssyncset.done @!p1 $0x0  }
0x138: {  	s19 =	sadd.s32 $0x200, s7;
	[sflag:s8] =	ssyncadd.s32 @!p1 $0xFFFFD800  }
0x139: {  	[tilespmem:s31], [sflag:$0x5] =	stream.indirect.gather [hbm4b:s4+s20], $0x80, s19, s20, $0xb8;
	[tilespmem:$0x1E880] =	vst v63  }
0x13a: {  	v40 =	vld [tilespmem:s7+$0x4080];
	_ =	sdelay $0x4  }
0x13b: {  	v41 =	vand.u32 $0x7, v40  }
0x13c: {  	vm8 =	vgt.s32 v40, $0x1387;
	v0 =	vadd.s32 $0xFFFFEC78, v40;
	v1 =	vor.u32 $0x1388, v41  }
0x13d: {  	v0 =	vsel vm8, v0, v1  }
0x13e: {  	[tilespmem:$0x8080] =	vst v0  }
0x13f: {  	v0 =	vld [tilespmem:s7+$0x4090];
	_ =	sdelay $0x4  }
0x140: {  	v42 =	vand.u32 $0x7, v0  }
0x141: {  	vm9 =	vgt.s32 v0, $0x1387;
	v0 =	vadd.s32 $0xFFFFEC78, v0;
	v1 =	vor.u32 $0x1388, v42  }
0x142: {  	v0 =	vsel vm9, v0, v1  }
0x143: {  	[tilespmem:$0x8090] =	vst v0  }
0x144: {  	v0 =	vld [tilespmem:s7+$0x40A0];
	_ =	sdelay $0x4  }
0x145: {  	v43 =	vand.u32 $0x7, v0  }
0x146: {  	vm10 =	vgt.s32 v0, $0x1387;
	v0 =	vadd.s32 $0xFFFFEC78, v0;
	v1 =	vor.u32 $0x1388, v43  }
0x147: {  	v0 =	vsel vm10, v0, v1  }
0x148: {  	[tilespmem:$0x80A0] =	vst v0  }
0x149: {  	v0 =	vld [tilespmem:s7+$0x40B0];
	_ =	sdelay $0x4  }
0x14a: {  	v44 =	vand.u32 $0x7, v0  }
0x14b: {  	vm11 =	vgt.s32 v0, $0x1387;
	v0 =	vadd.s32 $0xFFFFEC78, v0;
	v1 =	vor.u32 $0x1388, v44  }
0x14c: {  	v0 =	vsel vm11, v0, v1  }
0x14d: {  	[tilespmem:$0x80B0] =	vst v0  }
0x14e: {  	v0 =	vld [tilespmem:s7+$0x40C0];
	_ =	sdelay $0x4  }
0x14f: {  	v45 =	vand.u32 $0x7, v0  }
0x150: {  	vm12 =	vgt.s32 v0, $0x1387;
	v0 =	vadd.s32 $0xFFFFEC78, v0;
	v1 =	vor.u32 $0x1388, v45  }
0x151: {  	v0 =	vsel vm12, v0, v1  }
0x152: {  	[tilespmem:$0x80C0] =	vst v0  }
0x153: {  	_ =	swait.ge [sflag:s0], $0x2800  }
0x154: {  	[sflag:s0] =	ssyncset.done $0x0  }
0x155: {  	[sflag:s0] =	ssyncadd.s32 $0xFFFFD800  }
0x156: {  	[spmem:s1] =	stream.indirect.scatter.add.f32 [tilespmem:s23], [sflag:$0x7], $0x80, s2, s20, $0xb8;
	[tilespmem:$0x1E880] =	vst v63  }
0x157: {  	p1 =	seq.s32 s9, $0xF000;
	_ =	swait.ge [sflag:s16], $0x2800  }
0x158: {  	s8 =	sshra.s32 @!p1 s9, $0x2;
	s18 =	simm.s32 @!p1 $0x50;
	[sflag:s16] =	ssyncset.done $0x0  }
0x159: {  	s19 =	simm.s32 @!p1 $0x8400;
	s10 =	sadd.s32 @!p1 $0x280, s8;
	[sflag:s16] =	ssyncadd.s32 $0xFFFFD800  }
0x15a: {  	[tilespmem:s19], [sflag:$0x1] =	stream.indirect.gather @!p1 [hbm4b:s4+s18], $0x80, s10, s18, $0xb8;
	[tilespmem:$0x1E880] =	vst v63  }
0x15b: {  	v46 =	vld [tilespmem:s7+$0x4100];
	_ =	sdelay $0x4  }
0x15c: {  	v47 =	vand.u32 $0x7, v46  }
0x15d: {  	vm13 =	vgt.s32 v46, $0x1387;
	v0 =	vadd.s32 $0xFFFFEC78, v46;
	v1 =	vor.u32 $0x1388, v47  }
0x15e: {  	v0 =	vsel vm13, v0, v1  }
0x15f: {  	[tilespmem:$0x8100] =	vst v0  }
0x160: {  	v0 =	vld [tilespmem:s7+$0x4110];
	_ =	sdelay $0x4  }
0x161: {  	v48 =	vand.u32 $0x7, v0  }
0x162: {  	vm14 =	vgt.s32 v0, $0x1387;
	v0 =	vadd.s32 $0xFFFFEC78, v0;
	v1 =	vor.u32 $0x1388, v48  }
0x163: {  	v0 =	vsel vm14, v0, v1  }
0x164: {  	[tilespmem:$0x8110] =	vst v0  }
0x165: {  	v0 =	vld [tilespmem:s7+$0x4120];
	_ =	sdelay $0x4  }
0x166: {  	v49 =	vand.u32 $0x7, v0  }
0x167: {  	vm15 =	vgt.s32 v0, $0x1387;
	v0 =	vadd.s32 $0xFFFFEC78, v0;
	v1 =	vor.u32 $0x1388, v49  }
0x168: {  	v0 =	vsel vm15, v0, v1  }
0x169: {  	[tilespmem:$0x8120] =	vst v0  }
0x16a: {  	v0 =	vld [tilespmem:s7+$0x4130];
	_ =	sdelay $0x4  }
0x16b: {  	v50 =	vand.u32 $0x7, v0  }
0x16c: {  	vm4 =	vgt.s32 v0, $0x1387;
	v0 =	vadd.s32 $0xFFFFEC78, v0;
	v1 =	vor.u32 $0x1388, v50  }
0x16d: {  	v0 =	vsel vm4, v0, v1  }
0x16e: {  	[tilespmem:$0x8130] =	vst v0  }
0x16f: {  	v0 =	vld [tilespmem:s7+$0x4140];
	_ =	sdelay $0x4  }
0x170: {  	v51 =	vand.u32 $0x7, v0  }
0x171: {  	vm5 =	vgt.s32 v0, $0x1387;
	v0 =	vadd.s32 $0xFFFFEC78, v0;
	v1 =	vor.u32 $0x1388, v51  }
0x172: {  	v0 =	vsel vm5, v0, v1  }
0x173: {  	[tilespmem:$0x8140] =	vst v0  }
0x174: {  	_ =	swait.ge [sflag:s5], $0x2800  }
0x175: {  	[sflag:s5] =	ssyncset.done $0x0  }
0x176: {  	[sflag:s5] =	ssyncadd.s32 $0xFFFFD800  }
0x177: {  	[spmem:s1] =	stream.indirect.scatter.add.f32 [tilespmem:s25], [sflag:$0x8], $0x80, s6, s20, $0xb8;
	[tilespmem:$0x1E880] =	vst v63  }
0x178: {  	_ =	swait.ge [sflag:s11], $0x2800  }
0x179: {  	[sflag:s11] =	ssyncset.done $0x0  }
0x17a: {  	s10 =	sadd.s32 @!p1 $0x300, s8;
	s19 =	simm.s32 @!p1 $0xAC00;
	[sflag:s11] =	ssyncadd.s32 $0xFFFFD800  }
0x17b: {  	[tilespmem:s19], [sflag:$0x2] =	stream.indirect.gather @!p1 [hbm4b:s4+s18], $0x80, s10, s18, $0xb8;
	[tilespmem:$0x1E880] =	vst v63  }
0x17c: {  	v52 =	vld [tilespmem:s7+$0x4180];
	_ =	sdelay $0x4  }
0x17d: {  	v53 =	vand.u32 $0x7, v52  }
0x17e: {  	vm6 =	vgt.s32 v52, $0x1387;
	v0 =	vadd.s32 $0xFFFFEC78, v52;
	v1 =	vor.u32 $0x1388, v53  }
0x17f: {  	v0 =	vsel vm6, v0, v1  }
0x180: {  	[tilespmem:$0x8180] =	vst v0  }
0x181: {  	v0 =	vld [tilespmem:s7+$0x4190];
	_ =	sdelay $0x4  }
0x182: {  	v54 =	vand.u32 $0x7, v0  }
0x183: {  	vm7 =	vgt.s32 v0, $0x1387;
	v0 =	vadd.s32 $0xFFFFEC78, v0;
	v1 =	vor.u32 $0x1388, v54  }
0x184: {  	v0 =	vsel vm7, v0, v1  }
0x185: {  	[tilespmem:$0x8190] =	vst v0  }
0x186: {  	v0 =	vld [tilespmem:s7+$0x41A0];
	_ =	sdelay $0x4  }
0x187: {  	v55 =	vand.u32 $0x7, v0  }
0x188: {  	vm8 =	vgt.s32 v0, $0x1387;
	v0 =	vadd.s32 $0xFFFFEC78, v0;
	v1 =	vor.u32 $0x1388, v55  }
0x189: {  	v0 =	vsel vm8, v0, v1  }
0x18a: {  	[tilespmem:$0x81A0] =	vst v0  }
0x18b: {  	v0 =	vld [tilespmem:s7+$0x41B0];
	_ =	sdelay $0x4  }
0x18c: {  	v56 =	vand.u32 $0x7, v0  }
0x18d: {  	vm9 =	vgt.s32 v0, $0x1387;
	v0 =	vadd.s32 $0xFFFFEC78, v0;
	v1 =	vor.u32 $0x1388, v56  }
0x18e: {  	v0 =	vsel vm9, v0, v1  }
0x18f: {  	[tilespmem:$0x81B0] =	vst v0  }
0x190: {  	v0 =	vld [tilespmem:s7+$0x41C0];
	_ =	sdelay $0x4  }
0x191: {  	v57 =	vand.u32 $0x7, v0  }
0x192: {  	vm10 =	vgt.s32 v0, $0x1387;
	v0 =	vadd.s32 $0xFFFFEC78, v0;
	v1 =	vor.u32 $0x1388, v57  }
0x193: {  	v0 =	vsel vm10, v0, v1  }
0x194: {  	[tilespmem:$0x81C0] =	vst v0  }
0x195: {  	_ =	swait.ge [sflag:s12], $0x2800  }
0x196: {  	[sflag:s12] =	ssyncset.done $0x0  }
0x197: {  	[sflag:s12] =	ssyncadd.s32 $0xFFFFD800  }
0x198: {  	[spmem:s1] =	stream.indirect.scatter.add.f32 [tilespmem:s28], [sflag:$0x9], $0x80, s13, s20, $0xb8;
	[tilespmem:$0x1E880] =	vst v63  }
0x199: {  	_ =	swait.ge [sflag:s14], $0x2800  }
0x19a: {  	[sflag:s14] =	ssyncset.done $0x0  }
0x19b: {  	s8 =	sadd.s32 @!p1 $0x380, s8;
	s10 =	simm.s32 @!p1 $0xD400;
	[sflag:s14] =	ssyncadd.s32 $0xFFFFD800  }
0x19c: {  	[tilespmem:s10], [sflag:$0x3] =	stream.indirect.gather @!p1 [hbm4b:s4+s18], $0x80, s8, s18, $0xb8;
	[tilespmem:$0x1E880] =	vst v63  }
0x19d: {  	v58 =	vld [tilespmem:s7+$0x4200];
	_ =	sdelay $0x4  }
0x19e: {  	v59 =	vand.u32 $0x7, v58  }
0x19f: {  	vm11 =	vgt.s32 v58, $0x1387;
	v0 =	vadd.s32 $0xFFFFEC78, v58;
	v1 =	vor.u32 $0x1388, v59  }
0x1a0: {  	v0 =	vsel vm11, v0, v1  }
0x1a1: {  	[tilespmem:$0x8200] =	vst v0  }
0x1a2: {  	v0 =	vld [tilespmem:s7+$0x4210];
	_ =	sdelay $0x4  }
0x1a3: {  	v60 =	vand.u32 $0x7, v0  }
0x1a4: {  	vm12 =	vgt.s32 v0, $0x1387;
	v0 =	vadd.s32 $0xFFFFEC78, v0;
	v1 =	vor.u32 $0x1388, v60  }
0x1a5: {  	v0 =	vsel vm12, v0, v1  }
0x1a6: {  	[tilespmem:$0x8210] =	vst v0  }
0x1a7: {  	v0 =	vld [tilespmem:s7+$0x4220];
	_ =	sdelay $0x4  }
0x1a8: {  	v61 =	vand.u32 $0x7, v0  }
0x1a9: {  	vm13 =	vgt.s32 v0, $0x1387;
	v0 =	vadd.s32 $0xFFFFEC78, v0;
	v1 =	vor.u32 $0x1388, v61  }
0x1aa: {  	v0 =	vsel vm13, v0, v1  }
0x1ab: {  	[tilespmem:$0x8220] =	vst v0  }
0x1ac: {  	v0 =	vld [tilespmem:s7+$0x4230];
	_ =	sdelay $0x4  }
0x1ad: {  	v62 =	vand.u32 $0x7, v0  }
0x1ae: {  	vm14 =	vgt.s32 v0, $0x1387;
	v0 =	vadd.s32 $0xFFFFEC78, v0;
	v1 =	vor.u32 $0x1388, v62  }
0x1af: {  	v0 =	vsel vm14, v0, v1  }
0x1b0: {  	[tilespmem:$0x8230] =	vst v0  }
0x1b1: {  	v0 =	vld [tilespmem:s7+$0x4240];
	_ =	sdelay $0x4  }
0x1b2: {  	v63 =	vand.u32 $0x7, v0  }
0x1b3: {  	vm15 =	vgt.s32 v0, $0x1387;
	v0 =	vadd.s32 $0xFFFFEC78, v0;
	v1 =	vor.u32 $0x1388, v63  }
0x1b4: {  	v0 =	vsel vm15, v0, v1  }
0x1b5: {  	[tilespmem:$0x8240] =	vst v0  }
0x1b6: {  	_ =	swait.ge [sflag:s22], $0x2800  }
0x1b7: {  	[sflag:s22] =	ssyncset.done $0x0  }
.Ltmp4:
0x1b8: {  	[sflag:s22] =	ssyncadd.s32 $0xFFFFD800;
	(pc) =	sbr.rel @p1 .LBB2_7-.Ltmp4, $4  }
0x1b9: {  	[spmem:s1] =	stream.indirect.scatter.add.f32 [tilespmem:s31], [sflag:$0xA], $0x80, s24, s20, $0xb8;
	[tilespmem:$0x1E880] =	vst v63  }
0x1ba: {  	_ =	swait.ge [sflag:s26], $0x2800  }
0x1bb: {  	[sflag:s26] =	ssyncset.done $0x0  }
0x1bc: {  	[sflag:s26] =	ssyncadd.s32 $0xFFFFD800  }
.Ltmp5:
0x1bd: {  	(pc) =	sbr.rel .LBB2_5-.Ltmp5, $3  }
0x1be: {  	_ =	sdelay $0x1  }
0x1bf: {  	s7 =	sadd.s32 $0x400, s7;
	s9 =	sadd.s32 $0xA00, s9  }
0x1c0: {  	[tilespmem:s28], [sflag:$0x4] =	stream.indirect.gather [hbm4b:s4+s20], $0x80, s7, s20, $0xb8;
	[tilespmem:$0x1E880] =	vst v63  }
.LBB2_8:
0x1c1: {  	_ =	sfence.sel $0x180000  }
0x1c2: {  	[bflag:$0x0] =	sbarrier.arrive $0xFFFF  }
0x1c3: {  	_ =	strace $0x9000004D  }
0x1c4: {  	s0 =	stileid.u32;
	[bflag:$0x2] =	sbarrier.arrive $0xFFFF  }
0x1c5: {  	p0 =	sne.s32 s0, $0x0;
	s0 =	rddreg [dreg:$0x2]  }
0x1c6: {  	s0 =	sadd.s32 @!p0 $0x100000, s0  }
0x1c7: {  	[sflag:s0] =	ssyncadd.tile.s32 @!p0 $0x1;
	_ =	shalt  }
.Lfunc_end2:
_tile_overlayer_lowered:
.L_overlay_start_2:
0x1c8: {  	(tag) =	ssettag $0x2  }
0x1c9: {  	s0 =	rddreg [dreg:$0x0];
	s2 =	stileid.u32  }
0x1ca: {  	s1 =	rddreg [dreg:$0x1];
	p0 =	sne.s32 s2, $0x0  }
0x1cb: {  	s3 =	rddreg [dreg:$0x2];
	[bflag:$0x3] =	sbarrier.arrive $0xFFFF;
	s2 =	simm.s32 @!p0 $0x1C0B  }
0x1cc: {  	[timem:s3], [sflag:s2] =	dma.local @!p0 [hbm:s0], s1  }
0x1cd: {  	s0 =	simm.s32 @!p0 $0xB  }
0x1ce: {  	_ =	swait.ge @!p0 [sflag:s0], s1  }
0x1cf: {  	s1 =	ssub.s32 @!p0 $0x0, s1;
	[sflag:s0] =	ssyncset.done @!p0 $0x0  }
0x1d0: {  	[sflag:s0] =	ssyncadd.s32 @!p0 s1  }
0x1d1: {  	[bflag:$0x3] =	sbarrier.arrive $0xFFFF  }
0x1d2: {  	_ =	shalt  }

// kernel: kernel.8.cloned.1.call-start
scs
__scs_entry_jumppad:
0x0: {  	(pc) =	sbr.rel $0x88, $3  }
0x1: {  	(tag) =	ssettag $0x0;
	lr =	simm.s32 $0x1  }
0x2: {  	[smem:$0x3F90] =	sst lr;
	_ =	strace $0xD0000000  }
0x3: {  	_ = 	snop  }
0x4: {  	_ = 	snop  }
0x5: {  	_ = 	snop  }
0x6: {  	_ = 	snop  }
0x7: {  	_ = 	snop  }
__scs_overlays_trampoline_lowered:
0x8: {  	[smem:$0x3F9F] =	sst s0  }
0x9: {  	[smem:$0x3FA0] =	sst s1  }
0xa: {  	[smem:$0x3FA1] =	sst s2  }
0xb: {  	[smem:$0x3FA2] =	sst s3  }
0xc: {  	[smem:$0x3FA3] =	sst s4  }
0xd: {  	[smem:$0x3FA4] =	sst s5  }
0xe: {  	[smem:$0x3FA5] =	sst s6  }
0xf: {  	[smem:$0x3FA6] =	sst s7  }
0x10: {  	[smem:$0x3FA7] =	sst s8  }
0x11: {  	[smem:$0x3FA8] =	sst s9;
	s0 =	simm.s32 @!p0 $0x0  }
0x12: {  	s1 =	sld [smem:$0x3F8E];
	s0 =	simm.s32 @p0 $0x1  }
0x13: {  	[smem:$0x3FA9] =	sst s0;
	s0 =	simm.s32 @!p1 $0x0  }
0x14: {  	s2 =	sld [smem:$0x3F8D];
	s0 =	simm.s32 @p1 $0x1  }
0x15: {  	[smem:$0x3FAA] =	sst s0;
	s0 =	simm.s32 @!p2 $0x0  }
0x16: {  	s3 =	sld [smem:$0x3FDB];
	s0 =	simm.s32 @p2 $0x1  }
0x17: {  	s4 =	simm.s32 $0x1BF5;
	[smem:$0x3FAC] =	sst s0  }
0x18: {  	s0 =	sld [smem:$0x3F8F];
	_ =	swait.ge [sflag:s4], $0x0  }
0x19: {  	s7 =	sld [smem:$0x3F90]  }
0x1a: {  	s8 =	sadd.s32 $0xFFFFE003, lr  }
0x1b: {  	s9 =	sadd.s32 $0xFFFFFEF7, lr;
	s5 =	simm.s32 $0xFFFFFFFF;
	p2 =	slt.u32 s8, $0xFFFFF086  }
0x1c: {  	p1 =	slt.u32 s9, $0xF7A;
	s5 =	simm.s32 @!p2 $0x0  }
0x1d: {  	s5 =	simm.s32 @p1 $0x1;
	p0 =	seq.s32 s7, s2  }
0x1e: {  	s7 =	smul.u32 @!p0 $0xF7A, s2;
	p2 =	seq.s32 @!p0 s5, $0x0  }
0x1f: {  	s9 =	smul.u32 $0xF7A, s1;
	s8 =	simm.s32 @!p0 $0x1BF5;
	p2 =	por !p2, p0  }
0x20: {  	[sflag:s8] =	ssyncset.s32 @!p0 $0xFFFFF086;
	s6 =	sadd.s32 @!p0 s3, s7;
	s7 =	simm.s32 @!p0 $0x108  }
0x21: {  	s3 =	sadd.s32 s3, s9;
	s6 =	sadd.s32 @!p0 $0x88, s6;
	s7 =	simm.s32 @p2 $0x1082  }
0x22: {  	[simem:s7], [sflag:s8] =	dma.local @!p0 [hbm:s6], $0xF7A  }
0x23: {  	s9 =	sor.u32 $0xD0000000, s2;
	s6 =	simm.s32 $0x108;
	_ =	swait.ge @!p0 [sflag:s8], $0x0  }
0x24: {  	s3 =	sadd.s32 $0x88, s3;
	s6 =	simm.s32 @!p1 $0x1082;
	[sflag:s4] =	ssyncset.s32 $0xFFFFF086  }
0x25: {  	[simem:s6], [sflag:s4] =	dma.local [hbm:s3], $0xF7A  }
0x26: {  	[smem:$0x3F90] =	sst s1;
	(tag) =	ssettag s2;
	_ =	strace s9  }
0x27: {  	s1 =	sld [smem:$0x3FA0]  }
0x28: {  	s2 =	sld [smem:$0x3FA1]  }
0x29: {  	s4 =	sld [smem:$0x3FA3]  }
0x2a: {  	p0 =	seq.s32 s5, $0x0;
	s5 =	sld [smem:$0x3FA4]  }
0x2b: {  	s6 =	sld [smem:$0x3FA5]  }
0x2c: {  	s7 =	sld [smem:$0x3FA6]  }
0x2d: {  	s3 =	simm.s32 $0x108;
	s8 =	sld [smem:$0x3FA7]  }
0x2e: {  	s3 =	simm.s32 @!p0 $0x1082;
	s9 =	sld [smem:$0x3FA8]  }
0x2f: {  	lr =	sadd.s32 s0, s3;
	s0 =	sld [smem:$0x3F9F]  }
0x30: {  	s3 =	sld [smem:$0x3FA2]  }
0x31: {  	[smem:$0x3FAB] =	sst s10  }
0x32: {  	s10 =	sld [smem:$0x3FA9];
	_ =	sdelay $0x3  }
0x33: {  	p0 =	seq.s32 s10, $0x1;
	s10 =	sld [smem:$0x3FAB];
	_ =	sdelay $0x3  }
0x34: {  	[smem:$0x3FAB] =	sst s10  }
0x35: {  	s10 =	sld [smem:$0x3FAA];
	_ =	sdelay $0x3  }
0x36: {  	p1 =	seq.s32 s10, $0x1;
	s10 =	sld [smem:$0x3FAB];
	_ =	sdelay $0x3  }
0x37: {  	[smem:$0x3FAB] =	sst s10  }
0x38: {  	s10 =	sld [smem:$0x3FAC]  }
0x39: {  	_ = 	snop;
	(pc) =	sbr.ind lr, $3  }
0x3a: {  	_ = 	snop  }
0x3b: {  	_ = 	snop  }
0x3c: {  	p2 =	seq.s32 s10, $0x1;
	s10 =	sld [smem:$0x3FAB]  }
0x3d: {  	_ =	shalt  }
0x3e: {  	_ =	shalt  }
0x3f: {  	_ =	shalt  }
0x40: {  	_ =	shalt  }
0x41: {  	_ =	shalt  }
0x42: {  	_ =	shalt  }
0x43: {  	_ =	shalt  }
0x44: {  	_ =	shalt  }
0x45: {  	_ =	shalt  }
0x46: {  	_ =	shalt  }
0x47: {  	_ =	shalt  }
0x48: {  	_ =	shalt  }
0x49: {  	_ =	shalt  }
0x4a: {  	_ =	shalt  }
0x4b: {  	_ =	shalt  }
0x4c: {  	_ =	shalt  }
0x4d: {  	_ =	shalt  }
0x4e: {  	_ =	shalt  }
0x4f: {  	_ =	shalt  }
0x50: {  	_ =	shalt  }
0x51: {  	_ =	shalt  }
0x52: {  	_ =	shalt  }
0x53: {  	_ =	shalt  }
0x54: {  	_ =	shalt  }
0x55: {  	_ =	shalt  }
0x56: {  	_ =	shalt  }
0x57: {  	_ =	shalt  }
0x58: {  	_ =	shalt  }
0x59: {  	_ =	shalt  }
0x5a: {  	_ =	shalt  }
0x5b: {  	_ =	shalt  }
0x5c: {  	_ =	shalt  }
0x5d: {  	_ =	shalt  }
0x5e: {  	_ =	shalt  }
0x5f: {  	_ =	shalt  }
0x60: {  	_ =	shalt  }
0x61: {  	_ =	shalt  }
0x62: {  	_ =	shalt  }
0x63: {  	_ =	shalt  }
0x64: {  	_ =	shalt  }
0x65: {  	_ =	shalt  }
0x66: {  	_ =	shalt  }
0x67: {  	_ =	shalt  }
0x68: {  	_ =	shalt  }
0x69: {  	_ =	shalt  }
0x6a: {  	_ =	shalt  }
0x6b: {  	_ =	shalt  }
0x6c: {  	_ =	shalt  }
0x6d: {  	_ =	shalt  }
0x6e: {  	_ =	shalt  }
0x6f: {  	_ =	shalt  }
0x70: {  	_ =	shalt  }
0x71: {  	_ =	shalt  }
0x72: {  	_ =	shalt  }
0x73: {  	_ =	shalt  }
0x74: {  	_ =	shalt  }
0x75: {  	_ =	shalt  }
0x76: {  	_ =	shalt  }
0x77: {  	_ =	shalt  }
0x78: {  	_ =	shalt  }
0x79: {  	_ =	shalt  }
0x7a: {  	_ =	shalt  }
0x7b: {  	_ =	shalt  }
0x7c: {  	_ =	shalt  }
0x7d: {  	_ =	shalt  }
0x7e: {  	_ =	shalt  }
0x7f: {  	_ =	shalt  }
0x80: {  	_ =	shalt  }
0x81: {  	_ =	shalt  }
0x82: {  	_ =	shalt  }
0x83: {  	_ =	shalt  }
0x84: {  	_ =	shalt  }
0x85: {  	_ =	shalt  }
0x86: {  	_ =	shalt  }
0x87: {  	_ =	shalt  }
.Lfunc_end0:
.L_simem_size_0:
called_computation_lowered:
.L_overlay_start_0:
0x88: {  	s2 =	sld [smem:$0x3FD9]  }
0x89: {  	s3 =	sld [smem:$0x3FFE];
	_ =	sdelay $0x1  }
0x8a: {  	s1 =	srdreg.scid  }
0x8b: {  	s0 =	sand.u32 $0x1, s1  }
0x8c: {  	s16 =	sshll.u32 s0, $0xA;
	s2 =	sadd.s32 s3, s2  }
0x8d: {  	s2 =	sadd.s32 s2, s16  }
0x8e: {  	[smem:$0x3FB7] =	sst s2  }
0x8f: {  	_ = 	snop  }
0x90: {  	(tm) =	ssettm $0x1  }
0x91: {  	s17 =	sld [smem:$0x3FFB];
	_ =	sdelay $0x3  }
0x92: {  	_ =	strace s17  }
0x93: {  	s2 =	sld [smem:$0x3FFC];
	_ =	sdelay $0x3  }
0x94: {  	_ =	strace s2  }
0x95: {  	s2 =	sld [smem:$0x3FFD];
	_ =	sdelay $0x3  }
0x96: {  	_ =	strace s2  }
0x97: {  	_ =	strace $0x8FFFFFFF  }
0x98: {  	s18 =	sld [smem:$0x3FDB];
	_ =	sdelay $0x1  }
0x99: {  	s19 =	simm.s32 $_scs_section_size  }
0x9a: {  	s4 =	simm.s32 $_size__tile_overlayer_lowered;
	s5 =	simm.s32 $_tile_overlayer_lowered  }
0x9b: {  	s22 =	simm.s32 $0x1BFF;
	s21 =	sshll.u32 s5, $0x1;
	s2 =	sadd.s32 s19, s18  }
0x9c: {  	s6 =	simm.s32 $0x0;
	s20 =	sshll.u32 s4, $0x1;
	s4 =	sadd.s32 s21, s2  }
0x9d: {  	[timem:s6], [sflag:s22] =	dma.local [hbm:s4], s20  }
0x9e: {  	_ =	swait.ge [sflag:s22], s20  }
0x9f: {  	s3 =	ssub.s32 $0x0, s20;
	[sflag:s22] =	ssyncset.done $0x0  }
0xa0: {  	[sflag:s22] =	ssyncadd.s32 s3;
	_ =	sdelay $0x1  }
0xa1: {  	s23 =	simm.s32 $0x1B8B  }
0xa2: {  	_ =	swait.ge [sflag:s23], $0x1  }
0xa3: {  	[sflag:s23] =	ssyncset.done $0x0  }
0xa4: {  	s25 =	simm.s32 $0x1B8E;
	s24 =	sld [smem:$0x3FFE];
	[sflag:s23] =	ssyncadd.s32 $0xFFFFFFFF  }
0xa5: {  	s26 =	simm.s32 $execute0_lowered;
	[smem:$0x3FD2] =	sst s25  }
0xa6: {  	s4 =	sshll.u32 s26, $0x1;
	_ =	strace $0x80000046;
	[dreg:$0x1] =	wrdreg $0xFFFFFFFF  }
0xa7: {  	s28 =	simm.s32 $_size_execute0_lowered;
	s2 =	sadd.s32 s2, s4;
	[dreg:$0x0] =	wrdreg $0x0  }
0xa8: {  	s4 =	sshll.u32 s28, $0x1;
	[dreg:$0x2] =	wrdreg s2  }
0xa9: {  	[dreg:$0x3] =	wrdreg s4  }
0xaa: {  	[dreg:$0x4] =	wrdreg $0xC0  }
0xab: {  	_ =	task [dreg:s6], $0x5FFFF  }
0xac: {  	[dreg:$0x1] =	wrdreg $0xFFFFFFFF  }
0xad: {  	[dreg:$0x0] =	wrdreg $0x60  }
0xae: {  	[dreg:$0x2] =	wrdreg s24  }
0xaf: {  	[dreg:$0x3] =	wrdreg $0x9  }
0xb0: {  	_ =	task.clear_ibuf [dreg:s6], $0x4FFFF;
	_ =	strace $0x90000046  }
0xb1: {  	s29 =	simm.s32 $0x9;
	_ =	strace $0x80000048  }
0xb2: {  	_ =	swait.ge [sflag:s29], $0x1  }
0xb3: {  	[sflag:s29] =	ssyncadd.s32 $0xFFFFFFFF  }
0xb4: {  	_ =	strace $0x90000048  }
0xb5: {  	_ =	sfence  }
0xb6: {  	s30 =	sld [smem:$0x0];
	_ =	sdelay $0x2  }
0xb7: {  	s31 =	sshll.u32 s1, $0xD;
	s1 =	sshrl.u32 s1, $0x2  }
0xb8: {  	s3 =	sand.u32 $0x4000, s31;
	s1 =	sadd.s32 s1, s30  }
0xb9: {  	s0 =	sor.u32 s3, s0;
	s1 =	sshll.u32 s1, $0x11  }
0xba: {  	s0 =	sor.u32 s1, s0  }
0xbb: {  	s0 =	sadd.s32 $0x8F2B, s0  }
0xbc: {  	[sflag:s0] =	ssyncadd.remote.s32 $0x1  }
0xbd: {  	_ =	sfence.sel $0xFFFF  }
0xbe: {  	[dreg:$0x0] =	wrdreg $0xFFFFFFFF;
	(pc) =	sbr.abs _section_cstart, $3  }
0xbf: {  	[dreg:$0x1] =	wrdreg $0xFFFFFFFF  }
0xc0: {  	_ =	task.clear_ibuf [dreg:s6], $0x2FFFF;
	_ =	strace $0x9FFFFFFF  }
0xc1: {  	(tm) =	ssettm $0x7FFFFFFF  }
tec
execute0_lowered:
.L_overlay_start_1:
0x0: {  	(tag) =	ssettag $0x1  }
0x1: {  	s0 =	srdreg.scid;
	s4 =	rddreg [dreg:$0x0]  }
0x2: {  	s1 =	stileid.u32;
	s2 =	simm.s32 $0x0;
	s9 =	simm.s32 $0x4000  }
0x3: {  	s10 =	simm.s32 $0x8000;
	s3 =	sand.u32 $0x1, s0;
	s0 =	rddreg [dreg:$0x1]  }
0x4: {  	s11 =	simm.s32 $0x0;
	[smem:$0x7FF] =	sst s2;
	s5 =	sshll.u32 s3, $0x4  }
0x5: {  	_ =	strace $0x80000047;
	s7 =	ssub.s32 $0x2, s3;
	s5 =	sor.u32 s1, s5  }
0x6: {  	s31 =	sshrl.u32 s7, $0x1;
	s6 =	sshll.u32 s5, $0xB;
	s5 =	smul.u32 $0x2C00, s5  }
0x7: {  	s3 =	sadd.s32 $0x23200, s4;
	s7 =	ssub.s32 s7, s31;
	s6 =	sadd.s32 s6, s4  }
0x8: {  	s7 =	smax.u32 s7, $0x1;
	s8 =	sadd.s32 s5, s4;
	s4 =	sadd.s32 $0x13200, s6  }
0x9: {  	v0 =	vimm.f32 $1.000000000e+00;
	s5 =	sadd.s32 $0x3200, s6;
	s6 =	sadd.s32 $0x4A400, s8;
	s8 =	simm.s32 $0x1  }
.LBB2_1:
0xa: {  	[tilespmem:s2], [sflag:$0x1] =	stream.linear.gather [hbm4b:s4+s2], $0x3E80, $0x38;
	[tilespmem:$0x1E000] =	vst v63  }
0xb: {  	_ =	swait.ge [sflag:s8], $0x3E80  }
0xc: {  	[sflag:s8] =	ssyncset.done $0x0  }
0xd: {  	[sflag:s8] =	ssyncadd.s32 $0xFFFFC180  }
0xe: {  	[tilespmem:s9], [sflag:$0x1] =	stream.linear.gather [hbm4b:s5+s2], $0x3E80, $0x38;
	[tilespmem:$0x1E000] =	vst v63  }
0xf: {  	_ =	swait.ge [sflag:s8], $0x3E80  }
0x10: {  	[sflag:s8] =	ssyncset.done $0x0  }
0x11: {  	[sflag:s8] =	ssyncadd.s32 $0xFFFFC180  }
0x12: {  	[tilespmem:s10], [sflag:$0x1] =	stream.linear.gather [hbm4b:s3+s2], $0x16000, $0x38;
	[tilespmem:$0x1E000] =	vst v63  }
0x13: {  	_ =	swait.ge [sflag:s8], $0x16000  }
0x14: {  	[sflag:s8] =	ssyncset.done $0x0  }
0x15: {  	s12 =	simm.s32 $0x0;
	[sflag:s8] =	ssyncadd.s32 $0xFFFEA000  }
.LBB2_2:
0x16: {  	s13 =	sshra.s32 s12, $0x2  }
0x17: {  	v1 =	vld [tilespmem:s13+$0x0];
	_ =	sdelay $0x1  }
0x18: {  	v2 =	vld [tilespmem:s13+$0x4000];
	_ =	sdelay $0x2  }
0x19: {  	v1 =	vmul.u32 $0x9, v1;
	_ =	sdelay $0x1  }
0x1a: {  	v1 =	vadd.s32 v2, v1;
	_ =	sdelay $0x4  }
0x1b: {  	[tilespmem:v1+s10+$0x0] =	vst.idx.add.f32.msk $0xffff, v0  }
0x1c: {  	v1 =	vld [tilespmem:s13+$0x10];
	_ =	sdelay $0x1  }
0x1d: {  	v2 =	vld [tilespmem:s13+$0x4010];
	_ =	sdelay $0x2  }
0x1e: {  	v1 =	vmul.u32 $0x9, v1;
	_ =	sdelay $0x1  }
0x1f: {  	v1 =	vadd.s32 v2, v1;
	_ =	sdelay $0x4  }
0x20: {  	[tilespmem:v1+s10+$0x0] =	vst.idx.add.f32.msk $0xffff, v0  }
0x21: {  	v1 =	vld [tilespmem:s13+$0x20];
	_ =	sdelay $0x1  }
0x22: {  	v2 =	vld [tilespmem:s13+$0x4020];
	_ =	sdelay $0x2  }
0x23: {  	v1 =	vmul.u32 $0x9, v1;
	_ =	sdelay $0x1  }
0x24: {  	v1 =	vadd.s32 v2, v1;
	_ =	sdelay $0x4  }
0x25: {  	[tilespmem:v1+s10+$0x0] =	vst.idx.add.f32.msk $0xffff, v0  }
0x26: {  	v1 =	vld [tilespmem:s13+$0x30];
	_ =	sdelay $0x1  }
0x27: {  	v2 =	vld [tilespmem:s13+$0x4030];
	_ =	sdelay $0x2  }
0x28: {  	v1 =	vmul.u32 $0x9, v1;
	_ =	sdelay $0x1  }
0x29: {  	v1 =	vadd.s32 v2, v1;
	_ =	sdelay $0x4  }
0x2a: {  	[tilespmem:v1+s10+$0x0] =	vst.idx.add.f32.msk $0xffff, v0  }
0x2b: {  	v1 =	vld [tilespmem:s13+$0x40];
	_ =	sdelay $0x1  }
0x2c: {  	v2 =	vld [tilespmem:s13+$0x4040];
	_ =	sdelay $0x2  }
0x2d: {  	v1 =	vmul.u32 $0x9, v1;
	_ =	sdelay $0x1  }
0x2e: {  	p0 =	sne.s32 s12, $0xF800;
	v1 =	vadd.s32 v2, v1  }
.Ltmp0:
0x2f: {  	_ = 	snop;
	(pc) =	sbr.rel @p0 .LBB2_2-.Ltmp0, $2  }
0x30: {  	_ =	sdelay $0x2  }
0x31: {  	s12 =	sadd.s32 $0x200, s12;
	[tilespmem:v1+s10+$0x0] =	vst.idx.add.f32.msk $0xffff, v0  }
0x32: {  	s11 =	sadd.s32 $0x1, s11  }
0x33: {  	p0 =	sne.s32 s11, s7  }
.Ltmp1:
0x34: {  	_ = 	snop;
	(pc) =	sbr.rel @p0 .LBB2_1-.Ltmp1, $4  }
0x35: {  	[hbm4b:s6+s2] =	stream.linear.scatter [tilespmem:s10], [sflag:$0x1], $0x16000, $0x38;
	[tilespmem:$0x1E000] =	vst v63  }
0x36: {  	_ =	swait.ge [sflag:s8], $0x16000  }
0x37: {  	[sflag:s8] =	ssyncset.done $0x0  }
0x38: {  	[sflag:s8] =	ssyncadd.s32 $0xFFFEA000  }
0x39: {  	_ =	sfence.sel $0x180000  }
0x3a: {  	[bflag:$0x0] =	sbarrier.arrive $0xFFFF  }
0x3b: {  	p0 =	sne.s32 s1, $0x0;
	_ =	strace $0x90000047  }
0x3c: {  	s0 =	sadd.s32 @!p0 $0x100000, s0;
	[bflag:$0x2] =	sbarrier.arrive $0xFFFF  }
0x3d: {  	[sflag:s0] =	ssyncadd.tile.s32 @!p0 $0x1;
	_ =	shalt  }
.Lfunc_end2:
_tile_overlayer_lowered:
.L_overlay_start_2:
0x3e: {  	(tag) =	ssettag $0x2  }
0x3f: {  	s0 =	rddreg [dreg:$0x0];
	s2 =	stileid.u32  }
0x40: {  	s1 =	rddreg [dreg:$0x1];
	p0 =	sne.s32 s2, $0x0  }
0x41: {  	s3 =	rddreg [dreg:$0x2];
	[bflag:$0x3] =	sbarrier.arrive $0xFFFF;
	s2 =	simm.s32 @!p0 $0x1C01  }
0x42: {  	[timem:s3], [sflag:s2] =	dma.local @!p0 [hbm:s0], s1  }
0x43: {  	s0 =	simm.s32 @!p0 $0x1  }
0x44: {  	_ =	swait.ge @!p0 [sflag:s0], s1  }
0x45: {  	s1 =	ssub.s32 @!p0 $0x0, s1;
	[sflag:s0] =	ssyncset.done @!p0 $0x0  }
0x46: {  	[sflag:s0] =	ssyncadd.s32 @!p0 s1  }
0x47: {  	[bflag:$0x3] =	sbarrier.arrive $0xFFFF  }
0x48: {  	_ =	shalt  }

</sc_bundles>
